<compile_context>
chip_gen: v7x
topology: tpu7x:2x2x1
jax: 0.10.2.dev20260603
libtpu: 0.0.44.dev20260713+nightly
codegen_flags: <defaults>
</compile_context>

<pallas_src>
import functools

import jax
import jax.numpy as jnp
from jax import lax
from jax.experimental import pallas as pl
from jax.experimental.pallas import tpu as pltpu
from jax.experimental.pallas import tpu_sc as plsc

D_MODEL = 768
NUM_EXPERTS = 64
TOP_K = 8
BLOCK_R = 2048
SC_CHUNK = 512
N_WORKERS = 32
NEG = -3.0e38


def _matmul_body(x_ref, w_ref, b_ref, logits_ref):
    logits_ref[...] = jnp.dot(
        x_ref[...], w_ref[...], preferred_element_type=jnp.float32
    ) + b_ref[...]


def _tc_logits(x, W, b):
    n_tokens = x.shape[0]
    return pl.pallas_call(
        _matmul_body,
        grid=(n_tokens // BLOCK_R,),
        in_specs=[
            pl.BlockSpec((BLOCK_R, D_MODEL), lambda i: (i, 0)),
            pl.BlockSpec((D_MODEL, NUM_EXPERTS), lambda i: (0, 0)),
            pl.BlockSpec((1, NUM_EXPERTS), lambda i: (0, 0)),
        ],
        out_specs=pl.BlockSpec((BLOCK_R, NUM_EXPERTS), lambda i: (i, 0)),
        out_shape=jax.ShapeDtypeStruct((n_tokens, NUM_EXPERTS), jnp.float32),
        compiler_params=pltpu.CompilerParams(
            dimension_semantics=("arbitrary",),
        ),
    )(x, W, b.reshape(1, NUM_EXPERTS))


def _batch16(in_v, out_v, r0):
    rowoff = lax.iota(jnp.int32, 16) * NUM_EXPERTS + r0 * NUM_EXPERTS

    def col(j):
        return plsc.load_gather(in_v, [rowoff + j])

    s = [jnp.full((16,), NEG, jnp.float32) for _ in range(TOP_K)]
    for j in range(NUM_EXPERTS):
        t = col(j)
        for k in range(TOP_K):
            hi = jnp.maximum(s[k], t)
            t = jnp.minimum(s[k], t)
            s[k] = hi
    t8 = s[TOP_K - 1]
    cnt = jnp.zeros((16,), jnp.int32)
    one = jnp.ones((16,), jnp.int32)
    for j in range(NUM_EXPERTS):
        cnt = cnt + jnp.where(col(j) > t8, one, 0)
    for j in range(NUM_EXPERTS):
        v = col(j)
        gt = v > t8
        eq = v == t8
        sel = gt | (eq & (cnt < TOP_K))
        cnt = cnt + jnp.where(eq, one, 0)
        zz = jnp.minimum(jnp.maximum(v, 0.0) * 2.0, 15.0)
        q = zz.astype(jnp.int32).astype(jnp.float32) * 0.5
        o = jnp.where(sel, q, jnp.float32(0.0))
        plsc.store_scatter(out_v, [rowoff + j], o)


def _sc_route(logits_flat, n_tokens):
    vals_per_worker = (n_tokens // N_WORKERS) * NUM_EXPERTS
    chunk_vals = SC_CHUNK * NUM_EXPERTS
    n_chunks = vals_per_worker // chunk_vals
    mesh = plsc.VectorSubcoreMesh(core_axis_name="c", subcore_axis_name="s")

    @functools.partial(
        pl.kernel, mesh=mesh,
        compiler_params=pltpu.CompilerParams(needs_layout_passes=False),
        out_type=jax.ShapeDtypeStruct((n_tokens * NUM_EXPERTS,), jnp.float32),
        scratch_types=[
            pltpu.VMEM((chunk_vals,), jnp.float32),
            pltpu.VMEM((chunk_vals,), jnp.float32),
        ],
    )
    def route(logits_hbm, out_hbm, in_v, out_v):
        wid = lax.axis_index("s") * 2 + lax.axis_index("c")
        base = wid * vals_per_worker

        def chunk_body(ci, carry):
            cbase = base + ci * chunk_vals
            pltpu.sync_copy(logits_hbm.at[pl.ds(cbase, chunk_vals)], in_v)

            def b_body(bi, c2):
                _batch16(in_v, out_v, bi * 16)
                return c2

            lax.fori_loop(0, SC_CHUNK // 16, b_body, 0)
            pltpu.sync_copy(out_v, out_hbm.at[pl.ds(cbase, chunk_vals)])
            return carry

        lax.fori_loop(0, n_chunks, chunk_body, 0)

    return route(logits_flat)


@jax.jit
def kernel(x, W, b):
    n_tokens = x.shape[0]
    logits = _tc_logits(x, W, b)
    rw = _sc_route(logits.reshape(-1), n_tokens)
    return (rw.reshape(n_tokens, NUM_EXPERTS), logits)

# --- scband reference (transcript-rebuilt; emitter-appended) ---
"""Pipeline reference for scband-spiking-router-53815940219182 (READ-ONLY COPY).

The authoritative reference and input builder live on the scoring server;
editing this copy changes nothing except your own understanding.
"""

import jax, jax.numpy as jnp
import numpy as np

D_MODEL = 768
NUM_EXPERTS = 64
TOP_K = 8
SF_THRESHOLD = 4.0
NUM_LEVELS = 4
N_TOKENS = 32768


def sfn_forward(x, base_threshold=SF_THRESHOLD, num_levels=NUM_LEVELS):
    # Scale-and-Fire Neuron (T=1): iteratively fire at geometrically
    # decreasing thresholds, subtracting fired charge from the membrane.
    v = x
    out = jnp.zeros_like(x)
    thr = base_threshold
    for _ in range(num_levels):
        spike = (v >= thr).astype(x.dtype) * thr
        out = out + spike
        v = v - spike
        thr = thr / 2.0
    return out, v


def setup_inputs(seed: int = 0) -> dict:
    key = jax.random.key(seed)
    k1, k2 = jax.random.split(key, 2)
    x = jax.random.normal(k1, (N_TOKENS, D_MODEL), dtype=jnp.float32)
    W = jax.random.normal(k2, (D_MODEL, NUM_EXPERTS), dtype=jnp.float32) * (1.0 / np.sqrt(D_MODEL))
    b = jnp.zeros((NUM_EXPERTS,), dtype=jnp.float32)
    return {"x": x, "W": W, "b": b}


def reference(x, W, b):
    logits = x @ W + b
    topk_values, topk_indices = jax.lax.top_k(logits, TOP_K)
    mask = jnp.full_like(logits, -jnp.inf)
    rows = jnp.arange(logits.shape[0])[:, None]
    mask = mask.at[rows, topk_indices].set(topk_values)
    routing_input = jnp.maximum(mask, 0.0)  # relu(-inf) == 0
    routing_weights, _ = sfn_forward(routing_input)
    return (routing_weights, logits)

if __name__ == "__main__":
    import jax
    _d = setup_inputs()
    print(jax.jit(kernel)(*tuple(_d.values())))

</pallas_src>

<mosaic_0001>
#map = affine_map<(d0, d1) -> (0)>
module attributes {stable_mosaic.version = 14 : i64} {
  func.func @route(%arg0: i32, %arg1: i32, %arg2: memref<2097152xf32, #tpu.memory_space<hbm>>, %arg3: memref<2097152xf32, #tpu.memory_space<hbm>>, %arg4: memref<32768xf32, #tpu.memory_space<vmem>>, %arg5: memref<32768xf32, #tpu.memory_space<vmem>>) attributes {dimension_semantics = [#tpu.dimension_semantics<core_parallel>, #tpu.dimension_semantics<subcore_parallel>], iteration_bounds = array<i64: 2, 16>, scalar_prefetch = 0 : i64, scratch_operands = 2 : i64, tpu.core_type = #tpu.core_type<sc_vector_subcore>, window_params = [{transform_indices = #map}, {transform_indices = #map}]} {
    %mul3A = arith.constant 2 : i32
    %mul3A_0 = arith.muli %arg1, %mul3A : i32
    %add3A = arith.addi %mul3A_0, %arg0 : i32
    %mul3A_1 = arith.constant 65536 : i32
    %mul3A_2 = arith.muli %add3A, %mul3A_1 : i32
    %scan3A = arith.constant 0 : i32
    %scan3A_3 = arith.constant 0 : i32
    %scan3A_4 = arith.constant 2 : i32
    %scan3A_5 = arith.addi %scan3A_3, %scan3A_4 : i32
    %scan3A_6 = arith.constant 1 : i32
    scf.for %scan3A_8 = %scan3A_3 to %scan3A_5 step %scan3A_6  : i32 {
      %mul3A_9 = arith.constant 32768 : i32
      %mul3A_10 = arith.muli %scan3A_8, %mul3A_9 : i32
      %add3A_11 = arith.addi %mul3A_2, %mul3A_10 : i32
      "tpu.region"() ({
        %run_scoped3A = tpu.sem_alloc : memref<!tpu.dma_semaphore, #tpu.memory_space<semaphore_mem>>
        %dma_start3A = tpu.memref_slice %arg2[%add3A_11] : memref<2097152xf32, #tpu.memory_space<hbm>> -> memref<32768xf32, #tpu.memory_space<hbm>>
        %dma_start3A_18 = tpu.memref_slice %arg2[%add3A_11] : memref<2097152xf32, #tpu.memory_space<hbm>> -> memref<32768xf32, #tpu.memory_space<hbm>>
        tpu.enqueue_dma source(%dma_start3A_18 : memref<32768xf32, #tpu.memory_space<hbm>>) target(%arg4 : memref<32768xf32, #tpu.memory_space<vmem>>) target_semaphore(%run_scoped3A : memref<!tpu.dma_semaphore, #tpu.memory_space<semaphore_mem>>)
        %dma_wait3A = tpu.memref_slice %arg2[%add3A_11] : memref<2097152xf32, #tpu.memory_space<hbm>> -> memref<32768xf32, #tpu.memory_space<hbm>>
        %dma_wait3A_19 = tpu.memref_slice %arg2[%add3A_11] : memref<2097152xf32, #tpu.memory_space<hbm>> -> memref<32768xf32, #tpu.memory_space<hbm>>
        tpu.wait_dma2 semaphore(%run_scoped3A : memref<!tpu.dma_semaphore, #tpu.memory_space<semaphore_mem>>) src(%dma_wait3A_19 : memref<32768xf32, #tpu.memory_space<hbm>>) dst(%arg4 : memref<32768xf32, #tpu.memory_space<vmem>>)
        tpu.yield
      }) : () -> ()
      %scan3A_12 = arith.constant 0 : i32
      %scan3A_13 = arith.constant 0 : i32
      %scan3A_14 = arith.constant 32 : i32
      %scan3A_15 = arith.addi %scan3A_13, %scan3A_14 : i32
      %scan3A_16 = arith.constant 1 : i32
      scf.for %scan3A_18 = %scan3A_13 to %scan3A_15 step %scan3A_16  : i32 {
        %mul3A_19 = arith.constant 16 : i32
        %mul3A_20 = arith.muli %scan3A_18, %mul3A_19 : i32
        %iota3A = tpu.iota {dimensions = array<i32: 0>} : vector<16xi32>
        %mul3A_21 = arith.constant 64 : i32
        %mul3A_22 = vector.broadcast %mul3A_21 : i32 to vector<16xi32>
        %mul3A_23 = arith.muli %iota3A, %mul3A_22 : vector<16xi32>
        %mul3A_24 = arith.constant 64 : i32
        %mul3A_25 = arith.muli %mul3A_20, %mul3A_24 : i32
        %add3A_26 = vector.broadcast %mul3A_25 : i32 to vector<16xi32>
        %add3A_27 = arith.addi %mul3A_23, %add3A_26 : vector<16xi32>
        %broadcast_in_dim3A = arith.constant -3.000000e+38 : f32
        %broadcast_in_dim3A_28 = vector.broadcast %broadcast_in_dim3A : f32 to vector<16xf32>
        %broadcast_in_dim3A_29 = arith.constant -3.000000e+38 : f32
        %broadcast_in_dim3A_30 = vector.broadcast %broadcast_in_dim3A_29 : f32 to vector<16xf32>
        %broadcast_in_dim3A_31 = arith.constant -3.000000e+38 : f32
        %broadcast_in_dim3A_32 = vector.broadcast %broadcast_in_dim3A_31 : f32 to vector<16xf32>
        %broadcast_in_dim3A_33 = arith.constant -3.000000e+38 : f32
        %broadcast_in_dim3A_34 = vector.broadcast %broadcast_in_dim3A_33 : f32 to vector<16xf32>
        %broadcast_in_dim3A_35 = arith.constant -3.000000e+38 : f32
        %broadcast_in_dim3A_36 = vector.broadcast %broadcast_in_dim3A_35 : f32 to vector<16xf32>
        %broadcast_in_dim3A_37 = arith.constant -3.000000e+38 : f32
        %broadcast_in_dim3A_38 = vector.broadcast %broadcast_in_dim3A_37 : f32 to vector<16xf32>
        %broadcast_in_dim3A_39 = arith.constant -3.000000e+38 : f32
        %broadcast_in_dim3A_40 = vector.broadcast %broadcast_in_dim3A_39 : f32 to vector<16xf32>
        %broadcast_in_dim3A_41 = arith.constant -3.000000e+38 : f32
        %broadcast_in_dim3A_42 = vector.broadcast %broadcast_in_dim3A_41 : f32 to vector<16xf32>
        %add3A_43 = arith.constant 0 : i32
        %add3A_44 = vector.broadcast %add3A_43 : i32 to vector<16xi32>
        %add3A_45 = arith.addi %add3A_27, %add3A_44 : vector<16xi32>
        %gather3A = tpu.vector_load_idx %arg4[%add3A_45] : memref<32768xf32, #tpu.memory_space<vmem>>[vector<16xi32>], vector<16xf32>,
        %max3A = arith.maximumf %broadcast_in_dim3A_28, %gather3A : vector<16xf32>
        %min3A = arith.minimumf %broadcast_in_dim3A_28, %gather3A : vector<16xf32>
        %max3A_46 = arith.maximumf %broadcast_in_dim3A_30, %min3A : vector<16xf32>
        %min3A_47 = arith.minimumf %broadcast_in_dim3A_30, %min3A : vector<16xf32>
        %max3A_48 = arith.maximumf %broadcast_in_dim3A_32, %min3A_47 : vector<16xf32>
        %min3A_49 = arith.minimumf %broadcast_in_dim3A_32, %min3A_47 : vector<16xf32>
        %max3A_50 = arith.maximumf %broadcast_in_dim3A_34, %min3A_49 : vector<16xf32>
        %min3A_51 = arith.minimumf %broadcast_in_dim3A_34, %min3A_49 : vector<16xf32>
        %max3A_52 = arith.maximumf %broadcast_in_dim3A_36, %min3A_51 : vector<16xf32>
        %min3A_53 = arith.minimumf %broadcast_in_dim3A_36, %min3A_51 : vector<16xf32>
        %max3A_54 = arith.maximumf %broadcast_in_dim3A_38, %min3A_53 : vector<16xf32>
        %min3A_55 = arith.minimumf %broadcast_in_dim3A_38, %min3A_53 : vector<16xf32>
        %max3A_56 = arith.maximumf %broadcast_in_dim3A_40, %min3A_55 : vector<16xf32>
        %min3A_57 = arith.minimumf %broadcast_in_dim3A_40, %min3A_55 : vector<16xf32>
        %max3A_58 = arith.maximumf %broadcast_in_dim3A_42, %min3A_57 : vector<16xf32>
        %min3A_59 = arith.minimumf %broadcast_in_dim3A_42, %min3A_57 : vector<16xf32>
        %add3A_60 = arith.constant 1 : i32
        %add3A_61 = vector.broadcast %add3A_60 : i32 to vector<16xi32>
        %add3A_62 = arith.addi %add3A_27, %add3A_61 : vector<16xi32>
        %gather3A_63 = tpu.vector_load_idx %arg4[%add3A_62] : memref<32768xf32, #tpu.memory_space<vmem>>[vector<16xi32>], vector<16xf32>,
        %max3A_64 = arith.maximumf %max3A, %gather3A_63 : vector<16xf32>
        %min3A_65 = arith.minimumf %max3A, %gather3A_63 : vector<16xf32>
        %max3A_66 = arith.maximumf %max3A_46, %min3A_65 : vector<16xf32>
        %min3A_67 = arith.minimumf %max3A_46, %min3A_65 : vector<16xf32>
        %max3A_68 = arith.maximumf %max3A_48, %min3A_67 : vector<16xf32>
        %min3A_69 = arith.minimumf %max3A_48, %min3A_67 : vector<16xf32>
        %max3A_70 = arith.maximumf %max3A_50, %min3A_69 : vector<16xf32>
        %min3A_71 = arith.minimumf %max3A_50, %min3A_69 : vector<16xf32>
        %max3A_72 = arith.maximumf %max3A_52, %min3A_71 : vector<16xf32>
        %min3A_73 = arith.minimumf %max3A_52, %min3A_71 : vector<16xf32>
        %max3A_74 = arith.maximumf %max3A_54, %min3A_73 : vector<16xf32>
        %min3A_75 = arith.minimumf %max3A_54, %min3A_73 : vector<16xf32>
        %max3A_76 = arith.maximumf %max3A_56, %min3A_75 : vector<16xf32>
        %min3A_77 = arith.minimumf %max3A_56, %min3A_75 : vector<16xf32>
        %max3A_78 = arith.maximumf %max3A_58, %min3A_77 : vector<16xf32>
        %min3A_79 = arith.minimumf %max3A_58, %min3A_77 : vector<16xf32>
        %add3A_80 = arith.constant 2 : i32
        %add3A_81 = vector.broadcast %add3A_80 : i32 to vector<16xi32>
        %add3A_82 = arith.addi %add3A_27, %add3A_81 : vector<16xi32>
        %gather3A_83 = tpu.vector_load_idx %arg4[%add3A_82] : memref<32768xf32, #tpu.memory_space<vmem>>[vector<16xi32>], vector<16xf32>,
        %max3A_84 = arith.maximumf %max3A_64, %gather3A_83 : vector<16xf32>
        %min3A_85 = arith.minimumf %max3A_64, %gather3A_83 : vector<16xf32>
        %max3A_86 = arith.maximumf %max3A_66, %min3A_85 : vector<16xf32>
        %min3A_87 = arith.minimumf %max3A_66, %min3A_85 : vector<16xf32>
        %max3A_88 = arith.maximumf %max3A_68, %min3A_87 : vector<16xf32>
        %min3A_89 = arith.minimumf %max3A_68, %min3A_87 : vector<16xf32>
        %max3A_90 = arith.maximumf %max3A_70, %min3A_89 : vector<16xf32>
        %min3A_91 = arith.minimumf %max3A_70, %min3A_89 : vector<16xf32>
        %max3A_92 = arith.maximumf %max3A_72, %min3A_91 : vector<16xf32>
        %min3A_93 = arith.minimumf %max3A_72, %min3A_91 : vector<16xf32>
        %max3A_94 = arith.maximumf %max3A_74, %min3A_93 : vector<16xf32>
        %min3A_95 = arith.minimumf %max3A_74, %min3A_93 : vector<16xf32>
        %max3A_96 = arith.maximumf %max3A_76, %min3A_95 : vector<16xf32>
        %min3A_97 = arith.minimumf %max3A_76, %min3A_95 : vector<16xf32>
        %max3A_98 = arith.maximumf %max3A_78, %min3A_97 : vector<16xf32>
        %min3A_99 = arith.minimumf %max3A_78, %min3A_97 : vector<16xf32>
        %add3A_100 = arith.constant 3 : i32
        %add3A_101 = vector.broadcast %add3A_100 : i32 to vector<16xi32>
        %add3A_102 = arith.addi %add3A_27, %add3A_101 : vector<16xi32>
        %gather3A_103 = tpu.vector_load_idx %arg4[%add3A_102] : memref<32768xf32, #tpu.memory_space<vmem>>[vector<16xi32>], vector<16xf32>,
        %max3A_104 = arith.maximumf %max3A_84, %gather3A_103 : vector<16xf32>
        %min3A_105 = arith.minimumf %max3A_84, %gather3A_103 : vector<16xf32>
        %max3A_106 = arith.maximumf %max3A_86, %min3A_105 : vector<16xf32>
        %min3A_107 = arith.minimumf %max3A_86, %min3A_105 : vector<16xf32>
        %max3A_108 = arith.maximumf %max3A_88, %min3A_107 : vector<16xf32>
        %min3A_109 = arith.minimumf %max3A_88, %min3A_107 : vector<16xf32>
        %max3A_110 = arith.maximumf %max3A_90, %min3A_109 : vector<16xf32>
        %min3A_111 = arith.minimumf %max3A_90, %min3A_109 : vector<16xf32>
        %max3A_112 = arith.maximumf %max3A_92, %min3A_111 : vector<16xf32>
        %min3A_113 = arith.minimumf %max3A_92, %min3A_111 : vector<16xf32>
        %max3A_114 = arith.maximumf %max3A_94, %min3A_113 : vector<16xf32>
        %min3A_115 = arith.minimumf %max3A_94, %min3A_113 : vector<16xf32>
        %max3A_116 = arith.maximumf %max3A_96, %min3A_115 : vector<16xf32>
        %min3A_117 = arith.minimumf %max3A_96, %min3A_115 : vector<16xf32>
        %max3A_118 = arith.maximumf %max3A_98, %min3A_117 : vector<16xf32>
        %min3A_119 = arith.minimumf %max3A_98, %min3A_117 : vector<16xf32>
        %add3A_120 = arith.constant 4 : i32
        %add3A_121 = vector.broadcast %add3A_120 : i32 to vector<16xi32>
        %add3A_122 = arith.addi %add3A_27, %add3A_121 : vector<16xi32>
        %gather3A_123 = tpu.vector_load_idx %arg4[%add3A_122] : memref<32768xf32, #tpu.memory_space<vmem>>[vector<16xi32>], vector<16xf32>,
        %max3A_124 = arith.maximumf %max3A_104, %gather3A_123 : vector<16xf32>
        %min3A_125 = arith.minimumf %max3A_104, %gather3A_123 : vector<16xf32>
        %max3A_126 = arith.maximumf %max3A_106, %min3A_125 : vector<16xf32>
        %min3A_127 = arith.minimumf %max3A_106, %min3A_125 : vector<16xf32>
        %max3A_128 = arith.maximumf %max3A_108, %min3A_127 : vector<16xf32>
        %min3A_129 = arith.minimumf %max3A_108, %min3A_127 : vector<16xf32>
        %max3A_130 = arith.maximumf %max3A_110, %min3A_129 : vector<16xf32>
        %min3A_131 = arith.minimumf %max3A_110, %min3A_129 : vector<16xf32>
        %max3A_132 = arith.maximumf %max3A_112, %min3A_131 : vector<16xf32>
        %min3A_133 = arith.minimumf %max3A_112, %min3A_131 : vector<16xf32>
        %max3A_134 = arith.maximumf %max3A_114, %min3A_133 : vector<16xf32>
        %min3A_135 = arith.minimumf %max3A_114, %min3A_133 : vector<16xf32>
        %max3A_136 = arith.maximumf %max3A_116, %min3A_135 : vector<16xf32>
        %min3A_137 = arith.minimumf %max3A_116, %min3A_135 : vector<16xf32>
        %max3A_138 = arith.maximumf %max3A_118, %min3A_137 : vector<16xf32>
        %min3A_139 = arith.minimumf %max3A_118, %min3A_137 : vector<16xf32>
        %add3A_140 = arith.constant 5 : i32
        %add3A_141 = vector.broadcast %add3A_140 : i32 to vector<16xi32>
        %add3A_142 = arith.addi %add3A_27, %add3A_141 : vector<16xi32>
        %gather3A_143 = tpu.vector_load_idx %arg4[%add3A_142] : memref<32768xf32, #tpu.memory_space<vmem>>[vector<16xi32>], vector<16xf32>,
        %max3A_144 = arith.maximumf %max3A_124, %gather3A_143 : vector<16xf32>
        %min3A_145 = arith.minimumf %max3A_124, %gather3A_143 : vector<16xf32>
        %max3A_146 = arith.maximumf %max3A_126, %min3A_145 : vector<16xf32>
        %min3A_147 = arith.minimumf %max3A_126, %min3A_145 : vector<16xf32>
        %max3A_148 = arith.maximumf %max3A_128, %min3A_147 : vector<16xf32>
        %min3A_149 = arith.minimumf %max3A_128, %min3A_147 : vector<16xf32>
        %max3A_150 = arith.maximumf %max3A_130, %min3A_149 : vector<16xf32>
        %min3A_151 = arith.minimumf %max3A_130, %min3A_149 : vector<16xf32>
        %max3A_152 = arith.maximumf %max3A_132, %min3A_151 : vector<16xf32>
        %min3A_153 = arith.minimumf %max3A_132, %min3A_151 : vector<16xf32>
        %max3A_154 = arith.maximumf %max3A_134, %min3A_153 : vector<16xf32>
        %min3A_155 = arith.minimumf %max3A_134, %min3A_153 : vector<16xf32>
        %max3A_156 = arith.maximumf %max3A_136, %min3A_155 : vector<16xf32>
        %min3A_157 = arith.minimumf %max3A_136, %min3A_155 : vector<16xf32>
        %max3A_158 = arith.maximumf %max3A_138, %min3A_157 : vector<16xf32>
        %min3A_159 = arith.minimumf %max3A_138, %min3A_157 : vector<16xf32>
        %add3A_160 = arith.constant 6 : i32
        %add3A_161 = vector.broadcast %add3A_160 : i32 to vector<16xi32>
        %add3A_162 = arith.addi %add3A_27, %add3A_161 : vector<16xi32>
        %gather3A_163 = tpu.vector_load_idx %arg4[%add3A_162] : memref<32768xf32, #tpu.memory_space<vmem>>[vector<16xi32>], vector<16xf32>,
        %max3A_164 = arith.maximumf %max3A_144, %gather3A_163 : vector<16xf32>
        %min3A_165 = arith.minimumf %max3A_144, %gather3A_163 : vector<16xf32>
        %max3A_166 = arith.maximumf %max3A_146, %min3A_165 : vector<16xf32>
        %min3A_167 = arith.minimumf %max3A_146, %min3A_165 : vector<16xf32>
        %max3A_168 = arith.maximumf %max3A_148, %min3A_167 : vector<16xf32>
        %min3A_169 = arith.minimumf %max3A_148, %min3A_167 : vector<16xf32>
        %max3A_170 = arith.maximumf %max3A_150, %min3A_169 : vector<16xf32>
        %min3A_171 = arith.minimumf %max3A_150, %min3A_169 : vector<16xf32>
        %max3A_172 = arith.maximumf %max3A_152, %min3A_171 : vector<16xf32>
        %min3A_173 = arith.minimumf %max3A_152, %min3A_171 : vector<16xf32>
        %max3A_174 = arith.maximumf %max3A_154, %min3A_173 : vector<16xf32>
        %min3A_175 = arith.minimumf %max3A_154, %min3A_173 : vector<16xf32>
        %max3A_176 = arith.maximumf %max3A_156, %min3A_175 : vector<16xf32>
        %min3A_177 = arith.minimumf %max3A_156, %min3A_175 : vector<16xf32>
        %max3A_178 = arith.maximumf %max3A_158, %min3A_177 : vector<16xf32>
        %min3A_179 = arith.minimumf %max3A_158, %min3A_177 : vector<16xf32>
        %add3A_180 = arith.constant 7 : i32
        %add3A_181 = vector.broadcast %add3A_180 : i32 to vector<16xi32>
        %add3A_182 = arith.addi %add3A_27, %add3A_181 : vector<16xi32>
        %gather3A_183 = tpu.vector_load_idx %arg4[%add3A_182] : memref<32768xf32, #tpu.memory_space<vmem>>[vector<16xi32>], vector<16xf32>,
        %max3A_184 = arith.maximumf %max3A_164, %gather3A_183 : vector<16xf32>
        %min3A_185 = arith.minimumf %max3A_164, %gather3A_183 : vector<16xf32>
        %max3A_186 = arith.maximumf %max3A_166, %min3A_185 : vector<16xf32>
        %min3A_187 = arith.minimumf %max3A_166, %min3A_185 : vector<16xf32>
        %max3A_188 = arith.maximumf %max3A_168, %min3A_187 : vector<16xf32>
        %min3A_189 = arith.minimumf %max3A_168, %min3A_187 : vector<16xf32>
        %max3A_190 = arith.maximumf %max3A_170, %min3A_189 : vector<16xf32>
        %min3A_191 = arith.minimumf %max3A_170, %min3A_189 : vector<16xf32>
        %max3A_192 = arith.maximumf %max3A_172, %min3A_191 : vector<16xf32>
        %min3A_193 = arith.minimumf %max3A_172, %min3A_191 : vector<16xf32>
        %max3A_194 = arith.maximumf %max3A_174, %min3A_193 : vector<16xf32>
        %min3A_195 = arith.minimumf %max3A_174, %min3A_193 : vector<16xf32>
        %max3A_196 = arith.maximumf %max3A_176, %min3A_195 : vector<16xf32>
        %min3A_197 = arith.minimumf %max3A_176, %min3A_195 : vector<16xf32>
        %max3A_198 = arith.maximumf %max3A_178, %min3A_197 : vector<16xf32>
        %min3A_199 = arith.minimumf %max3A_178, %min3A_197 : vector<16xf32>
        %add3A_200 = arith.constant 8 : i32
        %add3A_201 = vector.broadcast %add3A_200 : i32 to vector<16xi32>
        %add3A_202 = arith.addi %add3A_27, %add3A_201 : vector<16xi32>
        %gather3A_203 = tpu.vector_load_idx %arg4[%add3A_202] : memref<32768xf32, #tpu.memory_space<vmem>>[vector<16xi32>], vector<16xf32>,
        %max3A_204 = arith.maximumf %max3A_184, %gather3A_203 : vector<16xf32>
        %min3A_205 = arith.minimumf %max3A_184, %gather3A_203 : vector<16xf32>
        %max3A_206 = arith.maximumf %max3A_186, %min3A_205 : vector<16xf32>
        %min3A_207 = arith.minimumf %max3A_186, %min3A_205 : vector<16xf32>
        %max3A_208 = arith.maximumf %max3A_188, %min3A_207 : vector<16xf32>
        %min3A_209 = arith.minimumf %max3A_188, %min3A_207 : vector<16xf32>
        %max3A_210 = arith.maximumf %max3A_190, %min3A_209 : vector<16xf32>
        %min3A_211 = arith.minimumf %max3A_190, %min3A_209 : vector<16xf32>
        %max3A_212 = arith.maximumf %max3A_192, %min3A_211 : vector<16xf32>
        %min3A_213 = arith.minimumf %max3A_192, %min3A_211 : vector<16xf32>
        %max3A_214 = arith.maximumf %max3A_194, %min3A_213 : vector<16xf32>
        %min3A_215 = arith.minimumf %max3A_194, %min3A_213 : vector<16xf32>
        %max3A_216 = arith.maximumf %max3A_196, %min3A_215 : vector<16xf32>
        %min3A_217 = arith.minimumf %max3A_196, %min3A_215 : vector<16xf32>
        %max3A_218 = arith.maximumf %max3A_198, %min3A_217 : vector<16xf32>
        %min3A_219 = arith.minimumf %max3A_198, %min3A_217 : vector<16xf32>
        %add3A_220 = arith.constant 9 : i32
        %add3A_221 = vector.broadcast %add3A_220 : i32 to vector<16xi32>
        %add3A_222 = arith.addi %add3A_27, %add3A_221 : vector<16xi32>
        %gather3A_223 = tpu.vector_load_idx %arg4[%add3A_222] : memref<32768xf32, #tpu.memory_space<vmem>>[vector<16xi32>], vector<16xf32>,
        %max3A_224 = arith.maximumf %max3A_204, %gather3A_223 : vector<16xf32>
        %min3A_225 = arith.minimumf %max3A_204, %gather3A_223 : vector<16xf32>
        %max3A_226 = arith.maximumf %max3A_206, %min3A_225 : vector<16xf32>
        %min3A_227 = arith.minimumf %max3A_206, %min3A_225 : vector<16xf32>
        %max3A_228 = arith.maximumf %max3A_208, %min3A_227 : vector<16xf32>
        %min3A_229 = arith.minimumf %max3A_208, %min3A_227 : vector<16xf32>
        %max3A_230 = arith.maximumf %max3A_210, %min3A_229 : vector<16xf32>
        %min3A_231 = arith.minimumf %max3A_210, %min3A_229 : vector<16xf32>
        %max3A_232 = arith.maximumf %max3A_212, %min3A_231 : vector<16xf32>
        %min3A_233 = arith.minimumf %max3A_212, %min3A_231 : vector<16xf32>
        %max3A_234 = arith.maximumf %max3A_214, %min3A_233 : vector<16xf32>
        %min3A_235 = arith.minimumf %max3A_214, %min3A_233 : vector<16xf32>
        %max3A_236 = arith.maximumf %max3A_216, %min3A_235 : vector<16xf32>
        %min3A_237 = arith.minimumf %max3A_216, %min3A_235 : vector<16xf32>
        %max3A_238 = arith.maximumf %max3A_218, %min3A_237 : vector<16xf32>
        %min3A_239 = arith.minimumf %max3A_218, %min3A_237 : vector<16xf32>
        %add3A_240 = arith.constant 10 : i32
        %add3A_241 = vector.broadcast %add3A_240 : i32 to vector<16xi32>
        %add3A_242 = arith.addi %add3A_27, %add3A_241 : vector<16xi32>
        %gather3A_243 = tpu.vector_load_idx %arg4[%add3A_242] : memref<32768xf32, #tpu.memory_space<vmem>>[vector<16xi32>], vector<16xf32>,
        %max3A_244 = arith.maximumf %max3A_224, %gather3A_243 : vector<16xf32>
        %min3A_245 = arith.minimumf %max3A_224, %gather3A_243 : vector<16xf32>
        %max3A_246 = arith.maximumf %max3A_226, %min3A_245 : vector<16xf32>
        %min3A_247 = arith.minimumf %max3A_226, %min3A_245 : vector<16xf32>
        %max3A_248 = arith.maximumf %max3A_228, %min3A_247 : vector<16xf32>
        %min3A_249 = arith.minimumf %max3A_228, %min3A_247 : vector<16xf32>
        %max3A_250 = arith.maximumf %max3A_230, %min3A_249 : vector<16xf32>
        %min3A_251 = arith.minimumf %max3A_230, %min3A_249 : vector<16xf32>
        %max3A_252 = arith.maximumf %max3A_232, %min3A_251 : vector<16xf32>
        %min3A_253 = arith.minimumf %max3A_232, %min3A_251 : vector<16xf32>
        %max3A_254 = arith.maximumf %max3A_234, %min3A_253 : vector<16xf32>
        %min3A_255 = arith.minimumf %max3A_234, %min3A_253 : vector<16xf32>
        %max3A_256 = arith.maximumf %max3A_236, %min3A_255 : vector<16xf32>
        %min3A_257 = arith.minimumf %max3A_236, %min3A_255 : vector<16xf32>
        %max3A_258 = arith.maximumf %max3A_238, %min3A_257 : vector<16xf32>
        %min3A_259 = arith.minimumf %max3A_238, %min3A_257 : vector<16xf32>
        %add3A_260 = arith.constant 11 : i32
        %add3A_261 = vector.broadcast %add3A_260 : i32 to vector<16xi32>
        %add3A_262 = arith.addi %add3A_27, %add3A_261 : vector<16xi32>
        %gather3A_263 = tpu.vector_load_idx %arg4[%add3A_262] : memref<32768xf32, #tpu.memory_space<vmem>>[vector<16xi32>], vector<16xf32>,
        %max3A_264 = arith.maximumf %max3A_244, %gather3A_263 : vector<16xf32>
        %min3A_265 = arith.minimumf %max3A_244, %gather3A_263 : vector<16xf32>
        %max3A_266 = arith.maximumf %max3A_246, %min3A_265 : vector<16xf32>
        %min3A_267 = arith.minimumf %max3A_246, %min3A_265 : vector<16xf32>
        %max3A_268 = arith.maximumf %max3A_248, %min3A_267 : vector<16xf32>
        %min3A_269 = arith.minimumf %max3A_248, %min3A_267 : vector<16xf32>
        %max3A_270 = arith.maximumf %max3A_250, %min3A_269 : vector<16xf32>
        %min3A_271 = arith.minimumf %max3A_250, %min3A_269 : vector<16xf32>
        %max3A_272 = arith.maximumf %max3A_252, %min3A_271 : vector<16xf32>
        %min3A_273 = arith.minimumf %max3A_252, %min3A_271 : vector<16xf32>
        %max3A_274 = arith.maximumf %max3A_254, %min3A_273 : vector<16xf32>
        %min3A_275 = arith.minimumf %max3A_254, %min3A_273 : vector<16xf32>
        %max3A_276 = arith.maximumf %max3A_256, %min3A_275 : vector<16xf32>
        %min3A_277 = arith.minimumf %max3A_256, %min3A_275 : vector<16xf32>
        %max3A_278 = arith.maximumf %max3A_258, %min3A_277 : vector<16xf32>
        %min3A_279 = arith.minimumf %max3A_258, %min3A_277 : vector<16xf32>
        %add3A_280 = arith.constant 12 : i32
        %add3A_281 = vector.broadcast %add3A_280 : i32 to vector<16xi32>
        %add3A_282 = arith.addi %add3A_27, %add3A_281 : vector<16xi32>
        %gather3A_283 = tpu.vector_load_idx %arg4[%add3A_282] : memref<32768xf32, #tpu.memory_space<vmem>>[vector<16xi32>], vector<16xf32>,
        %max3A_284 = arith.maximumf %max3A_264, %gather3A_283 : vector<16xf32>
        %min3A_285 = arith.minimumf %max3A_264, %gather3A_283 : vector<16xf32>
        %max3A_286 = arith.maximumf %max3A_266, %min3A_285 : vector<16xf32>
        %min3A_287 = arith.minimumf %max3A_266, %min3A_285 : vector<16xf32>
        %max3A_288 = arith.maximumf %max3A_268, %min3A_287 : vector<16xf32>
        %min3A_289 = arith.minimumf %max3A_268, %min3A_287 : vector<16xf32>
        %max3A_290 = arith.maximumf %max3A_270, %min3A_289 : vector<16xf32>
        %min3A_291 = arith.minimumf %max3A_270, %min3A_289 : vector<16xf32>
        %max3A_292 = arith.maximumf %max3A_272, %min3A_291 : vector<16xf32>
        %min3A_293 = arith.minimumf %max3A_272, %min3A_291 : vector<16xf32>
        %max3A_294 = arith.maximumf %max3A_274, %min3A_293 : vector<16xf32>
        %min3A_295 = arith.minimumf %max3A_274, %min3A_293 : vector<16xf32>
        %max3A_296 = arith.maximumf %max3A_276, %min3A_295 : vector<16xf32>
        %min3A_297 = arith.minimumf %max3A_276, %min3A_295 : vector<16xf32>
        %max3A_298 = arith.maximumf %max3A_278, %min3A_297 : vector<16xf32>
        %min3A_299 = arith.minimumf %max3A_278, %min3A_297 : vector<16xf32>
        %add3A_300 = arith.constant 13 : i32
        %add3A_301 = vector.broadcast %add3A_300 : i32 to vector<16xi32>
        %add3A_302 = arith.addi %add3A_27, %add3A_301 : vector<16xi32>
        %gather3A_303 = tpu.vector_load_idx %arg4[%add3A_302] : memref<32768xf32, #tpu.memory_space<vmem>>[vector<16xi32>], vector<16xf32>,
        %max3A_304 = arith.maximumf %max3A_284, %gather3A_303 : vector<16xf32>
        %min3A_305 = arith.minimumf %max3A_284, %gather3A_303 : vector<16xf32>
        %max3A_306 = arith.maximumf %max3A_286, %min3A_305 : vector<16xf32>
        %min3A_307 = arith.minimumf %max3A_286, %min3A_305 : vector<16xf32>
        %max3A_308 = arith.maximumf %max3A_288, %min3A_307 : vector<16xf32>
        %min3A_309 = arith.minimumf %max3A_288, %min3A_307 : vector<16xf32>
        %max3A_310 = arith.maximumf %max3A_290, %min3A_309 : vector<16xf32>
        %min3A_311 = arith.minimumf %max3A_290, %min3A_309 : vector<16xf32>
        %max3A_312 = arith.maximumf %max3A_292, %min3A_311 : vector<16xf32>
        %min3A_313 = arith.minimumf %max3A_292, %min3A_311 : vector<16xf32>
        %max3A_314 = arith.maximumf %max3A_294, %min3A_313 : vector<16xf32>
        %min3A_315 = arith.minimumf %max3A_294, %min3A_313 : vector<16xf32>
        %max3A_316 = arith.maximumf %max3A_296, %min3A_315 : vector<16xf32>
        %min3A_317 = arith.minimumf %max3A_296, %min3A_315 : vector<16xf32>
        %max3A_318 = arith.maximumf %max3A_298, %min3A_317 : vector<16xf32>
        %min3A_319 = arith.minimumf %max3A_298, %min3A_317 : vector<16xf32>
        %add3A_320 = arith.constant 14 : i32
        %add3A_321 = vector.broadcast %add3A_320 : i32 to vector<16xi32>
        %add3A_322 = arith.addi %add3A_27, %add3A_321 : vector<16xi32>
        %gather3A_323 = tpu.vector_load_idx %arg4[%add3A_322] : memref<32768xf32, #tpu.memory_space<vmem>>[vector<16xi32>], vector<16xf32>,
        %max3A_324 = arith.maximumf %max3A_304, %gather3A_323 : vector<16xf32>
        %min3A_325 = arith.minimumf %max3A_304, %gather3A_323 : vector<16xf32>
        %max3A_326 = arith.maximumf %max3A_306, %min3A_325 : vector<16xf32>
        %min3A_327 = arith.minimumf %max3A_306, %min3A_325 : vector<16xf32>
        %max3A_328 = arith.maximumf %max3A_308, %min3A_327 : vector<16xf32>
        %min3A_329 = arith.minimumf %max3A_308, %min3A_327 : vector<16xf32>
        %max3A_330 = arith.maximumf %max3A_310, %min3A_329 : vector<16xf32>
        %min3A_331 = arith.minimumf %max3A_310, %min3A_329 : vector<16xf32>
        %max3A_332 = arith.maximumf %max3A_312, %min3A_331 : vector<16xf32>
        %min3A_333 = arith.minimumf %max3A_312, %min3A_331 : vector<16xf32>
        %max3A_334 = arith.maximumf %max3A_314, %min3A_333 : vector<16xf32>
        %min3A_335 = arith.minimumf %max3A_314, %min3A_333 : vector<16xf32>
        %max3A_336 = arith.maximumf %max3A_316, %min3A_335 : vector<16xf32>
        %min3A_337 = arith.minimumf %max3A_316, %min3A_335 : vector<16xf32>
        %max3A_338 = arith.maximumf %max3A_318, %min3A_337 : vector<16xf32>
        %min3A_339 = arith.minimumf %max3A_318, %min3A_337 : vector<16xf32>
        %add3A_340 = arith.constant 15 : i32
        %add3A_341 = vector.broadcast %add3A_340 : i32 to vector<16xi32>
        %add3A_342 = arith.addi %add3A_27, %add3A_341 : vector<16xi32>
        %gather3A_343 = tpu.vector_load_idx %arg4[%add3A_342] : memref<32768xf32, #tpu.memory_space<vmem>>[vector<16xi32>], vector<16xf32>,
        %max3A_344 = arith.maximumf %max3A_324, %gather3A_343 : vector<16xf32>
        %min3A_345 = arith.minimumf %max3A_324, %gather3A_343 : vector<16xf32>
        %max3A_346 = arith.maximumf %max3A_326, %min3A_345 : vector<16xf32>
        %min3A_347 = arith.minimumf %max3A_326, %min3A_345 : vector<16xf32>
        %max3A_348 = arith.maximumf %max3A_328, %min3A_347 : vector<16xf32>
        %min3A_349 = arith.minimumf %max3A_328, %min3A_347 : vector<16xf32>
        %max3A_350 = arith.maximumf %max3A_330, %min3A_349 : vector<16xf32>
        %min3A_351 = arith.minimumf %max3A_330, %min3A_349 : vector<16xf32>
        %max3A_352 = arith.maximumf %max3A_332, %min3A_351 : vector<16xf32>
        %min3A_353 = arith.minimumf %max3A_332, %min3A_351 : vector<16xf32>
        %max3A_354 = arith.maximumf %max3A_334, %min3A_353 : vector<16xf32>
        %min3A_355 = arith.minimumf %max3A_334, %min3A_353 : vector<16xf32>
        %max3A_356 = arith.maximumf %max3A_336, %min3A_355 : vector<16xf32>
        %min3A_357 = arith.minimumf %max3A_336, %min3A_355 : vector<16xf32>
        %max3A_358 = arith.maximumf %max3A_338, %min3A_357 : vector<16xf32>
        %min3A_359 = arith.minimumf %max3A_338, %min3A_357 : vector<16xf32>
        %add3A_360 = arith.constant 16 : i32
        %add3A_361 = vector.broadcast %add3A_360 : i32 to vector<16xi32>
        %add3A_362 = arith.addi %add3A_27, %add3A_361 : vector<16xi32>
        %gather3A_363 = tpu.vector_load_idx %arg4[%add3A_362] : memref<32768xf32, #tpu.memory_space<vmem>>[vector<16xi32>], vector<16xf32>,
        %max3A_364 = arith.maximumf %max3A_344, %gather3A_363 : vector<16xf32>
        %min3A_365 = arith.minimumf %max3A_344, %gather3A_363 : vector<16xf32>
        %max3A_366 = arith.maximumf %max3A_346, %min3A_365 : vector<16xf32>
        %min3A_367 = arith.minimumf %max3A_346, %min3A_365 : vector<16xf32>
        %max3A_368 = arith.maximumf %max3A_348, %min3A_367 : vector<16xf32>
        %min3A_369 = arith.minimumf %max3A_348, %min3A_367 : vector<16xf32>
        %max3A_370 = arith.maximumf %max3A_350, %min3A_369 : vector<16xf32>
        %min3A_371 = arith.minimumf %max3A_350, %min3A_369 : vector<16xf32>
        %max3A_372 = arith.maximumf %max3A_352, %min3A_371 : vector<16xf32>
        %min3A_373 = arith.minimumf %max3A_352, %min3A_371 : vector<16xf32>
        %max3A_374 = arith.maximumf %max3A_354, %min3A_373 : vector<16xf32>
        %min3A_375 = arith.minimumf %max3A_354, %min3A_373 : vector<16xf32>
        %max3A_376 = arith.maximumf %max3A_356, %min3A_375 : vector<16xf32>
        %min3A_377 = arith.minimumf %max3A_356, %min3A_375 : vector<16xf32>
        %max3A_378 = arith.maximumf %max3A_358, %min3A_377 : vector<16xf32>
        %min3A_379 = arith.minimumf %max3A_358, %min3A_377 : vector<16xf32>
        %add3A_380 = arith.constant 17 : i32
        %add3A_381 = vector.broadcast %add3A_380 : i32 to vector<16xi32>
        %add3A_382 = arith.addi %add3A_27, %add3A_381 : vector<16xi32>
        %gather3A_383 = tpu.vector_load_idx %arg4[%add3A_382] : memref<32768xf32, #tpu.memory_space<vmem>>[vector<16xi32>], vector<16xf32>,
        %max3A_384 = arith.maximumf %max3A_364, %gather3A_383 : vector<16xf32>
        %min3A_385 = arith.minimumf %max3A_364, %gather3A_383 : vector<16xf32>
        %max3A_386 = arith.maximumf %max3A_366, %min3A_385 : vector<16xf32>
        %min3A_387 = arith.minimumf %max3A_366, %min3A_385 : vector<16xf32>
        %max3A_388 = arith.maximumf %max3A_368, %min3A_387 : vector<16xf32>
        %min3A_389 = arith.minimumf %max3A_368, %min3A_387 : vector<16xf32>
        %max3A_390 = arith.maximumf %max3A_370, %min3A_389 : vector<16xf32>
        %min3A_391 = arith.minimumf %max3A_370, %min3A_389 : vector<16xf32>
        %max3A_392 = arith.maximumf %max3A_372, %min3A_391 : vector<16xf32>
        %min3A_393 = arith.minimumf %max3A_372, %min3A_391 : vector<16xf32>
        %max3A_394 = arith.maximumf %max3A_374, %min3A_393 : vector<16xf32>
        %min3A_395 = arith.minimumf %max3A_374, %min3A_393 : vector<16xf32>
        %max3A_396 = arith.maximumf %max3A_376, %min3A_395 : vector<16xf32>
        %min3A_397 = arith.minimumf %max3A_376, %min3A_395 : vector<16xf32>
        %max3A_398 = arith.maximumf %max3A_378, %min3A_397 : vector<16xf32>
        %min3A_399 = arith.minimumf %max3A_378, %min3A_397 : vector<16xf32>
        %add3A_400 = arith.constant 18 : i32
        %add3A_401 = vector.broadcast %add3A_400 : i32 to vector<16xi32>
        %add3A_402 = arith.addi %add3A_27, %add3A_401 : vector<16xi32>
        %gather3A_403 = tpu.vector_load_idx %arg4[%add3A_402] : memref<32768xf32, #tpu.memory_space<vmem>>[vector<16xi32>], vector<16xf32>,
        %max3A_404 = arith.maximumf %max3A_384, %gather3A_403 : vector<16xf32>
        %min3A_405 = arith.minimumf %max3A_384, %gather3A_403 : vector<16xf32>
        %max3A_406 = arith.maximumf %max3A_386, %min3A_405 : vector<16xf32>
        %min3A_407 = arith.minimumf %max3A_386, %min3A_405 : vector<16xf32>
        %max3A_408 = arith.maximumf %max3A_388, %min3A_407 : vector<16xf32>
        %min3A_409 = arith.minimumf %max3A_388, %min3A_407 : vector<16xf32>
        %max3A_410 = arith.maximumf %max3A_390, %min3A_409 : vector<16xf32>
        %min3A_411 = arith.minimumf %max3A_390, %min3A_409 : vector<16xf32>
        %max3A_412 = arith.maximumf %max3A_392, %min3A_411 : vector<16xf32>
        %min3A_413 = arith.minimumf %max3A_392, %min3A_411 : vector<16xf32>
        %max3A_414 = arith.maximumf %max3A_394, %min3A_413 : vector<16xf32>
        %min3A_415 = arith.minimumf %max3A_394, %min3A_413 : vector<16xf32>
        %max3A_416 = arith.maximumf %max3A_396, %min3A_415 : vector<16xf32>
        %min3A_417 = arith.minimumf %max3A_396, %min3A_415 : vector<16xf32>
        %max3A_418 = arith.maximumf %max3A_398, %min3A_417 : vector<16xf32>
        %min3A_419 = arith.minimumf %max3A_398, %min3A_417 : vector<16xf32>
        %add3A_420 = arith.constant 19 : i32
        %add3A_421 = vector.broadcast %add3A_420 : i32 to vector<16xi32>
        %add3A_422 = arith.addi %add3A_27, %add3A_421 : vector<16xi32>
        %gather3A_423 = tpu.vector_load_idx %arg4[%add3A_422] : memref<32768xf32, #tpu.memory_space<vmem>>[vector<16xi32>], vector<16xf32>,
        %max3A_424 = arith.maximumf %max3A_404, %gather3A_423 : vector<16xf32>
        %min3A_425 = arith.minimumf %max3A_404, %gather3A_423 : vector<16xf32>
        %max3A_426 = arith.maximumf %max3A_406, %min3A_425 : vector<16xf32>
        %min3A_427 = arith.minimumf %max3A_406, %min3A_425 : vector<16xf32>
        %max3A_428 = arith.maximumf %max3A_408, %min3A_427 : vector<16xf32>
        %min3A_429 = arith.minimumf %max3A_408, %min3A_427 : vector<16xf32>
        %max3A_430 = arith.maximumf %max3A_410, %min3A_429 : vector<16xf32>
        %min3A_431 = arith.minimumf %max3A_410, %min3A_429 : vector<16xf32>
        %max3A_432 = arith.maximumf %max3A_412, %min3A_431 : vector<16xf32>
        %min3A_433 = arith.minimumf %max3A_412, %min3A_431 : vector<16xf32>
        %max3A_434 = arith.maximumf %max3A_414, %min3A_433 : vector<16xf32>
        %min3A_435 = arith.minimumf %max3A_414, %min3A_433 : vector<16xf32>
        %max3A_436 = arith.maximumf %max3A_416, %min3A_435 : vector<16xf32>
        %min3A_437 = arith.minimumf %max3A_416, %min3A_435 : vector<16xf32>
        %max3A_438 = arith.maximumf %max3A_418, %min3A_437 : vector<16xf32>
        %min3A_439 = arith.minimumf %max3A_418, %min3A_437 : vector<16xf32>
        %add3A_440 = arith.constant 20 : i32
        %add3A_441 = vector.broadcast %add3A_440 : i32 to vector<16xi32>
        %add3A_442 = arith.addi %add3A_27, %add3A_441 : vector<16xi32>
        %gather3A_443 = tpu.vector_load_idx %arg4[%add3A_442] : memref<32768xf32, #tpu.memory_space<vmem>>[vector<16xi32>], vector<16xf32>,
        %max3A_444 = arith.maximumf %max3A_424, %gather3A_443 : vector<16xf32>
        %min3A_445 = arith.minimumf %max3A_424, %gather3A_443 : vector<16xf32>
        %max3A_446 = arith.maximumf %max3A_426, %min3A_445 : vector<16xf32>
        %min3A_447 = arith.minimumf %max3A_426, %min3A_445 : vector<16xf32>
        %max3A_448 = arith.maximumf %max3A_428, %min3A_447 : vector<16xf32>
        %min3A_449 = arith.minimumf %max3A_428, %min3A_447 : vector<16xf32>
        %max3A_450 = arith.maximumf %max3A_430, %min3A_449 : vector<16xf32>
        %min3A_451 = arith.minimumf %max3A_430, %min3A_449 : vector<16xf32>
        %max3A_452 = arith.maximumf %max3A_432, %min3A_451 : vector<16xf32>
        %min3A_453 = arith.minimumf %max3A_432, %min3A_451 : vector<16xf32>
        %max3A_454 = arith.maximumf %max3A_434, %min3A_453 : vector<16xf32>
        %min3A_455 = arith.minimumf %max3A_434, %min3A_453 : vector<16xf32>
        %max3A_456 = arith.maximumf %max3A_436, %min3A_455 : vector<16xf32>
        %min3A_457 = arith.minimumf %max3A_436, %min3A_455 : vector<16xf32>
        %max3A_458 = arith.maximumf %max3A_438, %min3A_457 : vector<16xf32>
        %min3A_459 = arith.minimumf %max3A_438, %min3A_457 : vector<16xf32>
        %add3A_460 = arith.constant 21 : i32
        %add3A_461 = vector.broadcast %add3A_460 : i32 to vector<16xi32>
        %add3A_462 = arith.addi %add3A_27, %add3A_461 : vector<16xi32>
        %gather3A_463 = tpu.vector_load_idx %arg4[%add3A_462] : memref<32768xf32, #tpu.memory_space<vmem>>[vector<16xi32>], vector<16xf32>,
        %max3A_464 = arith.maximumf %max3A_444, %gather3A_463 : vector<16xf32>
        %min3A_465 = arith.minimumf %max3A_444, %gather3A_463 : vector<16xf32>
        %max3A_466 = arith.maximumf %max3A_446, %min3A_465 : vector<16xf32>
        %min3A_467 = arith.minimumf %max3A_446, %min3A_465 : vector<16xf32>
        %max3A_468 = arith.maximumf %max3A_448, %min3A_467 : vector<16xf32>
        %min3A_469 = arith.minimumf %max3A_448, %min3A_467 : vector<16xf32>
        %max3A_470 = arith.maximumf %max3A_450, %min3A_469 : vector<16xf32>
        %min3A_471 = arith.minimumf %max3A_450, %min3A_469 : vector<16xf32>
        %max3A_472 = arith.maximumf %max3A_452, %min3A_471 : vector<16xf32>
        %min3A_473 = arith.minimumf %max3A_452, %min3A_471 : vector<16xf32>
        %max3A_474 = arith.maximumf %max3A_454, %min3A_473 : vector<16xf32>
        %min3A_475 = arith.minimumf %max3A_454, %min3A_473 : vector<16xf32>
        %max3A_476 = arith.maximumf %max3A_456, %min3A_475 : vector<16xf32>
        %min3A_477 = arith.minimumf %max3A_456, %min3A_475 : vector<16xf32>
        %max3A_478 = arith.maximumf %max3A_458, %min3A_477 : vector<16xf32>
        %min3A_479 = arith.minimumf %max3A_458, %min3A_477 : vector<16xf32>
        %add3A_480 = arith.constant 22 : i32
        %add3A_481 = vector.broadcast %add3A_480 : i32 to vector<16xi32>
        %add3A_482 = arith.addi %add3A_27, %add3A_481 : vector<16xi32>
        %gather3A_483 = tpu.vector_load_idx %arg4[%add3A_482] : memref<32768xf32, #tpu.memory_space<vmem>>[vector<16xi32>], vector<16xf32>,
        %max3A_484 = arith.maximumf %max3A_464, %gather3A_483 : vector<16xf32>
        %min3A_485 = arith.minimumf %max3A_464, %gather3A_483 : vector<16xf32>
        %max3A_486 = arith.maximumf %max3A_466, %min3A_485 : vector<16xf32>
        %min3A_487 = arith.minimumf %max3A_466, %min3A_485 : vector<16xf32>
        %max3A_488 = arith.maximumf %max3A_468, %min3A_487 : vector<16xf32>
        %min3A_489 = arith.minimumf %max3A_468, %min3A_487 : vector<16xf32>
        %max3A_490 = arith.maximumf %max3A_470, %min3A_489 : vector<16xf32>
        %min3A_491 = arith.minimumf %max3A_470, %min3A_489 : vector<16xf32>
        %max3A_492 = arith.maximumf %max3A_472, %min3A_491 : vector<16xf32>
        %min3A_493 = arith.minimumf %max3A_472, %min3A_491 : vector<16xf32>
        %max3A_494 = arith.maximumf %max3A_474, %min3A_493 : vector<16xf32>
        %min3A_495 = arith.minimumf %max3A_474, %min3A_493 : vector<16xf32>
        %max3A_496 = arith.maximumf %max3A_476, %min3A_495 : vector<16xf32>
        %min3A_497 = arith.minimumf %max3A_476, %min3A_495 : vector<16xf32>
        %max3A_498 = arith.maximumf %max3A_478, %min3A_497 : vector<16xf32>
        %min3A_499 = arith.minimumf %max3A_478, %min3A_497 : vector<16xf32>
        %add3A_500 = arith.constant 23 : i32
        %add3A_501 = vector.broadcast %add3A_500 : i32 to vector<16xi32>
        %add3A_502 = arith.addi %add3A_27, %add3A_501 : vector<16xi32>
        %gather3A_503 = tpu.vector_load_idx %arg4[%add3A_502] : memref<32768xf32, #tpu.memory_space<vmem>>[vector<16xi32>], vector<16xf32>,
        %max3A_504 = arith.maximumf %max3A_484, %gather3A_503 : vector<16xf32>
        %min3A_505 = arith.minimumf %max3A_484, %gather3A_503 : vector<16xf32>
        %max3A_506 = arith.maximumf %max3A_486, %min3A_505 : vector<16xf32>
        %min3A_507 = arith.minimumf %max3A_486, %min3A_505 : vector<16xf32>
        %max3A_508 = arith.maximumf %max3A_488, %min3A_507 : vector<16xf32>
        %min3A_509 = arith.minimumf %max3A_488, %min3A_507 : vector<16xf32>
        %max3A_510 = arith.maximumf %max3A_490, %min3A_509 : vector<16xf32>
        %min3A_511 = arith.minimumf %max3A_490, %min3A_509 : vector<16xf32>
        %max3A_512 = arith.maximumf %max3A_492, %min3A_511 : vector<16xf32>
        %min3A_513 = arith.minimumf %max3A_492, %min3A_511 : vector<16xf32>
        %max3A_514 = arith.maximumf %max3A_494, %min3A_513 : vector<16xf32>
        %min3A_515 = arith.minimumf %max3A_494, %min3A_513 : vector<16xf32>
        %max3A_516 = arith.maximumf %max3A_496, %min3A_515 : vector<16xf32>
        %min3A_517 = arith.minimumf %max3A_496, %min3A_515 : vector<16xf32>
        %max3A_518 = arith.maximumf %max3A_498, %min3A_517 : vector<16xf32>
        %min3A_519 = arith.minimumf %max3A_498, %min3A_517 : vector<16xf32>
        %add3A_520 = arith.constant 24 : i32
        %add3A_521 = vector.broadcast %add3A_520 : i32 to vector<16xi32>
        %add3A_522 = arith.addi %add3A_27, %add3A_521 : vector<16xi32>
        %gather3A_523 = tpu.vector_load_idx %arg4[%add3A_522] : memref<32768xf32, #tpu.memory_space<vmem>>[vector<16xi32>], vector<16xf32>,
        %max3A_524 = arith.maximumf %max3A_504, %gather3A_523 : vector<16xf32>
        %min3A_525 = arith.minimumf %max3A_504, %gather3A_523 : vector<16xf32>
        %max3A_526 = arith.maximumf %max3A_506, %min3A_525 : vector<16xf32>
        %min3A_527 = arith.minimumf %max3A_506, %min3A_525 : vector<16xf32>
        %max3A_528 = arith.maximumf %max3A_508, %min3A_527 : vector<16xf32>
        %min3A_529 = arith.minimumf %max3A_508, %min3A_527 : vector<16xf32>
        %max3A_530 = arith.maximumf %max3A_510, %min3A_529 : vector<16xf32>
        %min3A_531 = arith.minimumf %max3A_510, %min3A_529 : vector<16xf32>
        %max3A_532 = arith.maximumf %max3A_512, %min3A_531 : vector<16xf32>
        %min3A_533 = arith.minimumf %max3A_512, %min3A_531 : vector<16xf32>
        %max3A_534 = arith.maximumf %max3A_514, %min3A_533 : vector<16xf32>
        %min3A_535 = arith.minimumf %max3A_514, %min3A_533 : vector<16xf32>
        %max3A_536 = arith.maximumf %max3A_516, %min3A_535 : vector<16xf32>
        %min3A_537 = arith.minimumf %max3A_516, %min3A_535 : vector<16xf32>
        %max3A_538 = arith.maximumf %max3A_518, %min3A_537 : vector<16xf32>
        %min3A_539 = arith.minimumf %max3A_518, %min3A_537 : vector<16xf32>
        %add3A_540 = arith.constant 25 : i32
        %add3A_541 = vector.broadcast %add3A_540 : i32 to vector<16xi32>
        %add3A_542 = arith.addi %add3A_27, %add3A_541 : vector<16xi32>
        %gather3A_543 = tpu.vector_load_idx %arg4[%add3A_542] : memref<32768xf32, #tpu.memory_space<vmem>>[vector<16xi32>], vector<16xf32>,
        %max3A_544 = arith.maximumf %max3A_524, %gather3A_543 : vector<16xf32>
        %min3A_545 = arith.minimumf %max3A_524, %gather3A_543 : vector<16xf32>
        %max3A_546 = arith.maximumf %max3A_526, %min3A_545 : vector<16xf32>
        %min3A_547 = arith.minimumf %max3A_526, %min3A_545 : vector<16xf32>
        %max3A_548 = arith.maximumf %max3A_528, %min3A_547 : vector<16xf32>
        %min3A_549 = arith.minimumf %max3A_528, %min3A_547 : vector<16xf32>
        %max3A_550 = arith.maximumf %max3A_530, %min3A_549 : vector<16xf32>
        %min3A_551 = arith.minimumf %max3A_530, %min3A_549 : vector<16xf32>
        %max3A_552 = arith.maximumf %max3A_532, %min3A_551 : vector<16xf32>
        %min3A_553 = arith.minimumf %max3A_532, %min3A_551 : vector<16xf32>
        %max3A_554 = arith.maximumf %max3A_534, %min3A_553 : vector<16xf32>
        %min3A_555 = arith.minimumf %max3A_534, %min3A_553 : vector<16xf32>
        %max3A_556 = arith.maximumf %max3A_536, %min3A_555 : vector<16xf32>
        %min3A_557 = arith.minimumf %max3A_536, %min3A_555 : vector<16xf32>
        %max3A_558 = arith.maximumf %max3A_538, %min3A_557 : vector<16xf32>
        %min3A_559 = arith.minimumf %max3A_538, %min3A_557 : vector<16xf32>
        %add3A_560 = arith.constant 26 : i32
        %add3A_561 = vector.broadcast %add3A_560 : i32 to vector<16xi32>
        %add3A_562 = arith.addi %add3A_27, %add3A_561 : vector<16xi32>
        %gather3A_563 = tpu.vector_load_idx %arg4[%add3A_562] : memref<32768xf32, #tpu.memory_space<vmem>>[vector<16xi32>], vector<16xf32>,
        %max3A_564 = arith.maximumf %max3A_544, %gather3A_563 : vector<16xf32>
        %min3A_565 = arith.minimumf %max3A_544, %gather3A_563 : vector<16xf32>
        %max3A_566 = arith.maximumf %max3A_546, %min3A_565 : vector<16xf32>
        %min3A_567 = arith.minimumf %max3A_546, %min3A_565 : vector<16xf32>
        %max3A_568 = arith.maximumf %max3A_548, %min3A_567 : vector<16xf32>
        %min3A_569 = arith.minimumf %max3A_548, %min3A_567 : vector<16xf32>
        %max3A_570 = arith.maximumf %max3A_550, %min3A_569 : vector<16xf32>
        %min3A_571 = arith.minimumf %max3A_550, %min3A_569 : vector<16xf32>
        %max3A_572 = arith.maximumf %max3A_552, %min3A_571 : vector<16xf32>
        %min3A_573 = arith.minimumf %max3A_552, %min3A_571 : vector<16xf32>
        %max3A_574 = arith.maximumf %max3A_554, %min3A_573 : vector<16xf32>
        %min3A_575 = arith.minimumf %max3A_554, %min3A_573 : vector<16xf32>
        %max3A_576 = arith.maximumf %max3A_556, %min3A_575 : vector<16xf32>
        %min3A_577 = arith.minimumf %max3A_556, %min3A_575 : vector<16xf32>
        %max3A_578 = arith.maximumf %max3A_558, %min3A_577 : vector<16xf32>
        %min3A_579 = arith.minimumf %max3A_558, %min3A_577 : vector<16xf32>
        %add3A_580 = arith.constant 27 : i32
        %add3A_581 = vector.broadcast %add3A_580 : i32 to vector<16xi32>
        %add3A_582 = arith.addi %add3A_27, %add3A_581 : vector<16xi32>
        %gather3A_583 = tpu.vector_load_idx %arg4[%add3A_582] : memref<32768xf32, #tpu.memory_space<vmem>>[vector<16xi32>], vector<16xf32>,
        %max3A_584 = arith.maximumf %max3A_564, %gather3A_583 : vector<16xf32>
        %min3A_585 = arith.minimumf %max3A_564, %gather3A_583 : vector<16xf32>
        %max3A_586 = arith.maximumf %max3A_566, %min3A_585 : vector<16xf32>
        %min3A_587 = arith.minimumf %max3A_566, %min3A_585 : vector<16xf32>
        %max3A_588 = arith.maximumf %max3A_568, %min3A_587 : vector<16xf32>
        %min3A_589 = arith.minimumf %max3A_568, %min3A_587 : vector<16xf32>
        %max3A_590 = arith.maximumf %max3A_570, %min3A_589 : vector<16xf32>
        %min3A_591 = arith.minimumf %max3A_570, %min3A_589 : vector<16xf32>
        %max3A_592 = arith.maximumf %max3A_572, %min3A_591 : vector<16xf32>
        %min3A_593 = arith.minimumf %max3A_572, %min3A_591 : vector<16xf32>
        %max3A_594 = arith.maximumf %max3A_574, %min3A_593 : vector<16xf32>
        %min3A_595 = arith.minimumf %max3A_574, %min3A_593 : vector<16xf32>
        %max3A_596 = arith.maximumf %max3A_576, %min3A_595 : vector<16xf32>
        %min3A_597 = arith.minimumf %max3A_576, %min3A_595 : vector<16xf32>
        %max3A_598 = arith.maximumf %max3A_578, %min3A_597 : vector<16xf32>
        %min3A_599 = arith.minimumf %max3A_578, %min3A_597 : vector<16xf32>
        %add3A_600 = arith.constant 28 : i32
        %add3A_601 = vector.broadcast %add3A_600 : i32 to vector<16xi32>
        %add3A_602 = arith.addi %add3A_27, %add3A_601 : vector<16xi32>
        %gather3A_603 = tpu.vector_load_idx %arg4[%add3A_602] : memref<32768xf32, #tpu.memory_space<vmem>>[vector<16xi32>], vector<16xf32>,
        %max3A_604 = arith.maximumf %max3A_584, %gather3A_603 : vector<16xf32>
        %min3A_605 = arith.minimumf %max3A_584, %gather3A_603 : vector<16xf32>
        %max3A_606 = arith.maximumf %max3A_586, %min3A_605 : vector<16xf32>
        %min3A_607 = arith.minimumf %max3A_586, %min3A_605 : vector<16xf32>
        %max3A_608 = arith.maximumf %max3A_588, %min3A_607 : vector<16xf32>
        %min3A_609 = arith.minimumf %max3A_588, %min3A_607 : vector<16xf32>
        %max3A_610 = arith.maximumf %max3A_590, %min3A_609 : vector<16xf32>
        %min3A_611 = arith.minimumf %max3A_590, %min3A_609 : vector<16xf32>
        %max3A_612 = arith.maximumf %max3A_592, %min3A_611 : vector<16xf32>
        %min3A_613 = arith.minimumf %max3A_592, %min3A_611 : vector<16xf32>
        %max3A_614 = arith.maximumf %max3A_594, %min3A_613 : vector<16xf32>
        %min3A_615 = arith.minimumf %max3A_594, %min3A_613 : vector<16xf32>
        %max3A_616 = arith.maximumf %max3A_596, %min3A_615 : vector<16xf32>
        %min3A_617 = arith.minimumf %max3A_596, %min3A_615 : vector<16xf32>
        %max3A_618 = arith.maximumf %max3A_598, %min3A_617 : vector<16xf32>
        %min3A_619 = arith.minimumf %max3A_598, %min3A_617 : vector<16xf32>
        %add3A_620 = arith.constant 29 : i32
        %add3A_621 = vector.broadcast %add3A_620 : i32 to vector<16xi32>
        %add3A_622 = arith.addi %add3A_27, %add3A_621 : vector<16xi32>
        %gather3A_623 = tpu.vector_load_idx %arg4[%add3A_622] : memref<32768xf32, #tpu.memory_space<vmem>>[vector<16xi32>], vector<16xf32>,
        %max3A_624 = arith.maximumf %max3A_604, %gather3A_623 : vector<16xf32>
        %min3A_625 = arith.minimumf %max3A_604, %gather3A_623 : vector<16xf32>
        %max3A_626 = arith.maximumf %max3A_606, %min3A_625 : vector<16xf32>
        %min3A_627 = arith.minimumf %max3A_606, %min3A_625 : vector<16xf32>
        %max3A_628 = arith.maximumf %max3A_608, %min3A_627 : vector<16xf32>
        %min3A_629 = arith.minimumf %max3A_608, %min3A_627 : vector<16xf32>
        %max3A_630 = arith.maximumf %max3A_610, %min3A_629 : vector<16xf32>
        %min3A_631 = arith.minimumf %max3A_610, %min3A_629 : vector<16xf32>
        %max3A_632 = arith.maximumf %max3A_612, %min3A_631 : vector<16xf32>
        %min3A_633 = arith.minimumf %max3A_612, %min3A_631 : vector<16xf32>
        %max3A_634 = arith.maximumf %max3A_614, %min3A_633 : vector<16xf32>
        %min3A_635 = arith.minimumf %max3A_614, %min3A_633 : vector<16xf32>
        %max3A_636 = arith.maximumf %max3A_616, %min3A_635 : vector<16xf32>
        %min3A_637 = arith.minimumf %max3A_616, %min3A_635 : vector<16xf32>
        %max3A_638 = arith.maximumf %max3A_618, %min3A_637 : vector<16xf32>
        %min3A_639 = arith.minimumf %max3A_618, %min3A_637 : vector<16xf32>
        %add3A_640 = arith.constant 30 : i32
        %add3A_641 = vector.broadcast %add3A_640 : i32 to vector<16xi32>
        %add3A_642 = arith.addi %add3A_27, %add3A_641 : vector<16xi32>
        %gather3A_643 = tpu.vector_load_idx %arg4[%add3A_642] : memref<32768xf32, #tpu.memory_space<vmem>>[vector<16xi32>], vector<16xf32>,
        %max3A_644 = arith.maximumf %max3A_624, %gather3A_643 : vector<16xf32>
        %min3A_645 = arith.minimumf %max3A_624, %gather3A_643 : vector<16xf32>
        %max3A_646 = arith.maximumf %max3A_626, %min3A_645 : vector<16xf32>
        %min3A_647 = arith.minimumf %max3A_626, %min3A_645 : vector<16xf32>
        %max3A_648 = arith.maximumf %max3A_628, %min3A_647 : vector<16xf32>
        %min3A_649 = arith.minimumf %max3A_628, %min3A_647 : vector<16xf32>
        %max3A_650 = arith.maximumf %max3A_630, %min3A_649 : vector<16xf32>
        %min3A_651 = arith.minimumf %max3A_630, %min3A_649 : vector<16xf32>
        %max3A_652 = arith.maximumf %max3A_632, %min3A_651 : vector<16xf32>
        %min3A_653 = arith.minimumf %max3A_632, %min3A_651 : vector<16xf32>
        %max3A_654 = arith.maximumf %max3A_634, %min3A_653 : vector<16xf32>
        %min3A_655 = arith.minimumf %max3A_634, %min3A_653 : vector<16xf32>
        %max3A_656 = arith.maximumf %max3A_636, %min3A_655 : vector<16xf32>
        %min3A_657 = arith.minimumf %max3A_636, %min3A_655 : vector<16xf32>
        %max3A_658 = arith.maximumf %max3A_638, %min3A_657 : vector<16xf32>
        %min3A_659 = arith.minimumf %max3A_638, %min3A_657 : vector<16xf32>
        %add3A_660 = arith.constant 31 : i32
        %add3A_661 = vector.broadcast %add3A_660 : i32 to vector<16xi32>
        %add3A_662 = arith.addi %add3A_27, %add3A_661 : vector<16xi32>
        %gather3A_663 = tpu.vector_load_idx %arg4[%add3A_662] : memref<32768xf32, #tpu.memory_space<vmem>>[vector<16xi32>], vector<16xf32>,
        %max3A_664 = arith.maximumf %max3A_644, %gather3A_663 : vector<16xf32>
        %min3A_665 = arith.minimumf %max3A_644, %gather3A_663 : vector<16xf32>
        %max3A_666 = arith.maximumf %max3A_646, %min3A_665 : vector<16xf32>
        %min3A_667 = arith.minimumf %max3A_646, %min3A_665 : vector<16xf32>
        %max3A_668 = arith.maximumf %max3A_648, %min3A_667 : vector<16xf32>
        %min3A_669 = arith.minimumf %max3A_648, %min3A_667 : vector<16xf32>
        %max3A_670 = arith.maximumf %max3A_650, %min3A_669 : vector<16xf32>
        %min3A_671 = arith.minimumf %max3A_650, %min3A_669 : vector<16xf32>
        %max3A_672 = arith.maximumf %max3A_652, %min3A_671 : vector<16xf32>
        %min3A_673 = arith.minimumf %max3A_652, %min3A_671 : vector<16xf32>
        %max3A_674 = arith.maximumf %max3A_654, %min3A_673 : vector<16xf32>
        %min3A_675 = arith.minimumf %max3A_654, %min3A_673 : vector<16xf32>
        %max3A_676 = arith.maximumf %max3A_656, %min3A_675 : vector<16xf32>
        %min3A_677 = arith.minimumf %max3A_656, %min3A_675 : vector<16xf32>
        %max3A_678 = arith.maximumf %max3A_658, %min3A_677 : vector<16xf32>
        %min3A_679 = arith.minimumf %max3A_658, %min3A_677 : vector<16xf32>
        %add3A_680 = arith.constant 32 : i32
        %add3A_681 = vector.broadcast %add3A_680 : i32 to vector<16xi32>
        %add3A_682 = arith.addi %add3A_27, %add3A_681 : vector<16xi32>
        %gather3A_683 = tpu.vector_load_idx %arg4[%add3A_682] : memref<32768xf32, #tpu.memory_space<vmem>>[vector<16xi32>], vector<16xf32>,
        %max3A_684 = arith.maximumf %max3A_664, %gather3A_683 : vector<16xf32>
        %min3A_685 = arith.minimumf %max3A_664, %gather3A_683 : vector<16xf32>
        %max3A_686 = arith.maximumf %max3A_666, %min3A_685 : vector<16xf32>
        %min3A_687 = arith.minimumf %max3A_666, %min3A_685 : vector<16xf32>
        %max3A_688 = arith.maximumf %max3A_668, %min3A_687 : vector<16xf32>
        %min3A_689 = arith.minimumf %max3A_668, %min3A_687 : vector<16xf32>
        %max3A_690 = arith.maximumf %max3A_670, %min3A_689 : vector<16xf32>
        %min3A_691 = arith.minimumf %max3A_670, %min3A_689 : vector<16xf32>
        %max3A_692 = arith.maximumf %max3A_672, %min3A_691 : vector<16xf32>
        %min3A_693 = arith.minimumf %max3A_672, %min3A_691 : vector<16xf32>
        %max3A_694 = arith.maximumf %max3A_674, %min3A_693 : vector<16xf32>
        %min3A_695 = arith.minimumf %max3A_674, %min3A_693 : vector<16xf32>
        %max3A_696 = arith.maximumf %max3A_676, %min3A_695 : vector<16xf32>
        %min3A_697 = arith.minimumf %max3A_676, %min3A_695 : vector<16xf32>
        %max3A_698 = arith.maximumf %max3A_678, %min3A_697 : vector<16xf32>
        %min3A_699 = arith.minimumf %max3A_678, %min3A_697 : vector<16xf32>
        %add3A_700 = arith.constant 33 : i32
        %add3A_701 = vector.broadcast %add3A_700 : i32 to vector<16xi32>
        %add3A_702 = arith.addi %add3A_27, %add3A_701 : vector<16xi32>
        %gather3A_703 = tpu.vector_load_idx %arg4[%add3A_702] : memref<32768xf32, #tpu.memory_space<vmem>>[vector<16xi32>], vector<16xf32>,
        %max3A_704 = arith.maximumf %max3A_684, %gather3A_703 : vector<16xf32>
        %min3A_705 = arith.minimumf %max3A_684, %gather3A_703 : vector<16xf32>
        %max3A_706 = arith.maximumf %max3A_686, %min3A_705 : vector<16xf32>
        %min3A_707 = arith.minimumf %max3A_686, %min3A_705 : vector<16xf32>
        %max3A_708 = arith.maximumf %max3A_688, %min3A_707 : vector<16xf32>
        %min3A_709 = arith.minimumf %max3A_688, %min3A_707 : vector<16xf32>
        %max3A_710 = arith.maximumf %max3A_690, %min3A_709 : vector<16xf32>
        %min3A_711 = arith.minimumf %max3A_690, %min3A_709 : vector<16xf32>
        %max3A_712 = arith.maximumf %max3A_692, %min3A_711 : vector<16xf32>
        %min3A_713 = arith.minimumf %max3A_692, %min3A_711 : vector<16xf32>
        %max3A_714 = arith.maximumf %max3A_694, %min3A_713 : vector<16xf32>
        %min3A_715 = arith.minimumf %max3A_694, %min3A_713 : vector<16xf32>
        %max3A_716 = arith.maximumf %max3A_696, %min3A_715 : vector<16xf32>
        %min3A_717 = arith.minimumf %max3A_696, %min3A_715 : vector<16xf32>
        %max3A_718 = arith.maximumf %max3A_698, %min3A_717 : vector<16xf32>
        %min3A_719 = arith.minimumf %max3A_698, %min3A_717 : vector<16xf32>
        %add3A_720 = arith.constant 34 : i32
        %add3A_721 = vector.broadcast %add3A_720 : i32 to vector<16xi32>
        %add3A_722 = arith.addi %add3A_27, %add3A_721 : vector<16xi32>
        %gather3A_723 = tpu.vector_load_idx %arg4[%add3A_722] : memref<32768xf32, #tpu.memory_space<vmem>>[vector<16xi32>], vector<16xf32>,
        %max3A_724 = arith.maximumf %max3A_704, %gather3A_723 : vector<16xf32>
        %min3A_725 = arith.minimumf %max3A_704, %gather3A_723 : vector<16xf32>
        %max3A_726 = arith.maximumf %max3A_706, %min3A_725 : vector<16xf32>
        %min3A_727 = arith.minimumf %max3A_706, %min3A_725 : vector<16xf32>
        %max3A_728 = arith.maximumf %max3A_708, %min3A_727 : vector<16xf32>
        %min3A_729 = arith.minimumf %max3A_708, %min3A_727 : vector<16xf32>
        %max3A_730 = arith.maximumf %max3A_710, %min3A_729 : vector<16xf32>
        %min3A_731 = arith.minimumf %max3A_710, %min3A_729 : vector<16xf32>
        %max3A_732 = arith.maximumf %max3A_712, %min3A_731 : vector<16xf32>
        %min3A_733 = arith.minimumf %max3A_712, %min3A_731 : vector<16xf32>
        %max3A_734 = arith.maximumf %max3A_714, %min3A_733 : vector<16xf32>
        %min3A_735 = arith.minimumf %max3A_714, %min3A_733 : vector<16xf32>
        %max3A_736 = arith.maximumf %max3A_716, %min3A_735 : vector<16xf32>
        %min3A_737 = arith.minimumf %max3A_716, %min3A_735 : vector<16xf32>
        %max3A_738 = arith.maximumf %max3A_718, %min3A_737 : vector<16xf32>
        %min3A_739 = arith.minimumf %max3A_718, %min3A_737 : vector<16xf32>
        %add3A_740 = arith.constant 35 : i32
        %add3A_741 = vector.broadcast %add3A_740 : i32 to vector<16xi32>
        %add3A_742 = arith.addi %add3A_27, %add3A_741 : vector<16xi32>
        %gather3A_743 = tpu.vector_load_idx %arg4[%add3A_742] : memref<32768xf32, #tpu.memory_space<vmem>>[vector<16xi32>], vector<16xf32>,
        %max3A_744 = arith.maximumf %max3A_724, %gather3A_743 : vector<16xf32>
        %min3A_745 = arith.minimumf %max3A_724, %gather3A_743 : vector<16xf32>
        %max3A_746 = arith.maximumf %max3A_726, %min3A_745 : vector<16xf32>
        %min3A_747 = arith.minimumf %max3A_726, %min3A_745 : vector<16xf32>
        %max3A_748 = arith.maximumf %max3A_728, %min3A_747 : vector<16xf32>
        %min3A_749 = arith.minimumf %max3A_728, %min3A_747 : vector<16xf32>
        %max3A_750 = arith.maximumf %max3A_730, %min3A_749 : vector<16xf32>
        %min3A_751 = arith.minimumf %max3A_730, %min3A_749 : vector<16xf32>
        %max3A_752 = arith.maximumf %max3A_732, %min3A_751 : vector<16xf32>
        %min3A_753 = arith.minimumf %max3A_732, %min3A_751 : vector<16xf32>
        %max3A_754 = arith.maximumf %max3A_734, %min3A_753 : vector<16xf32>
        %min3A_755 = arith.minimumf %max3A_734, %min3A_753 : vector<16xf32>
        %max3A_756 = arith.maximumf %max3A_736, %min3A_755 : vector<16xf32>
        %min3A_757 = arith.minimumf %max3A_736, %min3A_755 : vector<16xf32>
        %max3A_758 = arith.maximumf %max3A_738, %min3A_757 : vector<16xf32>
        %min3A_759 = arith.minimumf %max3A_738, %min3A_757 : vector<16xf32>
        %add3A_760 = arith.constant 36 : i32
        %add3A_761 = vector.broadcast %add3A_760 : i32 to vector<16xi32>
        %add3A_762 = arith.addi %add3A_27, %add3A_761 : vector<16xi32>
        %gather3A_763 = tpu.vector_load_idx %arg4[%add3A_762] : memref<32768xf32, #tpu.memory_space<vmem>>[vector<16xi32>], vector<16xf32>,
        %max3A_764 = arith.maximumf %max3A_744, %gather3A_763 : vector<16xf32>
        %min3A_765 = arith.minimumf %max3A_744, %gather3A_763 : vector<16xf32>
        %max3A_766 = arith.maximumf %max3A_746, %min3A_765 : vector<16xf32>
        %min3A_767 = arith.minimumf %max3A_746, %min3A_765 : vector<16xf32>
        %max3A_768 = arith.maximumf %max3A_748, %min3A_767 : vector<16xf32>
        %min3A_769 = arith.minimumf %max3A_748, %min3A_767 : vector<16xf32>
        %max3A_770 = arith.maximumf %max3A_750, %min3A_769 : vector<16xf32>
        %min3A_771 = arith.minimumf %max3A_750, %min3A_769 : vector<16xf32>
        %max3A_772 = arith.maximumf %max3A_752, %min3A_771 : vector<16xf32>
        %min3A_773 = arith.minimumf %max3A_752, %min3A_771 : vector<16xf32>
        %max3A_774 = arith.maximumf %max3A_754, %min3A_773 : vector<16xf32>
        %min3A_775 = arith.minimumf %max3A_754, %min3A_773 : vector<16xf32>
        %max3A_776 = arith.maximumf %max3A_756, %min3A_775 : vector<16xf32>
        %min3A_777 = arith.minimumf %max3A_756, %min3A_775 : vector<16xf32>
        %max3A_778 = arith.maximumf %max3A_758, %min3A_777 : vector<16xf32>
        %min3A_779 = arith.minimumf %max3A_758, %min3A_777 : vector<16xf32>
        %add3A_780 = arith.constant 37 : i32
        %add3A_781 = vector.broadcast %add3A_780 : i32 to vector<16xi32>
        %add3A_782 = arith.addi %add3A_27, %add3A_781 : vector<16xi32>
        %gather3A_783 = tpu.vector_load_idx %arg4[%add3A_782] : memref<32768xf32, #tpu.memory_space<vmem>>[vector<16xi32>], vector<16xf32>,
        %max3A_784 = arith.maximumf %max3A_764, %gather3A_783 : vector<16xf32>
        %min3A_785 = arith.minimumf %max3A_764, %gather3A_783 : vector<16xf32>
        %max3A_786 = arith.maximumf %max3A_766, %min3A_785 : vector<16xf32>
        %min3A_787 = arith.minimumf %max3A_766, %min3A_785 : vector<16xf32>
        %max3A_788 = arith.maximumf %max3A_768, %min3A_787 : vector<16xf32>
        %min3A_789 = arith.minimumf %max3A_768, %min3A_787 : vector<16xf32>
        %max3A_790 = arith.maximumf %max3A_770, %min3A_789 : vector<16xf32>
        %min3A_791 = arith.minimumf %max3A_770, %min3A_789 : vector<16xf32>
        %max3A_792 = arith.maximumf %max3A_772, %min3A_791 : vector<16xf32>
        %min3A_793 = arith.minimumf %max3A_772, %min3A_791 : vector<16xf32>
        %max3A_794 = arith.maximumf %max3A_774, %min3A_793 : vector<16xf32>
        %min3A_795 = arith.minimumf %max3A_774, %min3A_793 : vector<16xf32>
        %max3A_796 = arith.maximumf %max3A_776, %min3A_795 : vector<16xf32>
        %min3A_797 = arith.minimumf %max3A_776, %min3A_795 : vector<16xf32>
        %max3A_798 = arith.maximumf %max3A_778, %min3A_797 : vector<16xf32>
        %min3A_799 = arith.minimumf %max3A_778, %min3A_797 : vector<16xf32>
        %add3A_800 = arith.constant 38 : i32
        %add3A_801 = vector.broadcast %add3A_800 : i32 to vector<16xi32>
        %add3A_802 = arith.addi %add3A_27, %add3A_801 : vector<16xi32>
        %gather3A_803 = tpu.vector_load_idx %arg4[%add3A_802] : memref<32768xf32, #tpu.memory_space<vmem>>[vector<16xi32>], vector<16xf32>,
        %max3A_804 = arith.maximumf %max3A_784, %gather3A_803 : vector<16xf32>
        %min3A_805 = arith.minimumf %max3A_784, %gather3A_803 : vector<16xf32>
        %max3A_806 = arith.maximumf %max3A_786, %min3A_805 : vector<16xf32>
        %min3A_807 = arith.minimumf %max3A_786, %min3A_805 : vector<16xf32>
        %max3A_808 = arith.maximumf %max3A_788, %min3A_807 : vector<16xf32>
        %min3A_809 = arith.minimumf %max3A_788, %min3A_807 : vector<16xf32>
        %max3A_810 = arith.maximumf %max3A_790, %min3A_809 : vector<16xf32>
        %min3A_811 = arith.minimumf %max3A_790, %min3A_809 : vector<16xf32>
        %max3A_812 = arith.maximumf %max3A_792, %min3A_811 : vector<16xf32>
        %min3A_813 = arith.minimumf %max3A_792, %min3A_811 : vector<16xf32>
        %max3A_814 = arith.maximumf %max3A_794, %min3A_813 : vector<16xf32>
        %min3A_815 = arith.minimumf %max3A_794, %min3A_813 : vector<16xf32>
        %max3A_816 = arith.maximumf %max3A_796, %min3A_815 : vector<16xf32>
        %min3A_817 = arith.minimumf %max3A_796, %min3A_815 : vector<16xf32>
        %max3A_818 = arith.maximumf %max3A_798, %min3A_817 : vector<16xf32>
        %min3A_819 = arith.minimumf %max3A_798, %min3A_817 : vector<16xf32>
        %add3A_820 = arith.constant 39 : i32
        %add3A_821 = vector.broadcast %add3A_820 : i32 to vector<16xi32>
        %add3A_822 = arith.addi %add3A_27, %add3A_821 : vector<16xi32>
        %gather3A_823 = tpu.vector_load_idx %arg4[%add3A_822] : memref<32768xf32, #tpu.memory_space<vmem>>[vector<16xi32>], vector<16xf32>,
        %max3A_824 = arith.maximumf %max3A_804, %gather3A_823 : vector<16xf32>
        %min3A_825 = arith.minimumf %max3A_804, %gather3A_823 : vector<16xf32>
        %max3A_826 = arith.maximumf %max3A_806, %min3A_825 : vector<16xf32>
        %min3A_827 = arith.minimumf %max3A_806, %min3A_825 : vector<16xf32>
        %max3A_828 = arith.maximumf %max3A_808, %min3A_827 : vector<16xf32>
        %min3A_829 = arith.minimumf %max3A_808, %min3A_827 : vector<16xf32>
        %max3A_830 = arith.maximumf %max3A_810, %min3A_829 : vector<16xf32>
        %min3A_831 = arith.minimumf %max3A_810, %min3A_829 : vector<16xf32>
        %max3A_832 = arith.maximumf %max3A_812, %min3A_831 : vector<16xf32>
        %min3A_833 = arith.minimumf %max3A_812, %min3A_831 : vector<16xf32>
        %max3A_834 = arith.maximumf %max3A_814, %min3A_833 : vector<16xf32>
        %min3A_835 = arith.minimumf %max3A_814, %min3A_833 : vector<16xf32>
        %max3A_836 = arith.maximumf %max3A_816, %min3A_835 : vector<16xf32>
        %min3A_837 = arith.minimumf %max3A_816, %min3A_835 : vector<16xf32>
        %max3A_838 = arith.maximumf %max3A_818, %min3A_837 : vector<16xf32>
        %min3A_839 = arith.minimumf %max3A_818, %min3A_837 : vector<16xf32>
        %add3A_840 = arith.constant 40 : i32
        %add3A_841 = vector.broadcast %add3A_840 : i32 to vector<16xi32>
        %add3A_842 = arith.addi %add3A_27, %add3A_841 : vector<16xi32>
        %gather3A_843 = tpu.vector_load_idx %arg4[%add3A_842] : memref<32768xf32, #tpu.memory_space<vmem>>[vector<16xi32>], vector<16xf32>,
        %max3A_844 = arith.maximumf %max3A_824, %gather3A_843 : vector<16xf32>
        %min3A_845 = arith.minimumf %max3A_824, %gather3A_843 : vector<16xf32>
        %max3A_846 = arith.maximumf %max3A_826, %min3A_845 : vector<16xf32>
        %min3A_847 = arith.minimumf %max3A_826, %min3A_845 : vector<16xf32>
        %max3A_848 = arith.maximumf %max3A_828, %min3A_847 : vector<16xf32>
        %min3A_849 = arith.minimumf %max3A_828, %min3A_847 : vector<16xf32>
        %max3A_850 = arith.maximumf %max3A_830, %min3A_849 : vector<16xf32>
        %min3A_851 = arith.minimumf %max3A_830, %min3A_849 : vector<16xf32>
        %max3A_852 = arith.maximumf %max3A_832, %min3A_851 : vector<16xf32>
        %min3A_853 = arith.minimumf %max3A_832, %min3A_851 : vector<16xf32>
        %max3A_854 = arith.maximumf %max3A_834, %min3A_853 : vector<16xf32>
        %min3A_855 = arith.minimumf %max3A_834, %min3A_853 : vector<16xf32>
        %max3A_856 = arith.maximumf %max3A_836, %min3A_855 : vector<16xf32>
        %min3A_857 = arith.minimumf %max3A_836, %min3A_855 : vector<16xf32>
        %max3A_858 = arith.maximumf %max3A_838, %min3A_857 : vector<16xf32>
        %min3A_859 = arith.minimumf %max3A_838, %min3A_857 : vector<16xf32>
        %add3A_860 = arith.constant 41 : i32
        %add3A_861 = vector.broadcast %add3A_860 : i32 to vector<16xi32>
        %add3A_862 = arith.addi %add3A_27, %add3A_861 : vector<16xi32>
        %gather3A_863 = tpu.vector_load_idx %arg4[%add3A_862] : memref<32768xf32, #tpu.memory_space<vmem>>[vector<16xi32>], vector<16xf32>,
        %max3A_864 = arith.maximumf %max3A_844, %gather3A_863 : vector<16xf32>
        %min3A_865 = arith.minimumf %max3A_844, %gather3A_863 : vector<16xf32>
        %max3A_866 = arith.maximumf %max3A_846, %min3A_865 : vector<16xf32>
        %min3A_867 = arith.minimumf %max3A_846, %min3A_865 : vector<16xf32>
        %max3A_868 = arith.maximumf %max3A_848, %min3A_867 : vector<16xf32>
        %min3A_869 = arith.minimumf %max3A_848, %min3A_867 : vector<16xf32>
        %max3A_870 = arith.maximumf %max3A_850, %min3A_869 : vector<16xf32>
        %min3A_871 = arith.minimumf %max3A_850, %min3A_869 : vector<16xf32>
        %max3A_872 = arith.maximumf %max3A_852, %min3A_871 : vector<16xf32>
        %min3A_873 = arith.minimumf %max3A_852, %min3A_871 : vector<16xf32>
        %max3A_874 = arith.maximumf %max3A_854, %min3A_873 : vector<16xf32>
        %min3A_875 = arith.minimumf %max3A_854, %min3A_873 : vector<16xf32>
        %max3A_876 = arith.maximumf %max3A_856, %min3A_875 : vector<16xf32>
        %min3A_877 = arith.minimumf %max3A_856, %min3A_875 : vector<16xf32>
        %max3A_878 = arith.maximumf %max3A_858, %min3A_877 : vector<16xf32>
        %min3A_879 = arith.minimumf %max3A_858, %min3A_877 : vector<16xf32>
        %add3A_880 = arith.constant 42 : i32
        %add3A_881 = vector.broadcast %add3A_880 : i32 to vector<16xi32>
        %add3A_882 = arith.addi %add3A_27, %add3A_881 : vector<16xi32>
        %gather3A_883 = tpu.vector_load_idx %arg4[%add3A_882] : memref<32768xf32, #tpu.memory_space<vmem>>[vector<16xi32>], vector<16xf32>,
        %max3A_884 = arith.maximumf %max3A_864, %gather3A_883 : vector<16xf32>
        %min3A_885 = arith.minimumf %max3A_864, %gather3A_883 : vector<16xf32>
        %max3A_886 = arith.maximumf %max3A_866, %min3A_885 : vector<16xf32>
        %min3A_887 = arith.minimumf %max3A_866, %min3A_885 : vector<16xf32>
        %max3A_888 = arith.maximumf %max3A_868, %min3A_887 : vector<16xf32>
        %min3A_889 = arith.minimumf %max3A_868, %min3A_887 : vector<16xf32>
        %max3A_890 = arith.maximumf %max3A_870, %min3A_889 : vector<16xf32>
        %min3A_891 = arith.minimumf %max3A_870, %min3A_889 : vector<16xf32>
        %max3A_892 = arith.maximumf %max3A_872, %min3A_891 : vector<16xf32>
        %min3A_893 = arith.minimumf %max3A_872, %min3A_891 : vector<16xf32>
        %max3A_894 = arith.maximumf %max3A_874, %min3A_893 : vector<16xf32>
        %min3A_895 = arith.minimumf %max3A_874, %min3A_893 : vector<16xf32>
        %max3A_896 = arith.maximumf %max3A_876, %min3A_895 : vector<16xf32>
        %min3A_897 = arith.minimumf %max3A_876, %min3A_895 : vector<16xf32>
        %max3A_898 = arith.maximumf %max3A_878, %min3A_897 : vector<16xf32>
        %min3A_899 = arith.minimumf %max3A_878, %min3A_897 : vector<16xf32>
        %add3A_900 = arith.constant 43 : i32
        %add3A_901 = vector.broadcast %add3A_900 : i32 to vector<16xi32>
        %add3A_902 = arith.addi %add3A_27, %add3A_901 : vector<16xi32>
        %gather3A_903 = tpu.vector_load_idx %arg4[%add3A_902] : memref<32768xf32, #tpu.memory_space<vmem>>[vector<16xi32>], vector<16xf32>,
        %max3A_904 = arith.maximumf %max3A_884, %gather3A_903 : vector<16xf32>
        %min3A_905 = arith.minimumf %max3A_884, %gather3A_903 : vector<16xf32>
        %max3A_906 = arith.maximumf %max3A_886, %min3A_905 : vector<16xf32>
        %min3A_907 = arith.minimumf %max3A_886, %min3A_905 : vector<16xf32>
        %max3A_908 = arith.maximumf %max3A_888, %min3A_907 : vector<16xf32>
        %min3A_909 = arith.minimumf %max3A_888, %min3A_907 : vector<16xf32>
        %max3A_910 = arith.maximumf %max3A_890, %min3A_909 : vector<16xf32>
        %min3A_911 = arith.minimumf %max3A_890, %min3A_909 : vector<16xf32>
        %max3A_912 = arith.maximumf %max3A_892, %min3A_911 : vector<16xf32>
        %min3A_913 = arith.minimumf %max3A_892, %min3A_911 : vector<16xf32>
        %max3A_914 = arith.maximumf %max3A_894, %min3A_913 : vector<16xf32>
        %min3A_915 = arith.minimumf %max3A_894, %min3A_913 : vector<16xf32>
        %max3A_916 = arith.maximumf %max3A_896, %min3A_915 : vector<16xf32>
        %min3A_917 = arith.minimumf %max3A_896, %min3A_915 : vector<16xf32>
        %max3A_918 = arith.maximumf %max3A_898, %min3A_917 : vector<16xf32>
        %min3A_919 = arith.minimumf %max3A_898, %min3A_917 : vector<16xf32>
        %add3A_920 = arith.constant 44 : i32
        %add3A_921 = vector.broadcast %add3A_920 : i32 to vector<16xi32>
        %add3A_922 = arith.addi %add3A_27, %add3A_921 : vector<16xi32>
        %gather3A_923 = tpu.vector_load_idx %arg4[%add3A_922] : memref<32768xf32, #tpu.memory_space<vmem>>[vector<16xi32>], vector<16xf32>,
        %max3A_924 = arith.maximumf %max3A_904, %gather3A_923 : vector<16xf32>
        %min3A_925 = arith.minimumf %max3A_904, %gather3A_923 : vector<16xf32>
        %max3A_926 = arith.maximumf %max3A_906, %min3A_925 : vector<16xf32>
        %min3A_927 = arith.minimumf %max3A_906, %min3A_925 : vector<16xf32>
        %max3A_928 = arith.maximumf %max3A_908, %min3A_927 : vector<16xf32>
        %min3A_929 = arith.minimumf %max3A_908, %min3A_927 : vector<16xf32>
        %max3A_930 = arith.maximumf %max3A_910, %min3A_929 : vector<16xf32>
        %min3A_931 = arith.minimumf %max3A_910, %min3A_929 : vector<16xf32>
        %max3A_932 = arith.maximumf %max3A_912, %min3A_931 : vector<16xf32>
        %min3A_933 = arith.minimumf %max3A_912, %min3A_931 : vector<16xf32>
        %max3A_934 = arith.maximumf %max3A_914, %min3A_933 : vector<16xf32>
        %min3A_935 = arith.minimumf %max3A_914, %min3A_933 : vector<16xf32>
        %max3A_936 = arith.maximumf %max3A_916, %min3A_935 : vector<16xf32>
        %min3A_937 = arith.minimumf %max3A_916, %min3A_935 : vector<16xf32>
        %max3A_938 = arith.maximumf %max3A_918, %min3A_937 : vector<16xf32>
        %min3A_939 = arith.minimumf %max3A_918, %min3A_937 : vector<16xf32>
        %add3A_940 = arith.constant 45 : i32
        %add3A_941 = vector.broadcast %add3A_940 : i32 to vector<16xi32>
        %add3A_942 = arith.addi %add3A_27, %add3A_941 : vector<16xi32>
        %gather3A_943 = tpu.vector_load_idx %arg4[%add3A_942] : memref<32768xf32, #tpu.memory_space<vmem>>[vector<16xi32>], vector<16xf32>,
        %max3A_944 = arith.maximumf %max3A_924, %gather3A_943 : vector<16xf32>
        %min3A_945 = arith.minimumf %max3A_924, %gather3A_943 : vector<16xf32>
        %max3A_946 = arith.maximumf %max3A_926, %min3A_945 : vector<16xf32>
        %min3A_947 = arith.minimumf %max3A_926, %min3A_945 : vector<16xf32>
        %max3A_948 = arith.maximumf %max3A_928, %min3A_947 : vector<16xf32>
        %min3A_949 = arith.minimumf %max3A_928, %min3A_947 : vector<16xf32>
        %max3A_950 = arith.maximumf %max3A_930, %min3A_949 : vector<16xf32>
        %min3A_951 = arith.minimumf %max3A_930, %min3A_949 : vector<16xf32>
        %max3A_952 = arith.maximumf %max3A_932, %min3A_951 : vector<16xf32>
        %min3A_953 = arith.minimumf %max3A_932, %min3A_951 : vector<16xf32>
        %max3A_954 = arith.maximumf %max3A_934, %min3A_953 : vector<16xf32>
        %min3A_955 = arith.minimumf %max3A_934, %min3A_953 : vector<16xf32>
        %max3A_956 = arith.maximumf %max3A_936, %min3A_955 : vector<16xf32>
        %min3A_957 = arith.minimumf %max3A_936, %min3A_955 : vector<16xf32>
        %max3A_958 = arith.maximumf %max3A_938, %min3A_957 : vector<16xf32>
        %min3A_959 = arith.minimumf %max3A_938, %min3A_957 : vector<16xf32>
        %add3A_960 = arith.constant 46 : i32
        %add3A_961 = vector.broadcast %add3A_960 : i32 to vector<16xi32>
        %add3A_962 = arith.addi %add3A_27, %add3A_961 : vector<16xi32>
        %gather3A_963 = tpu.vector_load_idx %arg4[%add3A_962] : memref<32768xf32, #tpu.memory_space<vmem>>[vector<16xi32>], vector<16xf32>,
        %max3A_964 = arith.maximumf %max3A_944, %gather3A_963 : vector<16xf32>
        %min3A_965 = arith.minimumf %max3A_944, %gather3A_963 : vector<16xf32>
        %max3A_966 = arith.maximumf %max3A_946, %min3A_965 : vector<16xf32>
        %min3A_967 = arith.minimumf %max3A_946, %min3A_965 : vector<16xf32>
        %max3A_968 = arith.maximumf %max3A_948, %min3A_967 : vector<16xf32>
        %min3A_969 = arith.minimumf %max3A_948, %min3A_967 : vector<16xf32>
        %max3A_970 = arith.maximumf %max3A_950, %min3A_969 : vector<16xf32>
        %min3A_971 = arith.minimumf %max3A_950, %min3A_969 : vector<16xf32>
        %max3A_972 = arith.maximumf %max3A_952, %min3A_971 : vector<16xf32>
        %min3A_973 = arith.minimumf %max3A_952, %min3A_971 : vector<16xf32>
        %max3A_974 = arith.maximumf %max3A_954, %min3A_973 : vector<16xf32>
        %min3A_975 = arith.minimumf %max3A_954, %min3A_973 : vector<16xf32>
        %max3A_976 = arith.maximumf %max3A_956, %min3A_975 : vector<16xf32>
        %min3A_977 = arith.minimumf %max3A_956, %min3A_975 : vector<16xf32>
        %max3A_978 = arith.maximumf %max3A_958, %min3A_977 : vector<16xf32>
        %min3A_979 = arith.minimumf %max3A_958, %min3A_977 : vector<16xf32>
        %add3A_980 = arith.constant 47 : i32
        %add3A_981 = vector.broadcast %add3A_980 : i32 to vector<16xi32>
        %add3A_982 = arith.addi %add3A_27, %add3A_981 : vector<16xi32>
        %gather3A_983 = tpu.vector_load_idx %arg4[%add3A_982] : memref<32768xf32, #tpu.memory_space<vmem>>[vector<16xi32>], vector<16xf32>,
        %max3A_984 = arith.maximumf %max3A_964, %gather3A_983 : vector<16xf32>
        %min3A_985 = arith.minimumf %max3A_964, %gather3A_983 : vector<16xf32>
        %max3A_986 = arith.maximumf %max3A_966, %min3A_985 : vector<16xf32>
        %min3A_987 = arith.minimumf %max3A_966, %min3A_985 : vector<16xf32>
        %max3A_988 = arith.maximumf %max3A_968, %min3A_987 : vector<16xf32>
        %min3A_989 = arith.minimumf %max3A_968, %min3A_987 : vector<16xf32>
        %max3A_990 = arith.maximumf %max3A_970, %min3A_989 : vector<16xf32>
        %min3A_991 = arith.minimumf %max3A_970, %min3A_989 : vector<16xf32>
        %max3A_992 = arith.maximumf %max3A_972, %min3A_991 : vector<16xf32>
        %min3A_993 = arith.minimumf %max3A_972, %min3A_991 : vector<16xf32>
        %max3A_994 = arith.maximumf %max3A_974, %min3A_993 : vector<16xf32>
        %min3A_995 = arith.minimumf %max3A_974, %min3A_993 : vector<16xf32>
        %max3A_996 = arith.maximumf %max3A_976, %min3A_995 : vector<16xf32>
        %min3A_997 = arith.minimumf %max3A_976, %min3A_995 : vector<16xf32>
        %max3A_998 = arith.maximumf %max3A_978, %min3A_997 : vector<16xf32>
        %min3A_999 = arith.minimumf %max3A_978, %min3A_997 : vector<16xf32>
        %add3A_1000 = arith.constant 48 : i32
        %add3A_1001 = vector.broadcast %add3A_1000 : i32 to vector<16xi32>
        %add3A_1002 = arith.addi %add3A_27, %add3A_1001 : vector<16xi32>
        %gather3A_1003 = tpu.vector_load_idx %arg4[%add3A_1002] : memref<32768xf32, #tpu.memory_space<vmem>>[vector<16xi32>], vector<16xf32>,
        %max3A_1004 = arith.maximumf %max3A_984, %gather3A_1003 : vector<16xf32>
        %min3A_1005 = arith.minimumf %max3A_984, %gather3A_1003 : vector<16xf32>
        %max3A_1006 = arith.maximumf %max3A_986, %min3A_1005 : vector<16xf32>
        %min3A_1007 = arith.minimumf %max3A_986, %min3A_1005 : vector<16xf32>
        %max3A_1008 = arith.maximumf %max3A_988, %min3A_1007 : vector<16xf32>
        %min3A_1009 = arith.minimumf %max3A_988, %min3A_1007 : vector<16xf32>
        %max3A_1010 = arith.maximumf %max3A_990, %min3A_1009 : vector<16xf32>
        %min3A_1011 = arith.minimumf %max3A_990, %min3A_1009 : vector<16xf32>
        %max3A_1012 = arith.maximumf %max3A_992, %min3A_1011 : vector<16xf32>
        %min3A_1013 = arith.minimumf %max3A_992, %min3A_1011 : vector<16xf32>
        %max3A_1014 = arith.maximumf %max3A_994, %min3A_1013 : vector<16xf32>
        %min3A_1015 = arith.minimumf %max3A_994, %min3A_1013 : vector<16xf32>
        %max3A_1016 = arith.maximumf %max3A_996, %min3A_1015 : vector<16xf32>
        %min3A_1017 = arith.minimumf %max3A_996, %min3A_1015 : vector<16xf32>
        %max3A_1018 = arith.maximumf %max3A_998, %min3A_1017 : vector<16xf32>
        %min3A_1019 = arith.minimumf %max3A_998, %min3A_1017 : vector<16xf32>
        %add3A_1020 = arith.constant 49 : i32
        %add3A_1021 = vector.broadcast %add3A_1020 : i32 to vector<16xi32>
        %add3A_1022 = arith.addi %add3A_27, %add3A_1021 : vector<16xi32>
        %gather3A_1023 = tpu.vector_load_idx %arg4[%add3A_1022] : memref<32768xf32, #tpu.memory_space<vmem>>[vector<16xi32>], vector<16xf32>,
        %max3A_1024 = arith.maximumf %max3A_1004, %gather3A_1023 : vector<16xf32>
        %min3A_1025 = arith.minimumf %max3A_1004, %gather3A_1023 : vector<16xf32>
        %max3A_1026 = arith.maximumf %max3A_1006, %min3A_1025 : vector<16xf32>
        %min3A_1027 = arith.minimumf %max3A_1006, %min3A_1025 : vector<16xf32>
        %max3A_1028 = arith.maximumf %max3A_1008, %min3A_1027 : vector<16xf32>
        %min3A_1029 = arith.minimumf %max3A_1008, %min3A_1027 : vector<16xf32>
        %max3A_1030 = arith.maximumf %max3A_1010, %min3A_1029 : vector<16xf32>
        %min3A_1031 = arith.minimumf %max3A_1010, %min3A_1029 : vector<16xf32>
        %max3A_1032 = arith.maximumf %max3A_1012, %min3A_1031 : vector<16xf32>
        %min3A_1033 = arith.minimumf %max3A_1012, %min3A_1031 : vector<16xf32>
        %max3A_1034 = arith.maximumf %max3A_1014, %min3A_1033 : vector<16xf32>
        %min3A_1035 = arith.minimumf %max3A_1014, %min3A_1033 : vector<16xf32>
        %max3A_1036 = arith.maximumf %max3A_1016, %min3A_1035 : vector<16xf32>
        %min3A_1037 = arith.minimumf %max3A_1016, %min3A_1035 : vector<16xf32>
        %max3A_1038 = arith.maximumf %max3A_1018, %min3A_1037 : vector<16xf32>
        %min3A_1039 = arith.minimumf %max3A_1018, %min3A_1037 : vector<16xf32>
        %add3A_1040 = arith.constant 50 : i32
        %add3A_1041 = vector.broadcast %add3A_1040 : i32 to vector<16xi32>
        %add3A_1042 = arith.addi %add3A_27, %add3A_1041 : vector<16xi32>
        %gather3A_1043 = tpu.vector_load_idx %arg4[%add3A_1042] : memref<32768xf32, #tpu.memory_space<vmem>>[vector<16xi32>], vector<16xf32>,
        %max3A_1044 = arith.maximumf %max3A_1024, %gather3A_1043 : vector<16xf32>
        %min3A_1045 = arith.minimumf %max3A_1024, %gather3A_1043 : vector<16xf32>
        %max3A_1046 = arith.maximumf %max3A_1026, %min3A_1045 : vector<16xf32>
        %min3A_1047 = arith.minimumf %max3A_1026, %min3A_1045 : vector<16xf32>
        %max3A_1048 = arith.maximumf %max3A_1028, %min3A_1047 : vector<16xf32>
        %min3A_1049 = arith.minimumf %max3A_1028, %min3A_1047 : vector<16xf32>
        %max3A_1050 = arith.maximumf %max3A_1030, %min3A_1049 : vector<16xf32>
        %min3A_1051 = arith.minimumf %max3A_1030, %min3A_1049 : vector<16xf32>
        %max3A_1052 = arith.maximumf %max3A_1032, %min3A_1051 : vector<16xf32>
        %min3A_1053 = arith.minimumf %max3A_1032, %min3A_1051 : vector<16xf32>
        %max3A_1054 = arith.maximumf %max3A_1034, %min3A_1053 : vector<16xf32>
        %min3A_1055 = arith.minimumf %max3A_1034, %min3A_1053 : vector<16xf32>
        %max3A_1056 = arith.maximumf %max3A_1036, %min3A_1055 : vector<16xf32>
        %min3A_1057 = arith.minimumf %max3A_1036, %min3A_1055 : vector<16xf32>
        %max3A_1058 = arith.maximumf %max3A_1038, %min3A_1057 : vector<16xf32>
        %min3A_1059 = arith.minimumf %max3A_1038, %min3A_1057 : vector<16xf32>
        %add3A_1060 = arith.constant 51 : i32
        %add3A_1061 = vector.broadcast %add3A_1060 : i32 to vector<16xi32>
        %add3A_1062 = arith.addi %add3A_27, %add3A_1061 : vector<16xi32>
        %gather3A_1063 = tpu.vector_load_idx %arg4[%add3A_1062] : memref<32768xf32, #tpu.memory_space<vmem>>[vector<16xi32>], vector<16xf32>,
        %max3A_1064 = arith.maximumf %max3A_1044, %gather3A_1063 : vector<16xf32>
        %min3A_1065 = arith.minimumf %max3A_1044, %gather3A_1063 : vector<16xf32>
        %max3A_1066 = arith.maximumf %max3A_1046, %min3A_1065 : vector<16xf32>
        %min3A_1067 = arith.minimumf %max3A_1046, %min3A_1065 : vector<16xf32>
        %max3A_1068 = arith.maximumf %max3A_1048, %min3A_1067 : vector<16xf32>
        %min3A_1069 = arith.minimumf %max3A_1048, %min3A_1067 : vector<16xf32>
        %max3A_1070 = arith.maximumf %max3A_1050, %min3A_1069 : vector<16xf32>
        %min3A_1071 = arith.minimumf %max3A_1050, %min3A_1069 : vector<16xf32>
        %max3A_1072 = arith.maximumf %max3A_1052, %min3A_1071 : vector<16xf32>
        %min3A_1073 = arith.minimumf %max3A_1052, %min3A_1071 : vector<16xf32>
        %max3A_1074 = arith.maximumf %max3A_1054, %min3A_1073 : vector<16xf32>
        %min3A_1075 = arith.minimumf %max3A_1054, %min3A_1073 : vector<16xf32>
        %max3A_1076 = arith.maximumf %max3A_1056, %min3A_1075 : vector<16xf32>
        %min3A_1077 = arith.minimumf %max3A_1056, %min3A_1075 : vector<16xf32>
        %max3A_1078 = arith.maximumf %max3A_1058, %min3A_1077 : vector<16xf32>
        %min3A_1079 = arith.minimumf %max3A_1058, %min3A_1077 : vector<16xf32>
        %add3A_1080 = arith.constant 52 : i32
        %add3A_1081 = vector.broadcast %add3A_1080 : i32 to vector<16xi32>
        %add3A_1082 = arith.addi %add3A_27, %add3A_1081 : vector<16xi32>
        %gather3A_1083 = tpu.vector_load_idx %arg4[%add3A_1082] : memref<32768xf32, #tpu.memory_space<vmem>>[vector<16xi32>], vector<16xf32>,
        %max3A_1084 = arith.maximumf %max3A_1064, %gather3A_1083 : vector<16xf32>
        %min3A_1085 = arith.minimumf %max3A_1064, %gather3A_1083 : vector<16xf32>
        %max3A_1086 = arith.maximumf %max3A_1066, %min3A_1085 : vector<16xf32>
        %min3A_1087 = arith.minimumf %max3A_1066, %min3A_1085 : vector<16xf32>
        %max3A_1088 = arith.maximumf %max3A_1068, %min3A_1087 : vector<16xf32>
        %min3A_1089 = arith.minimumf %max3A_1068, %min3A_1087 : vector<16xf32>
        %max3A_1090 = arith.maximumf %max3A_1070, %min3A_1089 : vector<16xf32>
        %min3A_1091 = arith.minimumf %max3A_1070, %min3A_1089 : vector<16xf32>
        %max3A_1092 = arith.maximumf %max3A_1072, %min3A_1091 : vector<16xf32>
        %min3A_1093 = arith.minimumf %max3A_1072, %min3A_1091 : vector<16xf32>
        %max3A_1094 = arith.maximumf %max3A_1074, %min3A_1093 : vector<16xf32>
        %min3A_1095 = arith.minimumf %max3A_1074, %min3A_1093 : vector<16xf32>
        %max3A_1096 = arith.maximumf %max3A_1076, %min3A_1095 : vector<16xf32>
        %min3A_1097 = arith.minimumf %max3A_1076, %min3A_1095 : vector<16xf32>
        %max3A_1098 = arith.maximumf %max3A_1078, %min3A_1097 : vector<16xf32>
        %min3A_1099 = arith.minimumf %max3A_1078, %min3A_1097 : vector<16xf32>
        %add3A_1100 = arith.constant 53 : i32
        %add3A_1101 = vector.broadcast %add3A_1100 : i32 to vector<16xi32>
        %add3A_1102 = arith.addi %add3A_27, %add3A_1101 : vector<16xi32>
        %gather3A_1103 = tpu.vector_load_idx %arg4[%add3A_1102] : memref<32768xf32, #tpu.memory_space<vmem>>[vector<16xi32>], vector<16xf32>,
        %max3A_1104 = arith.maximumf %max3A_1084, %gather3A_1103 : vector<16xf32>
        %min3A_1105 = arith.minimumf %max3A_1084, %gather3A_1103 : vector<16xf32>
        %max3A_1106 = arith.maximumf %max3A_1086, %min3A_1105 : vector<16xf32>
        %min3A_1107 = arith.minimumf %max3A_1086, %min3A_1105 : vector<16xf32>
        %max3A_1108 = arith.maximumf %max3A_1088, %min3A_1107 : vector<16xf32>
        %min3A_1109 = arith.minimumf %max3A_1088, %min3A_1107 : vector<16xf32>
        %max3A_1110 = arith.maximumf %max3A_1090, %min3A_1109 : vector<16xf32>
        %min3A_1111 = arith.minimumf %max3A_1090, %min3A_1109 : vector<16xf32>
        %max3A_1112 = arith.maximumf %max3A_1092, %min3A_1111 : vector<16xf32>
        %min3A_1113 = arith.minimumf %max3A_1092, %min3A_1111 : vector<16xf32>
        %max3A_1114 = arith.maximumf %max3A_1094, %min3A_1113 : vector<16xf32>
        %min3A_1115 = arith.minimumf %max3A_1094, %min3A_1113 : vector<16xf32>
        %max3A_1116 = arith.maximumf %max3A_1096, %min3A_1115 : vector<16xf32>
        %min3A_1117 = arith.minimumf %max3A_1096, %min3A_1115 : vector<16xf32>
        %max3A_1118 = arith.maximumf %max3A_1098, %min3A_1117 : vector<16xf32>
        %min3A_1119 = arith.minimumf %max3A_1098, %min3A_1117 : vector<16xf32>
        %add3A_1120 = arith.constant 54 : i32
        %add3A_1121 = vector.broadcast %add3A_1120 : i32 to vector<16xi32>
        %add3A_1122 = arith.addi %add3A_27, %add3A_1121 : vector<16xi32>
        %gather3A_1123 = tpu.vector_load_idx %arg4[%add3A_1122] : memref<32768xf32, #tpu.memory_space<vmem>>[vector<16xi32>], vector<16xf32>,
        %max3A_1124 = arith.maximumf %max3A_1104, %gather3A_1123 : vector<16xf32>
        %min3A_1125 = arith.minimumf %max3A_1104, %gather3A_1123 : vector<16xf32>
        %max3A_1126 = arith.maximumf %max3A_1106, %min3A_1125 : vector<16xf32>
        %min3A_1127 = arith.minimumf %max3A_1106, %min3A_1125 : vector<16xf32>
        %max3A_1128 = arith.maximumf %max3A_1108, %min3A_1127 : vector<16xf32>
        %min3A_1129 = arith.minimumf %max3A_1108, %min3A_1127 : vector<16xf32>
        %max3A_1130 = arith.maximumf %max3A_1110, %min3A_1129 : vector<16xf32>
        %min3A_1131 = arith.minimumf %max3A_1110, %min3A_1129 : vector<16xf32>
        %max3A_1132 = arith.maximumf %max3A_1112, %min3A_1131 : vector<16xf32>
        %min3A_1133 = arith.minimumf %max3A_1112, %min3A_1131 : vector<16xf32>
        %max3A_1134 = arith.maximumf %max3A_1114, %min3A_1133 : vector<16xf32>
        %min3A_1135 = arith.minimumf %max3A_1114, %min3A_1133 : vector<16xf32>
        %max3A_1136 = arith.maximumf %max3A_1116, %min3A_1135 : vector<16xf32>
        %min3A_1137 = arith.minimumf %max3A_1116, %min3A_1135 : vector<16xf32>
        %max3A_1138 = arith.maximumf %max3A_1118, %min3A_1137 : vector<16xf32>
        %min3A_1139 = arith.minimumf %max3A_1118, %min3A_1137 : vector<16xf32>
        %add3A_1140 = arith.constant 55 : i32
        %add3A_1141 = vector.broadcast %add3A_1140 : i32 to vector<16xi32>
        %add3A_1142 = arith.addi %add3A_27, %add3A_1141 : vector<16xi32>
        %gather3A_1143 = tpu.vector_load_idx %arg4[%add3A_1142] : memref<32768xf32, #tpu.memory_space<vmem>>[vector<16xi32>], vector<16xf32>,
        %max3A_1144 = arith.maximumf %max3A_1124, %gather3A_1143 : vector<16xf32>
        %min3A_1145 = arith.minimumf %max3A_1124, %gather3A_1143 : vector<16xf32>
        %max3A_1146 = arith.maximumf %max3A_1126, %min3A_1145 : vector<16xf32>
        %min3A_1147 = arith.minimumf %max3A_1126, %min3A_1145 : vector<16xf32>
        %max3A_1148 = arith.maximumf %max3A_1128, %min3A_1147 : vector<16xf32>
        %min3A_1149 = arith.minimumf %max3A_1128, %min3A_1147 : vector<16xf32>
        %max3A_1150 = arith.maximumf %max3A_1130, %min3A_1149 : vector<16xf32>
        %min3A_1151 = arith.minimumf %max3A_1130, %min3A_1149 : vector<16xf32>
        %max3A_1152 = arith.maximumf %max3A_1132, %min3A_1151 : vector<16xf32>
        %min3A_1153 = arith.minimumf %max3A_1132, %min3A_1151 : vector<16xf32>
        %max3A_1154 = arith.maximumf %max3A_1134, %min3A_1153 : vector<16xf32>
        %min3A_1155 = arith.minimumf %max3A_1134, %min3A_1153 : vector<16xf32>
        %max3A_1156 = arith.maximumf %max3A_1136, %min3A_1155 : vector<16xf32>
        %min3A_1157 = arith.minimumf %max3A_1136, %min3A_1155 : vector<16xf32>
        %max3A_1158 = arith.maximumf %max3A_1138, %min3A_1157 : vector<16xf32>
        %min3A_1159 = arith.minimumf %max3A_1138, %min3A_1157 : vector<16xf32>
        %add3A_1160 = arith.constant 56 : i32
        %add3A_1161 = vector.broadcast %add3A_1160 : i32 to vector<16xi32>
        %add3A_1162 = arith.addi %add3A_27, %add3A_1161 : vector<16xi32>
        %gather3A_1163 = tpu.vector_load_idx %arg4[%add3A_1162] : memref<32768xf32, #tpu.memory_space<vmem>>[vector<16xi32>], vector<16xf32>,
        %max3A_1164 = arith.maximumf %max3A_1144, %gather3A_1163 : vector<16xf32>
        %min3A_1165 = arith.minimumf %max3A_1144, %gather3A_1163 : vector<16xf32>
        %max3A_1166 = arith.maximumf %max3A_1146, %min3A_1165 : vector<16xf32>
        %min3A_1167 = arith.minimumf %max3A_1146, %min3A_1165 : vector<16xf32>
        %max3A_1168 = arith.maximumf %max3A_1148, %min3A_1167 : vector<16xf32>
        %min3A_1169 = arith.minimumf %max3A_1148, %min3A_1167 : vector<16xf32>
        %max3A_1170 = arith.maximumf %max3A_1150, %min3A_1169 : vector<16xf32>
        %min3A_1171 = arith.minimumf %max3A_1150, %min3A_1169 : vector<16xf32>
        %max3A_1172 = arith.maximumf %max3A_1152, %min3A_1171 : vector<16xf32>
        %min3A_1173 = arith.minimumf %max3A_1152, %min3A_1171 : vector<16xf32>
        %max3A_1174 = arith.maximumf %max3A_1154, %min3A_1173 : vector<16xf32>
        %min3A_1175 = arith.minimumf %max3A_1154, %min3A_1173 : vector<16xf32>
        %max3A_1176 = arith.maximumf %max3A_1156, %min3A_1175 : vector<16xf32>
        %min3A_1177 = arith.minimumf %max3A_1156, %min3A_1175 : vector<16xf32>
        %max3A_1178 = arith.maximumf %max3A_1158, %min3A_1177 : vector<16xf32>
        %min3A_1179 = arith.minimumf %max3A_1158, %min3A_1177 : vector<16xf32>
        %add3A_1180 = arith.constant 57 : i32
        %add3A_1181 = vector.broadcast %add3A_1180 : i32 to vector<16xi32>
        %add3A_1182 = arith.addi %add3A_27, %add3A_1181 : vector<16xi32>
        %gather3A_1183 = tpu.vector_load_idx %arg4[%add3A_1182] : memref<32768xf32, #tpu.memory_space<vmem>>[vector<16xi32>], vector<16xf32>,
        %max3A_1184 = arith.maximumf %max3A_1164, %gather3A_1183 : vector<16xf32>
        %min3A_1185 = arith.minimumf %max3A_1164, %gather3A_1183 : vector<16xf32>
        %max3A_1186 = arith.maximumf %max3A_1166, %min3A_1185 : vector<16xf32>
        %min3A_1187 = arith.minimumf %max3A_1166, %min3A_1185 : vector<16xf32>
        %max3A_1188 = arith.maximumf %max3A_1168, %min3A_1187 : vector<16xf32>
        %min3A_1189 = arith.minimumf %max3A_1168, %min3A_1187 : vector<16xf32>
        %max3A_1190 = arith.maximumf %max3A_1170, %min3A_1189 : vector<16xf32>
        %min3A_1191 = arith.minimumf %max3A_1170, %min3A_1189 : vector<16xf32>
        %max3A_1192 = arith.maximumf %max3A_1172, %min3A_1191 : vector<16xf32>
        %min3A_1193 = arith.minimumf %max3A_1172, %min3A_1191 : vector<16xf32>
        %max3A_1194 = arith.maximumf %max3A_1174, %min3A_1193 : vector<16xf32>
        %min3A_1195 = arith.minimumf %max3A_1174, %min3A_1193 : vector<16xf32>
        %max3A_1196 = arith.maximumf %max3A_1176, %min3A_1195 : vector<16xf32>
        %min3A_1197 = arith.minimumf %max3A_1176, %min3A_1195 : vector<16xf32>
        %max3A_1198 = arith.maximumf %max3A_1178, %min3A_1197 : vector<16xf32>
        %min3A_1199 = arith.minimumf %max3A_1178, %min3A_1197 : vector<16xf32>
        %add3A_1200 = arith.constant 58 : i32
        %add3A_1201 = vector.broadcast %add3A_1200 : i32 to vector<16xi32>
        %add3A_1202 = arith.addi %add3A_27, %add3A_1201 : vector<16xi32>
        %gather3A_1203 = tpu.vector_load_idx %arg4[%add3A_1202] : memref<32768xf32, #tpu.memory_space<vmem>>[vector<16xi32>], vector<16xf32>,
        %max3A_1204 = arith.maximumf %max3A_1184, %gather3A_1203 : vector<16xf32>
        %min3A_1205 = arith.minimumf %max3A_1184, %gather3A_1203 : vector<16xf32>
        %max3A_1206 = arith.maximumf %max3A_1186, %min3A_1205 : vector<16xf32>
        %min3A_1207 = arith.minimumf %max3A_1186, %min3A_1205 : vector<16xf32>
        %max3A_1208 = arith.maximumf %max3A_1188, %min3A_1207 : vector<16xf32>
        %min3A_1209 = arith.minimumf %max3A_1188, %min3A_1207 : vector<16xf32>
        %max3A_1210 = arith.maximumf %max3A_1190, %min3A_1209 : vector<16xf32>
        %min3A_1211 = arith.minimumf %max3A_1190, %min3A_1209 : vector<16xf32>
        %max3A_1212 = arith.maximumf %max3A_1192, %min3A_1211 : vector<16xf32>
        %min3A_1213 = arith.minimumf %max3A_1192, %min3A_1211 : vector<16xf32>
        %max3A_1214 = arith.maximumf %max3A_1194, %min3A_1213 : vector<16xf32>
        %min3A_1215 = arith.minimumf %max3A_1194, %min3A_1213 : vector<16xf32>
        %max3A_1216 = arith.maximumf %max3A_1196, %min3A_1215 : vector<16xf32>
        %min3A_1217 = arith.minimumf %max3A_1196, %min3A_1215 : vector<16xf32>
        %max3A_1218 = arith.maximumf %max3A_1198, %min3A_1217 : vector<16xf32>
        %min3A_1219 = arith.minimumf %max3A_1198, %min3A_1217 : vector<16xf32>
        %add3A_1220 = arith.constant 59 : i32
        %add3A_1221 = vector.broadcast %add3A_1220 : i32 to vector<16xi32>
        %add3A_1222 = arith.addi %add3A_27, %add3A_1221 : vector<16xi32>
        %gather3A_1223 = tpu.vector_load_idx %arg4[%add3A_1222] : memref<32768xf32, #tpu.memory_space<vmem>>[vector<16xi32>], vector<16xf32>,
        %max3A_1224 = arith.maximumf %max3A_1204, %gather3A_1223 : vector<16xf32>
        %min3A_1225 = arith.minimumf %max3A_1204, %gather3A_1223 : vector<16xf32>
        %max3A_1226 = arith.maximumf %max3A_1206, %min3A_1225 : vector<16xf32>
        %min3A_1227 = arith.minimumf %max3A_1206, %min3A_1225 : vector<16xf32>
        %max3A_1228 = arith.maximumf %max3A_1208, %min3A_1227 : vector<16xf32>
        %min3A_1229 = arith.minimumf %max3A_1208, %min3A_1227 : vector<16xf32>
        %max3A_1230 = arith.maximumf %max3A_1210, %min3A_1229 : vector<16xf32>
        %min3A_1231 = arith.minimumf %max3A_1210, %min3A_1229 : vector<16xf32>
        %max3A_1232 = arith.maximumf %max3A_1212, %min3A_1231 : vector<16xf32>
        %min3A_1233 = arith.minimumf %max3A_1212, %min3A_1231 : vector<16xf32>
        %max3A_1234 = arith.maximumf %max3A_1214, %min3A_1233 : vector<16xf32>
        %min3A_1235 = arith.minimumf %max3A_1214, %min3A_1233 : vector<16xf32>
        %max3A_1236 = arith.maximumf %max3A_1216, %min3A_1235 : vector<16xf32>
        %min3A_1237 = arith.minimumf %max3A_1216, %min3A_1235 : vector<16xf32>
        %max3A_1238 = arith.maximumf %max3A_1218, %min3A_1237 : vector<16xf32>
        %min3A_1239 = arith.minimumf %max3A_1218, %min3A_1237 : vector<16xf32>
        %add3A_1240 = arith.constant 60 : i32
        %add3A_1241 = vector.broadcast %add3A_1240 : i32 to vector<16xi32>
        %add3A_1242 = arith.addi %add3A_27, %add3A_1241 : vector<16xi32>
        %gather3A_1243 = tpu.vector_load_idx %arg4[%add3A_1242] : memref<32768xf32, #tpu.memory_space<vmem>>[vector<16xi32>], vector<16xf32>,
        %max3A_1244 = arith.maximumf %max3A_1224, %gather3A_1243 : vector<16xf32>
        %min3A_1245 = arith.minimumf %max3A_1224, %gather3A_1243 : vector<16xf32>
        %max3A_1246 = arith.maximumf %max3A_1226, %min3A_1245 : vector<16xf32>
        %min3A_1247 = arith.minimumf %max3A_1226, %min3A_1245 : vector<16xf32>
        %max3A_1248 = arith.maximumf %max3A_1228, %min3A_1247 : vector<16xf32>
        %min3A_1249 = arith.minimumf %max3A_1228, %min3A_1247 : vector<16xf32>
        %max3A_1250 = arith.maximumf %max3A_1230, %min3A_1249 : vector<16xf32>
        %min3A_1251 = arith.minimumf %max3A_1230, %min3A_1249 : vector<16xf32>
        %max3A_1252 = arith.maximumf %max3A_1232, %min3A_1251 : vector<16xf32>
        %min3A_1253 = arith.minimumf %max3A_1232, %min3A_1251 : vector<16xf32>
        %max3A_1254 = arith.maximumf %max3A_1234, %min3A_1253 : vector<16xf32>
        %min3A_1255 = arith.minimumf %max3A_1234, %min3A_1253 : vector<16xf32>
        %max3A_1256 = arith.maximumf %max3A_1236, %min3A_1255 : vector<16xf32>
        %min3A_1257 = arith.minimumf %max3A_1236, %min3A_1255 : vector<16xf32>
        %max3A_1258 = arith.maximumf %max3A_1238, %min3A_1257 : vector<16xf32>
        %min3A_1259 = arith.minimumf %max3A_1238, %min3A_1257 : vector<16xf32>
        %add3A_1260 = arith.constant 61 : i32
        %add3A_1261 = vector.broadcast %add3A_1260 : i32 to vector<16xi32>
        %add3A_1262 = arith.addi %add3A_27, %add3A_1261 : vector<16xi32>
        %gather3A_1263 = tpu.vector_load_idx %arg4[%add3A_1262] : memref<32768xf32, #tpu.memory_space<vmem>>[vector<16xi32>], vector<16xf32>,
        %max3A_1264 = arith.maximumf %max3A_1244, %gather3A_1263 : vector<16xf32>
        %min3A_1265 = arith.minimumf %max3A_1244, %gather3A_1263 : vector<16xf32>
        %max3A_1266 = arith.maximumf %max3A_1246, %min3A_1265 : vector<16xf32>
        %min3A_1267 = arith.minimumf %max3A_1246, %min3A_1265 : vector<16xf32>
        %max3A_1268 = arith.maximumf %max3A_1248, %min3A_1267 : vector<16xf32>
        %min3A_1269 = arith.minimumf %max3A_1248, %min3A_1267 : vector<16xf32>
        %max3A_1270 = arith.maximumf %max3A_1250, %min3A_1269 : vector<16xf32>
        %min3A_1271 = arith.minimumf %max3A_1250, %min3A_1269 : vector<16xf32>
        %max3A_1272 = arith.maximumf %max3A_1252, %min3A_1271 : vector<16xf32>
        %min3A_1273 = arith.minimumf %max3A_1252, %min3A_1271 : vector<16xf32>
        %max3A_1274 = arith.maximumf %max3A_1254, %min3A_1273 : vector<16xf32>
        %min3A_1275 = arith.minimumf %max3A_1254, %min3A_1273 : vector<16xf32>
        %max3A_1276 = arith.maximumf %max3A_1256, %min3A_1275 : vector<16xf32>
        %min3A_1277 = arith.minimumf %max3A_1256, %min3A_1275 : vector<16xf32>
        %max3A_1278 = arith.maximumf %max3A_1258, %min3A_1277 : vector<16xf32>
        %min3A_1279 = arith.minimumf %max3A_1258, %min3A_1277 : vector<16xf32>
        %add3A_1280 = arith.constant 62 : i32
        %add3A_1281 = vector.broadcast %add3A_1280 : i32 to vector<16xi32>
        %add3A_1282 = arith.addi %add3A_27, %add3A_1281 : vector<16xi32>
        %gather3A_1283 = tpu.vector_load_idx %arg4[%add3A_1282] : memref<32768xf32, #tpu.memory_space<vmem>>[vector<16xi32>], vector<16xf32>,
        %max3A_1284 = arith.maximumf %max3A_1264, %gather3A_1283 : vector<16xf32>
        %min3A_1285 = arith.minimumf %max3A_1264, %gather3A_1283 : vector<16xf32>
        %max3A_1286 = arith.maximumf %max3A_1266, %min3A_1285 : vector<16xf32>
        %min3A_1287 = arith.minimumf %max3A_1266, %min3A_1285 : vector<16xf32>
        %max3A_1288 = arith.maximumf %max3A_1268, %min3A_1287 : vector<16xf32>
        %min3A_1289 = arith.minimumf %max3A_1268, %min3A_1287 : vector<16xf32>
        %max3A_1290 = arith.maximumf %max3A_1270, %min3A_1289 : vector<16xf32>
        %min3A_1291 = arith.minimumf %max3A_1270, %min3A_1289 : vector<16xf32>
        %max3A_1292 = arith.maximumf %max3A_1272, %min3A_1291 : vector<16xf32>
        %min3A_1293 = arith.minimumf %max3A_1272, %min3A_1291 : vector<16xf32>
        %max3A_1294 = arith.maximumf %max3A_1274, %min3A_1293 : vector<16xf32>
        %min3A_1295 = arith.minimumf %max3A_1274, %min3A_1293 : vector<16xf32>
        %max3A_1296 = arith.maximumf %max3A_1276, %min3A_1295 : vector<16xf32>
        %min3A_1297 = arith.minimumf %max3A_1276, %min3A_1295 : vector<16xf32>
        %max3A_1298 = arith.maximumf %max3A_1278, %min3A_1297 : vector<16xf32>
        %min3A_1299 = arith.minimumf %max3A_1278, %min3A_1297 : vector<16xf32>
        %add3A_1300 = arith.constant 63 : i32
        %add3A_1301 = vector.broadcast %add3A_1300 : i32 to vector<16xi32>
        %add3A_1302 = arith.addi %add3A_27, %add3A_1301 : vector<16xi32>
        %gather3A_1303 = tpu.vector_load_idx %arg4[%add3A_1302] : memref<32768xf32, #tpu.memory_space<vmem>>[vector<16xi32>], vector<16xf32>,
        %max3A_1304 = arith.maximumf %max3A_1284, %gather3A_1303 : vector<16xf32>
        %min3A_1305 = arith.minimumf %max3A_1284, %gather3A_1303 : vector<16xf32>
        %max3A_1306 = arith.maximumf %max3A_1286, %min3A_1305 : vector<16xf32>
        %min3A_1307 = arith.minimumf %max3A_1286, %min3A_1305 : vector<16xf32>
        %max3A_1308 = arith.maximumf %max3A_1288, %min3A_1307 : vector<16xf32>
        %min3A_1309 = arith.minimumf %max3A_1288, %min3A_1307 : vector<16xf32>
        %max3A_1310 = arith.maximumf %max3A_1290, %min3A_1309 : vector<16xf32>
        %min3A_1311 = arith.minimumf %max3A_1290, %min3A_1309 : vector<16xf32>
        %max3A_1312 = arith.maximumf %max3A_1292, %min3A_1311 : vector<16xf32>
        %min3A_1313 = arith.minimumf %max3A_1292, %min3A_1311 : vector<16xf32>
        %max3A_1314 = arith.maximumf %max3A_1294, %min3A_1313 : vector<16xf32>
        %min3A_1315 = arith.minimumf %max3A_1294, %min3A_1313 : vector<16xf32>
        %max3A_1316 = arith.maximumf %max3A_1296, %min3A_1315 : vector<16xf32>
        %min3A_1317 = arith.minimumf %max3A_1296, %min3A_1315 : vector<16xf32>
        %max3A_1318 = arith.maximumf %max3A_1298, %min3A_1317 : vector<16xf32>
        %min3A_1319 = arith.minimumf %max3A_1298, %min3A_1317 : vector<16xf32>
        %broadcast_in_dim3A_1320 = arith.constant 0 : i32
        %broadcast_in_dim3A_1321 = vector.broadcast %broadcast_in_dim3A_1320 : i32 to vector<16xi32>
        %broadcast_in_dim3A_1322 = arith.constant 1 : i32
        %broadcast_in_dim3A_1323 = vector.broadcast %broadcast_in_dim3A_1322 : i32 to vector<16xi32>
        %add3A_1324 = arith.constant 0 : i32
        %add3A_1325 = vector.broadcast %add3A_1324 : i32 to vector<16xi32>
        %add3A_1326 = arith.addi %add3A_27, %add3A_1325 : vector<16xi32>
        %gather3A_1327 = tpu.vector_load_idx %arg4[%add3A_1326] : memref<32768xf32, #tpu.memory_space<vmem>>[vector<16xi32>], vector<16xf32>,
        %gt3A = arith.cmpf ogt, %gather3A_1327, %max3A_1318 : vector<16xf32>
        %jit3A = arith.constant 0 : i32
        %broadcast_in_dim3A_1328 = vector.broadcast %jit3A : i32 to vector<16xi32>
        %select_n3A = arith.select %gt3A, %broadcast_in_dim3A_1323, %broadcast_in_dim3A_1328 : vector<16xi1>, vector<16xi32>
        %add3A_1329 = arith.addi %broadcast_in_dim3A_1321, %select_n3A : vector<16xi32>
        %add3A_1330 = arith.constant 1 : i32
        %add3A_1331 = vector.broadcast %add3A_1330 : i32 to vector<16xi32>
        %add3A_1332 = arith.addi %add3A_27, %add3A_1331 : vector<16xi32>
        %gather3A_1333 = tpu.vector_load_idx %arg4[%add3A_1332] : memref<32768xf32, #tpu.memory_space<vmem>>[vector<16xi32>], vector<16xf32>,
        %gt3A_1334 = arith.cmpf ogt, %gather3A_1333, %max3A_1318 : vector<16xf32>
        %jit3A_1335 = arith.constant 0 : i32
        %broadcast_in_dim3A_1336 = vector.broadcast %jit3A_1335 : i32 to vector<16xi32>
        %select_n3A_1337 = arith.select %gt3A_1334, %broadcast_in_dim3A_1323, %broadcast_in_dim3A_1336 : vector<16xi1>, vector<16xi32>
        %add3A_1338 = arith.addi %add3A_1329, %select_n3A_1337 : vector<16xi32>
        %add3A_1339 = arith.constant 2 : i32
        %add3A_1340 = vector.broadcast %add3A_1339 : i32 to vector<16xi32>
        %add3A_1341 = arith.addi %add3A_27, %add3A_1340 : vector<16xi32>
        %gather3A_1342 = tpu.vector_load_idx %arg4[%add3A_1341] : memref<32768xf32, #tpu.memory_space<vmem>>[vector<16xi32>], vector<16xf32>,
        %gt3A_1343 = arith.cmpf ogt, %gather3A_1342, %max3A_1318 : vector<16xf32>
        %jit3A_1344 = arith.constant 0 : i32
        %broadcast_in_dim3A_1345 = vector.broadcast %jit3A_1344 : i32 to vector<16xi32>
        %select_n3A_1346 = arith.select %gt3A_1343, %broadcast_in_dim3A_1323, %broadcast_in_dim3A_1345 : vector<16xi1>, vector<16xi32>
        %add3A_1347 = arith.addi %add3A_1338, %select_n3A_1346 : vector<16xi32>
        %add3A_1348 = arith.constant 3 : i32
        %add3A_1349 = vector.broadcast %add3A_1348 : i32 to vector<16xi32>
        %add3A_1350 = arith.addi %add3A_27, %add3A_1349 : vector<16xi32>
        %gather3A_1351 = tpu.vector_load_idx %arg4[%add3A_1350] : memref<32768xf32, #tpu.memory_space<vmem>>[vector<16xi32>], vector<16xf32>,
        %gt3A_1352 = arith.cmpf ogt, %gather3A_1351, %max3A_1318 : vector<16xf32>
        %jit3A_1353 = arith.constant 0 : i32
        %broadcast_in_dim3A_1354 = vector.broadcast %jit3A_1353 : i32 to vector<16xi32>
        %select_n3A_1355 = arith.select %gt3A_1352, %broadcast_in_dim3A_1323, %broadcast_in_dim3A_1354 : vector<16xi1>, vector<16xi32>
        %add3A_1356 = arith.addi %add3A_1347, %select_n3A_1355 : vector<16xi32>
        %add3A_1357 = arith.constant 4 : i32
        %add3A_1358 = vector.broadcast %add3A_1357 : i32 to vector<16xi32>
        %add3A_1359 = arith.addi %add3A_27, %add3A_1358 : vector<16xi32>
        %gather3A_1360 = tpu.vector_load_idx %arg4[%add3A_1359] : memref<32768xf32, #tpu.memory_space<vmem>>[vector<16xi32>], vector<16xf32>,
        %gt3A_1361 = arith.cmpf ogt, %gather3A_1360, %max3A_1318 : vector<16xf32>
        %jit3A_1362 = arith.constant 0 : i32
        %broadcast_in_dim3A_1363 = vector.broadcast %jit3A_1362 : i32 to vector<16xi32>
        %select_n3A_1364 = arith.select %gt3A_1361, %broadcast_in_dim3A_1323, %broadcast_in_dim3A_1363 : vector<16xi1>, vector<16xi32>
        %add3A_1365 = arith.addi %add3A_1356, %select_n3A_1364 : vector<16xi32>
        %add3A_1366 = arith.constant 5 : i32
        %add3A_1367 = vector.broadcast %add3A_1366 : i32 to vector<16xi32>
        %add3A_1368 = arith.addi %add3A_27, %add3A_1367 : vector<16xi32>
        %gather3A_1369 = tpu.vector_load_idx %arg4[%add3A_1368] : memref<32768xf32, #tpu.memory_space<vmem>>[vector<16xi32>], vector<16xf32>,
        %gt3A_1370 = arith.cmpf ogt, %gather3A_1369, %max3A_1318 : vector<16xf32>
        %jit3A_1371 = arith.constant 0 : i32
        %broadcast_in_dim3A_1372 = vector.broadcast %jit3A_1371 : i32 to vector<16xi32>
        %select_n3A_1373 = arith.select %gt3A_1370, %broadcast_in_dim3A_1323, %broadcast_in_dim3A_1372 : vector<16xi1>, vector<16xi32>
        %add3A_1374 = arith.addi %add3A_1365, %select_n3A_1373 : vector<16xi32>
        %add3A_1375 = arith.constant 6 : i32
        %add3A_1376 = vector.broadcast %add3A_1375 : i32 to vector<16xi32>
        %add3A_1377 = arith.addi %add3A_27, %add3A_1376 : vector<16xi32>
        %gather3A_1378 = tpu.vector_load_idx %arg4[%add3A_1377] : memref<32768xf32, #tpu.memory_space<vmem>>[vector<16xi32>], vector<16xf32>,
        %gt3A_1379 = arith.cmpf ogt, %gather3A_1378, %max3A_1318 : vector<16xf32>
        %jit3A_1380 = arith.constant 0 : i32
        %broadcast_in_dim3A_1381 = vector.broadcast %jit3A_1380 : i32 to vector<16xi32>
        %select_n3A_1382 = arith.select %gt3A_1379, %broadcast_in_dim3A_1323, %broadcast_in_dim3A_1381 : vector<16xi1>, vector<16xi32>
        %add3A_1383 = arith.addi %add3A_1374, %select_n3A_1382 : vector<16xi32>
        %add3A_1384 = arith.constant 7 : i32
        %add3A_1385 = vector.broadcast %add3A_1384 : i32 to vector<16xi32>
        %add3A_1386 = arith.addi %add3A_27, %add3A_1385 : vector<16xi32>
        %gather3A_1387 = tpu.vector_load_idx %arg4[%add3A_1386] : memref<32768xf32, #tpu.memory_space<vmem>>[vector<16xi32>], vector<16xf32>,
        %gt3A_1388 = arith.cmpf ogt, %gather3A_1387, %max3A_1318 : vector<16xf32>
        %jit3A_1389 = arith.constant 0 : i32
        %broadcast_in_dim3A_1390 = vector.broadcast %jit3A_1389 : i32 to vector<16xi32>
        %select_n3A_1391 = arith.select %gt3A_1388, %broadcast_in_dim3A_1323, %broadcast_in_dim3A_1390 : vector<16xi1>, vector<16xi32>
        %add3A_1392 = arith.addi %add3A_1383, %select_n3A_1391 : vector<16xi32>
        %add3A_1393 = arith.constant 8 : i32
        %add3A_1394 = vector.broadcast %add3A_1393 : i32 to vector<16xi32>
        %add3A_1395 = arith.addi %add3A_27, %add3A_1394 : vector<16xi32>
        %gather3A_1396 = tpu.vector_load_idx %arg4[%add3A_1395] : memref<32768xf32, #tpu.memory_space<vmem>>[vector<16xi32>], vector<16xf32>,
        %gt3A_1397 = arith.cmpf ogt, %gather3A_1396, %max3A_1318 : vector<16xf32>
        %jit3A_1398 = arith.constant 0 : i32
        %broadcast_in_dim3A_1399 = vector.broadcast %jit3A_1398 : i32 to vector<16xi32>
        %select_n3A_1400 = arith.select %gt3A_1397, %broadcast_in_dim3A_1323, %broadcast_in_dim3A_1399 : vector<16xi1>, vector<16xi32>
        %add3A_1401 = arith.addi %add3A_1392, %select_n3A_1400 : vector<16xi32>
        %add3A_1402 = arith.constant 9 : i32
        %add3A_1403 = vector.broadcast %add3A_1402 : i32 to vector<16xi32>
        %add3A_1404 = arith.addi %add3A_27, %add3A_1403 : vector<16xi32>
        %gather3A_1405 = tpu.vector_load_idx %arg4[%add3A_1404] : memref<32768xf32, #tpu.memory_space<vmem>>[vector<16xi32>], vector<16xf32>,
        %gt3A_1406 = arith.cmpf ogt, %gather3A_1405, %max3A_1318 : vector<16xf32>
        %jit3A_1407 = arith.constant 0 : i32
        %broadcast_in_dim3A_1408 = vector.broadcast %jit3A_1407 : i32 to vector<16xi32>
        %select_n3A_1409 = arith.select %gt3A_1406, %broadcast_in_dim3A_1323, %broadcast_in_dim3A_1408 : vector<16xi1>, vector<16xi32>
        %add3A_1410 = arith.addi %add3A_1401, %select_n3A_1409 : vector<16xi32>
        %add3A_1411 = arith.constant 10 : i32
        %add3A_1412 = vector.broadcast %add3A_1411 : i32 to vector<16xi32>
        %add3A_1413 = arith.addi %add3A_27, %add3A_1412 : vector<16xi32>
        %gather3A_1414 = tpu.vector_load_idx %arg4[%add3A_1413] : memref<32768xf32, #tpu.memory_space<vmem>>[vector<16xi32>], vector<16xf32>,
        %gt3A_1415 = arith.cmpf ogt, %gather3A_1414, %max3A_1318 : vector<16xf32>
        %jit3A_1416 = arith.constant 0 : i32
        %broadcast_in_dim3A_1417 = vector.broadcast %jit3A_1416 : i32 to vector<16xi32>
        %select_n3A_1418 = arith.select %gt3A_1415, %broadcast_in_dim3A_1323, %broadcast_in_dim3A_1417 : vector<16xi1>, vector<16xi32>
        %add3A_1419 = arith.addi %add3A_1410, %select_n3A_1418 : vector<16xi32>
        %add3A_1420 = arith.constant 11 : i32
        %add3A_1421 = vector.broadcast %add3A_1420 : i32 to vector<16xi32>
        %add3A_1422 = arith.addi %add3A_27, %add3A_1421 : vector<16xi32>
        %gather3A_1423 = tpu.vector_load_idx %arg4[%add3A_1422] : memref<32768xf32, #tpu.memory_space<vmem>>[vector<16xi32>], vector<16xf32>,
        %gt3A_1424 = arith.cmpf ogt, %gather3A_1423, %max3A_1318 : vector<16xf32>
        %jit3A_1425 = arith.constant 0 : i32
        %broadcast_in_dim3A_1426 = vector.broadcast %jit3A_1425 : i32 to vector<16xi32>
        %select_n3A_1427 = arith.select %gt3A_1424, %broadcast_in_dim3A_1323, %broadcast_in_dim3A_1426 : vector<16xi1>, vector<16xi32>
        %add3A_1428 = arith.addi %add3A_1419, %select_n3A_1427 : vector<16xi32>
        %add3A_1429 = arith.constant 12 : i32
        %add3A_1430 = vector.broadcast %add3A_1429 : i32 to vector<16xi32>
        %add3A_1431 = arith.addi %add3A_27, %add3A_1430 : vector<16xi32>
        %gather3A_1432 = tpu.vector_load_idx %arg4[%add3A_1431] : memref<32768xf32, #tpu.memory_space<vmem>>[vector<16xi32>], vector<16xf32>,
        %gt3A_1433 = arith.cmpf ogt, %gather3A_1432, %max3A_1318 : vector<16xf32>
        %jit3A_1434 = arith.constant 0 : i32
        %broadcast_in_dim3A_1435 = vector.broadcast %jit3A_1434 : i32 to vector<16xi32>
        %select_n3A_1436 = arith.select %gt3A_1433, %broadcast_in_dim3A_1323, %broadcast_in_dim3A_1435 : vector<16xi1>, vector<16xi32>
        %add3A_1437 = arith.addi %add3A_1428, %select_n3A_1436 : vector<16xi32>
        %add3A_1438 = arith.constant 13 : i32
        %add3A_1439 = vector.broadcast %add3A_1438 : i32 to vector<16xi32>
        %add3A_1440 = arith.addi %add3A_27, %add3A_1439 : vector<16xi32>
        %gather3A_1441 = tpu.vector_load_idx %arg4[%add3A_1440] : memref<32768xf32, #tpu.memory_space<vmem>>[vector<16xi32>], vector<16xf32>,
        %gt3A_1442 = arith.cmpf ogt, %gather3A_1441, %max3A_1318 : vector<16xf32>
        %jit3A_1443 = arith.constant 0 : i32
        %broadcast_in_dim3A_1444 = vector.broadcast %jit3A_1443 : i32 to vector<16xi32>
        %select_n3A_1445 = arith.select %gt3A_1442, %broadcast_in_dim3A_1323, %broadcast_in_dim3A_1444 : vector<16xi1>, vector<16xi32>
        %add3A_1446 = arith.addi %add3A_1437, %select_n3A_1445 : vector<16xi32>
        %add3A_1447 = arith.constant 14 : i32
        %add3A_1448 = vector.broadcast %add3A_1447 : i32 to vector<16xi32>
        %add3A_1449 = arith.addi %add3A_27, %add3A_1448 : vector<16xi32>
        %gather3A_1450 = tpu.vector_load_idx %arg4[%add3A_1449] : memref<32768xf32, #tpu.memory_space<vmem>>[vector<16xi32>], vector<16xf32>,
        %gt3A_1451 = arith.cmpf ogt, %gather3A_1450, %max3A_1318 : vector<16xf32>
        %jit3A_1452 = arith.constant 0 : i32
        %broadcast_in_dim3A_1453 = vector.broadcast %jit3A_1452 : i32 to vector<16xi32>
        %select_n3A_1454 = arith.select %gt3A_1451, %broadcast_in_dim3A_1323, %broadcast_in_dim3A_1453 : vector<16xi1>, vector<16xi32>
        %add3A_1455 = arith.addi %add3A_1446, %select_n3A_1454 : vector<16xi32>
        %add3A_1456 = arith.constant 15 : i32
        %add3A_1457 = vector.broadcast %add3A_1456 : i32 to vector<16xi32>
        %add3A_1458 = arith.addi %add3A_27, %add3A_1457 : vector<16xi32>
        %gather3A_1459 = tpu.vector_load_idx %arg4[%add3A_1458] : memref<32768xf32, #tpu.memory_space<vmem>>[vector<16xi32>], vector<16xf32>,
        %gt3A_1460 = arith.cmpf ogt, %gather3A_1459, %max3A_1318 : vector<16xf32>
        %jit3A_1461 = arith.constant 0 : i32
        %broadcast_in_dim3A_1462 = vector.broadcast %jit3A_1461 : i32 to vector<16xi32>
        %select_n3A_1463 = arith.select %gt3A_1460, %broadcast_in_dim3A_1323, %broadcast_in_dim3A_1462 : vector<16xi1>, vector<16xi32>
        %add3A_1464 = arith.addi %add3A_1455, %select_n3A_1463 : vector<16xi32>
        %add3A_1465 = arith.constant 16 : i32
        %add3A_1466 = vector.broadcast %add3A_1465 : i32 to vector<16xi32>
        %add3A_1467 = arith.addi %add3A_27, %add3A_1466 : vector<16xi32>
        %gather3A_1468 = tpu.vector_load_idx %arg4[%add3A_1467] : memref<32768xf32, #tpu.memory_space<vmem>>[vector<16xi32>], vector<16xf32>,
        %gt3A_1469 = arith.cmpf ogt, %gather3A_1468, %max3A_1318 : vector<16xf32>
        %jit3A_1470 = arith.constant 0 : i32
        %broadcast_in_dim3A_1471 = vector.broadcast %jit3A_1470 : i32 to vector<16xi32>
        %select_n3A_1472 = arith.select %gt3A_1469, %broadcast_in_dim3A_1323, %broadcast_in_dim3A_1471 : vector<16xi1>, vector<16xi32>
        %add3A_1473 = arith.addi %add3A_1464, %select_n3A_1472 : vector<16xi32>
        %add3A_1474 = arith.constant 17 : i32
        %add3A_1475 = vector.broadcast %add3A_1474 : i32 to vector<16xi32>
        %add3A_1476 = arith.addi %add3A_27, %add3A_1475 : vector<16xi32>
        %gather3A_1477 = tpu.vector_load_idx %arg4[%add3A_1476] : memref<32768xf32, #tpu.memory_space<vmem>>[vector<16xi32>], vector<16xf32>,
        %gt3A_1478 = arith.cmpf ogt, %gather3A_1477, %max3A_1318 : vector<16xf32>
        %jit3A_1479 = arith.constant 0 : i32
        %broadcast_in_dim3A_1480 = vector.broadcast %jit3A_1479 : i32 to vector<16xi32>
        %select_n3A_1481 = arith.select %gt3A_1478, %broadcast_in_dim3A_1323, %broadcast_in_dim3A_1480 : vector<16xi1>, vector<16xi32>
        %add3A_1482 = arith.addi %add3A_1473, %select_n3A_1481 : vector<16xi32>
        %add3A_1483 = arith.constant 18 : i32
        %add3A_1484 = vector.broadcast %add3A_1483 : i32 to vector<16xi32>
        %add3A_1485 = arith.addi %add3A_27, %add3A_1484 : vector<16xi32>
        %gather3A_1486 = tpu.vector_load_idx %arg4[%add3A_1485] : memref<32768xf32, #tpu.memory_space<vmem>>[vector<16xi32>], vector<16xf32>,
        %gt3A_1487 = arith.cmpf ogt, %gather3A_1486, %max3A_1318 : vector<16xf32>
        %jit3A_1488 = arith.constant 0 : i32
        %broadcast_in_dim3A_1489 = vector.broadcast %jit3A_1488 : i32 to vector<16xi32>
        %select_n3A_1490 = arith.select %gt3A_1487, %broadcast_in_dim3A_1323, %broadcast_in_dim3A_1489 : vector<16xi1>, vector<16xi32>
        %add3A_1491 = arith.addi %add3A_1482, %select_n3A_1490 : vector<16xi32>
        %add3A_1492 = arith.constant 19 : i32
        %add3A_1493 = vector.broadcast %add3A_1492 : i32 to vector<16xi32>
        %add3A_1494 = arith.addi %add3A_27, %add3A_1493 : vector<16xi32>
        %gather3A_1495 = tpu.vector_load_idx %arg4[%add3A_1494] : memref<32768xf32, #tpu.memory_space<vmem>>[vector<16xi32>], vector<16xf32>,
        %gt3A_1496 = arith.cmpf ogt, %gather3A_1495, %max3A_1318 : vector<16xf32>
        %jit3A_1497 = arith.constant 0 : i32
        %broadcast_in_dim3A_1498 = vector.broadcast %jit3A_1497 : i32 to vector<16xi32>
        %select_n3A_1499 = arith.select %gt3A_1496, %broadcast_in_dim3A_1323, %broadcast_in_dim3A_1498 : vector<16xi1>, vector<16xi32>
        %add3A_1500 = arith.addi %add3A_1491, %select_n3A_1499 : vector<16xi32>
        %add3A_1501 = arith.constant 20 : i32
        %add3A_1502 = vector.broadcast %add3A_1501 : i32 to vector<16xi32>
        %add3A_1503 = arith.addi %add3A_27, %add3A_1502 : vector<16xi32>
        %gather3A_1504 = tpu.vector_load_idx %arg4[%add3A_1503] : memref<32768xf32, #tpu.memory_space<vmem>>[vector<16xi32>], vector<16xf32>,
        %gt3A_1505 = arith.cmpf ogt, %gather3A_1504, %max3A_1318 : vector<16xf32>
        %jit3A_1506 = arith.constant 0 : i32
        %broadcast_in_dim3A_1507 = vector.broadcast %jit3A_1506 : i32 to vector<16xi32>
        %select_n3A_1508 = arith.select %gt3A_1505, %broadcast_in_dim3A_1323, %broadcast_in_dim3A_1507 : vector<16xi1>, vector<16xi32>
        %add3A_1509 = arith.addi %add3A_1500, %select_n3A_1508 : vector<16xi32>
        %add3A_1510 = arith.constant 21 : i32
        %add3A_1511 = vector.broadcast %add3A_1510 : i32 to vector<16xi32>
        %add3A_1512 = arith.addi %add3A_27, %add3A_1511 : vector<16xi32>
        %gather3A_1513 = tpu.vector_load_idx %arg4[%add3A_1512] : memref<32768xf32, #tpu.memory_space<vmem>>[vector<16xi32>], vector<16xf32>,
        %gt3A_1514 = arith.cmpf ogt, %gather3A_1513, %max3A_1318 : vector<16xf32>
        %jit3A_1515 = arith.constant 0 : i32
        %broadcast_in_dim3A_1516 = vector.broadcast %jit3A_1515 : i32 to vector<16xi32>
        %select_n3A_1517 = arith.select %gt3A_1514, %broadcast_in_dim3A_1323, %broadcast_in_dim3A_1516 : vector<16xi1>, vector<16xi32>
        %add3A_1518 = arith.addi %add3A_1509, %select_n3A_1517 : vector<16xi32>
        %add3A_1519 = arith.constant 22 : i32
        %add3A_1520 = vector.broadcast %add3A_1519 : i32 to vector<16xi32>
        %add3A_1521 = arith.addi %add3A_27, %add3A_1520 : vector<16xi32>
        %gather3A_1522 = tpu.vector_load_idx %arg4[%add3A_1521] : memref<32768xf32, #tpu.memory_space<vmem>>[vector<16xi32>], vector<16xf32>,
        %gt3A_1523 = arith.cmpf ogt, %gather3A_1522, %max3A_1318 : vector<16xf32>
        %jit3A_1524 = arith.constant 0 : i32
        %broadcast_in_dim3A_1525 = vector.broadcast %jit3A_1524 : i32 to vector<16xi32>
        %select_n3A_1526 = arith.select %gt3A_1523, %broadcast_in_dim3A_1323, %broadcast_in_dim3A_1525 : vector<16xi1>, vector<16xi32>
        %add3A_1527 = arith.addi %add3A_1518, %select_n3A_1526 : vector<16xi32>
        %add3A_1528 = arith.constant 23 : i32
        %add3A_1529 = vector.broadcast %add3A_1528 : i32 to vector<16xi32>
        %add3A_1530 = arith.addi %add3A_27, %add3A_1529 : vector<16xi32>
        %gather3A_1531 = tpu.vector_load_idx %arg4[%add3A_1530] : memref<32768xf32, #tpu.memory_space<vmem>>[vector<16xi32>], vector<16xf32>,
        %gt3A_1532 = arith.cmpf ogt, %gather3A_1531, %max3A_1318 : vector<16xf32>
        %jit3A_1533 = arith.constant 0 : i32
        %broadcast_in_dim3A_1534 = vector.broadcast %jit3A_1533 : i32 to vector<16xi32>
        %select_n3A_1535 = arith.select %gt3A_1532, %broadcast_in_dim3A_1323, %broadcast_in_dim3A_1534 : vector<16xi1>, vector<16xi32>
        %add3A_1536 = arith.addi %add3A_1527, %select_n3A_1535 : vector<16xi32>
        %add3A_1537 = arith.constant 24 : i32
        %add3A_1538 = vector.broadcast %add3A_1537 : i32 to vector<16xi32>
        %add3A_1539 = arith.addi %add3A_27, %add3A_1538 : vector<16xi32>
        %gather3A_1540 = tpu.vector_load_idx %arg4[%add3A_1539] : memref<32768xf32, #tpu.memory_space<vmem>>[vector<16xi32>], vector<16xf32>,
        %gt3A_1541 = arith.cmpf ogt, %gather3A_1540, %max3A_1318 : vector<16xf32>
        %jit3A_1542 = arith.constant 0 : i32
        %broadcast_in_dim3A_1543 = vector.broadcast %jit3A_1542 : i32 to vector<16xi32>
        %select_n3A_1544 = arith.select %gt3A_1541, %broadcast_in_dim3A_1323, %broadcast_in_dim3A_1543 : vector<16xi1>, vector<16xi32>
        %add3A_1545 = arith.addi %add3A_1536, %select_n3A_1544 : vector<16xi32>
        %add3A_1546 = arith.constant 25 : i32
        %add3A_1547 = vector.broadcast %add3A_1546 : i32 to vector<16xi32>
        %add3A_1548 = arith.addi %add3A_27, %add3A_1547 : vector<16xi32>
        %gather3A_1549 = tpu.vector_load_idx %arg4[%add3A_1548] : memref<32768xf32, #tpu.memory_space<vmem>>[vector<16xi32>], vector<16xf32>,
        %gt3A_1550 = arith.cmpf ogt, %gather3A_1549, %max3A_1318 : vector<16xf32>
        %jit3A_1551 = arith.constant 0 : i32
        %broadcast_in_dim3A_1552 = vector.broadcast %jit3A_1551 : i32 to vector<16xi32>
        %select_n3A_1553 = arith.select %gt3A_1550, %broadcast_in_dim3A_1323, %broadcast_in_dim3A_1552 : vector<16xi1>, vector<16xi32>
        %add3A_1554 = arith.addi %add3A_1545, %select_n3A_1553 : vector<16xi32>
        %add3A_1555 = arith.constant 26 : i32
        %add3A_1556 = vector.broadcast %add3A_1555 : i32 to vector<16xi32>
        %add3A_1557 = arith.addi %add3A_27, %add3A_1556 : vector<16xi32>
        %gather3A_1558 = tpu.vector_load_idx %arg4[%add3A_1557] : memref<32768xf32, #tpu.memory_space<vmem>>[vector<16xi32>], vector<16xf32>,
        %gt3A_1559 = arith.cmpf ogt, %gather3A_1558, %max3A_1318 : vector<16xf32>
        %jit3A_1560 = arith.constant 0 : i32
        %broadcast_in_dim3A_1561 = vector.broadcast %jit3A_1560 : i32 to vector<16xi32>
        %select_n3A_1562 = arith.select %gt3A_1559, %broadcast_in_dim3A_1323, %broadcast_in_dim3A_1561 : vector<16xi1>, vector<16xi32>
        %add3A_1563 = arith.addi %add3A_1554, %select_n3A_1562 : vector<16xi32>
        %add3A_1564 = arith.constant 27 : i32
        %add3A_1565 = vector.broadcast %add3A_1564 : i32 to vector<16xi32>
        %add3A_1566 = arith.addi %add3A_27, %add3A_1565 : vector<16xi32>
        %gather3A_1567 = tpu.vector_load_idx %arg4[%add3A_1566] : memref<32768xf32, #tpu.memory_space<vmem>>[vector<16xi32>], vector<16xf32>,
        %gt3A_1568 = arith.cmpf ogt, %gather3A_1567, %max3A_1318 : vector<16xf32>
        %jit3A_1569 = arith.constant 0 : i32
        %broadcast_in_dim3A_1570 = vector.broadcast %jit3A_1569 : i32 to vector<16xi32>
        %select_n3A_1571 = arith.select %gt3A_1568, %broadcast_in_dim3A_1323, %broadcast_in_dim3A_1570 : vector<16xi1>, vector<16xi32>
        %add3A_1572 = arith.addi %add3A_1563, %select_n3A_1571 : vector<16xi32>
        %add3A_1573 = arith.constant 28 : i32
        %add3A_1574 = vector.broadcast %add3A_1573 : i32 to vector<16xi32>
        %add3A_1575 = arith.addi %add3A_27, %add3A_1574 : vector<16xi32>
        %gather3A_1576 = tpu.vector_load_idx %arg4[%add3A_1575] : memref<32768xf32, #tpu.memory_space<vmem>>[vector<16xi32>], vector<16xf32>,
        %gt3A_1577 = arith.cmpf ogt, %gather3A_1576, %max3A_1318 : vector<16xf32>
        %jit3A_1578 = arith.constant 0 : i32
        %broadcast_in_dim3A_1579 = vector.broadcast %jit3A_1578 : i32 to vector<16xi32>
        %select_n3A_1580 = arith.select %gt3A_1577, %broadcast_in_dim3A_1323, %broadcast_in_dim3A_1579 : vector<16xi1>, vector<16xi32>
        %add3A_1581 = arith.addi %add3A_1572, %select_n3A_1580 : vector<16xi32>
        %add3A_1582 = arith.constant 29 : i32
        %add3A_1583 = vector.broadcast %add3A_1582 : i32 to vector<16xi32>
        %add3A_1584 = arith.addi %add3A_27, %add3A_1583 : vector<16xi32>
        %gather3A_1585 = tpu.vector_load_idx %arg4[%add3A_1584] : memref<32768xf32, #tpu.memory_space<vmem>>[vector<16xi32>], vector<16xf32>,
        %gt3A_1586 = arith.cmpf ogt, %gather3A_1585, %max3A_1318 : vector<16xf32>
        %jit3A_1587 = arith.constant 0 : i32
        %broadcast_in_dim3A_1588 = vector.broadcast %jit3A_1587 : i32 to vector<16xi32>
        %select_n3A_1589 = arith.select %gt3A_1586, %broadcast_in_dim3A_1323, %broadcast_in_dim3A_1588 : vector<16xi1>, vector<16xi32>
        %add3A_1590 = arith.addi %add3A_1581, %select_n3A_1589 : vector<16xi32>
        %add3A_1591 = arith.constant 30 : i32
        %add3A_1592 = vector.broadcast %add3A_1591 : i32 to vector<16xi32>
        %add3A_1593 = arith.addi %add3A_27, %add3A_1592 : vector<16xi32>
        %gather3A_1594 = tpu.vector_load_idx %arg4[%add3A_1593] : memref<32768xf32, #tpu.memory_space<vmem>>[vector<16xi32>], vector<16xf32>,
        %gt3A_1595 = arith.cmpf ogt, %gather3A_1594, %max3A_1318 : vector<16xf32>
        %jit3A_1596 = arith.constant 0 : i32
        %broadcast_in_dim3A_1597 = vector.broadcast %jit3A_1596 : i32 to vector<16xi32>
        %select_n3A_1598 = arith.select %gt3A_1595, %broadcast_in_dim3A_1323, %broadcast_in_dim3A_1597 : vector<16xi1>, vector<16xi32>
        %add3A_1599 = arith.addi %add3A_1590, %select_n3A_1598 : vector<16xi32>
        %add3A_1600 = arith.constant 31 : i32
        %add3A_1601 = vector.broadcast %add3A_1600 : i32 to vector<16xi32>
        %add3A_1602 = arith.addi %add3A_27, %add3A_1601 : vector<16xi32>
        %gather3A_1603 = tpu.vector_load_idx %arg4[%add3A_1602] : memref<32768xf32, #tpu.memory_space<vmem>>[vector<16xi32>], vector<16xf32>,
        %gt3A_1604 = arith.cmpf ogt, %gather3A_1603, %max3A_1318 : vector<16xf32>
        %jit3A_1605 = arith.constant 0 : i32
        %broadcast_in_dim3A_1606 = vector.broadcast %jit3A_1605 : i32 to vector<16xi32>
        %select_n3A_1607 = arith.select %gt3A_1604, %broadcast_in_dim3A_1323, %broadcast_in_dim3A_1606 : vector<16xi1>, vector<16xi32>
        %add3A_1608 = arith.addi %add3A_1599, %select_n3A_1607 : vector<16xi32>
        %add3A_1609 = arith.constant 32 : i32
        %add3A_1610 = vector.broadcast %add3A_1609 : i32 to vector<16xi32>
        %add3A_1611 = arith.addi %add3A_27, %add3A_1610 : vector<16xi32>
        %gather3A_1612 = tpu.vector_load_idx %arg4[%add3A_1611] : memref<32768xf32, #tpu.memory_space<vmem>>[vector<16xi32>], vector<16xf32>,
        %gt3A_1613 = arith.cmpf ogt, %gather3A_1612, %max3A_1318 : vector<16xf32>
        %jit3A_1614 = arith.constant 0 : i32
        %broadcast_in_dim3A_1615 = vector.broadcast %jit3A_1614 : i32 to vector<16xi32>
        %select_n3A_1616 = arith.select %gt3A_1613, %broadcast_in_dim3A_1323, %broadcast_in_dim3A_1615 : vector<16xi1>, vector<16xi32>
        %add3A_1617 = arith.addi %add3A_1608, %select_n3A_1616 : vector<16xi32>
        %add3A_1618 = arith.constant 33 : i32
        %add3A_1619 = vector.broadcast %add3A_1618 : i32 to vector<16xi32>
        %add3A_1620 = arith.addi %add3A_27, %add3A_1619 : vector<16xi32>
        %gather3A_1621 = tpu.vector_load_idx %arg4[%add3A_1620] : memref<32768xf32, #tpu.memory_space<vmem>>[vector<16xi32>], vector<16xf32>,
        %gt3A_1622 = arith.cmpf ogt, %gather3A_1621, %max3A_1318 : vector<16xf32>
        %jit3A_1623 = arith.constant 0 : i32
        %broadcast_in_dim3A_1624 = vector.broadcast %jit3A_1623 : i32 to vector<16xi32>
        %select_n3A_1625 = arith.select %gt3A_1622, %broadcast_in_dim3A_1323, %broadcast_in_dim3A_1624 : vector<16xi1>, vector<16xi32>
        %add3A_1626 = arith.addi %add3A_1617, %select_n3A_1625 : vector<16xi32>
        %add3A_1627 = arith.constant 34 : i32
        %add3A_1628 = vector.broadcast %add3A_1627 : i32 to vector<16xi32>
        %add3A_1629 = arith.addi %add3A_27, %add3A_1628 : vector<16xi32>
        %gather3A_1630 = tpu.vector_load_idx %arg4[%add3A_1629] : memref<32768xf32, #tpu.memory_space<vmem>>[vector<16xi32>], vector<16xf32>,
        %gt3A_1631 = arith.cmpf ogt, %gather3A_1630, %max3A_1318 : vector<16xf32>
        %jit3A_1632 = arith.constant 0 : i32
        %broadcast_in_dim3A_1633 = vector.broadcast %jit3A_1632 : i32 to vector<16xi32>
        %select_n3A_1634 = arith.select %gt3A_1631, %broadcast_in_dim3A_1323, %broadcast_in_dim3A_1633 : vector<16xi1>, vector<16xi32>
        %add3A_1635 = arith.addi %add3A_1626, %select_n3A_1634 : vector<16xi32>
        %add3A_1636 = arith.constant 35 : i32
        %add3A_1637 = vector.broadcast %add3A_1636 : i32 to vector<16xi32>
        %add3A_1638 = arith.addi %add3A_27, %add3A_1637 : vector<16xi32>
        %gather3A_1639 = tpu.vector_load_idx %arg4[%add3A_1638] : memref<32768xf32, #tpu.memory_space<vmem>>[vector<16xi32>], vector<16xf32>,
        %gt3A_1640 = arith.cmpf ogt, %gather3A_1639, %max3A_1318 : vector<16xf32>
        %jit3A_1641 = arith.constant 0 : i32
        %broadcast_in_dim3A_1642 = vector.broadcast %jit3A_1641 : i32 to vector<16xi32>
        %select_n3A_1643 = arith.select %gt3A_1640, %broadcast_in_dim3A_1323, %broadcast_in_dim3A_1642 : vector<16xi1>, vector<16xi32>
        %add3A_1644 = arith.addi %add3A_1635, %select_n3A_1643 : vector<16xi32>
        %add3A_1645 = arith.constant 36 : i32
        %add3A_1646 = vector.broadcast %add3A_1645 : i32 to vector<16xi32>
        %add3A_1647 = arith.addi %add3A_27, %add3A_1646 : vector<16xi32>
        %gather3A_1648 = tpu.vector_load_idx %arg4[%add3A_1647] : memref<32768xf32, #tpu.memory_space<vmem>>[vector<16xi32>], vector<16xf32>,
        %gt3A_1649 = arith.cmpf ogt, %gather3A_1648, %max3A_1318 : vector<16xf32>
        %jit3A_1650 = arith.constant 0 : i32
        %broadcast_in_dim3A_1651 = vector.broadcast %jit3A_1650 : i32 to vector<16xi32>
        %select_n3A_1652 = arith.select %gt3A_1649, %broadcast_in_dim3A_1323, %broadcast_in_dim3A_1651 : vector<16xi1>, vector<16xi32>
        %add3A_1653 = arith.addi %add3A_1644, %select_n3A_1652 : vector<16xi32>
        %add3A_1654 = arith.constant 37 : i32
        %add3A_1655 = vector.broadcast %add3A_1654 : i32 to vector<16xi32>
        %add3A_1656 = arith.addi %add3A_27, %add3A_1655 : vector<16xi32>
        %gather3A_1657 = tpu.vector_load_idx %arg4[%add3A_1656] : memref<32768xf32, #tpu.memory_space<vmem>>[vector<16xi32>], vector<16xf32>,
        %gt3A_1658 = arith.cmpf ogt, %gather3A_1657, %max3A_1318 : vector<16xf32>
        %jit3A_1659 = arith.constant 0 : i32
        %broadcast_in_dim3A_1660 = vector.broadcast %jit3A_1659 : i32 to vector<16xi32>
        %select_n3A_1661 = arith.select %gt3A_1658, %broadcast_in_dim3A_1323, %broadcast_in_dim3A_1660 : vector<16xi1>, vector<16xi32>
        %add3A_1662 = arith.addi %add3A_1653, %select_n3A_1661 : vector<16xi32>
        %add3A_1663 = arith.constant 38 : i32
        %add3A_1664 = vector.broadcast %add3A_1663 : i32 to vector<16xi32>
        %add3A_1665 = arith.addi %add3A_27, %add3A_1664 : vector<16xi32>
        %gather3A_1666 = tpu.vector_load_idx %arg4[%add3A_1665] : memref<32768xf32, #tpu.memory_space<vmem>>[vector<16xi32>], vector<16xf32>,
        %gt3A_1667 = arith.cmpf ogt, %gather3A_1666, %max3A_1318 : vector<16xf32>
        %jit3A_1668 = arith.constant 0 : i32
        %broadcast_in_dim3A_1669 = vector.broadcast %jit3A_1668 : i32 to vector<16xi32>
        %select_n3A_1670 = arith.select %gt3A_1667, %broadcast_in_dim3A_1323, %broadcast_in_dim3A_1669 : vector<16xi1>, vector<16xi32>
        %add3A_1671 = arith.addi %add3A_1662, %select_n3A_1670 : vector<16xi32>
        %add3A_1672 = arith.constant 39 : i32
        %add3A_1673 = vector.broadcast %add3A_1672 : i32 to vector<16xi32>
        %add3A_1674 = arith.addi %add3A_27, %add3A_1673 : vector<16xi32>
        %gather3A_1675 = tpu.vector_load_idx %arg4[%add3A_1674] : memref<32768xf32, #tpu.memory_space<vmem>>[vector<16xi32>], vector<16xf32>,
        %gt3A_1676 = arith.cmpf ogt, %gather3A_1675, %max3A_1318 : vector<16xf32>
        %jit3A_1677 = arith.constant 0 : i32
        %broadcast_in_dim3A_1678 = vector.broadcast %jit3A_1677 : i32 to vector<16xi32>
        %select_n3A_1679 = arith.select %gt3A_1676, %broadcast_in_dim3A_1323, %broadcast_in_dim3A_1678 : vector<16xi1>, vector<16xi32>
        %add3A_1680 = arith.addi %add3A_1671, %select_n3A_1679 : vector<16xi32>
        %add3A_1681 = arith.constant 40 : i32
        %add3A_1682 = vector.broadcast %add3A_1681 : i32 to vector<16xi32>
        %add3A_1683 = arith.addi %add3A_27, %add3A_1682 : vector<16xi32>
        %gather3A_1684 = tpu.vector_load_idx %arg4[%add3A_1683] : memref<32768xf32, #tpu.memory_space<vmem>>[vector<16xi32>], vector<16xf32>,
        %gt3A_1685 = arith.cmpf ogt, %gather3A_1684, %max3A_1318 : vector<16xf32>
        %jit3A_1686 = arith.constant 0 : i32
        %broadcast_in_dim3A_1687 = vector.broadcast %jit3A_1686 : i32 to vector<16xi32>
        %select_n3A_1688 = arith.select %gt3A_1685, %broadcast_in_dim3A_1323, %broadcast_in_dim3A_1687 : vector<16xi1>, vector<16xi32>
        %add3A_1689 = arith.addi %add3A_1680, %select_n3A_1688 : vector<16xi32>
        %add3A_1690 = arith.constant 41 : i32
        %add3A_1691 = vector.broadcast %add3A_1690 : i32 to vector<16xi32>
        %add3A_1692 = arith.addi %add3A_27, %add3A_1691 : vector<16xi32>
        %gather3A_1693 = tpu.vector_load_idx %arg4[%add3A_1692] : memref<32768xf32, #tpu.memory_space<vmem>>[vector<16xi32>], vector<16xf32>,
        %gt3A_1694 = arith.cmpf ogt, %gather3A_1693, %max3A_1318 : vector<16xf32>
        %jit3A_1695 = arith.constant 0 : i32
        %broadcast_in_dim3A_1696 = vector.broadcast %jit3A_1695 : i32 to vector<16xi32>
        %select_n3A_1697 = arith.select %gt3A_1694, %broadcast_in_dim3A_1323, %broadcast_in_dim3A_1696 : vector<16xi1>, vector<16xi32>
        %add3A_1698 = arith.addi %add3A_1689, %select_n3A_1697 : vector<16xi32>
        %add3A_1699 = arith.constant 42 : i32
        %add3A_1700 = vector.broadcast %add3A_1699 : i32 to vector<16xi32>
        %add3A_1701 = arith.addi %add3A_27, %add3A_1700 : vector<16xi32>
        %gather3A_1702 = tpu.vector_load_idx %arg4[%add3A_1701] : memref<32768xf32, #tpu.memory_space<vmem>>[vector<16xi32>], vector<16xf32>,
        %gt3A_1703 = arith.cmpf ogt, %gather3A_1702, %max3A_1318 : vector<16xf32>
        %jit3A_1704 = arith.constant 0 : i32
        %broadcast_in_dim3A_1705 = vector.broadcast %jit3A_1704 : i32 to vector<16xi32>
        %select_n3A_1706 = arith.select %gt3A_1703, %broadcast_in_dim3A_1323, %broadcast_in_dim3A_1705 : vector<16xi1>, vector<16xi32>
        %add3A_1707 = arith.addi %add3A_1698, %select_n3A_1706 : vector<16xi32>
        %add3A_1708 = arith.constant 43 : i32
        %add3A_1709 = vector.broadcast %add3A_1708 : i32 to vector<16xi32>
        %add3A_1710 = arith.addi %add3A_27, %add3A_1709 : vector<16xi32>
        %gather3A_1711 = tpu.vector_load_idx %arg4[%add3A_1710] : memref<32768xf32, #tpu.memory_space<vmem>>[vector<16xi32>], vector<16xf32>,
        %gt3A_1712 = arith.cmpf ogt, %gather3A_1711, %max3A_1318 : vector<16xf32>
        %jit3A_1713 = arith.constant 0 : i32
        %broadcast_in_dim3A_1714 = vector.broadcast %jit3A_1713 : i32 to vector<16xi32>
        %select_n3A_1715 = arith.select %gt3A_1712, %broadcast_in_dim3A_1323, %broadcast_in_dim3A_1714 : vector<16xi1>, vector<16xi32>
        %add3A_1716 = arith.addi %add3A_1707, %select_n3A_1715 : vector<16xi32>
        %add3A_1717 = arith.constant 44 : i32
        %add3A_1718 = vector.broadcast %add3A_1717 : i32 to vector<16xi32>
        %add3A_1719 = arith.addi %add3A_27, %add3A_1718 : vector<16xi32>
        %gather3A_1720 = tpu.vector_load_idx %arg4[%add3A_1719] : memref<32768xf32, #tpu.memory_space<vmem>>[vector<16xi32>], vector<16xf32>,
        %gt3A_1721 = arith.cmpf ogt, %gather3A_1720, %max3A_1318 : vector<16xf32>
        %jit3A_1722 = arith.constant 0 : i32
        %broadcast_in_dim3A_1723 = vector.broadcast %jit3A_1722 : i32 to vector<16xi32>
        %select_n3A_1724 = arith.select %gt3A_1721, %broadcast_in_dim3A_1323, %broadcast_in_dim3A_1723 : vector<16xi1>, vector<16xi32>
        %add3A_1725 = arith.addi %add3A_1716, %select_n3A_1724 : vector<16xi32>
        %add3A_1726 = arith.constant 45 : i32
        %add3A_1727 = vector.broadcast %add3A_1726 : i32 to vector<16xi32>
        %add3A_1728 = arith.addi %add3A_27, %add3A_1727 : vector<16xi32>
        %gather3A_1729 = tpu.vector_load_idx %arg4[%add3A_1728] : memref<32768xf32, #tpu.memory_space<vmem>>[vector<16xi32>], vector<16xf32>,
        %gt3A_1730 = arith.cmpf ogt, %gather3A_1729, %max3A_1318 : vector<16xf32>
        %jit3A_1731 = arith.constant 0 : i32
        %broadcast_in_dim3A_1732 = vector.broadcast %jit3A_1731 : i32 to vector<16xi32>
        %select_n3A_1733 = arith.select %gt3A_1730, %broadcast_in_dim3A_1323, %broadcast_in_dim3A_1732 : vector<16xi1>, vector<16xi32>
        %add3A_1734 = arith.addi %add3A_1725, %select_n3A_1733 : vector<16xi32>
        %add3A_1735 = arith.constant 46 : i32
        %add3A_1736 = vector.broadcast %add3A_1735 : i32 to vector<16xi32>
        %add3A_1737 = arith.addi %add3A_27, %add3A_1736 : vector<16xi32>
        %gather3A_1738 = tpu.vector_load_idx %arg4[%add3A_1737] : memref<32768xf32, #tpu.memory_space<vmem>>[vector<16xi32>], vector<16xf32>,
        %gt3A_1739 = arith.cmpf ogt, %gather3A_1738, %max3A_1318 : vector<16xf32>
        %jit3A_1740 = arith.constant 0 : i32
        %broadcast_in_dim3A_1741 = vector.broadcast %jit3A_1740 : i32 to vector<16xi32>
        %select_n3A_1742 = arith.select %gt3A_1739, %broadcast_in_dim3A_1323, %broadcast_in_dim3A_1741 : vector<16xi1>, vector<16xi32>
        %add3A_1743 = arith.addi %add3A_1734, %select_n3A_1742 : vector<16xi32>
        %add3A_1744 = arith.constant 47 : i32
        %add3A_1745 = vector.broadcast %add3A_1744 : i32 to vector<16xi32>
        %add3A_1746 = arith.addi %add3A_27, %add3A_1745 : vector<16xi32>
        %gather3A_1747 = tpu.vector_load_idx %arg4[%add3A_1746] : memref<32768xf32, #tpu.memory_space<vmem>>[vector<16xi32>], vector<16xf32>,
        %gt3A_1748 = arith.cmpf ogt, %gather3A_1747, %max3A_1318 : vector<16xf32>
        %jit3A_1749 = arith.constant 0 : i32
        %broadcast_in_dim3A_1750 = vector.broadcast %jit3A_1749 : i32 to vector<16xi32>
        %select_n3A_1751 = arith.select %gt3A_1748, %broadcast_in_dim3A_1323, %broadcast_in_dim3A_1750 : vector<16xi1>, vector<16xi32>
        %add3A_1752 = arith.addi %add3A_1743, %select_n3A_1751 : vector<16xi32>
        %add3A_1753 = arith.constant 48 : i32
        %add3A_1754 = vector.broadcast %add3A_1753 : i32 to vector<16xi32>
        %add3A_1755 = arith.addi %add3A_27, %add3A_1754 : vector<16xi32>
        %gather3A_1756 = tpu.vector_load_idx %arg4[%add3A_1755] : memref<32768xf32, #tpu.memory_space<vmem>>[vector<16xi32>], vector<16xf32>,
        %gt3A_1757 = arith.cmpf ogt, %gather3A_1756, %max3A_1318 : vector<16xf32>
        %jit3A_1758 = arith.constant 0 : i32
        %broadcast_in_dim3A_1759 = vector.broadcast %jit3A_1758 : i32 to vector<16xi32>
        %select_n3A_1760 = arith.select %gt3A_1757, %broadcast_in_dim3A_1323, %broadcast_in_dim3A_1759 : vector<16xi1>, vector<16xi32>
        %add3A_1761 = arith.addi %add3A_1752, %select_n3A_1760 : vector<16xi32>
        %add3A_1762 = arith.constant 49 : i32
        %add3A_1763 = vector.broadcast %add3A_1762 : i32 to vector<16xi32>
        %add3A_1764 = arith.addi %add3A_27, %add3A_1763 : vector<16xi32>
        %gather3A_1765 = tpu.vector_load_idx %arg4[%add3A_1764] : memref<32768xf32, #tpu.memory_space<vmem>>[vector<16xi32>], vector<16xf32>,
        %gt3A_1766 = arith.cmpf ogt, %gather3A_1765, %max3A_1318 : vector<16xf32>
        %jit3A_1767 = arith.constant 0 : i32
        %broadcast_in_dim3A_1768 = vector.broadcast %jit3A_1767 : i32 to vector<16xi32>
        %select_n3A_1769 = arith.select %gt3A_1766, %broadcast_in_dim3A_1323, %broadcast_in_dim3A_1768 : vector<16xi1>, vector<16xi32>
        %add3A_1770 = arith.addi %add3A_1761, %select_n3A_1769 : vector<16xi32>
        %add3A_1771 = arith.constant 50 : i32
        %add3A_1772 = vector.broadcast %add3A_1771 : i32 to vector<16xi32>
        %add3A_1773 = arith.addi %add3A_27, %add3A_1772 : vector<16xi32>
        %gather3A_1774 = tpu.vector_load_idx %arg4[%add3A_1773] : memref<32768xf32, #tpu.memory_space<vmem>>[vector<16xi32>], vector<16xf32>,
        %gt3A_1775 = arith.cmpf ogt, %gather3A_1774, %max3A_1318 : vector<16xf32>
        %jit3A_1776 = arith.constant 0 : i32
        %broadcast_in_dim3A_1777 = vector.broadcast %jit3A_1776 : i32 to vector<16xi32>
        %select_n3A_1778 = arith.select %gt3A_1775, %broadcast_in_dim3A_1323, %broadcast_in_dim3A_1777 : vector<16xi1>, vector<16xi32>
        %add3A_1779 = arith.addi %add3A_1770, %select_n3A_1778 : vector<16xi32>
        %add3A_1780 = arith.constant 51 : i32
        %add3A_1781 = vector.broadcast %add3A_1780 : i32 to vector<16xi32>
        %add3A_1782 = arith.addi %add3A_27, %add3A_1781 : vector<16xi32>
        %gather3A_1783 = tpu.vector_load_idx %arg4[%add3A_1782] : memref<32768xf32, #tpu.memory_space<vmem>>[vector<16xi32>], vector<16xf32>,
        %gt3A_1784 = arith.cmpf ogt, %gather3A_1783, %max3A_1318 : vector<16xf32>
        %jit3A_1785 = arith.constant 0 : i32
        %broadcast_in_dim3A_1786 = vector.broadcast %jit3A_1785 : i32 to vector<16xi32>
        %select_n3A_1787 = arith.select %gt3A_1784, %broadcast_in_dim3A_1323, %broadcast_in_dim3A_1786 : vector<16xi1>, vector<16xi32>
        %add3A_1788 = arith.addi %add3A_1779, %select_n3A_1787 : vector<16xi32>
        %add3A_1789 = arith.constant 52 : i32
        %add3A_1790 = vector.broadcast %add3A_1789 : i32 to vector<16xi32>
        %add3A_1791 = arith.addi %add3A_27, %add3A_1790 : vector<16xi32>
        %gather3A_1792 = tpu.vector_load_idx %arg4[%add3A_1791] : memref<32768xf32, #tpu.memory_space<vmem>>[vector<16xi32>], vector<16xf32>,
        %gt3A_1793 = arith.cmpf ogt, %gather3A_1792, %max3A_1318 : vector<16xf32>
        %jit3A_1794 = arith.constant 0 : i32
        %broadcast_in_dim3A_1795 = vector.broadcast %jit3A_1794 : i32 to vector<16xi32>
        %select_n3A_1796 = arith.select %gt3A_1793, %broadcast_in_dim3A_1323, %broadcast_in_dim3A_1795 : vector<16xi1>, vector<16xi32>
        %add3A_1797 = arith.addi %add3A_1788, %select_n3A_1796 : vector<16xi32>
        %add3A_1798 = arith.constant 53 : i32
        %add3A_1799 = vector.broadcast %add3A_1798 : i32 to vector<16xi32>
        %add3A_1800 = arith.addi %add3A_27, %add3A_1799 : vector<16xi32>
        %gather3A_1801 = tpu.vector_load_idx %arg4[%add3A_1800] : memref<32768xf32, #tpu.memory_space<vmem>>[vector<16xi32>], vector<16xf32>,
        %gt3A_1802 = arith.cmpf ogt, %gather3A_1801, %max3A_1318 : vector<16xf32>
        %jit3A_1803 = arith.constant 0 : i32
        %broadcast_in_dim3A_1804 = vector.broadcast %jit3A_1803 : i32 to vector<16xi32>
        %select_n3A_1805 = arith.select %gt3A_1802, %broadcast_in_dim3A_1323, %broadcast_in_dim3A_1804 : vector<16xi1>, vector<16xi32>
        %add3A_1806 = arith.addi %add3A_1797, %select_n3A_1805 : vector<16xi32>
        %add3A_1807 = arith.constant 54 : i32
        %add3A_1808 = vector.broadcast %add3A_1807 : i32 to vector<16xi32>
        %add3A_1809 = arith.addi %add3A_27, %add3A_1808 : vector<16xi32>
        %gather3A_1810 = tpu.vector_load_idx %arg4[%add3A_1809] : memref<32768xf32, #tpu.memory_space<vmem>>[vector<16xi32>], vector<16xf32>,
        %gt3A_1811 = arith.cmpf ogt, %gather3A_1810, %max3A_1318 : vector<16xf32>
        %jit3A_1812 = arith.constant 0 : i32
        %broadcast_in_dim3A_1813 = vector.broadcast %jit3A_1812 : i32 to vector<16xi32>
        %select_n3A_1814 = arith.select %gt3A_1811, %broadcast_in_dim3A_1323, %broadcast_in_dim3A_1813 : vector<16xi1>, vector<16xi32>
        %add3A_1815 = arith.addi %add3A_1806, %select_n3A_1814 : vector<16xi32>
        %add3A_1816 = arith.constant 55 : i32
        %add3A_1817 = vector.broadcast %add3A_1816 : i32 to vector<16xi32>
        %add3A_1818 = arith.addi %add3A_27, %add3A_1817 : vector<16xi32>
        %gather3A_1819 = tpu.vector_load_idx %arg4[%add3A_1818] : memref<32768xf32, #tpu.memory_space<vmem>>[vector<16xi32>], vector<16xf32>,
        %gt3A_1820 = arith.cmpf ogt, %gather3A_1819, %max3A_1318 : vector<16xf32>
        %jit3A_1821 = arith.constant 0 : i32
        %broadcast_in_dim3A_1822 = vector.broadcast %jit3A_1821 : i32 to vector<16xi32>
        %select_n3A_1823 = arith.select %gt3A_1820, %broadcast_in_dim3A_1323, %broadcast_in_dim3A_1822 : vector<16xi1>, vector<16xi32>
        %add3A_1824 = arith.addi %add3A_1815, %select_n3A_1823 : vector<16xi32>
        %add3A_1825 = arith.constant 56 : i32
        %add3A_1826 = vector.broadcast %add3A_1825 : i32 to vector<16xi32>
        %add3A_1827 = arith.addi %add3A_27, %add3A_1826 : vector<16xi32>
        %gather3A_1828 = tpu.vector_load_idx %arg4[%add3A_1827] : memref<32768xf32, #tpu.memory_space<vmem>>[vector<16xi32>], vector<16xf32>,
        %gt3A_1829 = arith.cmpf ogt, %gather3A_1828, %max3A_1318 : vector<16xf32>
        %jit3A_1830 = arith.constant 0 : i32
        %broadcast_in_dim3A_1831 = vector.broadcast %jit3A_1830 : i32 to vector<16xi32>
        %select_n3A_1832 = arith.select %gt3A_1829, %broadcast_in_dim3A_1323, %broadcast_in_dim3A_1831 : vector<16xi1>, vector<16xi32>
        %add3A_1833 = arith.addi %add3A_1824, %select_n3A_1832 : vector<16xi32>
        %add3A_1834 = arith.constant 57 : i32
        %add3A_1835 = vector.broadcast %add3A_1834 : i32 to vector<16xi32>
        %add3A_1836 = arith.addi %add3A_27, %add3A_1835 : vector<16xi32>
        %gather3A_1837 = tpu.vector_load_idx %arg4[%add3A_1836] : memref<32768xf32, #tpu.memory_space<vmem>>[vector<16xi32>], vector<16xf32>,
        %gt3A_1838 = arith.cmpf ogt, %gather3A_1837, %max3A_1318 : vector<16xf32>
        %jit3A_1839 = arith.constant 0 : i32
        %broadcast_in_dim3A_1840 = vector.broadcast %jit3A_1839 : i32 to vector<16xi32>
        %select_n3A_1841 = arith.select %gt3A_1838, %broadcast_in_dim3A_1323, %broadcast_in_dim3A_1840 : vector<16xi1>, vector<16xi32>
        %add3A_1842 = arith.addi %add3A_1833, %select_n3A_1841 : vector<16xi32>
        %add3A_1843 = arith.constant 58 : i32
        %add3A_1844 = vector.broadcast %add3A_1843 : i32 to vector<16xi32>
        %add3A_1845 = arith.addi %add3A_27, %add3A_1844 : vector<16xi32>
        %gather3A_1846 = tpu.vector_load_idx %arg4[%add3A_1845] : memref<32768xf32, #tpu.memory_space<vmem>>[vector<16xi32>], vector<16xf32>,
        %gt3A_1847 = arith.cmpf ogt, %gather3A_1846, %max3A_1318 : vector<16xf32>
        %jit3A_1848 = arith.constant 0 : i32
        %broadcast_in_dim3A_1849 = vector.broadcast %jit3A_1848 : i32 to vector<16xi32>
        %select_n3A_1850 = arith.select %gt3A_1847, %broadcast_in_dim3A_1323, %broadcast_in_dim3A_1849 : vector<16xi1>, vector<16xi32>
        %add3A_1851 = arith.addi %add3A_1842, %select_n3A_1850 : vector<16xi32>
        %add3A_1852 = arith.constant 59 : i32
        %add3A_1853 = vector.broadcast %add3A_1852 : i32 to vector<16xi32>
        %add3A_1854 = arith.addi %add3A_27, %add3A_1853 : vector<16xi32>
        %gather3A_1855 = tpu.vector_load_idx %arg4[%add3A_1854] : memref<32768xf32, #tpu.memory_space<vmem>>[vector<16xi32>], vector<16xf32>,
        %gt3A_1856 = arith.cmpf ogt, %gather3A_1855, %max3A_1318 : vector<16xf32>
        %jit3A_1857 = arith.constant 0 : i32
        %broadcast_in_dim3A_1858 = vector.broadcast %jit3A_1857 : i32 to vector<16xi32>
        %select_n3A_1859 = arith.select %gt3A_1856, %broadcast_in_dim3A_1323, %broadcast_in_dim3A_1858 : vector<16xi1>, vector<16xi32>
        %add3A_1860 = arith.addi %add3A_1851, %select_n3A_1859 : vector<16xi32>
        %add3A_1861 = arith.constant 60 : i32
        %add3A_1862 = vector.broadcast %add3A_1861 : i32 to vector<16xi32>
        %add3A_1863 = arith.addi %add3A_27, %add3A_1862 : vector<16xi32>
        %gather3A_1864 = tpu.vector_load_idx %arg4[%add3A_1863] : memref<32768xf32, #tpu.memory_space<vmem>>[vector<16xi32>], vector<16xf32>,
        %gt3A_1865 = arith.cmpf ogt, %gather3A_1864, %max3A_1318 : vector<16xf32>
        %jit3A_1866 = arith.constant 0 : i32
        %broadcast_in_dim3A_1867 = vector.broadcast %jit3A_1866 : i32 to vector<16xi32>
        %select_n3A_1868 = arith.select %gt3A_1865, %broadcast_in_dim3A_1323, %broadcast_in_dim3A_1867 : vector<16xi1>, vector<16xi32>
        %add3A_1869 = arith.addi %add3A_1860, %select_n3A_1868 : vector<16xi32>
        %add3A_1870 = arith.constant 61 : i32
        %add3A_1871 = vector.broadcast %add3A_1870 : i32 to vector<16xi32>
        %add3A_1872 = arith.addi %add3A_27, %add3A_1871 : vector<16xi32>
        %gather3A_1873 = tpu.vector_load_idx %arg4[%add3A_1872] : memref<32768xf32, #tpu.memory_space<vmem>>[vector<16xi32>], vector<16xf32>,
        %gt3A_1874 = arith.cmpf ogt, %gather3A_1873, %max3A_1318 : vector<16xf32>
        %jit3A_1875 = arith.constant 0 : i32
        %broadcast_in_dim3A_1876 = vector.broadcast %jit3A_1875 : i32 to vector<16xi32>
        %select_n3A_1877 = arith.select %gt3A_1874, %broadcast_in_dim3A_1323, %broadcast_in_dim3A_1876 : vector<16xi1>, vector<16xi32>
        %add3A_1878 = arith.addi %add3A_1869, %select_n3A_1877 : vector<16xi32>
        %add3A_1879 = arith.constant 62 : i32
        %add3A_1880 = vector.broadcast %add3A_1879 : i32 to vector<16xi32>
        %add3A_1881 = arith.addi %add3A_27, %add3A_1880 : vector<16xi32>
        %gather3A_1882 = tpu.vector_load_idx %arg4[%add3A_1881] : memref<32768xf32, #tpu.memory_space<vmem>>[vector<16xi32>], vector<16xf32>,
        %gt3A_1883 = arith.cmpf ogt, %gather3A_1882, %max3A_1318 : vector<16xf32>
        %jit3A_1884 = arith.constant 0 : i32
        %broadcast_in_dim3A_1885 = vector.broadcast %jit3A_1884 : i32 to vector<16xi32>
        %select_n3A_1886 = arith.select %gt3A_1883, %broadcast_in_dim3A_1323, %broadcast_in_dim3A_1885 : vector<16xi1>, vector<16xi32>
        %add3A_1887 = arith.addi %add3A_1878, %select_n3A_1886 : vector<16xi32>
        %add3A_1888 = arith.constant 63 : i32
        %add3A_1889 = vector.broadcast %add3A_1888 : i32 to vector<16xi32>
        %add3A_1890 = arith.addi %add3A_27, %add3A_1889 : vector<16xi32>
        %gather3A_1891 = tpu.vector_load_idx %arg4[%add3A_1890] : memref<32768xf32, #tpu.memory_space<vmem>>[vector<16xi32>], vector<16xf32>,
        %gt3A_1892 = arith.cmpf ogt, %gather3A_1891, %max3A_1318 : vector<16xf32>
        %jit3A_1893 = arith.constant 0 : i32
        %broadcast_in_dim3A_1894 = vector.broadcast %jit3A_1893 : i32 to vector<16xi32>
        %select_n3A_1895 = arith.select %gt3A_1892, %broadcast_in_dim3A_1323, %broadcast_in_dim3A_1894 : vector<16xi1>, vector<16xi32>
        %add3A_1896 = arith.addi %add3A_1887, %select_n3A_1895 : vector<16xi32>
        %add3A_1897 = arith.constant 0 : i32
        %add3A_1898 = vector.broadcast %add3A_1897 : i32 to vector<16xi32>
        %add3A_1899 = arith.addi %add3A_27, %add3A_1898 : vector<16xi32>
        %gather3A_1900 = tpu.vector_load_idx %arg4[%add3A_1899] : memref<32768xf32, #tpu.memory_space<vmem>>[vector<16xi32>], vector<16xf32>,
        %gt3A_1901 = arith.cmpf ogt, %gather3A_1900, %max3A_1318 : vector<16xf32>
        %eq3A = arith.cmpf oeq, %gather3A_1900, %max3A_1318 : vector<16xf32>
        %lt3A = arith.constant 8 : i32
        %lt3A_1902 = vector.broadcast %lt3A : i32 to vector<16xi32>
        %lt3A_1903 = arith.cmpi slt, %add3A_1896, %lt3A_1902 : vector<16xi32>
        %and3A = arith.andi %eq3A, %lt3A_1903 : vector<16xi1>
        %or3A = arith.ori %gt3A_1901, %and3A : vector<16xi1>
        %jit3A_1904 = arith.constant 0 : i32
        %broadcast_in_dim3A_1905 = vector.broadcast %jit3A_1904 : i32 to vector<16xi32>
        %select_n3A_1906 = arith.select %eq3A, %broadcast_in_dim3A_1323, %broadcast_in_dim3A_1905 : vector<16xi1>, vector<16xi32>
        %add3A_1907 = arith.addi %add3A_1896, %select_n3A_1906 : vector<16xi32>
        %max3A_1908 = arith.constant 0.000000e+00 : f32
        %max3A_1909 = vector.broadcast %max3A_1908 : f32 to vector<16xf32>
        %max3A_1910 = arith.maximumf %gather3A_1900, %max3A_1909 : vector<16xf32>
        %mul3A_1911 = arith.constant 2.000000e+00 : f32
        %mul3A_1912 = vector.broadcast %mul3A_1911 : f32 to vector<16xf32>
        %mul3A_1913 = arith.mulf %max3A_1910, %mul3A_1912 : vector<16xf32>
        %min3A_1914 = arith.constant 1.500000e+01 : f32
        %min3A_1915 = vector.broadcast %min3A_1914 : f32 to vector<16xf32>
        %min3A_1916 = arith.minimumf %mul3A_1913, %min3A_1915 : vector<16xf32>
        %convert_element_type3A = arith.fptosi %min3A_1916 : vector<16xf32> to vector<16xi32>
        %convert_element_type3A_1917 = arith.sitofp %convert_element_type3A : vector<16xi32> to vector<16xf32>
        %mul3A_1918 = arith.constant 5.000000e-01 : f32
        %mul3A_1919 = vector.broadcast %mul3A_1918 : f32 to vector<16xf32>
        %mul3A_1920 = arith.mulf %convert_element_type3A_1917, %mul3A_1919 : vector<16xf32>
        %jit3A_1921 = arith.constant 0.000000e+00 : f32
        %broadcast_in_dim3A_1922 = vector.broadcast %jit3A_1921 : f32 to vector<16xf32>
        %select_n3A_1923 = arith.select %or3A, %mul3A_1920, %broadcast_in_dim3A_1922 : vector<16xi1>, vector<16xf32>
        %add3A_1924 = arith.constant 0 : i32
        %add3A_1925 = vector.broadcast %add3A_1924 : i32 to vector<16xi32>
        %add3A_1926 = arith.addi %add3A_27, %add3A_1925 : vector<16xi32>
        tpu.vector_store_idx %arg5[%add3A_1926], %select_n3A_1923 : memref<32768xf32, #tpu.memory_space<vmem>>[vector<16xi32>], vector<16xf32>,
        %add3A_1927 = arith.constant 1 : i32
        %add3A_1928 = vector.broadcast %add3A_1927 : i32 to vector<16xi32>
        %add3A_1929 = arith.addi %add3A_27, %add3A_1928 : vector<16xi32>
        %gather3A_1930 = tpu.vector_load_idx %arg4[%add3A_1929] : memref<32768xf32, #tpu.memory_space<vmem>>[vector<16xi32>], vector<16xf32>,
        %gt3A_1931 = arith.cmpf ogt, %gather3A_1930, %max3A_1318 : vector<16xf32>
        %eq3A_1932 = arith.cmpf oeq, %gather3A_1930, %max3A_1318 : vector<16xf32>
        %lt3A_1933 = arith.constant 8 : i32
        %lt3A_1934 = vector.broadcast %lt3A_1933 : i32 to vector<16xi32>
        %lt3A_1935 = arith.cmpi slt, %add3A_1907, %lt3A_1934 : vector<16xi32>
        %and3A_1936 = arith.andi %eq3A_1932, %lt3A_1935 : vector<16xi1>
        %or3A_1937 = arith.ori %gt3A_1931, %and3A_1936 : vector<16xi1>
        %jit3A_1938 = arith.constant 0 : i32
        %broadcast_in_dim3A_1939 = vector.broadcast %jit3A_1938 : i32 to vector<16xi32>
        %select_n3A_1940 = arith.select %eq3A_1932, %broadcast_in_dim3A_1323, %broadcast_in_dim3A_1939 : vector<16xi1>, vector<16xi32>
        %add3A_1941 = arith.addi %add3A_1907, %select_n3A_1940 : vector<16xi32>
        %max3A_1942 = arith.constant 0.000000e+00 : f32
        %max3A_1943 = vector.broadcast %max3A_1942 : f32 to vector<16xf32>
        %max3A_1944 = arith.maximumf %gather3A_1930, %max3A_1943 : vector<16xf32>
        %mul3A_1945 = arith.constant 2.000000e+00 : f32
        %mul3A_1946 = vector.broadcast %mul3A_1945 : f32 to vector<16xf32>
        %mul3A_1947 = arith.mulf %max3A_1944, %mul3A_1946 : vector<16xf32>
        %min3A_1948 = arith.constant 1.500000e+01 : f32
        %min3A_1949 = vector.broadcast %min3A_1948 : f32 to vector<16xf32>
        %min3A_1950 = arith.minimumf %mul3A_1947, %min3A_1949 : vector<16xf32>
        %convert_element_type3A_1951 = arith.fptosi %min3A_1950 : vector<16xf32> to vector<16xi32>
        %convert_element_type3A_1952 = arith.sitofp %convert_element_type3A_1951 : vector<16xi32> to vector<16xf32>
        %mul3A_1953 = arith.constant 5.000000e-01 : f32
        %mul3A_1954 = vector.broadcast %mul3A_1953 : f32 to vector<16xf32>
        %mul3A_1955 = arith.mulf %convert_element_type3A_1952, %mul3A_1954 : vector<16xf32>
        %jit3A_1956 = arith.constant 0.000000e+00 : f32
        %broadcast_in_dim3A_1957 = vector.broadcast %jit3A_1956 : f32 to vector<16xf32>
        %select_n3A_1958 = arith.select %or3A_1937, %mul3A_1955, %broadcast_in_dim3A_1957 : vector<16xi1>, vector<16xf32>
        %add3A_1959 = arith.constant 1 : i32
        %add3A_1960 = vector.broadcast %add3A_1959 : i32 to vector<16xi32>
        %add3A_1961 = arith.addi %add3A_27, %add3A_1960 : vector<16xi32>
        tpu.vector_store_idx %arg5[%add3A_1961], %select_n3A_1958 : memref<32768xf32, #tpu.memory_space<vmem>>[vector<16xi32>], vector<16xf32>,
        %add3A_1962 = arith.constant 2 : i32
        %add3A_1963 = vector.broadcast %add3A_1962 : i32 to vector<16xi32>
        %add3A_1964 = arith.addi %add3A_27, %add3A_1963 : vector<16xi32>
        %gather3A_1965 = tpu.vector_load_idx %arg4[%add3A_1964] : memref<32768xf32, #tpu.memory_space<vmem>>[vector<16xi32>], vector<16xf32>,
        %gt3A_1966 = arith.cmpf ogt, %gather3A_1965, %max3A_1318 : vector<16xf32>
        %eq3A_1967 = arith.cmpf oeq, %gather3A_1965, %max3A_1318 : vector<16xf32>
        %lt3A_1968 = arith.constant 8 : i32
        %lt3A_1969 = vector.broadcast %lt3A_1968 : i32 to vector<16xi32>
        %lt3A_1970 = arith.cmpi slt, %add3A_1941, %lt3A_1969 : vector<16xi32>
        %and3A_1971 = arith.andi %eq3A_1967, %lt3A_1970 : vector<16xi1>
        %or3A_1972 = arith.ori %gt3A_1966, %and3A_1971 : vector<16xi1>
        %jit3A_1973 = arith.constant 0 : i32
        %broadcast_in_dim3A_1974 = vector.broadcast %jit3A_1973 : i32 to vector<16xi32>
        %select_n3A_1975 = arith.select %eq3A_1967, %broadcast_in_dim3A_1323, %broadcast_in_dim3A_1974 : vector<16xi1>, vector<16xi32>
        %add3A_1976 = arith.addi %add3A_1941, %select_n3A_1975 : vector<16xi32>
        %max3A_1977 = arith.constant 0.000000e+00 : f32
        %max3A_1978 = vector.broadcast %max3A_1977 : f32 to vector<16xf32>
        %max3A_1979 = arith.maximumf %gather3A_1965, %max3A_1978 : vector<16xf32>
        %mul3A_1980 = arith.constant 2.000000e+00 : f32
        %mul3A_1981 = vector.broadcast %mul3A_1980 : f32 to vector<16xf32>
        %mul3A_1982 = arith.mulf %max3A_1979, %mul3A_1981 : vector<16xf32>
        %min3A_1983 = arith.constant 1.500000e+01 : f32
        %min3A_1984 = vector.broadcast %min3A_1983 : f32 to vector<16xf32>
        %min3A_1985 = arith.minimumf %mul3A_1982, %min3A_1984 : vector<16xf32>
        %convert_element_type3A_1986 = arith.fptosi %min3A_1985 : vector<16xf32> to vector<16xi32>
        %convert_element_type3A_1987 = arith.sitofp %convert_element_type3A_1986 : vector<16xi32> to vector<16xf32>
        %mul3A_1988 = arith.constant 5.000000e-01 : f32
        %mul3A_1989 = vector.broadcast %mul3A_1988 : f32 to vector<16xf32>
        %mul3A_1990 = arith.mulf %convert_element_type3A_1987, %mul3A_1989 : vector<16xf32>
        %jit3A_1991 = arith.constant 0.000000e+00 : f32
        %broadcast_in_dim3A_1992 = vector.broadcast %jit3A_1991 : f32 to vector<16xf32>
        %select_n3A_1993 = arith.select %or3A_1972, %mul3A_1990, %broadcast_in_dim3A_1992 : vector<16xi1>, vector<16xf32>
        %add3A_1994 = arith.constant 2 : i32
        %add3A_1995 = vector.broadcast %add3A_1994 : i32 to vector<16xi32>
        %add3A_1996 = arith.addi %add3A_27, %add3A_1995 : vector<16xi32>
        tpu.vector_store_idx %arg5[%add3A_1996], %select_n3A_1993 : memref<32768xf32, #tpu.memory_space<vmem>>[vector<16xi32>], vector<16xf32>,
        %add3A_1997 = arith.constant 3 : i32
        %add3A_1998 = vector.broadcast %add3A_1997 : i32 to vector<16xi32>
        %add3A_1999 = arith.addi %add3A_27, %add3A_1998 : vector<16xi32>
        %gather3A_2000 = tpu.vector_load_idx %arg4[%add3A_1999] : memref<32768xf32, #tpu.memory_space<vmem>>[vector<16xi32>], vector<16xf32>,
        %gt3A_2001 = arith.cmpf ogt, %gather3A_2000, %max3A_1318 : vector<16xf32>
        %eq3A_2002 = arith.cmpf oeq, %gather3A_2000, %max3A_1318 : vector<16xf32>
        %lt3A_2003 = arith.constant 8 : i32
        %lt3A_2004 = vector.broadcast %lt3A_2003 : i32 to vector<16xi32>
        %lt3A_2005 = arith.cmpi slt, %add3A_1976, %lt3A_2004 : vector<16xi32>
        %and3A_2006 = arith.andi %eq3A_2002, %lt3A_2005 : vector<16xi1>
        %or3A_2007 = arith.ori %gt3A_2001, %and3A_2006 : vector<16xi1>
        %jit3A_2008 = arith.constant 0 : i32
        %broadcast_in_dim3A_2009 = vector.broadcast %jit3A_2008 : i32 to vector<16xi32>
        %select_n3A_2010 = arith.select %eq3A_2002, %broadcast_in_dim3A_1323, %broadcast_in_dim3A_2009 : vector<16xi1>, vector<16xi32>
        %add3A_2011 = arith.addi %add3A_1976, %select_n3A_2010 : vector<16xi32>
        %max3A_2012 = arith.constant 0.000000e+00 : f32
        %max3A_2013 = vector.broadcast %max3A_2012 : f32 to vector<16xf32>
        %max3A_2014 = arith.maximumf %gather3A_2000, %max3A_2013 : vector<16xf32>
        %mul3A_2015 = arith.constant 2.000000e+00 : f32
        %mul3A_2016 = vector.broadcast %mul3A_2015 : f32 to vector<16xf32>
        %mul3A_2017 = arith.mulf %max3A_2014, %mul3A_2016 : vector<16xf32>
        %min3A_2018 = arith.constant 1.500000e+01 : f32
        %min3A_2019 = vector.broadcast %min3A_2018 : f32 to vector<16xf32>
        %min3A_2020 = arith.minimumf %mul3A_2017, %min3A_2019 : vector<16xf32>
        %convert_element_type3A_2021 = arith.fptosi %min3A_2020 : vector<16xf32> to vector<16xi32>
        %convert_element_type3A_2022 = arith.sitofp %convert_element_type3A_2021 : vector<16xi32> to vector<16xf32>
        %mul3A_2023 = arith.constant 5.000000e-01 : f32
        %mul3A_2024 = vector.broadcast %mul3A_2023 : f32 to vector<16xf32>
        %mul3A_2025 = arith.mulf %convert_element_type3A_2022, %mul3A_2024 : vector<16xf32>
        %jit3A_2026 = arith.constant 0.000000e+00 : f32
        %broadcast_in_dim3A_2027 = vector.broadcast %jit3A_2026 : f32 to vector<16xf32>
        %select_n3A_2028 = arith.select %or3A_2007, %mul3A_2025, %broadcast_in_dim3A_2027 : vector<16xi1>, vector<16xf32>
        %add3A_2029 = arith.constant 3 : i32
        %add3A_2030 = vector.broadcast %add3A_2029 : i32 to vector<16xi32>
        %add3A_2031 = arith.addi %add3A_27, %add3A_2030 : vector<16xi32>
        tpu.vector_store_idx %arg5[%add3A_2031], %select_n3A_2028 : memref<32768xf32, #tpu.memory_space<vmem>>[vector<16xi32>], vector<16xf32>,
        %add3A_2032 = arith.constant 4 : i32
        %add3A_2033 = vector.broadcast %add3A_2032 : i32 to vector<16xi32>
        %add3A_2034 = arith.addi %add3A_27, %add3A_2033 : vector<16xi32>
        %gather3A_2035 = tpu.vector_load_idx %arg4[%add3A_2034] : memref<32768xf32, #tpu.memory_space<vmem>>[vector<16xi32>], vector<16xf32>,
        %gt3A_2036 = arith.cmpf ogt, %gather3A_2035, %max3A_1318 : vector<16xf32>
        %eq3A_2037 = arith.cmpf oeq, %gather3A_2035, %max3A_1318 : vector<16xf32>
        %lt3A_2038 = arith.constant 8 : i32
        %lt3A_2039 = vector.broadcast %lt3A_2038 : i32 to vector<16xi32>
        %lt3A_2040 = arith.cmpi slt, %add3A_2011, %lt3A_2039 : vector<16xi32>
        %and3A_2041 = arith.andi %eq3A_2037, %lt3A_2040 : vector<16xi1>
        %or3A_2042 = arith.ori %gt3A_2036, %and3A_2041 : vector<16xi1>
        %jit3A_2043 = arith.constant 0 : i32
        %broadcast_in_dim3A_2044 = vector.broadcast %jit3A_2043 : i32 to vector<16xi32>
        %select_n3A_2045 = arith.select %eq3A_2037, %broadcast_in_dim3A_1323, %broadcast_in_dim3A_2044 : vector<16xi1>, vector<16xi32>
        %add3A_2046 = arith.addi %add3A_2011, %select_n3A_2045 : vector<16xi32>
        %max3A_2047 = arith.constant 0.000000e+00 : f32
        %max3A_2048 = vector.broadcast %max3A_2047 : f32 to vector<16xf32>
        %max3A_2049 = arith.maximumf %gather3A_2035, %max3A_2048 : vector<16xf32>
        %mul3A_2050 = arith.constant 2.000000e+00 : f32
        %mul3A_2051 = vector.broadcast %mul3A_2050 : f32 to vector<16xf32>
        %mul3A_2052 = arith.mulf %max3A_2049, %mul3A_2051 : vector<16xf32>
        %min3A_2053 = arith.constant 1.500000e+01 : f32
        %min3A_2054 = vector.broadcast %min3A_2053 : f32 to vector<16xf32>
        %min3A_2055 = arith.minimumf %mul3A_2052, %min3A_2054 : vector<16xf32>
        %convert_element_type3A_2056 = arith.fptosi %min3A_2055 : vector<16xf32> to vector<16xi32>
        %convert_element_type3A_2057 = arith.sitofp %convert_element_type3A_2056 : vector<16xi32> to vector<16xf32>
        %mul3A_2058 = arith.constant 5.000000e-01 : f32
        %mul3A_2059 = vector.broadcast %mul3A_2058 : f32 to vector<16xf32>
        %mul3A_2060 = arith.mulf %convert_element_type3A_2057, %mul3A_2059 : vector<16xf32>
        %jit3A_2061 = arith.constant 0.000000e+00 : f32
        %broadcast_in_dim3A_2062 = vector.broadcast %jit3A_2061 : f32 to vector<16xf32>
        %select_n3A_2063 = arith.select %or3A_2042, %mul3A_2060, %broadcast_in_dim3A_2062 : vector<16xi1>, vector<16xf32>
        %add3A_2064 = arith.constant 4 : i32
        %add3A_2065 = vector.broadcast %add3A_2064 : i32 to vector<16xi32>
        %add3A_2066 = arith.addi %add3A_27, %add3A_2065 : vector<16xi32>
        tpu.vector_store_idx %arg5[%add3A_2066], %select_n3A_2063 : memref<32768xf32, #tpu.memory_space<vmem>>[vector<16xi32>], vector<16xf32>,
        %add3A_2067 = arith.constant 5 : i32
        %add3A_2068 = vector.broadcast %add3A_2067 : i32 to vector<16xi32>
        %add3A_2069 = arith.addi %add3A_27, %add3A_2068 : vector<16xi32>
        %gather3A_2070 = tpu.vector_load_idx %arg4[%add3A_2069] : memref<32768xf32, #tpu.memory_space<vmem>>[vector<16xi32>], vector<16xf32>,
        %gt3A_2071 = arith.cmpf ogt, %gather3A_2070, %max3A_1318 : vector<16xf32>
        %eq3A_2072 = arith.cmpf oeq, %gather3A_2070, %max3A_1318 : vector<16xf32>
        %lt3A_2073 = arith.constant 8 : i32
        %lt3A_2074 = vector.broadcast %lt3A_2073 : i32 to vector<16xi32>
        %lt3A_2075 = arith.cmpi slt, %add3A_2046, %lt3A_2074 : vector<16xi32>
        %and3A_2076 = arith.andi %eq3A_2072, %lt3A_2075 : vector<16xi1>
        %or3A_2077 = arith.ori %gt3A_2071, %and3A_2076 : vector<16xi1>
        %jit3A_2078 = arith.constant 0 : i32
        %broadcast_in_dim3A_2079 = vector.broadcast %jit3A_2078 : i32 to vector<16xi32>
        %select_n3A_2080 = arith.select %eq3A_2072, %broadcast_in_dim3A_1323, %broadcast_in_dim3A_2079 : vector<16xi1>, vector<16xi32>
        %add3A_2081 = arith.addi %add3A_2046, %select_n3A_2080 : vector<16xi32>
        %max3A_2082 = arith.constant 0.000000e+00 : f32
        %max3A_2083 = vector.broadcast %max3A_2082 : f32 to vector<16xf32>
        %max3A_2084 = arith.maximumf %gather3A_2070, %max3A_2083 : vector<16xf32>
        %mul3A_2085 = arith.constant 2.000000e+00 : f32
        %mul3A_2086 = vector.broadcast %mul3A_2085 : f32 to vector<16xf32>
        %mul3A_2087 = arith.mulf %max3A_2084, %mul3A_2086 : vector<16xf32>
        %min3A_2088 = arith.constant 1.500000e+01 : f32
        %min3A_2089 = vector.broadcast %min3A_2088 : f32 to vector<16xf32>
        %min3A_2090 = arith.minimumf %mul3A_2087, %min3A_2089 : vector<16xf32>
        %convert_element_type3A_2091 = arith.fptosi %min3A_2090 : vector<16xf32> to vector<16xi32>
        %convert_element_type3A_2092 = arith.sitofp %convert_element_type3A_2091 : vector<16xi32> to vector<16xf32>
        %mul3A_2093 = arith.constant 5.000000e-01 : f32
        %mul3A_2094 = vector.broadcast %mul3A_2093 : f32 to vector<16xf32>
        %mul3A_2095 = arith.mulf %convert_element_type3A_2092, %mul3A_2094 : vector<16xf32>
        %jit3A_2096 = arith.constant 0.000000e+00 : f32
        %broadcast_in_dim3A_2097 = vector.broadcast %jit3A_2096 : f32 to vector<16xf32>
        %select_n3A_2098 = arith.select %or3A_2077, %mul3A_2095, %broadcast_in_dim3A_2097 : vector<16xi1>, vector<16xf32>
        %add3A_2099 = arith.constant 5 : i32
        %add3A_2100 = vector.broadcast %add3A_2099 : i32 to vector<16xi32>
        %add3A_2101 = arith.addi %add3A_27, %add3A_2100 : vector<16xi32>
        tpu.vector_store_idx %arg5[%add3A_2101], %select_n3A_2098 : memref<32768xf32, #tpu.memory_space<vmem>>[vector<16xi32>], vector<16xf32>,
        %add3A_2102 = arith.constant 6 : i32
        %add3A_2103 = vector.broadcast %add3A_2102 : i32 to vector<16xi32>
        %add3A_2104 = arith.addi %add3A_27, %add3A_2103 : vector<16xi32>
        %gather3A_2105 = tpu.vector_load_idx %arg4[%add3A_2104] : memref<32768xf32, #tpu.memory_space<vmem>>[vector<16xi32>], vector<16xf32>,
        %gt3A_2106 = arith.cmpf ogt, %gather3A_2105, %max3A_1318 : vector<16xf32>
        %eq3A_2107 = arith.cmpf oeq, %gather3A_2105, %max3A_1318 : vector<16xf32>
        %lt3A_2108 = arith.constant 8 : i32
        %lt3A_2109 = vector.broadcast %lt3A_2108 : i32 to vector<16xi32>
        %lt3A_2110 = arith.cmpi slt, %add3A_2081, %lt3A_2109 : vector<16xi32>
        %and3A_2111 = arith.andi %eq3A_2107, %lt3A_2110 : vector<16xi1>
        %or3A_2112 = arith.ori %gt3A_2106, %and3A_2111 : vector<16xi1>
        %jit3A_2113 = arith.constant 0 : i32
        %broadcast_in_dim3A_2114 = vector.broadcast %jit3A_2113 : i32 to vector<16xi32>
        %select_n3A_2115 = arith.select %eq3A_2107, %broadcast_in_dim3A_1323, %broadcast_in_dim3A_2114 : vector<16xi1>, vector<16xi32>
        %add3A_2116 = arith.addi %add3A_2081, %select_n3A_2115 : vector<16xi32>
        %max3A_2117 = arith.constant 0.000000e+00 : f32
        %max3A_2118 = vector.broadcast %max3A_2117 : f32 to vector<16xf32>
        %max3A_2119 = arith.maximumf %gather3A_2105, %max3A_2118 : vector<16xf32>
        %mul3A_2120 = arith.constant 2.000000e+00 : f32
        %mul3A_2121 = vector.broadcast %mul3A_2120 : f32 to vector<16xf32>
        %mul3A_2122 = arith.mulf %max3A_2119, %mul3A_2121 : vector<16xf32>
        %min3A_2123 = arith.constant 1.500000e+01 : f32
        %min3A_2124 = vector.broadcast %min3A_2123 : f32 to vector<16xf32>
        %min3A_2125 = arith.minimumf %mul3A_2122, %min3A_2124 : vector<16xf32>
        %convert_element_type3A_2126 = arith.fptosi %min3A_2125 : vector<16xf32> to vector<16xi32>
        %convert_element_type3A_2127 = arith.sitofp %convert_element_type3A_2126 : vector<16xi32> to vector<16xf32>
        %mul3A_2128 = arith.constant 5.000000e-01 : f32
        %mul3A_2129 = vector.broadcast %mul3A_2128 : f32 to vector<16xf32>
        %mul3A_2130 = arith.mulf %convert_element_type3A_2127, %mul3A_2129 : vector<16xf32>
        %jit3A_2131 = arith.constant 0.000000e+00 : f32
        %broadcast_in_dim3A_2132 = vector.broadcast %jit3A_2131 : f32 to vector<16xf32>
        %select_n3A_2133 = arith.select %or3A_2112, %mul3A_2130, %broadcast_in_dim3A_2132 : vector<16xi1>, vector<16xf32>
        %add3A_2134 = arith.constant 6 : i32
        %add3A_2135 = vector.broadcast %add3A_2134 : i32 to vector<16xi32>
        %add3A_2136 = arith.addi %add3A_27, %add3A_2135 : vector<16xi32>
        tpu.vector_store_idx %arg5[%add3A_2136], %select_n3A_2133 : memref<32768xf32, #tpu.memory_space<vmem>>[vector<16xi32>], vector<16xf32>,
        %add3A_2137 = arith.constant 7 : i32
        %add3A_2138 = vector.broadcast %add3A_2137 : i32 to vector<16xi32>
        %add3A_2139 = arith.addi %add3A_27, %add3A_2138 : vector<16xi32>
        %gather3A_2140 = tpu.vector_load_idx %arg4[%add3A_2139] : memref<32768xf32, #tpu.memory_space<vmem>>[vector<16xi32>], vector<16xf32>,
        %gt3A_2141 = arith.cmpf ogt, %gather3A_2140, %max3A_1318 : vector<16xf32>
        %eq3A_2142 = arith.cmpf oeq, %gather3A_2140, %max3A_1318 : vector<16xf32>
        %lt3A_2143 = arith.constant 8 : i32
        %lt3A_2144 = vector.broadcast %lt3A_2143 : i32 to vector<16xi32>
        %lt3A_2145 = arith.cmpi slt, %add3A_2116, %lt3A_2144 : vector<16xi32>
        %and3A_2146 = arith.andi %eq3A_2142, %lt3A_2145 : vector<16xi1>
        %or3A_2147 = arith.ori %gt3A_2141, %and3A_2146 : vector<16xi1>
        %jit3A_2148 = arith.constant 0 : i32
        %broadcast_in_dim3A_2149 = vector.broadcast %jit3A_2148 : i32 to vector<16xi32>
        %select_n3A_2150 = arith.select %eq3A_2142, %broadcast_in_dim3A_1323, %broadcast_in_dim3A_2149 : vector<16xi1>, vector<16xi32>
        %add3A_2151 = arith.addi %add3A_2116, %select_n3A_2150 : vector<16xi32>
        %max3A_2152 = arith.constant 0.000000e+00 : f32
        %max3A_2153 = vector.broadcast %max3A_2152 : f32 to vector<16xf32>
        %max3A_2154 = arith.maximumf %gather3A_2140, %max3A_2153 : vector<16xf32>
        %mul3A_2155 = arith.constant 2.000000e+00 : f32
        %mul3A_2156 = vector.broadcast %mul3A_2155 : f32 to vector<16xf32>
        %mul3A_2157 = arith.mulf %max3A_2154, %mul3A_2156 : vector<16xf32>
        %min3A_2158 = arith.constant 1.500000e+01 : f32
        %min3A_2159 = vector.broadcast %min3A_2158 : f32 to vector<16xf32>
        %min3A_2160 = arith.minimumf %mul3A_2157, %min3A_2159 : vector<16xf32>
        %convert_element_type3A_2161 = arith.fptosi %min3A_2160 : vector<16xf32> to vector<16xi32>
        %convert_element_type3A_2162 = arith.sitofp %convert_element_type3A_2161 : vector<16xi32> to vector<16xf32>
        %mul3A_2163 = arith.constant 5.000000e-01 : f32
        %mul3A_2164 = vector.broadcast %mul3A_2163 : f32 to vector<16xf32>
        %mul3A_2165 = arith.mulf %convert_element_type3A_2162, %mul3A_2164 : vector<16xf32>
        %jit3A_2166 = arith.constant 0.000000e+00 : f32
        %broadcast_in_dim3A_2167 = vector.broadcast %jit3A_2166 : f32 to vector<16xf32>
        %select_n3A_2168 = arith.select %or3A_2147, %mul3A_2165, %broadcast_in_dim3A_2167 : vector<16xi1>, vector<16xf32>
        %add3A_2169 = arith.constant 7 : i32
        %add3A_2170 = vector.broadcast %add3A_2169 : i32 to vector<16xi32>
        %add3A_2171 = arith.addi %add3A_27, %add3A_2170 : vector<16xi32>
        tpu.vector_store_idx %arg5[%add3A_2171], %select_n3A_2168 : memref<32768xf32, #tpu.memory_space<vmem>>[vector<16xi32>], vector<16xf32>,
        %add3A_2172 = arith.constant 8 : i32
        %add3A_2173 = vector.broadcast %add3A_2172 : i32 to vector<16xi32>
        %add3A_2174 = arith.addi %add3A_27, %add3A_2173 : vector<16xi32>
        %gather3A_2175 = tpu.vector_load_idx %arg4[%add3A_2174] : memref<32768xf32, #tpu.memory_space<vmem>>[vector<16xi32>], vector<16xf32>,
        %gt3A_2176 = arith.cmpf ogt, %gather3A_2175, %max3A_1318 : vector<16xf32>
        %eq3A_2177 = arith.cmpf oeq, %gather3A_2175, %max3A_1318 : vector<16xf32>
        %lt3A_2178 = arith.constant 8 : i32
        %lt3A_2179 = vector.broadcast %lt3A_2178 : i32 to vector<16xi32>
        %lt3A_2180 = arith.cmpi slt, %add3A_2151, %lt3A_2179 : vector<16xi32>
        %and3A_2181 = arith.andi %eq3A_2177, %lt3A_2180 : vector<16xi1>
        %or3A_2182 = arith.ori %gt3A_2176, %and3A_2181 : vector<16xi1>
        %jit3A_2183 = arith.constant 0 : i32
        %broadcast_in_dim3A_2184 = vector.broadcast %jit3A_2183 : i32 to vector<16xi32>
        %select_n3A_2185 = arith.select %eq3A_2177, %broadcast_in_dim3A_1323, %broadcast_in_dim3A_2184 : vector<16xi1>, vector<16xi32>
        %add3A_2186 = arith.addi %add3A_2151, %select_n3A_2185 : vector<16xi32>
        %max3A_2187 = arith.constant 0.000000e+00 : f32
        %max3A_2188 = vector.broadcast %max3A_2187 : f32 to vector<16xf32>
        %max3A_2189 = arith.maximumf %gather3A_2175, %max3A_2188 : vector<16xf32>
        %mul3A_2190 = arith.constant 2.000000e+00 : f32
        %mul3A_2191 = vector.broadcast %mul3A_2190 : f32 to vector<16xf32>
        %mul3A_2192 = arith.mulf %max3A_2189, %mul3A_2191 : vector<16xf32>
        %min3A_2193 = arith.constant 1.500000e+01 : f32
        %min3A_2194 = vector.broadcast %min3A_2193 : f32 to vector<16xf32>
        %min3A_2195 = arith.minimumf %mul3A_2192, %min3A_2194 : vector<16xf32>
        %convert_element_type3A_2196 = arith.fptosi %min3A_2195 : vector<16xf32> to vector<16xi32>
        %convert_element_type3A_2197 = arith.sitofp %convert_element_type3A_2196 : vector<16xi32> to vector<16xf32>
        %mul3A_2198 = arith.constant 5.000000e-01 : f32
        %mul3A_2199 = vector.broadcast %mul3A_2198 : f32 to vector<16xf32>
        %mul3A_2200 = arith.mulf %convert_element_type3A_2197, %mul3A_2199 : vector<16xf32>
        %jit3A_2201 = arith.constant 0.000000e+00 : f32
        %broadcast_in_dim3A_2202 = vector.broadcast %jit3A_2201 : f32 to vector<16xf32>
        %select_n3A_2203 = arith.select %or3A_2182, %mul3A_2200, %broadcast_in_dim3A_2202 : vector<16xi1>, vector<16xf32>
        %add3A_2204 = arith.constant 8 : i32
        %add3A_2205 = vector.broadcast %add3A_2204 : i32 to vector<16xi32>
        %add3A_2206 = arith.addi %add3A_27, %add3A_2205 : vector<16xi32>
        tpu.vector_store_idx %arg5[%add3A_2206], %select_n3A_2203 : memref<32768xf32, #tpu.memory_space<vmem>>[vector<16xi32>], vector<16xf32>,
        %add3A_2207 = arith.constant 9 : i32
        %add3A_2208 = vector.broadcast %add3A_2207 : i32 to vector<16xi32>
        %add3A_2209 = arith.addi %add3A_27, %add3A_2208 : vector<16xi32>
        %gather3A_2210 = tpu.vector_load_idx %arg4[%add3A_2209] : memref<32768xf32, #tpu.memory_space<vmem>>[vector<16xi32>], vector<16xf32>,
        %gt3A_2211 = arith.cmpf ogt, %gather3A_2210, %max3A_1318 : vector<16xf32>
        %eq3A_2212 = arith.cmpf oeq, %gather3A_2210, %max3A_1318 : vector<16xf32>
        %lt3A_2213 = arith.constant 8 : i32
        %lt3A_2214 = vector.broadcast %lt3A_2213 : i32 to vector<16xi32>
        %lt3A_2215 = arith.cmpi slt, %add3A_2186, %lt3A_2214 : vector<16xi32>
        %and3A_2216 = arith.andi %eq3A_2212, %lt3A_2215 : vector<16xi1>
        %or3A_2217 = arith.ori %gt3A_2211, %and3A_2216 : vector<16xi1>
        %jit3A_2218 = arith.constant 0 : i32
        %broadcast_in_dim3A_2219 = vector.broadcast %jit3A_2218 : i32 to vector<16xi32>
        %select_n3A_2220 = arith.select %eq3A_2212, %broadcast_in_dim3A_1323, %broadcast_in_dim3A_2219 : vector<16xi1>, vector<16xi32>
        %add3A_2221 = arith.addi %add3A_2186, %select_n3A_2220 : vector<16xi32>
        %max3A_2222 = arith.constant 0.000000e+00 : f32
        %max3A_2223 = vector.broadcast %max3A_2222 : f32 to vector<16xf32>
        %max3A_2224 = arith.maximumf %gather3A_2210, %max3A_2223 : vector<16xf32>
        %mul3A_2225 = arith.constant 2.000000e+00 : f32
        %mul3A_2226 = vector.broadcast %mul3A_2225 : f32 to vector<16xf32>
        %mul3A_2227 = arith.mulf %max3A_2224, %mul3A_2226 : vector<16xf32>
        %min3A_2228 = arith.constant 1.500000e+01 : f32
        %min3A_2229 = vector.broadcast %min3A_2228 : f32 to vector<16xf32>
        %min3A_2230 = arith.minimumf %mul3A_2227, %min3A_2229 : vector<16xf32>
        %convert_element_type3A_2231 = arith.fptosi %min3A_2230 : vector<16xf32> to vector<16xi32>
        %convert_element_type3A_2232 = arith.sitofp %convert_element_type3A_2231 : vector<16xi32> to vector<16xf32>
        %mul3A_2233 = arith.constant 5.000000e-01 : f32
        %mul3A_2234 = vector.broadcast %mul3A_2233 : f32 to vector<16xf32>
        %mul3A_2235 = arith.mulf %convert_element_type3A_2232, %mul3A_2234 : vector<16xf32>
        %jit3A_2236 = arith.constant 0.000000e+00 : f32
        %broadcast_in_dim3A_2237 = vector.broadcast %jit3A_2236 : f32 to vector<16xf32>
        %select_n3A_2238 = arith.select %or3A_2217, %mul3A_2235, %broadcast_in_dim3A_2237 : vector<16xi1>, vector<16xf32>
        %add3A_2239 = arith.constant 9 : i32
        %add3A_2240 = vector.broadcast %add3A_2239 : i32 to vector<16xi32>
        %add3A_2241 = arith.addi %add3A_27, %add3A_2240 : vector<16xi32>
        tpu.vector_store_idx %arg5[%add3A_2241], %select_n3A_2238 : memref<32768xf32, #tpu.memory_space<vmem>>[vector<16xi32>], vector<16xf32>,
        %add3A_2242 = arith.constant 10 : i32
        %add3A_2243 = vector.broadcast %add3A_2242 : i32 to vector<16xi32>
        %add3A_2244 = arith.addi %add3A_27, %add3A_2243 : vector<16xi32>
        %gather3A_2245 = tpu.vector_load_idx %arg4[%add3A_2244] : memref<32768xf32, #tpu.memory_space<vmem>>[vector<16xi32>], vector<16xf32>,
        %gt3A_2246 = arith.cmpf ogt, %gather3A_2245, %max3A_1318 : vector<16xf32>
        %eq3A_2247 = arith.cmpf oeq, %gather3A_2245, %max3A_1318 : vector<16xf32>
        %lt3A_2248 = arith.constant 8 : i32
        %lt3A_2249 = vector.broadcast %lt3A_2248 : i32 to vector<16xi32>
        %lt3A_2250 = arith.cmpi slt, %add3A_2221, %lt3A_2249 : vector<16xi32>
        %and3A_2251 = arith.andi %eq3A_2247, %lt3A_2250 : vector<16xi1>
        %or3A_2252 = arith.ori %gt3A_2246, %and3A_2251 : vector<16xi1>
        %jit3A_2253 = arith.constant 0 : i32
        %broadcast_in_dim3A_2254 = vector.broadcast %jit3A_2253 : i32 to vector<16xi32>
        %select_n3A_2255 = arith.select %eq3A_2247, %broadcast_in_dim3A_1323, %broadcast_in_dim3A_2254 : vector<16xi1>, vector<16xi32>
        %add3A_2256 = arith.addi %add3A_2221, %select_n3A_2255 : vector<16xi32>
        %max3A_2257 = arith.constant 0.000000e+00 : f32
        %max3A_2258 = vector.broadcast %max3A_2257 : f32 to vector<16xf32>
        %max3A_2259 = arith.maximumf %gather3A_2245, %max3A_2258 : vector<16xf32>
        %mul3A_2260 = arith.constant 2.000000e+00 : f32
        %mul3A_2261 = vector.broadcast %mul3A_2260 : f32 to vector<16xf32>
        %mul3A_2262 = arith.mulf %max3A_2259, %mul3A_2261 : vector<16xf32>
        %min3A_2263 = arith.constant 1.500000e+01 : f32
        %min3A_2264 = vector.broadcast %min3A_2263 : f32 to vector<16xf32>
        %min3A_2265 = arith.minimumf %mul3A_2262, %min3A_2264 : vector<16xf32>
        %convert_element_type3A_2266 = arith.fptosi %min3A_2265 : vector<16xf32> to vector<16xi32>
        %convert_element_type3A_2267 = arith.sitofp %convert_element_type3A_2266 : vector<16xi32> to vector<16xf32>
        %mul3A_2268 = arith.constant 5.000000e-01 : f32
        %mul3A_2269 = vector.broadcast %mul3A_2268 : f32 to vector<16xf32>
        %mul3A_2270 = arith.mulf %convert_element_type3A_2267, %mul3A_2269 : vector<16xf32>
        %jit3A_2271 = arith.constant 0.000000e+00 : f32
        %broadcast_in_dim3A_2272 = vector.broadcast %jit3A_2271 : f32 to vector<16xf32>
        %select_n3A_2273 = arith.select %or3A_2252, %mul3A_2270, %broadcast_in_dim3A_2272 : vector<16xi1>, vector<16xf32>
        %add3A_2274 = arith.constant 10 : i32
        %add3A_2275 = vector.broadcast %add3A_2274 : i32 to vector<16xi32>
        %add3A_2276 = arith.addi %add3A_27, %add3A_2275 : vector<16xi32>
        tpu.vector_store_idx %arg5[%add3A_2276], %select_n3A_2273 : memref<32768xf32, #tpu.memory_space<vmem>>[vector<16xi32>], vector<16xf32>,
        %add3A_2277 = arith.constant 11 : i32
        %add3A_2278 = vector.broadcast %add3A_2277 : i32 to vector<16xi32>
        %add3A_2279 = arith.addi %add3A_27, %add3A_2278 : vector<16xi32>
        %gather3A_2280 = tpu.vector_load_idx %arg4[%add3A_2279] : memref<32768xf32, #tpu.memory_space<vmem>>[vector<16xi32>], vector<16xf32>,
        %gt3A_2281 = arith.cmpf ogt, %gather3A_2280, %max3A_1318 : vector<16xf32>
        %eq3A_2282 = arith.cmpf oeq, %gather3A_2280, %max3A_1318 : vector<16xf32>
        %lt3A_2283 = arith.constant 8 : i32
        %lt3A_2284 = vector.broadcast %lt3A_2283 : i32 to vector<16xi32>
        %lt3A_2285 = arith.cmpi slt, %add3A_2256, %lt3A_2284 : vector<16xi32>
        %and3A_2286 = arith.andi %eq3A_2282, %lt3A_2285 : vector<16xi1>
        %or3A_2287 = arith.ori %gt3A_2281, %and3A_2286 : vector<16xi1>
        %jit3A_2288 = arith.constant 0 : i32
        %broadcast_in_dim3A_2289 = vector.broadcast %jit3A_2288 : i32 to vector<16xi32>
        %select_n3A_2290 = arith.select %eq3A_2282, %broadcast_in_dim3A_1323, %broadcast_in_dim3A_2289 : vector<16xi1>, vector<16xi32>
        %add3A_2291 = arith.addi %add3A_2256, %select_n3A_2290 : vector<16xi32>
        %max3A_2292 = arith.constant 0.000000e+00 : f32
        %max3A_2293 = vector.broadcast %max3A_2292 : f32 to vector<16xf32>
        %max3A_2294 = arith.maximumf %gather3A_2280, %max3A_2293 : vector<16xf32>
        %mul3A_2295 = arith.constant 2.000000e+00 : f32
        %mul3A_2296 = vector.broadcast %mul3A_2295 : f32 to vector<16xf32>
        %mul3A_2297 = arith.mulf %max3A_2294, %mul3A_2296 : vector<16xf32>
        %min3A_2298 = arith.constant 1.500000e+01 : f32
        %min3A_2299 = vector.broadcast %min3A_2298 : f32 to vector<16xf32>
        %min3A_2300 = arith.minimumf %mul3A_2297, %min3A_2299 : vector<16xf32>
        %convert_element_type3A_2301 = arith.fptosi %min3A_2300 : vector<16xf32> to vector<16xi32>
        %convert_element_type3A_2302 = arith.sitofp %convert_element_type3A_2301 : vector<16xi32> to vector<16xf32>
        %mul3A_2303 = arith.constant 5.000000e-01 : f32
        %mul3A_2304 = vector.broadcast %mul3A_2303 : f32 to vector<16xf32>
        %mul3A_2305 = arith.mulf %convert_element_type3A_2302, %mul3A_2304 : vector<16xf32>
        %jit3A_2306 = arith.constant 0.000000e+00 : f32
        %broadcast_in_dim3A_2307 = vector.broadcast %jit3A_2306 : f32 to vector<16xf32>
        %select_n3A_2308 = arith.select %or3A_2287, %mul3A_2305, %broadcast_in_dim3A_2307 : vector<16xi1>, vector<16xf32>
        %add3A_2309 = arith.constant 11 : i32
        %add3A_2310 = vector.broadcast %add3A_2309 : i32 to vector<16xi32>
        %add3A_2311 = arith.addi %add3A_27, %add3A_2310 : vector<16xi32>
        tpu.vector_store_idx %arg5[%add3A_2311], %select_n3A_2308 : memref<32768xf32, #tpu.memory_space<vmem>>[vector<16xi32>], vector<16xf32>,
        %add3A_2312 = arith.constant 12 : i32
        %add3A_2313 = vector.broadcast %add3A_2312 : i32 to vector<16xi32>
        %add3A_2314 = arith.addi %add3A_27, %add3A_2313 : vector<16xi32>
        %gather3A_2315 = tpu.vector_load_idx %arg4[%add3A_2314] : memref<32768xf32, #tpu.memory_space<vmem>>[vector<16xi32>], vector<16xf32>,
        %gt3A_2316 = arith.cmpf ogt, %gather3A_2315, %max3A_1318 : vector<16xf32>
        %eq3A_2317 = arith.cmpf oeq, %gather3A_2315, %max3A_1318 : vector<16xf32>
        %lt3A_2318 = arith.constant 8 : i32
        %lt3A_2319 = vector.broadcast %lt3A_2318 : i32 to vector<16xi32>
        %lt3A_2320 = arith.cmpi slt, %add3A_2291, %lt3A_2319 : vector<16xi32>
        %and3A_2321 = arith.andi %eq3A_2317, %lt3A_2320 : vector<16xi1>
        %or3A_2322 = arith.ori %gt3A_2316, %and3A_2321 : vector<16xi1>
        %jit3A_2323 = arith.constant 0 : i32
        %broadcast_in_dim3A_2324 = vector.broadcast %jit3A_2323 : i32 to vector<16xi32>
        %select_n3A_2325 = arith.select %eq3A_2317, %broadcast_in_dim3A_1323, %broadcast_in_dim3A_2324 : vector<16xi1>, vector<16xi32>
        %add3A_2326 = arith.addi %add3A_2291, %select_n3A_2325 : vector<16xi32>
        %max3A_2327 = arith.constant 0.000000e+00 : f32
        %max3A_2328 = vector.broadcast %max3A_2327 : f32 to vector<16xf32>
        %max3A_2329 = arith.maximumf %gather3A_2315, %max3A_2328 : vector<16xf32>
        %mul3A_2330 = arith.constant 2.000000e+00 : f32
        %mul3A_2331 = vector.broadcast %mul3A_2330 : f32 to vector<16xf32>
        %mul3A_2332 = arith.mulf %max3A_2329, %mul3A_2331 : vector<16xf32>
        %min3A_2333 = arith.constant 1.500000e+01 : f32
        %min3A_2334 = vector.broadcast %min3A_2333 : f32 to vector<16xf32>
        %min3A_2335 = arith.minimumf %mul3A_2332, %min3A_2334 : vector<16xf32>
        %convert_element_type3A_2336 = arith.fptosi %min3A_2335 : vector<16xf32> to vector<16xi32>
        %convert_element_type3A_2337 = arith.sitofp %convert_element_type3A_2336 : vector<16xi32> to vector<16xf32>
        %mul3A_2338 = arith.constant 5.000000e-01 : f32
        %mul3A_2339 = vector.broadcast %mul3A_2338 : f32 to vector<16xf32>
        %mul3A_2340 = arith.mulf %convert_element_type3A_2337, %mul3A_2339 : vector<16xf32>
        %jit3A_2341 = arith.constant 0.000000e+00 : f32
        %broadcast_in_dim3A_2342 = vector.broadcast %jit3A_2341 : f32 to vector<16xf32>
        %select_n3A_2343 = arith.select %or3A_2322, %mul3A_2340, %broadcast_in_dim3A_2342 : vector<16xi1>, vector<16xf32>
        %add3A_2344 = arith.constant 12 : i32
        %add3A_2345 = vector.broadcast %add3A_2344 : i32 to vector<16xi32>
        %add3A_2346 = arith.addi %add3A_27, %add3A_2345 : vector<16xi32>
        tpu.vector_store_idx %arg5[%add3A_2346], %select_n3A_2343 : memref<32768xf32, #tpu.memory_space<vmem>>[vector<16xi32>], vector<16xf32>,
        %add3A_2347 = arith.constant 13 : i32
        %add3A_2348 = vector.broadcast %add3A_2347 : i32 to vector<16xi32>
        %add3A_2349 = arith.addi %add3A_27, %add3A_2348 : vector<16xi32>
        %gather3A_2350 = tpu.vector_load_idx %arg4[%add3A_2349] : memref<32768xf32, #tpu.memory_space<vmem>>[vector<16xi32>], vector<16xf32>,
        %gt3A_2351 = arith.cmpf ogt, %gather3A_2350, %max3A_1318 : vector<16xf32>
        %eq3A_2352 = arith.cmpf oeq, %gather3A_2350, %max3A_1318 : vector<16xf32>
        %lt3A_2353 = arith.constant 8 : i32
        %lt3A_2354 = vector.broadcast %lt3A_2353 : i32 to vector<16xi32>
        %lt3A_2355 = arith.cmpi slt, %add3A_2326, %lt3A_2354 : vector<16xi32>
        %and3A_2356 = arith.andi %eq3A_2352, %lt3A_2355 : vector<16xi1>
        %or3A_2357 = arith.ori %gt3A_2351, %and3A_2356 : vector<16xi1>
        %jit3A_2358 = arith.constant 0 : i32
        %broadcast_in_dim3A_2359 = vector.broadcast %jit3A_2358 : i32 to vector<16xi32>
        %select_n3A_2360 = arith.select %eq3A_2352, %broadcast_in_dim3A_1323, %broadcast_in_dim3A_2359 : vector<16xi1>, vector<16xi32>
        %add3A_2361 = arith.addi %add3A_2326, %select_n3A_2360 : vector<16xi32>
        %max3A_2362 = arith.constant 0.000000e+00 : f32
        %max3A_2363 = vector.broadcast %max3A_2362 : f32 to vector<16xf32>
        %max3A_2364 = arith.maximumf %gather3A_2350, %max3A_2363 : vector<16xf32>
        %mul3A_2365 = arith.constant 2.000000e+00 : f32
        %mul3A_2366 = vector.broadcast %mul3A_2365 : f32 to vector<16xf32>
        %mul3A_2367 = arith.mulf %max3A_2364, %mul3A_2366 : vector<16xf32>
        %min3A_2368 = arith.constant 1.500000e+01 : f32
        %min3A_2369 = vector.broadcast %min3A_2368 : f32 to vector<16xf32>
        %min3A_2370 = arith.minimumf %mul3A_2367, %min3A_2369 : vector<16xf32>
        %convert_element_type3A_2371 = arith.fptosi %min3A_2370 : vector<16xf32> to vector<16xi32>
        %convert_element_type3A_2372 = arith.sitofp %convert_element_type3A_2371 : vector<16xi32> to vector<16xf32>
        %mul3A_2373 = arith.constant 5.000000e-01 : f32
        %mul3A_2374 = vector.broadcast %mul3A_2373 : f32 to vector<16xf32>
        %mul3A_2375 = arith.mulf %convert_element_type3A_2372, %mul3A_2374 : vector<16xf32>
        %jit3A_2376 = arith.constant 0.000000e+00 : f32
        %broadcast_in_dim3A_2377 = vector.broadcast %jit3A_2376 : f32 to vector<16xf32>
        %select_n3A_2378 = arith.select %or3A_2357, %mul3A_2375, %broadcast_in_dim3A_2377 : vector<16xi1>, vector<16xf32>
        %add3A_2379 = arith.constant 13 : i32
        %add3A_2380 = vector.broadcast %add3A_2379 : i32 to vector<16xi32>
        %add3A_2381 = arith.addi %add3A_27, %add3A_2380 : vector<16xi32>
        tpu.vector_store_idx %arg5[%add3A_2381], %select_n3A_2378 : memref<32768xf32, #tpu.memory_space<vmem>>[vector<16xi32>], vector<16xf32>,
        %add3A_2382 = arith.constant 14 : i32
        %add3A_2383 = vector.broadcast %add3A_2382 : i32 to vector<16xi32>
        %add3A_2384 = arith.addi %add3A_27, %add3A_2383 : vector<16xi32>
        %gather3A_2385 = tpu.vector_load_idx %arg4[%add3A_2384] : memref<32768xf32, #tpu.memory_space<vmem>>[vector<16xi32>], vector<16xf32>,
        %gt3A_2386 = arith.cmpf ogt, %gather3A_2385, %max3A_1318 : vector<16xf32>
        %eq3A_2387 = arith.cmpf oeq, %gather3A_2385, %max3A_1318 : vector<16xf32>
        %lt3A_2388 = arith.constant 8 : i32
        %lt3A_2389 = vector.broadcast %lt3A_2388 : i32 to vector<16xi32>
        %lt3A_2390 = arith.cmpi slt, %add3A_2361, %lt3A_2389 : vector<16xi32>
        %and3A_2391 = arith.andi %eq3A_2387, %lt3A_2390 : vector<16xi1>
        %or3A_2392 = arith.ori %gt3A_2386, %and3A_2391 : vector<16xi1>
        %jit3A_2393 = arith.constant 0 : i32
        %broadcast_in_dim3A_2394 = vector.broadcast %jit3A_2393 : i32 to vector<16xi32>
        %select_n3A_2395 = arith.select %eq3A_2387, %broadcast_in_dim3A_1323, %broadcast_in_dim3A_2394 : vector<16xi1>, vector<16xi32>
        %add3A_2396 = arith.addi %add3A_2361, %select_n3A_2395 : vector<16xi32>
        %max3A_2397 = arith.constant 0.000000e+00 : f32
        %max3A_2398 = vector.broadcast %max3A_2397 : f32 to vector<16xf32>
        %max3A_2399 = arith.maximumf %gather3A_2385, %max3A_2398 : vector<16xf32>
        %mul3A_2400 = arith.constant 2.000000e+00 : f32
        %mul3A_2401 = vector.broadcast %mul3A_2400 : f32 to vector<16xf32>
        %mul3A_2402 = arith.mulf %max3A_2399, %mul3A_2401 : vector<16xf32>
        %min3A_2403 = arith.constant 1.500000e+01 : f32
        %min3A_2404 = vector.broadcast %min3A_2403 : f32 to vector<16xf32>
        %min3A_2405 = arith.minimumf %mul3A_2402, %min3A_2404 : vector<16xf32>
        %convert_element_type3A_2406 = arith.fptosi %min3A_2405 : vector<16xf32> to vector<16xi32>
        %convert_element_type3A_2407 = arith.sitofp %convert_element_type3A_2406 : vector<16xi32> to vector<16xf32>
        %mul3A_2408 = arith.constant 5.000000e-01 : f32
        %mul3A_2409 = vector.broadcast %mul3A_2408 : f32 to vector<16xf32>
        %mul3A_2410 = arith.mulf %convert_element_type3A_2407, %mul3A_2409 : vector<16xf32>
        %jit3A_2411 = arith.constant 0.000000e+00 : f32
        %broadcast_in_dim3A_2412 = vector.broadcast %jit3A_2411 : f32 to vector<16xf32>
        %select_n3A_2413 = arith.select %or3A_2392, %mul3A_2410, %broadcast_in_dim3A_2412 : vector<16xi1>, vector<16xf32>
        %add3A_2414 = arith.constant 14 : i32
        %add3A_2415 = vector.broadcast %add3A_2414 : i32 to vector<16xi32>
        %add3A_2416 = arith.addi %add3A_27, %add3A_2415 : vector<16xi32>
        tpu.vector_store_idx %arg5[%add3A_2416], %select_n3A_2413 : memref<32768xf32, #tpu.memory_space<vmem>>[vector<16xi32>], vector<16xf32>,
        %add3A_2417 = arith.constant 15 : i32
        %add3A_2418 = vector.broadcast %add3A_2417 : i32 to vector<16xi32>
        %add3A_2419 = arith.addi %add3A_27, %add3A_2418 : vector<16xi32>
        %gather3A_2420 = tpu.vector_load_idx %arg4[%add3A_2419] : memref<32768xf32, #tpu.memory_space<vmem>>[vector<16xi32>], vector<16xf32>,
        %gt3A_2421 = arith.cmpf ogt, %gather3A_2420, %max3A_1318 : vector<16xf32>
        %eq3A_2422 = arith.cmpf oeq, %gather3A_2420, %max3A_1318 : vector<16xf32>
        %lt3A_2423 = arith.constant 8 : i32
        %lt3A_2424 = vector.broadcast %lt3A_2423 : i32 to vector<16xi32>
        %lt3A_2425 = arith.cmpi slt, %add3A_2396, %lt3A_2424 : vector<16xi32>
        %and3A_2426 = arith.andi %eq3A_2422, %lt3A_2425 : vector<16xi1>
        %or3A_2427 = arith.ori %gt3A_2421, %and3A_2426 : vector<16xi1>
        %jit3A_2428 = arith.constant 0 : i32
        %broadcast_in_dim3A_2429 = vector.broadcast %jit3A_2428 : i32 to vector<16xi32>
        %select_n3A_2430 = arith.select %eq3A_2422, %broadcast_in_dim3A_1323, %broadcast_in_dim3A_2429 : vector<16xi1>, vector<16xi32>
        %add3A_2431 = arith.addi %add3A_2396, %select_n3A_2430 : vector<16xi32>
        %max3A_2432 = arith.constant 0.000000e+00 : f32
        %max3A_2433 = vector.broadcast %max3A_2432 : f32 to vector<16xf32>
        %max3A_2434 = arith.maximumf %gather3A_2420, %max3A_2433 : vector<16xf32>
        %mul3A_2435 = arith.constant 2.000000e+00 : f32
        %mul3A_2436 = vector.broadcast %mul3A_2435 : f32 to vector<16xf32>
        %mul3A_2437 = arith.mulf %max3A_2434, %mul3A_2436 : vector<16xf32>
        %min3A_2438 = arith.constant 1.500000e+01 : f32
        %min3A_2439 = vector.broadcast %min3A_2438 : f32 to vector<16xf32>
        %min3A_2440 = arith.minimumf %mul3A_2437, %min3A_2439 : vector<16xf32>
        %convert_element_type3A_2441 = arith.fptosi %min3A_2440 : vector<16xf32> to vector<16xi32>
        %convert_element_type3A_2442 = arith.sitofp %convert_element_type3A_2441 : vector<16xi32> to vector<16xf32>
        %mul3A_2443 = arith.constant 5.000000e-01 : f32
        %mul3A_2444 = vector.broadcast %mul3A_2443 : f32 to vector<16xf32>
        %mul3A_2445 = arith.mulf %convert_element_type3A_2442, %mul3A_2444 : vector<16xf32>
        %jit3A_2446 = arith.constant 0.000000e+00 : f32
        %broadcast_in_dim3A_2447 = vector.broadcast %jit3A_2446 : f32 to vector<16xf32>
        %select_n3A_2448 = arith.select %or3A_2427, %mul3A_2445, %broadcast_in_dim3A_2447 : vector<16xi1>, vector<16xf32>
        %add3A_2449 = arith.constant 15 : i32
        %add3A_2450 = vector.broadcast %add3A_2449 : i32 to vector<16xi32>
        %add3A_2451 = arith.addi %add3A_27, %add3A_2450 : vector<16xi32>
        tpu.vector_store_idx %arg5[%add3A_2451], %select_n3A_2448 : memref<32768xf32, #tpu.memory_space<vmem>>[vector<16xi32>], vector<16xf32>,
        %add3A_2452 = arith.constant 16 : i32
        %add3A_2453 = vector.broadcast %add3A_2452 : i32 to vector<16xi32>
        %add3A_2454 = arith.addi %add3A_27, %add3A_2453 : vector<16xi32>
        %gather3A_2455 = tpu.vector_load_idx %arg4[%add3A_2454] : memref<32768xf32, #tpu.memory_space<vmem>>[vector<16xi32>], vector<16xf32>,
        %gt3A_2456 = arith.cmpf ogt, %gather3A_2455, %max3A_1318 : vector<16xf32>
        %eq3A_2457 = arith.cmpf oeq, %gather3A_2455, %max3A_1318 : vector<16xf32>
        %lt3A_2458 = arith.constant 8 : i32
        %lt3A_2459 = vector.broadcast %lt3A_2458 : i32 to vector<16xi32>
        %lt3A_2460 = arith.cmpi slt, %add3A_2431, %lt3A_2459 : vector<16xi32>
        %and3A_2461 = arith.andi %eq3A_2457, %lt3A_2460 : vector<16xi1>
        %or3A_2462 = arith.ori %gt3A_2456, %and3A_2461 : vector<16xi1>
        %jit3A_2463 = arith.constant 0 : i32
        %broadcast_in_dim3A_2464 = vector.broadcast %jit3A_2463 : i32 to vector<16xi32>
        %select_n3A_2465 = arith.select %eq3A_2457, %broadcast_in_dim3A_1323, %broadcast_in_dim3A_2464 : vector<16xi1>, vector<16xi32>
        %add3A_2466 = arith.addi %add3A_2431, %select_n3A_2465 : vector<16xi32>
        %max3A_2467 = arith.constant 0.000000e+00 : f32
        %max3A_2468 = vector.broadcast %max3A_2467 : f32 to vector<16xf32>
        %max3A_2469 = arith.maximumf %gather3A_2455, %max3A_2468 : vector<16xf32>
        %mul3A_2470 = arith.constant 2.000000e+00 : f32
        %mul3A_2471 = vector.broadcast %mul3A_2470 : f32 to vector<16xf32>
        %mul3A_2472 = arith.mulf %max3A_2469, %mul3A_2471 : vector<16xf32>
        %min3A_2473 = arith.constant 1.500000e+01 : f32
        %min3A_2474 = vector.broadcast %min3A_2473 : f32 to vector<16xf32>
        %min3A_2475 = arith.minimumf %mul3A_2472, %min3A_2474 : vector<16xf32>
        %convert_element_type3A_2476 = arith.fptosi %min3A_2475 : vector<16xf32> to vector<16xi32>
        %convert_element_type3A_2477 = arith.sitofp %convert_element_type3A_2476 : vector<16xi32> to vector<16xf32>
        %mul3A_2478 = arith.constant 5.000000e-01 : f32
        %mul3A_2479 = vector.broadcast %mul3A_2478 : f32 to vector<16xf32>
        %mul3A_2480 = arith.mulf %convert_element_type3A_2477, %mul3A_2479 : vector<16xf32>
        %jit3A_2481 = arith.constant 0.000000e+00 : f32
        %broadcast_in_dim3A_2482 = vector.broadcast %jit3A_2481 : f32 to vector<16xf32>
        %select_n3A_2483 = arith.select %or3A_2462, %mul3A_2480, %broadcast_in_dim3A_2482 : vector<16xi1>, vector<16xf32>
        %add3A_2484 = arith.constant 16 : i32
        %add3A_2485 = vector.broadcast %add3A_2484 : i32 to vector<16xi32>
        %add3A_2486 = arith.addi %add3A_27, %add3A_2485 : vector<16xi32>
        tpu.vector_store_idx %arg5[%add3A_2486], %select_n3A_2483 : memref<32768xf32, #tpu.memory_space<vmem>>[vector<16xi32>], vector<16xf32>,
        %add3A_2487 = arith.constant 17 : i32
        %add3A_2488 = vector.broadcast %add3A_2487 : i32 to vector<16xi32>
        %add3A_2489 = arith.addi %add3A_27, %add3A_2488 : vector<16xi32>
        %gather3A_2490 = tpu.vector_load_idx %arg4[%add3A_2489] : memref<32768xf32, #tpu.memory_space<vmem>>[vector<16xi32>], vector<16xf32>,
        %gt3A_2491 = arith.cmpf ogt, %gather3A_2490, %max3A_1318 : vector<16xf32>
        %eq3A_2492 = arith.cmpf oeq, %gather3A_2490, %max3A_1318 : vector<16xf32>
        %lt3A_2493 = arith.constant 8 : i32
        %lt3A_2494 = vector.broadcast %lt3A_2493 : i32 to vector<16xi32>
        %lt3A_2495 = arith.cmpi slt, %add3A_2466, %lt3A_2494 : vector<16xi32>
        %and3A_2496 = arith.andi %eq3A_2492, %lt3A_2495 : vector<16xi1>
        %or3A_2497 = arith.ori %gt3A_2491, %and3A_2496 : vector<16xi1>
        %jit3A_2498 = arith.constant 0 : i32
        %broadcast_in_dim3A_2499 = vector.broadcast %jit3A_2498 : i32 to vector<16xi32>
        %select_n3A_2500 = arith.select %eq3A_2492, %broadcast_in_dim3A_1323, %broadcast_in_dim3A_2499 : vector<16xi1>, vector<16xi32>
        %add3A_2501 = arith.addi %add3A_2466, %select_n3A_2500 : vector<16xi32>
        %max3A_2502 = arith.constant 0.000000e+00 : f32
        %max3A_2503 = vector.broadcast %max3A_2502 : f32 to vector<16xf32>
        %max3A_2504 = arith.maximumf %gather3A_2490, %max3A_2503 : vector<16xf32>
        %mul3A_2505 = arith.constant 2.000000e+00 : f32
        %mul3A_2506 = vector.broadcast %mul3A_2505 : f32 to vector<16xf32>
        %mul3A_2507 = arith.mulf %max3A_2504, %mul3A_2506 : vector<16xf32>
        %min3A_2508 = arith.constant 1.500000e+01 : f32
        %min3A_2509 = vector.broadcast %min3A_2508 : f32 to vector<16xf32>
        %min3A_2510 = arith.minimumf %mul3A_2507, %min3A_2509 : vector<16xf32>
        %convert_element_type3A_2511 = arith.fptosi %min3A_2510 : vector<16xf32> to vector<16xi32>
        %convert_element_type3A_2512 = arith.sitofp %convert_element_type3A_2511 : vector<16xi32> to vector<16xf32>
        %mul3A_2513 = arith.constant 5.000000e-01 : f32
        %mul3A_2514 = vector.broadcast %mul3A_2513 : f32 to vector<16xf32>
        %mul3A_2515 = arith.mulf %convert_element_type3A_2512, %mul3A_2514 : vector<16xf32>
        %jit3A_2516 = arith.constant 0.000000e+00 : f32
        %broadcast_in_dim3A_2517 = vector.broadcast %jit3A_2516 : f32 to vector<16xf32>
        %select_n3A_2518 = arith.select %or3A_2497, %mul3A_2515, %broadcast_in_dim3A_2517 : vector<16xi1>, vector<16xf32>
        %add3A_2519 = arith.constant 17 : i32
        %add3A_2520 = vector.broadcast %add3A_2519 : i32 to vector<16xi32>
        %add3A_2521 = arith.addi %add3A_27, %add3A_2520 : vector<16xi32>
        tpu.vector_store_idx %arg5[%add3A_2521], %select_n3A_2518 : memref<32768xf32, #tpu.memory_space<vmem>>[vector<16xi32>], vector<16xf32>,
        %add3A_2522 = arith.constant 18 : i32
        %add3A_2523 = vector.broadcast %add3A_2522 : i32 to vector<16xi32>
        %add3A_2524 = arith.addi %add3A_27, %add3A_2523 : vector<16xi32>
        %gather3A_2525 = tpu.vector_load_idx %arg4[%add3A_2524] : memref<32768xf32, #tpu.memory_space<vmem>>[vector<16xi32>], vector<16xf32>,
        %gt3A_2526 = arith.cmpf ogt, %gather3A_2525, %max3A_1318 : vector<16xf32>
        %eq3A_2527 = arith.cmpf oeq, %gather3A_2525, %max3A_1318 : vector<16xf32>
        %lt3A_2528 = arith.constant 8 : i32
        %lt3A_2529 = vector.broadcast %lt3A_2528 : i32 to vector<16xi32>
        %lt3A_2530 = arith.cmpi slt, %add3A_2501, %lt3A_2529 : vector<16xi32>
        %and3A_2531 = arith.andi %eq3A_2527, %lt3A_2530 : vector<16xi1>
        %or3A_2532 = arith.ori %gt3A_2526, %and3A_2531 : vector<16xi1>
        %jit3A_2533 = arith.constant 0 : i32
        %broadcast_in_dim3A_2534 = vector.broadcast %jit3A_2533 : i32 to vector<16xi32>
        %select_n3A_2535 = arith.select %eq3A_2527, %broadcast_in_dim3A_1323, %broadcast_in_dim3A_2534 : vector<16xi1>, vector<16xi32>
        %add3A_2536 = arith.addi %add3A_2501, %select_n3A_2535 : vector<16xi32>
        %max3A_2537 = arith.constant 0.000000e+00 : f32
        %max3A_2538 = vector.broadcast %max3A_2537 : f32 to vector<16xf32>
        %max3A_2539 = arith.maximumf %gather3A_2525, %max3A_2538 : vector<16xf32>
        %mul3A_2540 = arith.constant 2.000000e+00 : f32
        %mul3A_2541 = vector.broadcast %mul3A_2540 : f32 to vector<16xf32>
        %mul3A_2542 = arith.mulf %max3A_2539, %mul3A_2541 : vector<16xf32>
        %min3A_2543 = arith.constant 1.500000e+01 : f32
        %min3A_2544 = vector.broadcast %min3A_2543 : f32 to vector<16xf32>
        %min3A_2545 = arith.minimumf %mul3A_2542, %min3A_2544 : vector<16xf32>
        %convert_element_type3A_2546 = arith.fptosi %min3A_2545 : vector<16xf32> to vector<16xi32>
        %convert_element_type3A_2547 = arith.sitofp %convert_element_type3A_2546 : vector<16xi32> to vector<16xf32>
        %mul3A_2548 = arith.constant 5.000000e-01 : f32
        %mul3A_2549 = vector.broadcast %mul3A_2548 : f32 to vector<16xf32>
        %mul3A_2550 = arith.mulf %convert_element_type3A_2547, %mul3A_2549 : vector<16xf32>
        %jit3A_2551 = arith.constant 0.000000e+00 : f32
        %broadcast_in_dim3A_2552 = vector.broadcast %jit3A_2551 : f32 to vector<16xf32>
        %select_n3A_2553 = arith.select %or3A_2532, %mul3A_2550, %broadcast_in_dim3A_2552 : vector<16xi1>, vector<16xf32>
        %add3A_2554 = arith.constant 18 : i32
        %add3A_2555 = vector.broadcast %add3A_2554 : i32 to vector<16xi32>
        %add3A_2556 = arith.addi %add3A_27, %add3A_2555 : vector<16xi32>
        tpu.vector_store_idx %arg5[%add3A_2556], %select_n3A_2553 : memref<32768xf32, #tpu.memory_space<vmem>>[vector<16xi32>], vector<16xf32>,
        %add3A_2557 = arith.constant 19 : i32
        %add3A_2558 = vector.broadcast %add3A_2557 : i32 to vector<16xi32>
        %add3A_2559 = arith.addi %add3A_27, %add3A_2558 : vector<16xi32>
        %gather3A_2560 = tpu.vector_load_idx %arg4[%add3A_2559] : memref<32768xf32, #tpu.memory_space<vmem>>[vector<16xi32>], vector<16xf32>,
        %gt3A_2561 = arith.cmpf ogt, %gather3A_2560, %max3A_1318 : vector<16xf32>
        %eq3A_2562 = arith.cmpf oeq, %gather3A_2560, %max3A_1318 : vector<16xf32>
        %lt3A_2563 = arith.constant 8 : i32
        %lt3A_2564 = vector.broadcast %lt3A_2563 : i32 to vector<16xi32>
        %lt3A_2565 = arith.cmpi slt, %add3A_2536, %lt3A_2564 : vector<16xi32>
        %and3A_2566 = arith.andi %eq3A_2562, %lt3A_2565 : vector<16xi1>
        %or3A_2567 = arith.ori %gt3A_2561, %and3A_2566 : vector<16xi1>
        %jit3A_2568 = arith.constant 0 : i32
        %broadcast_in_dim3A_2569 = vector.broadcast %jit3A_2568 : i32 to vector<16xi32>
        %select_n3A_2570 = arith.select %eq3A_2562, %broadcast_in_dim3A_1323, %broadcast_in_dim3A_2569 : vector<16xi1>, vector<16xi32>
        %add3A_2571 = arith.addi %add3A_2536, %select_n3A_2570 : vector<16xi32>
        %max3A_2572 = arith.constant 0.000000e+00 : f32
        %max3A_2573 = vector.broadcast %max3A_2572 : f32 to vector<16xf32>
        %max3A_2574 = arith.maximumf %gather3A_2560, %max3A_2573 : vector<16xf32>
        %mul3A_2575 = arith.constant 2.000000e+00 : f32
        %mul3A_2576 = vector.broadcast %mul3A_2575 : f32 to vector<16xf32>
        %mul3A_2577 = arith.mulf %max3A_2574, %mul3A_2576 : vector<16xf32>
        %min3A_2578 = arith.constant 1.500000e+01 : f32
        %min3A_2579 = vector.broadcast %min3A_2578 : f32 to vector<16xf32>
        %min3A_2580 = arith.minimumf %mul3A_2577, %min3A_2579 : vector<16xf32>
        %convert_element_type3A_2581 = arith.fptosi %min3A_2580 : vector<16xf32> to vector<16xi32>
        %convert_element_type3A_2582 = arith.sitofp %convert_element_type3A_2581 : vector<16xi32> to vector<16xf32>
        %mul3A_2583 = arith.constant 5.000000e-01 : f32
        %mul3A_2584 = vector.broadcast %mul3A_2583 : f32 to vector<16xf32>
        %mul3A_2585 = arith.mulf %convert_element_type3A_2582, %mul3A_2584 : vector<16xf32>
        %jit3A_2586 = arith.constant 0.000000e+00 : f32
        %broadcast_in_dim3A_2587 = vector.broadcast %jit3A_2586 : f32 to vector<16xf32>
        %select_n3A_2588 = arith.select %or3A_2567, %mul3A_2585, %broadcast_in_dim3A_2587 : vector<16xi1>, vector<16xf32>
        %add3A_2589 = arith.constant 19 : i32
        %add3A_2590 = vector.broadcast %add3A_2589 : i32 to vector<16xi32>
        %add3A_2591 = arith.addi %add3A_27, %add3A_2590 : vector<16xi32>
        tpu.vector_store_idx %arg5[%add3A_2591], %select_n3A_2588 : memref<32768xf32, #tpu.memory_space<vmem>>[vector<16xi32>], vector<16xf32>,
        %add3A_2592 = arith.constant 20 : i32
        %add3A_2593 = vector.broadcast %add3A_2592 : i32 to vector<16xi32>
        %add3A_2594 = arith.addi %add3A_27, %add3A_2593 : vector<16xi32>
        %gather3A_2595 = tpu.vector_load_idx %arg4[%add3A_2594] : memref<32768xf32, #tpu.memory_space<vmem>>[vector<16xi32>], vector<16xf32>,
        %gt3A_2596 = arith.cmpf ogt, %gather3A_2595, %max3A_1318 : vector<16xf32>
        %eq3A_2597 = arith.cmpf oeq, %gather3A_2595, %max3A_1318 : vector<16xf32>
        %lt3A_2598 = arith.constant 8 : i32
        %lt3A_2599 = vector.broadcast %lt3A_2598 : i32 to vector<16xi32>
        %lt3A_2600 = arith.cmpi slt, %add3A_2571, %lt3A_2599 : vector<16xi32>
        %and3A_2601 = arith.andi %eq3A_2597, %lt3A_2600 : vector<16xi1>
        %or3A_2602 = arith.ori %gt3A_2596, %and3A_2601 : vector<16xi1>
        %jit3A_2603 = arith.constant 0 : i32
        %broadcast_in_dim3A_2604 = vector.broadcast %jit3A_2603 : i32 to vector<16xi32>
        %select_n3A_2605 = arith.select %eq3A_2597, %broadcast_in_dim3A_1323, %broadcast_in_dim3A_2604 : vector<16xi1>, vector<16xi32>
        %add3A_2606 = arith.addi %add3A_2571, %select_n3A_2605 : vector<16xi32>
        %max3A_2607 = arith.constant 0.000000e+00 : f32
        %max3A_2608 = vector.broadcast %max3A_2607 : f32 to vector<16xf32>
        %max3A_2609 = arith.maximumf %gather3A_2595, %max3A_2608 : vector<16xf32>
        %mul3A_2610 = arith.constant 2.000000e+00 : f32
        %mul3A_2611 = vector.broadcast %mul3A_2610 : f32 to vector<16xf32>
        %mul3A_2612 = arith.mulf %max3A_2609, %mul3A_2611 : vector<16xf32>
        %min3A_2613 = arith.constant 1.500000e+01 : f32
        %min3A_2614 = vector.broadcast %min3A_2613 : f32 to vector<16xf32>
        %min3A_2615 = arith.minimumf %mul3A_2612, %min3A_2614 : vector<16xf32>
        %convert_element_type3A_2616 = arith.fptosi %min3A_2615 : vector<16xf32> to vector<16xi32>
        %convert_element_type3A_2617 = arith.sitofp %convert_element_type3A_2616 : vector<16xi32> to vector<16xf32>
        %mul3A_2618 = arith.constant 5.000000e-01 : f32
        %mul3A_2619 = vector.broadcast %mul3A_2618 : f32 to vector<16xf32>
        %mul3A_2620 = arith.mulf %convert_element_type3A_2617, %mul3A_2619 : vector<16xf32>
        %jit3A_2621 = arith.constant 0.000000e+00 : f32
        %broadcast_in_dim3A_2622 = vector.broadcast %jit3A_2621 : f32 to vector<16xf32>
        %select_n3A_2623 = arith.select %or3A_2602, %mul3A_2620, %broadcast_in_dim3A_2622 : vector<16xi1>, vector<16xf32>
        %add3A_2624 = arith.constant 20 : i32
        %add3A_2625 = vector.broadcast %add3A_2624 : i32 to vector<16xi32>
        %add3A_2626 = arith.addi %add3A_27, %add3A_2625 : vector<16xi32>
        tpu.vector_store_idx %arg5[%add3A_2626], %select_n3A_2623 : memref<32768xf32, #tpu.memory_space<vmem>>[vector<16xi32>], vector<16xf32>,
        %add3A_2627 = arith.constant 21 : i32
        %add3A_2628 = vector.broadcast %add3A_2627 : i32 to vector<16xi32>
        %add3A_2629 = arith.addi %add3A_27, %add3A_2628 : vector<16xi32>
        %gather3A_2630 = tpu.vector_load_idx %arg4[%add3A_2629] : memref<32768xf32, #tpu.memory_space<vmem>>[vector<16xi32>], vector<16xf32>,
        %gt3A_2631 = arith.cmpf ogt, %gather3A_2630, %max3A_1318 : vector<16xf32>
        %eq3A_2632 = arith.cmpf oeq, %gather3A_2630, %max3A_1318 : vector<16xf32>
        %lt3A_2633 = arith.constant 8 : i32
        %lt3A_2634 = vector.broadcast %lt3A_2633 : i32 to vector<16xi32>
        %lt3A_2635 = arith.cmpi slt, %add3A_2606, %lt3A_2634 : vector<16xi32>
        %and3A_2636 = arith.andi %eq3A_2632, %lt3A_2635 : vector<16xi1>
        %or3A_2637 = arith.ori %gt3A_2631, %and3A_2636 : vector<16xi1>
        %jit3A_2638 = arith.constant 0 : i32
        %broadcast_in_dim3A_2639 = vector.broadcast %jit3A_2638 : i32 to vector<16xi32>
        %select_n3A_2640 = arith.select %eq3A_2632, %broadcast_in_dim3A_1323, %broadcast_in_dim3A_2639 : vector<16xi1>, vector<16xi32>
        %add3A_2641 = arith.addi %add3A_2606, %select_n3A_2640 : vector<16xi32>
        %max3A_2642 = arith.constant 0.000000e+00 : f32
        %max3A_2643 = vector.broadcast %max3A_2642 : f32 to vector<16xf32>
        %max3A_2644 = arith.maximumf %gather3A_2630, %max3A_2643 : vector<16xf32>
        %mul3A_2645 = arith.constant 2.000000e+00 : f32
        %mul3A_2646 = vector.broadcast %mul3A_2645 : f32 to vector<16xf32>
        %mul3A_2647 = arith.mulf %max3A_2644, %mul3A_2646 : vector<16xf32>
        %min3A_2648 = arith.constant 1.500000e+01 : f32
        %min3A_2649 = vector.broadcast %min3A_2648 : f32 to vector<16xf32>
        %min3A_2650 = arith.minimumf %mul3A_2647, %min3A_2649 : vector<16xf32>
        %convert_element_type3A_2651 = arith.fptosi %min3A_2650 : vector<16xf32> to vector<16xi32>
        %convert_element_type3A_2652 = arith.sitofp %convert_element_type3A_2651 : vector<16xi32> to vector<16xf32>
        %mul3A_2653 = arith.constant 5.000000e-01 : f32
        %mul3A_2654 = vector.broadcast %mul3A_2653 : f32 to vector<16xf32>
        %mul3A_2655 = arith.mulf %convert_element_type3A_2652, %mul3A_2654 : vector<16xf32>
        %jit3A_2656 = arith.constant 0.000000e+00 : f32
        %broadcast_in_dim3A_2657 = vector.broadcast %jit3A_2656 : f32 to vector<16xf32>
        %select_n3A_2658 = arith.select %or3A_2637, %mul3A_2655, %broadcast_in_dim3A_2657 : vector<16xi1>, vector<16xf32>
        %add3A_2659 = arith.constant 21 : i32
        %add3A_2660 = vector.broadcast %add3A_2659 : i32 to vector<16xi32>
        %add3A_2661 = arith.addi %add3A_27, %add3A_2660 : vector<16xi32>
        tpu.vector_store_idx %arg5[%add3A_2661], %select_n3A_2658 : memref<32768xf32, #tpu.memory_space<vmem>>[vector<16xi32>], vector<16xf32>,
        %add3A_2662 = arith.constant 22 : i32
        %add3A_2663 = vector.broadcast %add3A_2662 : i32 to vector<16xi32>
        %add3A_2664 = arith.addi %add3A_27, %add3A_2663 : vector<16xi32>
        %gather3A_2665 = tpu.vector_load_idx %arg4[%add3A_2664] : memref<32768xf32, #tpu.memory_space<vmem>>[vector<16xi32>], vector<16xf32>,
        %gt3A_2666 = arith.cmpf ogt, %gather3A_2665, %max3A_1318 : vector<16xf32>
        %eq3A_2667 = arith.cmpf oeq, %gather3A_2665, %max3A_1318 : vector<16xf32>
        %lt3A_2668 = arith.constant 8 : i32
        %lt3A_2669 = vector.broadcast %lt3A_2668 : i32 to vector<16xi32>
        %lt3A_2670 = arith.cmpi slt, %add3A_2641, %lt3A_2669 : vector<16xi32>
        %and3A_2671 = arith.andi %eq3A_2667, %lt3A_2670 : vector<16xi1>
        %or3A_2672 = arith.ori %gt3A_2666, %and3A_2671 : vector<16xi1>
        %jit3A_2673 = arith.constant 0 : i32
        %broadcast_in_dim3A_2674 = vector.broadcast %jit3A_2673 : i32 to vector<16xi32>
        %select_n3A_2675 = arith.select %eq3A_2667, %broadcast_in_dim3A_1323, %broadcast_in_dim3A_2674 : vector<16xi1>, vector<16xi32>
        %add3A_2676 = arith.addi %add3A_2641, %select_n3A_2675 : vector<16xi32>
        %max3A_2677 = arith.constant 0.000000e+00 : f32
        %max3A_2678 = vector.broadcast %max3A_2677 : f32 to vector<16xf32>
        %max3A_2679 = arith.maximumf %gather3A_2665, %max3A_2678 : vector<16xf32>
        %mul3A_2680 = arith.constant 2.000000e+00 : f32
        %mul3A_2681 = vector.broadcast %mul3A_2680 : f32 to vector<16xf32>
        %mul3A_2682 = arith.mulf %max3A_2679, %mul3A_2681 : vector<16xf32>
        %min3A_2683 = arith.constant 1.500000e+01 : f32
        %min3A_2684 = vector.broadcast %min3A_2683 : f32 to vector<16xf32>
        %min3A_2685 = arith.minimumf %mul3A_2682, %min3A_2684 : vector<16xf32>
        %convert_element_type3A_2686 = arith.fptosi %min3A_2685 : vector<16xf32> to vector<16xi32>
        %convert_element_type3A_2687 = arith.sitofp %convert_element_type3A_2686 : vector<16xi32> to vector<16xf32>
        %mul3A_2688 = arith.constant 5.000000e-01 : f32
        %mul3A_2689 = vector.broadcast %mul3A_2688 : f32 to vector<16xf32>
        %mul3A_2690 = arith.mulf %convert_element_type3A_2687, %mul3A_2689 : vector<16xf32>
        %jit3A_2691 = arith.constant 0.000000e+00 : f32
        %broadcast_in_dim3A_2692 = vector.broadcast %jit3A_2691 : f32 to vector<16xf32>
        %select_n3A_2693 = arith.select %or3A_2672, %mul3A_2690, %broadcast_in_dim3A_2692 : vector<16xi1>, vector<16xf32>
        %add3A_2694 = arith.constant 22 : i32
        %add3A_2695 = vector.broadcast %add3A_2694 : i32 to vector<16xi32>
        %add3A_2696 = arith.addi %add3A_27, %add3A_2695 : vector<16xi32>
        tpu.vector_store_idx %arg5[%add3A_2696], %select_n3A_2693 : memref<32768xf32, #tpu.memory_space<vmem>>[vector<16xi32>], vector<16xf32>,
        %add3A_2697 = arith.constant 23 : i32
        %add3A_2698 = vector.broadcast %add3A_2697 : i32 to vector<16xi32>
        %add3A_2699 = arith.addi %add3A_27, %add3A_2698 : vector<16xi32>
        %gather3A_2700 = tpu.vector_load_idx %arg4[%add3A_2699] : memref<32768xf32, #tpu.memory_space<vmem>>[vector<16xi32>], vector<16xf32>,
        %gt3A_2701 = arith.cmpf ogt, %gather3A_2700, %max3A_1318 : vector<16xf32>
        %eq3A_2702 = arith.cmpf oeq, %gather3A_2700, %max3A_1318 : vector<16xf32>
        %lt3A_2703 = arith.constant 8 : i32
        %lt3A_2704 = vector.broadcast %lt3A_2703 : i32 to vector<16xi32>
        %lt3A_2705 = arith.cmpi slt, %add3A_2676, %lt3A_2704 : vector<16xi32>
        %and3A_2706 = arith.andi %eq3A_2702, %lt3A_2705 : vector<16xi1>
        %or3A_2707 = arith.ori %gt3A_2701, %and3A_2706 : vector<16xi1>
        %jit3A_2708 = arith.constant 0 : i32
        %broadcast_in_dim3A_2709 = vector.broadcast %jit3A_2708 : i32 to vector<16xi32>
        %select_n3A_2710 = arith.select %eq3A_2702, %broadcast_in_dim3A_1323, %broadcast_in_dim3A_2709 : vector<16xi1>, vector<16xi32>
        %add3A_2711 = arith.addi %add3A_2676, %select_n3A_2710 : vector<16xi32>
        %max3A_2712 = arith.constant 0.000000e+00 : f32
        %max3A_2713 = vector.broadcast %max3A_2712 : f32 to vector<16xf32>
        %max3A_2714 = arith.maximumf %gather3A_2700, %max3A_2713 : vector<16xf32>
        %mul3A_2715 = arith.constant 2.000000e+00 : f32
        %mul3A_2716 = vector.broadcast %mul3A_2715 : f32 to vector<16xf32>
        %mul3A_2717 = arith.mulf %max3A_2714, %mul3A_2716 : vector<16xf32>
        %min3A_2718 = arith.constant 1.500000e+01 : f32
        %min3A_2719 = vector.broadcast %min3A_2718 : f32 to vector<16xf32>
        %min3A_2720 = arith.minimumf %mul3A_2717, %min3A_2719 : vector<16xf32>
        %convert_element_type3A_2721 = arith.fptosi %min3A_2720 : vector<16xf32> to vector<16xi32>
        %convert_element_type3A_2722 = arith.sitofp %convert_element_type3A_2721 : vector<16xi32> to vector<16xf32>
        %mul3A_2723 = arith.constant 5.000000e-01 : f32
        %mul3A_2724 = vector.broadcast %mul3A_2723 : f32 to vector<16xf32>
        %mul3A_2725 = arith.mulf %convert_element_type3A_2722, %mul3A_2724 : vector<16xf32>
        %jit3A_2726 = arith.constant 0.000000e+00 : f32
        %broadcast_in_dim3A_2727 = vector.broadcast %jit3A_2726 : f32 to vector<16xf32>
        %select_n3A_2728 = arith.select %or3A_2707, %mul3A_2725, %broadcast_in_dim3A_2727 : vector<16xi1>, vector<16xf32>
        %add3A_2729 = arith.constant 23 : i32
        %add3A_2730 = vector.broadcast %add3A_2729 : i32 to vector<16xi32>
        %add3A_2731 = arith.addi %add3A_27, %add3A_2730 : vector<16xi32>
        tpu.vector_store_idx %arg5[%add3A_2731], %select_n3A_2728 : memref<32768xf32, #tpu.memory_space<vmem>>[vector<16xi32>], vector<16xf32>,
        %add3A_2732 = arith.constant 24 : i32
        %add3A_2733 = vector.broadcast %add3A_2732 : i32 to vector<16xi32>
        %add3A_2734 = arith.addi %add3A_27, %add3A_2733 : vector<16xi32>
        %gather3A_2735 = tpu.vector_load_idx %arg4[%add3A_2734] : memref<32768xf32, #tpu.memory_space<vmem>>[vector<16xi32>], vector<16xf32>,
        %gt3A_2736 = arith.cmpf ogt, %gather3A_2735, %max3A_1318 : vector<16xf32>
        %eq3A_2737 = arith.cmpf oeq, %gather3A_2735, %max3A_1318 : vector<16xf32>
        %lt3A_2738 = arith.constant 8 : i32
        %lt3A_2739 = vector.broadcast %lt3A_2738 : i32 to vector<16xi32>
        %lt3A_2740 = arith.cmpi slt, %add3A_2711, %lt3A_2739 : vector<16xi32>
        %and3A_2741 = arith.andi %eq3A_2737, %lt3A_2740 : vector<16xi1>
        %or3A_2742 = arith.ori %gt3A_2736, %and3A_2741 : vector<16xi1>
        %jit3A_2743 = arith.constant 0 : i32
        %broadcast_in_dim3A_2744 = vector.broadcast %jit3A_2743 : i32 to vector<16xi32>
        %select_n3A_2745 = arith.select %eq3A_2737, %broadcast_in_dim3A_1323, %broadcast_in_dim3A_2744 : vector<16xi1>, vector<16xi32>
        %add3A_2746 = arith.addi %add3A_2711, %select_n3A_2745 : vector<16xi32>
        %max3A_2747 = arith.constant 0.000000e+00 : f32
        %max3A_2748 = vector.broadcast %max3A_2747 : f32 to vector<16xf32>
        %max3A_2749 = arith.maximumf %gather3A_2735, %max3A_2748 : vector<16xf32>
        %mul3A_2750 = arith.constant 2.000000e+00 : f32
        %mul3A_2751 = vector.broadcast %mul3A_2750 : f32 to vector<16xf32>
        %mul3A_2752 = arith.mulf %max3A_2749, %mul3A_2751 : vector<16xf32>
        %min3A_2753 = arith.constant 1.500000e+01 : f32
        %min3A_2754 = vector.broadcast %min3A_2753 : f32 to vector<16xf32>
        %min3A_2755 = arith.minimumf %mul3A_2752, %min3A_2754 : vector<16xf32>
        %convert_element_type3A_2756 = arith.fptosi %min3A_2755 : vector<16xf32> to vector<16xi32>
        %convert_element_type3A_2757 = arith.sitofp %convert_element_type3A_2756 : vector<16xi32> to vector<16xf32>
        %mul3A_2758 = arith.constant 5.000000e-01 : f32
        %mul3A_2759 = vector.broadcast %mul3A_2758 : f32 to vector<16xf32>
        %mul3A_2760 = arith.mulf %convert_element_type3A_2757, %mul3A_2759 : vector<16xf32>
        %jit3A_2761 = arith.constant 0.000000e+00 : f32
        %broadcast_in_dim3A_2762 = vector.broadcast %jit3A_2761 : f32 to vector<16xf32>
        %select_n3A_2763 = arith.select %or3A_2742, %mul3A_2760, %broadcast_in_dim3A_2762 : vector<16xi1>, vector<16xf32>
        %add3A_2764 = arith.constant 24 : i32
        %add3A_2765 = vector.broadcast %add3A_2764 : i32 to vector<16xi32>
        %add3A_2766 = arith.addi %add3A_27, %add3A_2765 : vector<16xi32>
        tpu.vector_store_idx %arg5[%add3A_2766], %select_n3A_2763 : memref<32768xf32, #tpu.memory_space<vmem>>[vector<16xi32>], vector<16xf32>,
        %add3A_2767 = arith.constant 25 : i32
        %add3A_2768 = vector.broadcast %add3A_2767 : i32 to vector<16xi32>
        %add3A_2769 = arith.addi %add3A_27, %add3A_2768 : vector<16xi32>
        %gather3A_2770 = tpu.vector_load_idx %arg4[%add3A_2769] : memref<32768xf32, #tpu.memory_space<vmem>>[vector<16xi32>], vector<16xf32>,
        %gt3A_2771 = arith.cmpf ogt, %gather3A_2770, %max3A_1318 : vector<16xf32>
        %eq3A_2772 = arith.cmpf oeq, %gather3A_2770, %max3A_1318 : vector<16xf32>
        %lt3A_2773 = arith.constant 8 : i32
        %lt3A_2774 = vector.broadcast %lt3A_2773 : i32 to vector<16xi32>
        %lt3A_2775 = arith.cmpi slt, %add3A_2746, %lt3A_2774 : vector<16xi32>
        %and3A_2776 = arith.andi %eq3A_2772, %lt3A_2775 : vector<16xi1>
        %or3A_2777 = arith.ori %gt3A_2771, %and3A_2776 : vector<16xi1>
        %jit3A_2778 = arith.constant 0 : i32
        %broadcast_in_dim3A_2779 = vector.broadcast %jit3A_2778 : i32 to vector<16xi32>
        %select_n3A_2780 = arith.select %eq3A_2772, %broadcast_in_dim3A_1323, %broadcast_in_dim3A_2779 : vector<16xi1>, vector<16xi32>
        %add3A_2781 = arith.addi %add3A_2746, %select_n3A_2780 : vector<16xi32>
        %max3A_2782 = arith.constant 0.000000e+00 : f32
        %max3A_2783 = vector.broadcast %max3A_2782 : f32 to vector<16xf32>
        %max3A_2784 = arith.maximumf %gather3A_2770, %max3A_2783 : vector<16xf32>
        %mul3A_2785 = arith.constant 2.000000e+00 : f32
        %mul3A_2786 = vector.broadcast %mul3A_2785 : f32 to vector<16xf32>
        %mul3A_2787 = arith.mulf %max3A_2784, %mul3A_2786 : vector<16xf32>
        %min3A_2788 = arith.constant 1.500000e+01 : f32
        %min3A_2789 = vector.broadcast %min3A_2788 : f32 to vector<16xf32>
        %min3A_2790 = arith.minimumf %mul3A_2787, %min3A_2789 : vector<16xf32>
        %convert_element_type3A_2791 = arith.fptosi %min3A_2790 : vector<16xf32> to vector<16xi32>
        %convert_element_type3A_2792 = arith.sitofp %convert_element_type3A_2791 : vector<16xi32> to vector<16xf32>
        %mul3A_2793 = arith.constant 5.000000e-01 : f32
        %mul3A_2794 = vector.broadcast %mul3A_2793 : f32 to vector<16xf32>
        %mul3A_2795 = arith.mulf %convert_element_type3A_2792, %mul3A_2794 : vector<16xf32>
        %jit3A_2796 = arith.constant 0.000000e+00 : f32
        %broadcast_in_dim3A_2797 = vector.broadcast %jit3A_2796 : f32 to vector<16xf32>
        %select_n3A_2798 = arith.select %or3A_2777, %mul3A_2795, %broadcast_in_dim3A_2797 : vector<16xi1>, vector<16xf32>
        %add3A_2799 = arith.constant 25 : i32
        %add3A_2800 = vector.broadcast %add3A_2799 : i32 to vector<16xi32>
        %add3A_2801 = arith.addi %add3A_27, %add3A_2800 : vector<16xi32>
        tpu.vector_store_idx %arg5[%add3A_2801], %select_n3A_2798 : memref<32768xf32, #tpu.memory_space<vmem>>[vector<16xi32>], vector<16xf32>,
        %add3A_2802 = arith.constant 26 : i32
        %add3A_2803 = vector.broadcast %add3A_2802 : i32 to vector<16xi32>
        %add3A_2804 = arith.addi %add3A_27, %add3A_2803 : vector<16xi32>
        %gather3A_2805 = tpu.vector_load_idx %arg4[%add3A_2804] : memref<32768xf32, #tpu.memory_space<vmem>>[vector<16xi32>], vector<16xf32>,
        %gt3A_2806 = arith.cmpf ogt, %gather3A_2805, %max3A_1318 : vector<16xf32>
        %eq3A_2807 = arith.cmpf oeq, %gather3A_2805, %max3A_1318 : vector<16xf32>
        %lt3A_2808 = arith.constant 8 : i32
        %lt3A_2809 = vector.broadcast %lt3A_2808 : i32 to vector<16xi32>
        %lt3A_2810 = arith.cmpi slt, %add3A_2781, %lt3A_2809 : vector<16xi32>
        %and3A_2811 = arith.andi %eq3A_2807, %lt3A_2810 : vector<16xi1>
        %or3A_2812 = arith.ori %gt3A_2806, %and3A_2811 : vector<16xi1>
        %jit3A_2813 = arith.constant 0 : i32
        %broadcast_in_dim3A_2814 = vector.broadcast %jit3A_2813 : i32 to vector<16xi32>
        %select_n3A_2815 = arith.select %eq3A_2807, %broadcast_in_dim3A_1323, %broadcast_in_dim3A_2814 : vector<16xi1>, vector<16xi32>
        %add3A_2816 = arith.addi %add3A_2781, %select_n3A_2815 : vector<16xi32>
        %max3A_2817 = arith.constant 0.000000e+00 : f32
        %max3A_2818 = vector.broadcast %max3A_2817 : f32 to vector<16xf32>
        %max3A_2819 = arith.maximumf %gather3A_2805, %max3A_2818 : vector<16xf32>
        %mul3A_2820 = arith.constant 2.000000e+00 : f32
        %mul3A_2821 = vector.broadcast %mul3A_2820 : f32 to vector<16xf32>
        %mul3A_2822 = arith.mulf %max3A_2819, %mul3A_2821 : vector<16xf32>
        %min3A_2823 = arith.constant 1.500000e+01 : f32
        %min3A_2824 = vector.broadcast %min3A_2823 : f32 to vector<16xf32>
        %min3A_2825 = arith.minimumf %mul3A_2822, %min3A_2824 : vector<16xf32>
        %convert_element_type3A_2826 = arith.fptosi %min3A_2825 : vector<16xf32> to vector<16xi32>
        %convert_element_type3A_2827 = arith.sitofp %convert_element_type3A_2826 : vector<16xi32> to vector<16xf32>
        %mul3A_2828 = arith.constant 5.000000e-01 : f32
        %mul3A_2829 = vector.broadcast %mul3A_2828 : f32 to vector<16xf32>
        %mul3A_2830 = arith.mulf %convert_element_type3A_2827, %mul3A_2829 : vector<16xf32>
        %jit3A_2831 = arith.constant 0.000000e+00 : f32
        %broadcast_in_dim3A_2832 = vector.broadcast %jit3A_2831 : f32 to vector<16xf32>
        %select_n3A_2833 = arith.select %or3A_2812, %mul3A_2830, %broadcast_in_dim3A_2832 : vector<16xi1>, vector<16xf32>
        %add3A_2834 = arith.constant 26 : i32
        %add3A_2835 = vector.broadcast %add3A_2834 : i32 to vector<16xi32>
        %add3A_2836 = arith.addi %add3A_27, %add3A_2835 : vector<16xi32>
        tpu.vector_store_idx %arg5[%add3A_2836], %select_n3A_2833 : memref<32768xf32, #tpu.memory_space<vmem>>[vector<16xi32>], vector<16xf32>,
        %add3A_2837 = arith.constant 27 : i32
        %add3A_2838 = vector.broadcast %add3A_2837 : i32 to vector<16xi32>
        %add3A_2839 = arith.addi %add3A_27, %add3A_2838 : vector<16xi32>
        %gather3A_2840 = tpu.vector_load_idx %arg4[%add3A_2839] : memref<32768xf32, #tpu.memory_space<vmem>>[vector<16xi32>], vector<16xf32>,
        %gt3A_2841 = arith.cmpf ogt, %gather3A_2840, %max3A_1318 : vector<16xf32>
        %eq3A_2842 = arith.cmpf oeq, %gather3A_2840, %max3A_1318 : vector<16xf32>
        %lt3A_2843 = arith.constant 8 : i32
        %lt3A_2844 = vector.broadcast %lt3A_2843 : i32 to vector<16xi32>
        %lt3A_2845 = arith.cmpi slt, %add3A_2816, %lt3A_2844 : vector<16xi32>
        %and3A_2846 = arith.andi %eq3A_2842, %lt3A_2845 : vector<16xi1>
        %or3A_2847 = arith.ori %gt3A_2841, %and3A_2846 : vector<16xi1>
        %jit3A_2848 = arith.constant 0 : i32
        %broadcast_in_dim3A_2849 = vector.broadcast %jit3A_2848 : i32 to vector<16xi32>
        %select_n3A_2850 = arith.select %eq3A_2842, %broadcast_in_dim3A_1323, %broadcast_in_dim3A_2849 : vector<16xi1>, vector<16xi32>
        %add3A_2851 = arith.addi %add3A_2816, %select_n3A_2850 : vector<16xi32>
        %max3A_2852 = arith.constant 0.000000e+00 : f32
        %max3A_2853 = vector.broadcast %max3A_2852 : f32 to vector<16xf32>
        %max3A_2854 = arith.maximumf %gather3A_2840, %max3A_2853 : vector<16xf32>
        %mul3A_2855 = arith.constant 2.000000e+00 : f32
        %mul3A_2856 = vector.broadcast %mul3A_2855 : f32 to vector<16xf32>
        %mul3A_2857 = arith.mulf %max3A_2854, %mul3A_2856 : vector<16xf32>
        %min3A_2858 = arith.constant 1.500000e+01 : f32
        %min3A_2859 = vector.broadcast %min3A_2858 : f32 to vector<16xf32>
        %min3A_2860 = arith.minimumf %mul3A_2857, %min3A_2859 : vector<16xf32>
        %convert_element_type3A_2861 = arith.fptosi %min3A_2860 : vector<16xf32> to vector<16xi32>
        %convert_element_type3A_2862 = arith.sitofp %convert_element_type3A_2861 : vector<16xi32> to vector<16xf32>
        %mul3A_2863 = arith.constant 5.000000e-01 : f32
        %mul3A_2864 = vector.broadcast %mul3A_2863 : f32 to vector<16xf32>
        %mul3A_2865 = arith.mulf %convert_element_type3A_2862, %mul3A_2864 : vector<16xf32>
        %jit3A_2866 = arith.constant 0.000000e+00 : f32
        %broadcast_in_dim3A_2867 = vector.broadcast %jit3A_2866 : f32 to vector<16xf32>
        %select_n3A_2868 = arith.select %or3A_2847, %mul3A_2865, %broadcast_in_dim3A_2867 : vector<16xi1>, vector<16xf32>
        %add3A_2869 = arith.constant 27 : i32
        %add3A_2870 = vector.broadcast %add3A_2869 : i32 to vector<16xi32>
        %add3A_2871 = arith.addi %add3A_27, %add3A_2870 : vector<16xi32>
        tpu.vector_store_idx %arg5[%add3A_2871], %select_n3A_2868 : memref<32768xf32, #tpu.memory_space<vmem>>[vector<16xi32>], vector<16xf32>,
        %add3A_2872 = arith.constant 28 : i32
        %add3A_2873 = vector.broadcast %add3A_2872 : i32 to vector<16xi32>
        %add3A_2874 = arith.addi %add3A_27, %add3A_2873 : vector<16xi32>
        %gather3A_2875 = tpu.vector_load_idx %arg4[%add3A_2874] : memref<32768xf32, #tpu.memory_space<vmem>>[vector<16xi32>], vector<16xf32>,
        %gt3A_2876 = arith.cmpf ogt, %gather3A_2875, %max3A_1318 : vector<16xf32>
        %eq3A_2877 = arith.cmpf oeq, %gather3A_2875, %max3A_1318 : vector<16xf32>
        %lt3A_2878 = arith.constant 8 : i32
        %lt3A_2879 = vector.broadcast %lt3A_2878 : i32 to vector<16xi32>
        %lt3A_2880 = arith.cmpi slt, %add3A_2851, %lt3A_2879 : vector<16xi32>
        %and3A_2881 = arith.andi %eq3A_2877, %lt3A_2880 : vector<16xi1>
        %or3A_2882 = arith.ori %gt3A_2876, %and3A_2881 : vector<16xi1>
        %jit3A_2883 = arith.constant 0 : i32
        %broadcast_in_dim3A_2884 = vector.broadcast %jit3A_2883 : i32 to vector<16xi32>
        %select_n3A_2885 = arith.select %eq3A_2877, %broadcast_in_dim3A_1323, %broadcast_in_dim3A_2884 : vector<16xi1>, vector<16xi32>
        %add3A_2886 = arith.addi %add3A_2851, %select_n3A_2885 : vector<16xi32>
        %max3A_2887 = arith.constant 0.000000e+00 : f32
        %max3A_2888 = vector.broadcast %max3A_2887 : f32 to vector<16xf32>
        %max3A_2889 = arith.maximumf %gather3A_2875, %max3A_2888 : vector<16xf32>
        %mul3A_2890 = arith.constant 2.000000e+00 : f32
        %mul3A_2891 = vector.broadcast %mul3A_2890 : f32 to vector<16xf32>
        %mul3A_2892 = arith.mulf %max3A_2889, %mul3A_2891 : vector<16xf32>
        %min3A_2893 = arith.constant 1.500000e+01 : f32
        %min3A_2894 = vector.broadcast %min3A_2893 : f32 to vector<16xf32>
        %min3A_2895 = arith.minimumf %mul3A_2892, %min3A_2894 : vector<16xf32>
        %convert_element_type3A_2896 = arith.fptosi %min3A_2895 : vector<16xf32> to vector<16xi32>
        %convert_element_type3A_2897 = arith.sitofp %convert_element_type3A_2896 : vector<16xi32> to vector<16xf32>
        %mul3A_2898 = arith.constant 5.000000e-01 : f32
        %mul3A_2899 = vector.broadcast %mul3A_2898 : f32 to vector<16xf32>
        %mul3A_2900 = arith.mulf %convert_element_type3A_2897, %mul3A_2899 : vector<16xf32>
        %jit3A_2901 = arith.constant 0.000000e+00 : f32
        %broadcast_in_dim3A_2902 = vector.broadcast %jit3A_2901 : f32 to vector<16xf32>
        %select_n3A_2903 = arith.select %or3A_2882, %mul3A_2900, %broadcast_in_dim3A_2902 : vector<16xi1>, vector<16xf32>
        %add3A_2904 = arith.constant 28 : i32
        %add3A_2905 = vector.broadcast %add3A_2904 : i32 to vector<16xi32>
        %add3A_2906 = arith.addi %add3A_27, %add3A_2905 : vector<16xi32>
        tpu.vector_store_idx %arg5[%add3A_2906], %select_n3A_2903 : memref<32768xf32, #tpu.memory_space<vmem>>[vector<16xi32>], vector<16xf32>,
        %add3A_2907 = arith.constant 29 : i32
        %add3A_2908 = vector.broadcast %add3A_2907 : i32 to vector<16xi32>
        %add3A_2909 = arith.addi %add3A_27, %add3A_2908 : vector<16xi32>
        %gather3A_2910 = tpu.vector_load_idx %arg4[%add3A_2909] : memref<32768xf32, #tpu.memory_space<vmem>>[vector<16xi32>], vector<16xf32>,
        %gt3A_2911 = arith.cmpf ogt, %gather3A_2910, %max3A_1318 : vector<16xf32>
        %eq3A_2912 = arith.cmpf oeq, %gather3A_2910, %max3A_1318 : vector<16xf32>
        %lt3A_2913 = arith.constant 8 : i32
        %lt3A_2914 = vector.broadcast %lt3A_2913 : i32 to vector<16xi32>
        %lt3A_2915 = arith.cmpi slt, %add3A_2886, %lt3A_2914 : vector<16xi32>
        %and3A_2916 = arith.andi %eq3A_2912, %lt3A_2915 : vector<16xi1>
        %or3A_2917 = arith.ori %gt3A_2911, %and3A_2916 : vector<16xi1>
        %jit3A_2918 = arith.constant 0 : i32
        %broadcast_in_dim3A_2919 = vector.broadcast %jit3A_2918 : i32 to vector<16xi32>
        %select_n3A_2920 = arith.select %eq3A_2912, %broadcast_in_dim3A_1323, %broadcast_in_dim3A_2919 : vector<16xi1>, vector<16xi32>
        %add3A_2921 = arith.addi %add3A_2886, %select_n3A_2920 : vector<16xi32>
        %max3A_2922 = arith.constant 0.000000e+00 : f32
        %max3A_2923 = vector.broadcast %max3A_2922 : f32 to vector<16xf32>
        %max3A_2924 = arith.maximumf %gather3A_2910, %max3A_2923 : vector<16xf32>
        %mul3A_2925 = arith.constant 2.000000e+00 : f32
        %mul3A_2926 = vector.broadcast %mul3A_2925 : f32 to vector<16xf32>
        %mul3A_2927 = arith.mulf %max3A_2924, %mul3A_2926 : vector<16xf32>
        %min3A_2928 = arith.constant 1.500000e+01 : f32
        %min3A_2929 = vector.broadcast %min3A_2928 : f32 to vector<16xf32>
        %min3A_2930 = arith.minimumf %mul3A_2927, %min3A_2929 : vector<16xf32>
        %convert_element_type3A_2931 = arith.fptosi %min3A_2930 : vector<16xf32> to vector<16xi32>
        %convert_element_type3A_2932 = arith.sitofp %convert_element_type3A_2931 : vector<16xi32> to vector<16xf32>
        %mul3A_2933 = arith.constant 5.000000e-01 : f32
        %mul3A_2934 = vector.broadcast %mul3A_2933 : f32 to vector<16xf32>
        %mul3A_2935 = arith.mulf %convert_element_type3A_2932, %mul3A_2934 : vector<16xf32>
        %jit3A_2936 = arith.constant 0.000000e+00 : f32
        %broadcast_in_dim3A_2937 = vector.broadcast %jit3A_2936 : f32 to vector<16xf32>
        %select_n3A_2938 = arith.select %or3A_2917, %mul3A_2935, %broadcast_in_dim3A_2937 : vector<16xi1>, vector<16xf32>
        %add3A_2939 = arith.constant 29 : i32
        %add3A_2940 = vector.broadcast %add3A_2939 : i32 to vector<16xi32>
        %add3A_2941 = arith.addi %add3A_27, %add3A_2940 : vector<16xi32>
        tpu.vector_store_idx %arg5[%add3A_2941], %select_n3A_2938 : memref<32768xf32, #tpu.memory_space<vmem>>[vector<16xi32>], vector<16xf32>,
        %add3A_2942 = arith.constant 30 : i32
        %add3A_2943 = vector.broadcast %add3A_2942 : i32 to vector<16xi32>
        %add3A_2944 = arith.addi %add3A_27, %add3A_2943 : vector<16xi32>
        %gather3A_2945 = tpu.vector_load_idx %arg4[%add3A_2944] : memref<32768xf32, #tpu.memory_space<vmem>>[vector<16xi32>], vector<16xf32>,
        %gt3A_2946 = arith.cmpf ogt, %gather3A_2945, %max3A_1318 : vector<16xf32>
        %eq3A_2947 = arith.cmpf oeq, %gather3A_2945, %max3A_1318 : vector<16xf32>
        %lt3A_2948 = arith.constant 8 : i32
        %lt3A_2949 = vector.broadcast %lt3A_2948 : i32 to vector<16xi32>
        %lt3A_2950 = arith.cmpi slt, %add3A_2921, %lt3A_2949 : vector<16xi32>
        %and3A_2951 = arith.andi %eq3A_2947, %lt3A_2950 : vector<16xi1>
        %or3A_2952 = arith.ori %gt3A_2946, %and3A_2951 : vector<16xi1>
        %jit3A_2953 = arith.constant 0 : i32
        %broadcast_in_dim3A_2954 = vector.broadcast %jit3A_2953 : i32 to vector<16xi32>
        %select_n3A_2955 = arith.select %eq3A_2947, %broadcast_in_dim3A_1323, %broadcast_in_dim3A_2954 : vector<16xi1>, vector<16xi32>
        %add3A_2956 = arith.addi %add3A_2921, %select_n3A_2955 : vector<16xi32>
        %max3A_2957 = arith.constant 0.000000e+00 : f32
        %max3A_2958 = vector.broadcast %max3A_2957 : f32 to vector<16xf32>
        %max3A_2959 = arith.maximumf %gather3A_2945, %max3A_2958 : vector<16xf32>
        %mul3A_2960 = arith.constant 2.000000e+00 : f32
        %mul3A_2961 = vector.broadcast %mul3A_2960 : f32 to vector<16xf32>
        %mul3A_2962 = arith.mulf %max3A_2959, %mul3A_2961 : vector<16xf32>
        %min3A_2963 = arith.constant 1.500000e+01 : f32
        %min3A_2964 = vector.broadcast %min3A_2963 : f32 to vector<16xf32>
        %min3A_2965 = arith.minimumf %mul3A_2962, %min3A_2964 : vector<16xf32>
        %convert_element_type3A_2966 = arith.fptosi %min3A_2965 : vector<16xf32> to vector<16xi32>
        %convert_element_type3A_2967 = arith.sitofp %convert_element_type3A_2966 : vector<16xi32> to vector<16xf32>
        %mul3A_2968 = arith.constant 5.000000e-01 : f32
        %mul3A_2969 = vector.broadcast %mul3A_2968 : f32 to vector<16xf32>
        %mul3A_2970 = arith.mulf %convert_element_type3A_2967, %mul3A_2969 : vector<16xf32>
        %jit3A_2971 = arith.constant 0.000000e+00 : f32
        %broadcast_in_dim3A_2972 = vector.broadcast %jit3A_2971 : f32 to vector<16xf32>
        %select_n3A_2973 = arith.select %or3A_2952, %mul3A_2970, %broadcast_in_dim3A_2972 : vector<16xi1>, vector<16xf32>
        %add3A_2974 = arith.constant 30 : i32
        %add3A_2975 = vector.broadcast %add3A_2974 : i32 to vector<16xi32>
        %add3A_2976 = arith.addi %add3A_27, %add3A_2975 : vector<16xi32>
        tpu.vector_store_idx %arg5[%add3A_2976], %select_n3A_2973 : memref<32768xf32, #tpu.memory_space<vmem>>[vector<16xi32>], vector<16xf32>,
        %add3A_2977 = arith.constant 31 : i32
        %add3A_2978 = vector.broadcast %add3A_2977 : i32 to vector<16xi32>
        %add3A_2979 = arith.addi %add3A_27, %add3A_2978 : vector<16xi32>
        %gather3A_2980 = tpu.vector_load_idx %arg4[%add3A_2979] : memref<32768xf32, #tpu.memory_space<vmem>>[vector<16xi32>], vector<16xf32>,
        %gt3A_2981 = arith.cmpf ogt, %gather3A_2980, %max3A_1318 : vector<16xf32>
        %eq3A_2982 = arith.cmpf oeq, %gather3A_2980, %max3A_1318 : vector<16xf32>
        %lt3A_2983 = arith.constant 8 : i32
        %lt3A_2984 = vector.broadcast %lt3A_2983 : i32 to vector<16xi32>
        %lt3A_2985 = arith.cmpi slt, %add3A_2956, %lt3A_2984 : vector<16xi32>
        %and3A_2986 = arith.andi %eq3A_2982, %lt3A_2985 : vector<16xi1>
        %or3A_2987 = arith.ori %gt3A_2981, %and3A_2986 : vector<16xi1>
        %jit3A_2988 = arith.constant 0 : i32
        %broadcast_in_dim3A_2989 = vector.broadcast %jit3A_2988 : i32 to vector<16xi32>
        %select_n3A_2990 = arith.select %eq3A_2982, %broadcast_in_dim3A_1323, %broadcast_in_dim3A_2989 : vector<16xi1>, vector<16xi32>
        %add3A_2991 = arith.addi %add3A_2956, %select_n3A_2990 : vector<16xi32>
        %max3A_2992 = arith.constant 0.000000e+00 : f32
        %max3A_2993 = vector.broadcast %max3A_2992 : f32 to vector<16xf32>
        %max3A_2994 = arith.maximumf %gather3A_2980, %max3A_2993 : vector<16xf32>
        %mul3A_2995 = arith.constant 2.000000e+00 : f32
        %mul3A_2996 = vector.broadcast %mul3A_2995 : f32 to vector<16xf32>
        %mul3A_2997 = arith.mulf %max3A_2994, %mul3A_2996 : vector<16xf32>
        %min3A_2998 = arith.constant 1.500000e+01 : f32
        %min3A_2999 = vector.broadcast %min3A_2998 : f32 to vector<16xf32>
        %min3A_3000 = arith.minimumf %mul3A_2997, %min3A_2999 : vector<16xf32>
        %convert_element_type3A_3001 = arith.fptosi %min3A_3000 : vector<16xf32> to vector<16xi32>
        %convert_element_type3A_3002 = arith.sitofp %convert_element_type3A_3001 : vector<16xi32> to vector<16xf32>
        %mul3A_3003 = arith.constant 5.000000e-01 : f32
        %mul3A_3004 = vector.broadcast %mul3A_3003 : f32 to vector<16xf32>
        %mul3A_3005 = arith.mulf %convert_element_type3A_3002, %mul3A_3004 : vector<16xf32>
        %jit3A_3006 = arith.constant 0.000000e+00 : f32
        %broadcast_in_dim3A_3007 = vector.broadcast %jit3A_3006 : f32 to vector<16xf32>
        %select_n3A_3008 = arith.select %or3A_2987, %mul3A_3005, %broadcast_in_dim3A_3007 : vector<16xi1>, vector<16xf32>
        %add3A_3009 = arith.constant 31 : i32
        %add3A_3010 = vector.broadcast %add3A_3009 : i32 to vector<16xi32>
        %add3A_3011 = arith.addi %add3A_27, %add3A_3010 : vector<16xi32>
        tpu.vector_store_idx %arg5[%add3A_3011], %select_n3A_3008 : memref<32768xf32, #tpu.memory_space<vmem>>[vector<16xi32>], vector<16xf32>,
        %add3A_3012 = arith.constant 32 : i32
        %add3A_3013 = vector.broadcast %add3A_3012 : i32 to vector<16xi32>
        %add3A_3014 = arith.addi %add3A_27, %add3A_3013 : vector<16xi32>
        %gather3A_3015 = tpu.vector_load_idx %arg4[%add3A_3014] : memref<32768xf32, #tpu.memory_space<vmem>>[vector<16xi32>], vector<16xf32>,
        %gt3A_3016 = arith.cmpf ogt, %gather3A_3015, %max3A_1318 : vector<16xf32>
        %eq3A_3017 = arith.cmpf oeq, %gather3A_3015, %max3A_1318 : vector<16xf32>
        %lt3A_3018 = arith.constant 8 : i32
        %lt3A_3019 = vector.broadcast %lt3A_3018 : i32 to vector<16xi32>
        %lt3A_3020 = arith.cmpi slt, %add3A_2991, %lt3A_3019 : vector<16xi32>
        %and3A_3021 = arith.andi %eq3A_3017, %lt3A_3020 : vector<16xi1>
        %or3A_3022 = arith.ori %gt3A_3016, %and3A_3021 : vector<16xi1>
        %jit3A_3023 = arith.constant 0 : i32
        %broadcast_in_dim3A_3024 = vector.broadcast %jit3A_3023 : i32 to vector<16xi32>
        %select_n3A_3025 = arith.select %eq3A_3017, %broadcast_in_dim3A_1323, %broadcast_in_dim3A_3024 : vector<16xi1>, vector<16xi32>
        %add3A_3026 = arith.addi %add3A_2991, %select_n3A_3025 : vector<16xi32>
        %max3A_3027 = arith.constant 0.000000e+00 : f32
        %max3A_3028 = vector.broadcast %max3A_3027 : f32 to vector<16xf32>
        %max3A_3029 = arith.maximumf %gather3A_3015, %max3A_3028 : vector<16xf32>
        %mul3A_3030 = arith.constant 2.000000e+00 : f32
        %mul3A_3031 = vector.broadcast %mul3A_3030 : f32 to vector<16xf32>
        %mul3A_3032 = arith.mulf %max3A_3029, %mul3A_3031 : vector<16xf32>
        %min3A_3033 = arith.constant 1.500000e+01 : f32
        %min3A_3034 = vector.broadcast %min3A_3033 : f32 to vector<16xf32>
        %min3A_3035 = arith.minimumf %mul3A_3032, %min3A_3034 : vector<16xf32>
        %convert_element_type3A_3036 = arith.fptosi %min3A_3035 : vector<16xf32> to vector<16xi32>
        %convert_element_type3A_3037 = arith.sitofp %convert_element_type3A_3036 : vector<16xi32> to vector<16xf32>
        %mul3A_3038 = arith.constant 5.000000e-01 : f32
        %mul3A_3039 = vector.broadcast %mul3A_3038 : f32 to vector<16xf32>
        %mul3A_3040 = arith.mulf %convert_element_type3A_3037, %mul3A_3039 : vector<16xf32>
        %jit3A_3041 = arith.constant 0.000000e+00 : f32
        %broadcast_in_dim3A_3042 = vector.broadcast %jit3A_3041 : f32 to vector<16xf32>
        %select_n3A_3043 = arith.select %or3A_3022, %mul3A_3040, %broadcast_in_dim3A_3042 : vector<16xi1>, vector<16xf32>
        %add3A_3044 = arith.constant 32 : i32
        %add3A_3045 = vector.broadcast %add3A_3044 : i32 to vector<16xi32>
        %add3A_3046 = arith.addi %add3A_27, %add3A_3045 : vector<16xi32>
        tpu.vector_store_idx %arg5[%add3A_3046], %select_n3A_3043 : memref<32768xf32, #tpu.memory_space<vmem>>[vector<16xi32>], vector<16xf32>,
        %add3A_3047 = arith.constant 33 : i32
        %add3A_3048 = vector.broadcast %add3A_3047 : i32 to vector<16xi32>
        %add3A_3049 = arith.addi %add3A_27, %add3A_3048 : vector<16xi32>
        %gather3A_3050 = tpu.vector_load_idx %arg4[%add3A_3049] : memref<32768xf32, #tpu.memory_space<vmem>>[vector<16xi32>], vector<16xf32>,
        %gt3A_3051 = arith.cmpf ogt, %gather3A_3050, %max3A_1318 : vector<16xf32>
        %eq3A_3052 = arith.cmpf oeq, %gather3A_3050, %max3A_1318 : vector<16xf32>
        %lt3A_3053 = arith.constant 8 : i32
        %lt3A_3054 = vector.broadcast %lt3A_3053 : i32 to vector<16xi32>
        %lt3A_3055 = arith.cmpi slt, %add3A_3026, %lt3A_3054 : vector<16xi32>
        %and3A_3056 = arith.andi %eq3A_3052, %lt3A_3055 : vector<16xi1>
        %or3A_3057 = arith.ori %gt3A_3051, %and3A_3056 : vector<16xi1>
        %jit3A_3058 = arith.constant 0 : i32
        %broadcast_in_dim3A_3059 = vector.broadcast %jit3A_3058 : i32 to vector<16xi32>
        %select_n3A_3060 = arith.select %eq3A_3052, %broadcast_in_dim3A_1323, %broadcast_in_dim3A_3059 : vector<16xi1>, vector<16xi32>
        %add3A_3061 = arith.addi %add3A_3026, %select_n3A_3060 : vector<16xi32>
        %max3A_3062 = arith.constant 0.000000e+00 : f32
        %max3A_3063 = vector.broadcast %max3A_3062 : f32 to vector<16xf32>
        %max3A_3064 = arith.maximumf %gather3A_3050, %max3A_3063 : vector<16xf32>
        %mul3A_3065 = arith.constant 2.000000e+00 : f32
        %mul3A_3066 = vector.broadcast %mul3A_3065 : f32 to vector<16xf32>
        %mul3A_3067 = arith.mulf %max3A_3064, %mul3A_3066 : vector<16xf32>
        %min3A_3068 = arith.constant 1.500000e+01 : f32
        %min3A_3069 = vector.broadcast %min3A_3068 : f32 to vector<16xf32>
        %min3A_3070 = arith.minimumf %mul3A_3067, %min3A_3069 : vector<16xf32>
        %convert_element_type3A_3071 = arith.fptosi %min3A_3070 : vector<16xf32> to vector<16xi32>
        %convert_element_type3A_3072 = arith.sitofp %convert_element_type3A_3071 : vector<16xi32> to vector<16xf32>
        %mul3A_3073 = arith.constant 5.000000e-01 : f32
        %mul3A_3074 = vector.broadcast %mul3A_3073 : f32 to vector<16xf32>
        %mul3A_3075 = arith.mulf %convert_element_type3A_3072, %mul3A_3074 : vector<16xf32>
        %jit3A_3076 = arith.constant 0.000000e+00 : f32
        %broadcast_in_dim3A_3077 = vector.broadcast %jit3A_3076 : f32 to vector<16xf32>
        %select_n3A_3078 = arith.select %or3A_3057, %mul3A_3075, %broadcast_in_dim3A_3077 : vector<16xi1>, vector<16xf32>
        %add3A_3079 = arith.constant 33 : i32
        %add3A_3080 = vector.broadcast %add3A_3079 : i32 to vector<16xi32>
        %add3A_3081 = arith.addi %add3A_27, %add3A_3080 : vector<16xi32>
        tpu.vector_store_idx %arg5[%add3A_3081], %select_n3A_3078 : memref<32768xf32, #tpu.memory_space<vmem>>[vector<16xi32>], vector<16xf32>,
        %add3A_3082 = arith.constant 34 : i32
        %add3A_3083 = vector.broadcast %add3A_3082 : i32 to vector<16xi32>
        %add3A_3084 = arith.addi %add3A_27, %add3A_3083 : vector<16xi32>
        %gather3A_3085 = tpu.vector_load_idx %arg4[%add3A_3084] : memref<32768xf32, #tpu.memory_space<vmem>>[vector<16xi32>], vector<16xf32>,
        %gt3A_3086 = arith.cmpf ogt, %gather3A_3085, %max3A_1318 : vector<16xf32>
        %eq3A_3087 = arith.cmpf oeq, %gather3A_3085, %max3A_1318 : vector<16xf32>
        %lt3A_3088 = arith.constant 8 : i32
        %lt3A_3089 = vector.broadcast %lt3A_3088 : i32 to vector<16xi32>
        %lt3A_3090 = arith.cmpi slt, %add3A_3061, %lt3A_3089 : vector<16xi32>
        %and3A_3091 = arith.andi %eq3A_3087, %lt3A_3090 : vector<16xi1>
        %or3A_3092 = arith.ori %gt3A_3086, %and3A_3091 : vector<16xi1>
        %jit3A_3093 = arith.constant 0 : i32
        %broadcast_in_dim3A_3094 = vector.broadcast %jit3A_3093 : i32 to vector<16xi32>
        %select_n3A_3095 = arith.select %eq3A_3087, %broadcast_in_dim3A_1323, %broadcast_in_dim3A_3094 : vector<16xi1>, vector<16xi32>
        %add3A_3096 = arith.addi %add3A_3061, %select_n3A_3095 : vector<16xi32>
        %max3A_3097 = arith.constant 0.000000e+00 : f32
        %max3A_3098 = vector.broadcast %max3A_3097 : f32 to vector<16xf32>
        %max3A_3099 = arith.maximumf %gather3A_3085, %max3A_3098 : vector<16xf32>
        %mul3A_3100 = arith.constant 2.000000e+00 : f32
        %mul3A_3101 = vector.broadcast %mul3A_3100 : f32 to vector<16xf32>
        %mul3A_3102 = arith.mulf %max3A_3099, %mul3A_3101 : vector<16xf32>
        %min3A_3103 = arith.constant 1.500000e+01 : f32
        %min3A_3104 = vector.broadcast %min3A_3103 : f32 to vector<16xf32>
        %min3A_3105 = arith.minimumf %mul3A_3102, %min3A_3104 : vector<16xf32>
        %convert_element_type3A_3106 = arith.fptosi %min3A_3105 : vector<16xf32> to vector<16xi32>
        %convert_element_type3A_3107 = arith.sitofp %convert_element_type3A_3106 : vector<16xi32> to vector<16xf32>
        %mul3A_3108 = arith.constant 5.000000e-01 : f32
        %mul3A_3109 = vector.broadcast %mul3A_3108 : f32 to vector<16xf32>
        %mul3A_3110 = arith.mulf %convert_element_type3A_3107, %mul3A_3109 : vector<16xf32>
        %jit3A_3111 = arith.constant 0.000000e+00 : f32
        %broadcast_in_dim3A_3112 = vector.broadcast %jit3A_3111 : f32 to vector<16xf32>
        %select_n3A_3113 = arith.select %or3A_3092, %mul3A_3110, %broadcast_in_dim3A_3112 : vector<16xi1>, vector<16xf32>
        %add3A_3114 = arith.constant 34 : i32
        %add3A_3115 = vector.broadcast %add3A_3114 : i32 to vector<16xi32>
        %add3A_3116 = arith.addi %add3A_27, %add3A_3115 : vector<16xi32>
        tpu.vector_store_idx %arg5[%add3A_3116], %select_n3A_3113 : memref<32768xf32, #tpu.memory_space<vmem>>[vector<16xi32>], vector<16xf32>,
        %add3A_3117 = arith.constant 35 : i32
        %add3A_3118 = vector.broadcast %add3A_3117 : i32 to vector<16xi32>
        %add3A_3119 = arith.addi %add3A_27, %add3A_3118 : vector<16xi32>
        %gather3A_3120 = tpu.vector_load_idx %arg4[%add3A_3119] : memref<32768xf32, #tpu.memory_space<vmem>>[vector<16xi32>], vector<16xf32>,
        %gt3A_3121 = arith.cmpf ogt, %gather3A_3120, %max3A_1318 : vector<16xf32>
        %eq3A_3122 = arith.cmpf oeq, %gather3A_3120, %max3A_1318 : vector<16xf32>
        %lt3A_3123 = arith.constant 8 : i32
        %lt3A_3124 = vector.broadcast %lt3A_3123 : i32 to vector<16xi32>
        %lt3A_3125 = arith.cmpi slt, %add3A_3096, %lt3A_3124 : vector<16xi32>
        %and3A_3126 = arith.andi %eq3A_3122, %lt3A_3125 : vector<16xi1>
        %or3A_3127 = arith.ori %gt3A_3121, %and3A_3126 : vector<16xi1>
        %jit3A_3128 = arith.constant 0 : i32
        %broadcast_in_dim3A_3129 = vector.broadcast %jit3A_3128 : i32 to vector<16xi32>
        %select_n3A_3130 = arith.select %eq3A_3122, %broadcast_in_dim3A_1323, %broadcast_in_dim3A_3129 : vector<16xi1>, vector<16xi32>
        %add3A_3131 = arith.addi %add3A_3096, %select_n3A_3130 : vector<16xi32>
        %max3A_3132 = arith.constant 0.000000e+00 : f32
        %max3A_3133 = vector.broadcast %max3A_3132 : f32 to vector<16xf32>
        %max3A_3134 = arith.maximumf %gather3A_3120, %max3A_3133 : vector<16xf32>
        %mul3A_3135 = arith.constant 2.000000e+00 : f32
        %mul3A_3136 = vector.broadcast %mul3A_3135 : f32 to vector<16xf32>
        %mul3A_3137 = arith.mulf %max3A_3134, %mul3A_3136 : vector<16xf32>
        %min3A_3138 = arith.constant 1.500000e+01 : f32
        %min3A_3139 = vector.broadcast %min3A_3138 : f32 to vector<16xf32>
        %min3A_3140 = arith.minimumf %mul3A_3137, %min3A_3139 : vector<16xf32>
        %convert_element_type3A_3141 = arith.fptosi %min3A_3140 : vector<16xf32> to vector<16xi32>
        %convert_element_type3A_3142 = arith.sitofp %convert_element_type3A_3141 : vector<16xi32> to vector<16xf32>
        %mul3A_3143 = arith.constant 5.000000e-01 : f32
        %mul3A_3144 = vector.broadcast %mul3A_3143 : f32 to vector<16xf32>
        %mul3A_3145 = arith.mulf %convert_element_type3A_3142, %mul3A_3144 : vector<16xf32>
        %jit3A_3146 = arith.constant 0.000000e+00 : f32
        %broadcast_in_dim3A_3147 = vector.broadcast %jit3A_3146 : f32 to vector<16xf32>
        %select_n3A_3148 = arith.select %or3A_3127, %mul3A_3145, %broadcast_in_dim3A_3147 : vector<16xi1>, vector<16xf32>
        %add3A_3149 = arith.constant 35 : i32
        %add3A_3150 = vector.broadcast %add3A_3149 : i32 to vector<16xi32>
        %add3A_3151 = arith.addi %add3A_27, %add3A_3150 : vector<16xi32>
        tpu.vector_store_idx %arg5[%add3A_3151], %select_n3A_3148 : memref<32768xf32, #tpu.memory_space<vmem>>[vector<16xi32>], vector<16xf32>,
        %add3A_3152 = arith.constant 36 : i32
        %add3A_3153 = vector.broadcast %add3A_3152 : i32 to vector<16xi32>
        %add3A_3154 = arith.addi %add3A_27, %add3A_3153 : vector<16xi32>
        %gather3A_3155 = tpu.vector_load_idx %arg4[%add3A_3154] : memref<32768xf32, #tpu.memory_space<vmem>>[vector<16xi32>], vector<16xf32>,
        %gt3A_3156 = arith.cmpf ogt, %gather3A_3155, %max3A_1318 : vector<16xf32>
        %eq3A_3157 = arith.cmpf oeq, %gather3A_3155, %max3A_1318 : vector<16xf32>
        %lt3A_3158 = arith.constant 8 : i32
        %lt3A_3159 = vector.broadcast %lt3A_3158 : i32 to vector<16xi32>
        %lt3A_3160 = arith.cmpi slt, %add3A_3131, %lt3A_3159 : vector<16xi32>
        %and3A_3161 = arith.andi %eq3A_3157, %lt3A_3160 : vector<16xi1>
        %or3A_3162 = arith.ori %gt3A_3156, %and3A_3161 : vector<16xi1>
        %jit3A_3163 = arith.constant 0 : i32
        %broadcast_in_dim3A_3164 = vector.broadcast %jit3A_3163 : i32 to vector<16xi32>
        %select_n3A_3165 = arith.select %eq3A_3157, %broadcast_in_dim3A_1323, %broadcast_in_dim3A_3164 : vector<16xi1>, vector<16xi32>
        %add3A_3166 = arith.addi %add3A_3131, %select_n3A_3165 : vector<16xi32>
        %max3A_3167 = arith.constant 0.000000e+00 : f32
        %max3A_3168 = vector.broadcast %max3A_3167 : f32 to vector<16xf32>
        %max3A_3169 = arith.maximumf %gather3A_3155, %max3A_3168 : vector<16xf32>
        %mul3A_3170 = arith.constant 2.000000e+00 : f32
        %mul3A_3171 = vector.broadcast %mul3A_3170 : f32 to vector<16xf32>
        %mul3A_3172 = arith.mulf %max3A_3169, %mul3A_3171 : vector<16xf32>
        %min3A_3173 = arith.constant 1.500000e+01 : f32
        %min3A_3174 = vector.broadcast %min3A_3173 : f32 to vector<16xf32>
        %min3A_3175 = arith.minimumf %mul3A_3172, %min3A_3174 : vector<16xf32>
        %convert_element_type3A_3176 = arith.fptosi %min3A_3175 : vector<16xf32> to vector<16xi32>
        %convert_element_type3A_3177 = arith.sitofp %convert_element_type3A_3176 : vector<16xi32> to vector<16xf32>
        %mul3A_3178 = arith.constant 5.000000e-01 : f32
        %mul3A_3179 = vector.broadcast %mul3A_3178 : f32 to vector<16xf32>
        %mul3A_3180 = arith.mulf %convert_element_type3A_3177, %mul3A_3179 : vector<16xf32>
        %jit3A_3181 = arith.constant 0.000000e+00 : f32
        %broadcast_in_dim3A_3182 = vector.broadcast %jit3A_3181 : f32 to vector<16xf32>
        %select_n3A_3183 = arith.select %or3A_3162, %mul3A_3180, %broadcast_in_dim3A_3182 : vector<16xi1>, vector<16xf32>
        %add3A_3184 = arith.constant 36 : i32
        %add3A_3185 = vector.broadcast %add3A_3184 : i32 to vector<16xi32>
        %add3A_3186 = arith.addi %add3A_27, %add3A_3185 : vector<16xi32>
        tpu.vector_store_idx %arg5[%add3A_3186], %select_n3A_3183 : memref<32768xf32, #tpu.memory_space<vmem>>[vector<16xi32>], vector<16xf32>,
        %add3A_3187 = arith.constant 37 : i32
        %add3A_3188 = vector.broadcast %add3A_3187 : i32 to vector<16xi32>
        %add3A_3189 = arith.addi %add3A_27, %add3A_3188 : vector<16xi32>
        %gather3A_3190 = tpu.vector_load_idx %arg4[%add3A_3189] : memref<32768xf32, #tpu.memory_space<vmem>>[vector<16xi32>], vector<16xf32>,
        %gt3A_3191 = arith.cmpf ogt, %gather3A_3190, %max3A_1318 : vector<16xf32>
        %eq3A_3192 = arith.cmpf oeq, %gather3A_3190, %max3A_1318 : vector<16xf32>
        %lt3A_3193 = arith.constant 8 : i32
        %lt3A_3194 = vector.broadcast %lt3A_3193 : i32 to vector<16xi32>
        %lt3A_3195 = arith.cmpi slt, %add3A_3166, %lt3A_3194 : vector<16xi32>
        %and3A_3196 = arith.andi %eq3A_3192, %lt3A_3195 : vector<16xi1>
        %or3A_3197 = arith.ori %gt3A_3191, %and3A_3196 : vector<16xi1>
        %jit3A_3198 = arith.constant 0 : i32
        %broadcast_in_dim3A_3199 = vector.broadcast %jit3A_3198 : i32 to vector<16xi32>
        %select_n3A_3200 = arith.select %eq3A_3192, %broadcast_in_dim3A_1323, %broadcast_in_dim3A_3199 : vector<16xi1>, vector<16xi32>
        %add3A_3201 = arith.addi %add3A_3166, %select_n3A_3200 : vector<16xi32>
        %max3A_3202 = arith.constant 0.000000e+00 : f32
        %max3A_3203 = vector.broadcast %max3A_3202 : f32 to vector<16xf32>
        %max3A_3204 = arith.maximumf %gather3A_3190, %max3A_3203 : vector<16xf32>
        %mul3A_3205 = arith.constant 2.000000e+00 : f32
        %mul3A_3206 = vector.broadcast %mul3A_3205 : f32 to vector<16xf32>
        %mul3A_3207 = arith.mulf %max3A_3204, %mul3A_3206 : vector<16xf32>
        %min3A_3208 = arith.constant 1.500000e+01 : f32
        %min3A_3209 = vector.broadcast %min3A_3208 : f32 to vector<16xf32>
        %min3A_3210 = arith.minimumf %mul3A_3207, %min3A_3209 : vector<16xf32>
        %convert_element_type3A_3211 = arith.fptosi %min3A_3210 : vector<16xf32> to vector<16xi32>
        %convert_element_type3A_3212 = arith.sitofp %convert_element_type3A_3211 : vector<16xi32> to vector<16xf32>
        %mul3A_3213 = arith.constant 5.000000e-01 : f32
        %mul3A_3214 = vector.broadcast %mul3A_3213 : f32 to vector<16xf32>
        %mul3A_3215 = arith.mulf %convert_element_type3A_3212, %mul3A_3214 : vector<16xf32>
        %jit3A_3216 = arith.constant 0.000000e+00 : f32
        %broadcast_in_dim3A_3217 = vector.broadcast %jit3A_3216 : f32 to vector<16xf32>
        %select_n3A_3218 = arith.select %or3A_3197, %mul3A_3215, %broadcast_in_dim3A_3217 : vector<16xi1>, vector<16xf32>
        %add3A_3219 = arith.constant 37 : i32
        %add3A_3220 = vector.broadcast %add3A_3219 : i32 to vector<16xi32>
        %add3A_3221 = arith.addi %add3A_27, %add3A_3220 : vector<16xi32>
        tpu.vector_store_idx %arg5[%add3A_3221], %select_n3A_3218 : memref<32768xf32, #tpu.memory_space<vmem>>[vector<16xi32>], vector<16xf32>,
        %add3A_3222 = arith.constant 38 : i32
        %add3A_3223 = vector.broadcast %add3A_3222 : i32 to vector<16xi32>
        %add3A_3224 = arith.addi %add3A_27, %add3A_3223 : vector<16xi32>
        %gather3A_3225 = tpu.vector_load_idx %arg4[%add3A_3224] : memref<32768xf32, #tpu.memory_space<vmem>>[vector<16xi32>], vector<16xf32>,
        %gt3A_3226 = arith.cmpf ogt, %gather3A_3225, %max3A_1318 : vector<16xf32>
        %eq3A_3227 = arith.cmpf oeq, %gather3A_3225, %max3A_1318 : vector<16xf32>
        %lt3A_3228 = arith.constant 8 : i32
        %lt3A_3229 = vector.broadcast %lt3A_3228 : i32 to vector<16xi32>
        %lt3A_3230 = arith.cmpi slt, %add3A_3201, %lt3A_3229 : vector<16xi32>
        %and3A_3231 = arith.andi %eq3A_3227, %lt3A_3230 : vector<16xi1>
        %or3A_3232 = arith.ori %gt3A_3226, %and3A_3231 : vector<16xi1>
        %jit3A_3233 = arith.constant 0 : i32
        %broadcast_in_dim3A_3234 = vector.broadcast %jit3A_3233 : i32 to vector<16xi32>
        %select_n3A_3235 = arith.select %eq3A_3227, %broadcast_in_dim3A_1323, %broadcast_in_dim3A_3234 : vector<16xi1>, vector<16xi32>
        %add3A_3236 = arith.addi %add3A_3201, %select_n3A_3235 : vector<16xi32>
        %max3A_3237 = arith.constant 0.000000e+00 : f32
        %max3A_3238 = vector.broadcast %max3A_3237 : f32 to vector<16xf32>
        %max3A_3239 = arith.maximumf %gather3A_3225, %max3A_3238 : vector<16xf32>
        %mul3A_3240 = arith.constant 2.000000e+00 : f32
        %mul3A_3241 = vector.broadcast %mul3A_3240 : f32 to vector<16xf32>
        %mul3A_3242 = arith.mulf %max3A_3239, %mul3A_3241 : vector<16xf32>
        %min3A_3243 = arith.constant 1.500000e+01 : f32
        %min3A_3244 = vector.broadcast %min3A_3243 : f32 to vector<16xf32>
        %min3A_3245 = arith.minimumf %mul3A_3242, %min3A_3244 : vector<16xf32>
        %convert_element_type3A_3246 = arith.fptosi %min3A_3245 : vector<16xf32> to vector<16xi32>
        %convert_element_type3A_3247 = arith.sitofp %convert_element_type3A_3246 : vector<16xi32> to vector<16xf32>
        %mul3A_3248 = arith.constant 5.000000e-01 : f32
        %mul3A_3249 = vector.broadcast %mul3A_3248 : f32 to vector<16xf32>
        %mul3A_3250 = arith.mulf %convert_element_type3A_3247, %mul3A_3249 : vector<16xf32>
        %jit3A_3251 = arith.constant 0.000000e+00 : f32
        %broadcast_in_dim3A_3252 = vector.broadcast %jit3A_3251 : f32 to vector<16xf32>
        %select_n3A_3253 = arith.select %or3A_3232, %mul3A_3250, %broadcast_in_dim3A_3252 : vector<16xi1>, vector<16xf32>
        %add3A_3254 = arith.constant 38 : i32
        %add3A_3255 = vector.broadcast %add3A_3254 : i32 to vector<16xi32>
        %add3A_3256 = arith.addi %add3A_27, %add3A_3255 : vector<16xi32>
        tpu.vector_store_idx %arg5[%add3A_3256], %select_n3A_3253 : memref<32768xf32, #tpu.memory_space<vmem>>[vector<16xi32>], vector<16xf32>,
        %add3A_3257 = arith.constant 39 : i32
        %add3A_3258 = vector.broadcast %add3A_3257 : i32 to vector<16xi32>
        %add3A_3259 = arith.addi %add3A_27, %add3A_3258 : vector<16xi32>
        %gather3A_3260 = tpu.vector_load_idx %arg4[%add3A_3259] : memref<32768xf32, #tpu.memory_space<vmem>>[vector<16xi32>], vector<16xf32>,
        %gt3A_3261 = arith.cmpf ogt, %gather3A_3260, %max3A_1318 : vector<16xf32>
        %eq3A_3262 = arith.cmpf oeq, %gather3A_3260, %max3A_1318 : vector<16xf32>
        %lt3A_3263 = arith.constant 8 : i32
        %lt3A_3264 = vector.broadcast %lt3A_3263 : i32 to vector<16xi32>
        %lt3A_3265 = arith.cmpi slt, %add3A_3236, %lt3A_3264 : vector<16xi32>
        %and3A_3266 = arith.andi %eq3A_3262, %lt3A_3265 : vector<16xi1>
        %or3A_3267 = arith.ori %gt3A_3261, %and3A_3266 : vector<16xi1>
        %jit3A_3268 = arith.constant 0 : i32
        %broadcast_in_dim3A_3269 = vector.broadcast %jit3A_3268 : i32 to vector<16xi32>
        %select_n3A_3270 = arith.select %eq3A_3262, %broadcast_in_dim3A_1323, %broadcast_in_dim3A_3269 : vector<16xi1>, vector<16xi32>
        %add3A_3271 = arith.addi %add3A_3236, %select_n3A_3270 : vector<16xi32>
        %max3A_3272 = arith.constant 0.000000e+00 : f32
        %max3A_3273 = vector.broadcast %max3A_3272 : f32 to vector<16xf32>
        %max3A_3274 = arith.maximumf %gather3A_3260, %max3A_3273 : vector<16xf32>
        %mul3A_3275 = arith.constant 2.000000e+00 : f32
        %mul3A_3276 = vector.broadcast %mul3A_3275 : f32 to vector<16xf32>
        %mul3A_3277 = arith.mulf %max3A_3274, %mul3A_3276 : vector<16xf32>
        %min3A_3278 = arith.constant 1.500000e+01 : f32
        %min3A_3279 = vector.broadcast %min3A_3278 : f32 to vector<16xf32>
        %min3A_3280 = arith.minimumf %mul3A_3277, %min3A_3279 : vector<16xf32>
        %convert_element_type3A_3281 = arith.fptosi %min3A_3280 : vector<16xf32> to vector<16xi32>
        %convert_element_type3A_3282 = arith.sitofp %convert_element_type3A_3281 : vector<16xi32> to vector<16xf32>
        %mul3A_3283 = arith.constant 5.000000e-01 : f32
        %mul3A_3284 = vector.broadcast %mul3A_3283 : f32 to vector<16xf32>
        %mul3A_3285 = arith.mulf %convert_element_type3A_3282, %mul3A_3284 : vector<16xf32>
        %jit3A_3286 = arith.constant 0.000000e+00 : f32
        %broadcast_in_dim3A_3287 = vector.broadcast %jit3A_3286 : f32 to vector<16xf32>
        %select_n3A_3288 = arith.select %or3A_3267, %mul3A_3285, %broadcast_in_dim3A_3287 : vector<16xi1>, vector<16xf32>
        %add3A_3289 = arith.constant 39 : i32
        %add3A_3290 = vector.broadcast %add3A_3289 : i32 to vector<16xi32>
        %add3A_3291 = arith.addi %add3A_27, %add3A_3290 : vector<16xi32>
        tpu.vector_store_idx %arg5[%add3A_3291], %select_n3A_3288 : memref<32768xf32, #tpu.memory_space<vmem>>[vector<16xi32>], vector<16xf32>,
        %add3A_3292 = arith.constant 40 : i32
        %add3A_3293 = vector.broadcast %add3A_3292 : i32 to vector<16xi32>
        %add3A_3294 = arith.addi %add3A_27, %add3A_3293 : vector<16xi32>
        %gather3A_3295 = tpu.vector_load_idx %arg4[%add3A_3294] : memref<32768xf32, #tpu.memory_space<vmem>>[vector<16xi32>], vector<16xf32>,
        %gt3A_3296 = arith.cmpf ogt, %gather3A_3295, %max3A_1318 : vector<16xf32>
        %eq3A_3297 = arith.cmpf oeq, %gather3A_3295, %max3A_1318 : vector<16xf32>
        %lt3A_3298 = arith.constant 8 : i32
        %lt3A_3299 = vector.broadcast %lt3A_3298 : i32 to vector<16xi32>
        %lt3A_3300 = arith.cmpi slt, %add3A_3271, %lt3A_3299 : vector<16xi32>
        %and3A_3301 = arith.andi %eq3A_3297, %lt3A_3300 : vector<16xi1>
        %or3A_3302 = arith.ori %gt3A_3296, %and3A_3301 : vector<16xi1>
        %jit3A_3303 = arith.constant 0 : i32
        %broadcast_in_dim3A_3304 = vector.broadcast %jit3A_3303 : i32 to vector<16xi32>
        %select_n3A_3305 = arith.select %eq3A_3297, %broadcast_in_dim3A_1323, %broadcast_in_dim3A_3304 : vector<16xi1>, vector<16xi32>
        %add3A_3306 = arith.addi %add3A_3271, %select_n3A_3305 : vector<16xi32>
        %max3A_3307 = arith.constant 0.000000e+00 : f32
        %max3A_3308 = vector.broadcast %max3A_3307 : f32 to vector<16xf32>
        %max3A_3309 = arith.maximumf %gather3A_3295, %max3A_3308 : vector<16xf32>
        %mul3A_3310 = arith.constant 2.000000e+00 : f32
        %mul3A_3311 = vector.broadcast %mul3A_3310 : f32 to vector<16xf32>
        %mul3A_3312 = arith.mulf %max3A_3309, %mul3A_3311 : vector<16xf32>
        %min3A_3313 = arith.constant 1.500000e+01 : f32
        %min3A_3314 = vector.broadcast %min3A_3313 : f32 to vector<16xf32>
        %min3A_3315 = arith.minimumf %mul3A_3312, %min3A_3314 : vector<16xf32>
        %convert_element_type3A_3316 = arith.fptosi %min3A_3315 : vector<16xf32> to vector<16xi32>
        %convert_element_type3A_3317 = arith.sitofp %convert_element_type3A_3316 : vector<16xi32> to vector<16xf32>
        %mul3A_3318 = arith.constant 5.000000e-01 : f32
        %mul3A_3319 = vector.broadcast %mul3A_3318 : f32 to vector<16xf32>
        %mul3A_3320 = arith.mulf %convert_element_type3A_3317, %mul3A_3319 : vector<16xf32>
        %jit3A_3321 = arith.constant 0.000000e+00 : f32
        %broadcast_in_dim3A_3322 = vector.broadcast %jit3A_3321 : f32 to vector<16xf32>
        %select_n3A_3323 = arith.select %or3A_3302, %mul3A_3320, %broadcast_in_dim3A_3322 : vector<16xi1>, vector<16xf32>
        %add3A_3324 = arith.constant 40 : i32
        %add3A_3325 = vector.broadcast %add3A_3324 : i32 to vector<16xi32>
        %add3A_3326 = arith.addi %add3A_27, %add3A_3325 : vector<16xi32>
        tpu.vector_store_idx %arg5[%add3A_3326], %select_n3A_3323 : memref<32768xf32, #tpu.memory_space<vmem>>[vector<16xi32>], vector<16xf32>,
        %add3A_3327 = arith.constant 41 : i32
        %add3A_3328 = vector.broadcast %add3A_3327 : i32 to vector<16xi32>
        %add3A_3329 = arith.addi %add3A_27, %add3A_3328 : vector<16xi32>
        %gather3A_3330 = tpu.vector_load_idx %arg4[%add3A_3329] : memref<32768xf32, #tpu.memory_space<vmem>>[vector<16xi32>], vector<16xf32>,
        %gt3A_3331 = arith.cmpf ogt, %gather3A_3330, %max3A_1318 : vector<16xf32>
        %eq3A_3332 = arith.cmpf oeq, %gather3A_3330, %max3A_1318 : vector<16xf32>
        %lt3A_3333 = arith.constant 8 : i32
        %lt3A_3334 = vector.broadcast %lt3A_3333 : i32 to vector<16xi32>
        %lt3A_3335 = arith.cmpi slt, %add3A_3306, %lt3A_3334 : vector<16xi32>
        %and3A_3336 = arith.andi %eq3A_3332, %lt3A_3335 : vector<16xi1>
        %or3A_3337 = arith.ori %gt3A_3331, %and3A_3336 : vector<16xi1>
        %jit3A_3338 = arith.constant 0 : i32
        %broadcast_in_dim3A_3339 = vector.broadcast %jit3A_3338 : i32 to vector<16xi32>
        %select_n3A_3340 = arith.select %eq3A_3332, %broadcast_in_dim3A_1323, %broadcast_in_dim3A_3339 : vector<16xi1>, vector<16xi32>
        %add3A_3341 = arith.addi %add3A_3306, %select_n3A_3340 : vector<16xi32>
        %max3A_3342 = arith.constant 0.000000e+00 : f32
        %max3A_3343 = vector.broadcast %max3A_3342 : f32 to vector<16xf32>
        %max3A_3344 = arith.maximumf %gather3A_3330, %max3A_3343 : vector<16xf32>
        %mul3A_3345 = arith.constant 2.000000e+00 : f32
        %mul3A_3346 = vector.broadcast %mul3A_3345 : f32 to vector<16xf32>
        %mul3A_3347 = arith.mulf %max3A_3344, %mul3A_3346 : vector<16xf32>
        %min3A_3348 = arith.constant 1.500000e+01 : f32
        %min3A_3349 = vector.broadcast %min3A_3348 : f32 to vector<16xf32>
        %min3A_3350 = arith.minimumf %mul3A_3347, %min3A_3349 : vector<16xf32>
        %convert_element_type3A_3351 = arith.fptosi %min3A_3350 : vector<16xf32> to vector<16xi32>
        %convert_element_type3A_3352 = arith.sitofp %convert_element_type3A_3351 : vector<16xi32> to vector<16xf32>
        %mul3A_3353 = arith.constant 5.000000e-01 : f32
        %mul3A_3354 = vector.broadcast %mul3A_3353 : f32 to vector<16xf32>
        %mul3A_3355 = arith.mulf %convert_element_type3A_3352, %mul3A_3354 : vector<16xf32>
        %jit3A_3356 = arith.constant 0.000000e+00 : f32
        %broadcast_in_dim3A_3357 = vector.broadcast %jit3A_3356 : f32 to vector<16xf32>
        %select_n3A_3358 = arith.select %or3A_3337, %mul3A_3355, %broadcast_in_dim3A_3357 : vector<16xi1>, vector<16xf32>
        %add3A_3359 = arith.constant 41 : i32
        %add3A_3360 = vector.broadcast %add3A_3359 : i32 to vector<16xi32>
        %add3A_3361 = arith.addi %add3A_27, %add3A_3360 : vector<16xi32>
        tpu.vector_store_idx %arg5[%add3A_3361], %select_n3A_3358 : memref<32768xf32, #tpu.memory_space<vmem>>[vector<16xi32>], vector<16xf32>,
        %add3A_3362 = arith.constant 42 : i32
        %add3A_3363 = vector.broadcast %add3A_3362 : i32 to vector<16xi32>
        %add3A_3364 = arith.addi %add3A_27, %add3A_3363 : vector<16xi32>
        %gather3A_3365 = tpu.vector_load_idx %arg4[%add3A_3364] : memref<32768xf32, #tpu.memory_space<vmem>>[vector<16xi32>], vector<16xf32>,
        %gt3A_3366 = arith.cmpf ogt, %gather3A_3365, %max3A_1318 : vector<16xf32>
        %eq3A_3367 = arith.cmpf oeq, %gather3A_3365, %max3A_1318 : vector<16xf32>
        %lt3A_3368 = arith.constant 8 : i32
        %lt3A_3369 = vector.broadcast %lt3A_3368 : i32 to vector<16xi32>
        %lt3A_3370 = arith.cmpi slt, %add3A_3341, %lt3A_3369 : vector<16xi32>
        %and3A_3371 = arith.andi %eq3A_3367, %lt3A_3370 : vector<16xi1>
        %or3A_3372 = arith.ori %gt3A_3366, %and3A_3371 : vector<16xi1>
        %jit3A_3373 = arith.constant 0 : i32
        %broadcast_in_dim3A_3374 = vector.broadcast %jit3A_3373 : i32 to vector<16xi32>
        %select_n3A_3375 = arith.select %eq3A_3367, %broadcast_in_dim3A_1323, %broadcast_in_dim3A_3374 : vector<16xi1>, vector<16xi32>
        %add3A_3376 = arith.addi %add3A_3341, %select_n3A_3375 : vector<16xi32>
        %max3A_3377 = arith.constant 0.000000e+00 : f32
        %max3A_3378 = vector.broadcast %max3A_3377 : f32 to vector<16xf32>
        %max3A_3379 = arith.maximumf %gather3A_3365, %max3A_3378 : vector<16xf32>
        %mul3A_3380 = arith.constant 2.000000e+00 : f32
        %mul3A_3381 = vector.broadcast %mul3A_3380 : f32 to vector<16xf32>
        %mul3A_3382 = arith.mulf %max3A_3379, %mul3A_3381 : vector<16xf32>
        %min3A_3383 = arith.constant 1.500000e+01 : f32
        %min3A_3384 = vector.broadcast %min3A_3383 : f32 to vector<16xf32>
        %min3A_3385 = arith.minimumf %mul3A_3382, %min3A_3384 : vector<16xf32>
        %convert_element_type3A_3386 = arith.fptosi %min3A_3385 : vector<16xf32> to vector<16xi32>
        %convert_element_type3A_3387 = arith.sitofp %convert_element_type3A_3386 : vector<16xi32> to vector<16xf32>
        %mul3A_3388 = arith.constant 5.000000e-01 : f32
        %mul3A_3389 = vector.broadcast %mul3A_3388 : f32 to vector<16xf32>
        %mul3A_3390 = arith.mulf %convert_element_type3A_3387, %mul3A_3389 : vector<16xf32>
        %jit3A_3391 = arith.constant 0.000000e+00 : f32
        %broadcast_in_dim3A_3392 = vector.broadcast %jit3A_3391 : f32 to vector<16xf32>
        %select_n3A_3393 = arith.select %or3A_3372, %mul3A_3390, %broadcast_in_dim3A_3392 : vector<16xi1>, vector<16xf32>
        %add3A_3394 = arith.constant 42 : i32
        %add3A_3395 = vector.broadcast %add3A_3394 : i32 to vector<16xi32>
        %add3A_3396 = arith.addi %add3A_27, %add3A_3395 : vector<16xi32>
        tpu.vector_store_idx %arg5[%add3A_3396], %select_n3A_3393 : memref<32768xf32, #tpu.memory_space<vmem>>[vector<16xi32>], vector<16xf32>,
        %add3A_3397 = arith.constant 43 : i32
        %add3A_3398 = vector.broadcast %add3A_3397 : i32 to vector<16xi32>
        %add3A_3399 = arith.addi %add3A_27, %add3A_3398 : vector<16xi32>
        %gather3A_3400 = tpu.vector_load_idx %arg4[%add3A_3399] : memref<32768xf32, #tpu.memory_space<vmem>>[vector<16xi32>], vector<16xf32>,
        %gt3A_3401 = arith.cmpf ogt, %gather3A_3400, %max3A_1318 : vector<16xf32>
        %eq3A_3402 = arith.cmpf oeq, %gather3A_3400, %max3A_1318 : vector<16xf32>
        %lt3A_3403 = arith.constant 8 : i32
        %lt3A_3404 = vector.broadcast %lt3A_3403 : i32 to vector<16xi32>
        %lt3A_3405 = arith.cmpi slt, %add3A_3376, %lt3A_3404 : vector<16xi32>
        %and3A_3406 = arith.andi %eq3A_3402, %lt3A_3405 : vector<16xi1>
        %or3A_3407 = arith.ori %gt3A_3401, %and3A_3406 : vector<16xi1>
        %jit3A_3408 = arith.constant 0 : i32
        %broadcast_in_dim3A_3409 = vector.broadcast %jit3A_3408 : i32 to vector<16xi32>
        %select_n3A_3410 = arith.select %eq3A_3402, %broadcast_in_dim3A_1323, %broadcast_in_dim3A_3409 : vector<16xi1>, vector<16xi32>
        %add3A_3411 = arith.addi %add3A_3376, %select_n3A_3410 : vector<16xi32>
        %max3A_3412 = arith.constant 0.000000e+00 : f32
        %max3A_3413 = vector.broadcast %max3A_3412 : f32 to vector<16xf32>
        %max3A_3414 = arith.maximumf %gather3A_3400, %max3A_3413 : vector<16xf32>
        %mul3A_3415 = arith.constant 2.000000e+00 : f32
        %mul3A_3416 = vector.broadcast %mul3A_3415 : f32 to vector<16xf32>
        %mul3A_3417 = arith.mulf %max3A_3414, %mul3A_3416 : vector<16xf32>
        %min3A_3418 = arith.constant 1.500000e+01 : f32
        %min3A_3419 = vector.broadcast %min3A_3418 : f32 to vector<16xf32>
        %min3A_3420 = arith.minimumf %mul3A_3417, %min3A_3419 : vector<16xf32>
        %convert_element_type3A_3421 = arith.fptosi %min3A_3420 : vector<16xf32> to vector<16xi32>
        %convert_element_type3A_3422 = arith.sitofp %convert_element_type3A_3421 : vector<16xi32> to vector<16xf32>
        %mul3A_3423 = arith.constant 5.000000e-01 : f32
        %mul3A_3424 = vector.broadcast %mul3A_3423 : f32 to vector<16xf32>
        %mul3A_3425 = arith.mulf %convert_element_type3A_3422, %mul3A_3424 : vector<16xf32>
        %jit3A_3426 = arith.constant 0.000000e+00 : f32
        %broadcast_in_dim3A_3427 = vector.broadcast %jit3A_3426 : f32 to vector<16xf32>
        %select_n3A_3428 = arith.select %or3A_3407, %mul3A_3425, %broadcast_in_dim3A_3427 : vector<16xi1>, vector<16xf32>
        %add3A_3429 = arith.constant 43 : i32
        %add3A_3430 = vector.broadcast %add3A_3429 : i32 to vector<16xi32>
        %add3A_3431 = arith.addi %add3A_27, %add3A_3430 : vector<16xi32>
        tpu.vector_store_idx %arg5[%add3A_3431], %select_n3A_3428 : memref<32768xf32, #tpu.memory_space<vmem>>[vector<16xi32>], vector<16xf32>,
        %add3A_3432 = arith.constant 44 : i32
        %add3A_3433 = vector.broadcast %add3A_3432 : i32 to vector<16xi32>
        %add3A_3434 = arith.addi %add3A_27, %add3A_3433 : vector<16xi32>
        %gather3A_3435 = tpu.vector_load_idx %arg4[%add3A_3434] : memref<32768xf32, #tpu.memory_space<vmem>>[vector<16xi32>], vector<16xf32>,
        %gt3A_3436 = arith.cmpf ogt, %gather3A_3435, %max3A_1318 : vector<16xf32>
        %eq3A_3437 = arith.cmpf oeq, %gather3A_3435, %max3A_1318 : vector<16xf32>
        %lt3A_3438 = arith.constant 8 : i32
        %lt3A_3439 = vector.broadcast %lt3A_3438 : i32 to vector<16xi32>
        %lt3A_3440 = arith.cmpi slt, %add3A_3411, %lt3A_3439 : vector<16xi32>
        %and3A_3441 = arith.andi %eq3A_3437, %lt3A_3440 : vector<16xi1>
        %or3A_3442 = arith.ori %gt3A_3436, %and3A_3441 : vector<16xi1>
        %jit3A_3443 = arith.constant 0 : i32
        %broadcast_in_dim3A_3444 = vector.broadcast %jit3A_3443 : i32 to vector<16xi32>
        %select_n3A_3445 = arith.select %eq3A_3437, %broadcast_in_dim3A_1323, %broadcast_in_dim3A_3444 : vector<16xi1>, vector<16xi32>
        %add3A_3446 = arith.addi %add3A_3411, %select_n3A_3445 : vector<16xi32>
        %max3A_3447 = arith.constant 0.000000e+00 : f32
        %max3A_3448 = vector.broadcast %max3A_3447 : f32 to vector<16xf32>
        %max3A_3449 = arith.maximumf %gather3A_3435, %max3A_3448 : vector<16xf32>
        %mul3A_3450 = arith.constant 2.000000e+00 : f32
        %mul3A_3451 = vector.broadcast %mul3A_3450 : f32 to vector<16xf32>
        %mul3A_3452 = arith.mulf %max3A_3449, %mul3A_3451 : vector<16xf32>
        %min3A_3453 = arith.constant 1.500000e+01 : f32
        %min3A_3454 = vector.broadcast %min3A_3453 : f32 to vector<16xf32>
        %min3A_3455 = arith.minimumf %mul3A_3452, %min3A_3454 : vector<16xf32>
        %convert_element_type3A_3456 = arith.fptosi %min3A_3455 : vector<16xf32> to vector<16xi32>
        %convert_element_type3A_3457 = arith.sitofp %convert_element_type3A_3456 : vector<16xi32> to vector<16xf32>
        %mul3A_3458 = arith.constant 5.000000e-01 : f32
        %mul3A_3459 = vector.broadcast %mul3A_3458 : f32 to vector<16xf32>
        %mul3A_3460 = arith.mulf %convert_element_type3A_3457, %mul3A_3459 : vector<16xf32>
        %jit3A_3461 = arith.constant 0.000000e+00 : f32
        %broadcast_in_dim3A_3462 = vector.broadcast %jit3A_3461 : f32 to vector<16xf32>
        %select_n3A_3463 = arith.select %or3A_3442, %mul3A_3460, %broadcast_in_dim3A_3462 : vector<16xi1>, vector<16xf32>
        %add3A_3464 = arith.constant 44 : i32
        %add3A_3465 = vector.broadcast %add3A_3464 : i32 to vector<16xi32>
        %add3A_3466 = arith.addi %add3A_27, %add3A_3465 : vector<16xi32>
        tpu.vector_store_idx %arg5[%add3A_3466], %select_n3A_3463 : memref<32768xf32, #tpu.memory_space<vmem>>[vector<16xi32>], vector<16xf32>,
        %add3A_3467 = arith.constant 45 : i32
        %add3A_3468 = vector.broadcast %add3A_3467 : i32 to vector<16xi32>
        %add3A_3469 = arith.addi %add3A_27, %add3A_3468 : vector<16xi32>
        %gather3A_3470 = tpu.vector_load_idx %arg4[%add3A_3469] : memref<32768xf32, #tpu.memory_space<vmem>>[vector<16xi32>], vector<16xf32>,
        %gt3A_3471 = arith.cmpf ogt, %gather3A_3470, %max3A_1318 : vector<16xf32>
        %eq3A_3472 = arith.cmpf oeq, %gather3A_3470, %max3A_1318 : vector<16xf32>
        %lt3A_3473 = arith.constant 8 : i32
        %lt3A_3474 = vector.broadcast %lt3A_3473 : i32 to vector<16xi32>
        %lt3A_3475 = arith.cmpi slt, %add3A_3446, %lt3A_3474 : vector<16xi32>
        %and3A_3476 = arith.andi %eq3A_3472, %lt3A_3475 : vector<16xi1>
        %or3A_3477 = arith.ori %gt3A_3471, %and3A_3476 : vector<16xi1>
        %jit3A_3478 = arith.constant 0 : i32
        %broadcast_in_dim3A_3479 = vector.broadcast %jit3A_3478 : i32 to vector<16xi32>
        %select_n3A_3480 = arith.select %eq3A_3472, %broadcast_in_dim3A_1323, %broadcast_in_dim3A_3479 : vector<16xi1>, vector<16xi32>
        %add3A_3481 = arith.addi %add3A_3446, %select_n3A_3480 : vector<16xi32>
        %max3A_3482 = arith.constant 0.000000e+00 : f32
        %max3A_3483 = vector.broadcast %max3A_3482 : f32 to vector<16xf32>
        %max3A_3484 = arith.maximumf %gather3A_3470, %max3A_3483 : vector<16xf32>
        %mul3A_3485 = arith.constant 2.000000e+00 : f32
        %mul3A_3486 = vector.broadcast %mul3A_3485 : f32 to vector<16xf32>
        %mul3A_3487 = arith.mulf %max3A_3484, %mul3A_3486 : vector<16xf32>
        %min3A_3488 = arith.constant 1.500000e+01 : f32
        %min3A_3489 = vector.broadcast %min3A_3488 : f32 to vector<16xf32>
        %min3A_3490 = arith.minimumf %mul3A_3487, %min3A_3489 : vector<16xf32>
        %convert_element_type3A_3491 = arith.fptosi %min3A_3490 : vector<16xf32> to vector<16xi32>
        %convert_element_type3A_3492 = arith.sitofp %convert_element_type3A_3491 : vector<16xi32> to vector<16xf32>
        %mul3A_3493 = arith.constant 5.000000e-01 : f32
        %mul3A_3494 = vector.broadcast %mul3A_3493 : f32 to vector<16xf32>
        %mul3A_3495 = arith.mulf %convert_element_type3A_3492, %mul3A_3494 : vector<16xf32>
        %jit3A_3496 = arith.constant 0.000000e+00 : f32
        %broadcast_in_dim3A_3497 = vector.broadcast %jit3A_3496 : f32 to vector<16xf32>
        %select_n3A_3498 = arith.select %or3A_3477, %mul3A_3495, %broadcast_in_dim3A_3497 : vector<16xi1>, vector<16xf32>
        %add3A_3499 = arith.constant 45 : i32
        %add3A_3500 = vector.broadcast %add3A_3499 : i32 to vector<16xi32>
        %add3A_3501 = arith.addi %add3A_27, %add3A_3500 : vector<16xi32>
        tpu.vector_store_idx %arg5[%add3A_3501], %select_n3A_3498 : memref<32768xf32, #tpu.memory_space<vmem>>[vector<16xi32>], vector<16xf32>,
        %add3A_3502 = arith.constant 46 : i32
        %add3A_3503 = vector.broadcast %add3A_3502 : i32 to vector<16xi32>
        %add3A_3504 = arith.addi %add3A_27, %add3A_3503 : vector<16xi32>
        %gather3A_3505 = tpu.vector_load_idx %arg4[%add3A_3504] : memref<32768xf32, #tpu.memory_space<vmem>>[vector<16xi32>], vector<16xf32>,
        %gt3A_3506 = arith.cmpf ogt, %gather3A_3505, %max3A_1318 : vector<16xf32>
        %eq3A_3507 = arith.cmpf oeq, %gather3A_3505, %max3A_1318 : vector<16xf32>
        %lt3A_3508 = arith.constant 8 : i32
        %lt3A_3509 = vector.broadcast %lt3A_3508 : i32 to vector<16xi32>
        %lt3A_3510 = arith.cmpi slt, %add3A_3481, %lt3A_3509 : vector<16xi32>
        %and3A_3511 = arith.andi %eq3A_3507, %lt3A_3510 : vector<16xi1>
        %or3A_3512 = arith.ori %gt3A_3506, %and3A_3511 : vector<16xi1>
        %jit3A_3513 = arith.constant 0 : i32
        %broadcast_in_dim3A_3514 = vector.broadcast %jit3A_3513 : i32 to vector<16xi32>
        %select_n3A_3515 = arith.select %eq3A_3507, %broadcast_in_dim3A_1323, %broadcast_in_dim3A_3514 : vector<16xi1>, vector<16xi32>
        %add3A_3516 = arith.addi %add3A_3481, %select_n3A_3515 : vector<16xi32>
        %max3A_3517 = arith.constant 0.000000e+00 : f32
        %max3A_3518 = vector.broadcast %max3A_3517 : f32 to vector<16xf32>
        %max3A_3519 = arith.maximumf %gather3A_3505, %max3A_3518 : vector<16xf32>
        %mul3A_3520 = arith.constant 2.000000e+00 : f32
        %mul3A_3521 = vector.broadcast %mul3A_3520 : f32 to vector<16xf32>
        %mul3A_3522 = arith.mulf %max3A_3519, %mul3A_3521 : vector<16xf32>
        %min3A_3523 = arith.constant 1.500000e+01 : f32
        %min3A_3524 = vector.broadcast %min3A_3523 : f32 to vector<16xf32>
        %min3A_3525 = arith.minimumf %mul3A_3522, %min3A_3524 : vector<16xf32>
        %convert_element_type3A_3526 = arith.fptosi %min3A_3525 : vector<16xf32> to vector<16xi32>
        %convert_element_type3A_3527 = arith.sitofp %convert_element_type3A_3526 : vector<16xi32> to vector<16xf32>
        %mul3A_3528 = arith.constant 5.000000e-01 : f32
        %mul3A_3529 = vector.broadcast %mul3A_3528 : f32 to vector<16xf32>
        %mul3A_3530 = arith.mulf %convert_element_type3A_3527, %mul3A_3529 : vector<16xf32>
        %jit3A_3531 = arith.constant 0.000000e+00 : f32
        %broadcast_in_dim3A_3532 = vector.broadcast %jit3A_3531 : f32 to vector<16xf32>
        %select_n3A_3533 = arith.select %or3A_3512, %mul3A_3530, %broadcast_in_dim3A_3532 : vector<16xi1>, vector<16xf32>
        %add3A_3534 = arith.constant 46 : i32
        %add3A_3535 = vector.broadcast %add3A_3534 : i32 to vector<16xi32>
        %add3A_3536 = arith.addi %add3A_27, %add3A_3535 : vector<16xi32>
        tpu.vector_store_idx %arg5[%add3A_3536], %select_n3A_3533 : memref<32768xf32, #tpu.memory_space<vmem>>[vector<16xi32>], vector<16xf32>,
        %add3A_3537 = arith.constant 47 : i32
        %add3A_3538 = vector.broadcast %add3A_3537 : i32 to vector<16xi32>
        %add3A_3539 = arith.addi %add3A_27, %add3A_3538 : vector<16xi32>
        %gather3A_3540 = tpu.vector_load_idx %arg4[%add3A_3539] : memref<32768xf32, #tpu.memory_space<vmem>>[vector<16xi32>], vector<16xf32>,
        %gt3A_3541 = arith.cmpf ogt, %gather3A_3540, %max3A_1318 : vector<16xf32>
        %eq3A_3542 = arith.cmpf oeq, %gather3A_3540, %max3A_1318 : vector<16xf32>
        %lt3A_3543 = arith.constant 8 : i32
        %lt3A_3544 = vector.broadcast %lt3A_3543 : i32 to vector<16xi32>
        %lt3A_3545 = arith.cmpi slt, %add3A_3516, %lt3A_3544 : vector<16xi32>
        %and3A_3546 = arith.andi %eq3A_3542, %lt3A_3545 : vector<16xi1>
        %or3A_3547 = arith.ori %gt3A_3541, %and3A_3546 : vector<16xi1>
        %jit3A_3548 = arith.constant 0 : i32
        %broadcast_in_dim3A_3549 = vector.broadcast %jit3A_3548 : i32 to vector<16xi32>
        %select_n3A_3550 = arith.select %eq3A_3542, %broadcast_in_dim3A_1323, %broadcast_in_dim3A_3549 : vector<16xi1>, vector<16xi32>
        %add3A_3551 = arith.addi %add3A_3516, %select_n3A_3550 : vector<16xi32>
        %max3A_3552 = arith.constant 0.000000e+00 : f32
        %max3A_3553 = vector.broadcast %max3A_3552 : f32 to vector<16xf32>
        %max3A_3554 = arith.maximumf %gather3A_3540, %max3A_3553 : vector<16xf32>
        %mul3A_3555 = arith.constant 2.000000e+00 : f32
        %mul3A_3556 = vector.broadcast %mul3A_3555 : f32 to vector<16xf32>
        %mul3A_3557 = arith.mulf %max3A_3554, %mul3A_3556 : vector<16xf32>
        %min3A_3558 = arith.constant 1.500000e+01 : f32
        %min3A_3559 = vector.broadcast %min3A_3558 : f32 to vector<16xf32>
        %min3A_3560 = arith.minimumf %mul3A_3557, %min3A_3559 : vector<16xf32>
        %convert_element_type3A_3561 = arith.fptosi %min3A_3560 : vector<16xf32> to vector<16xi32>
        %convert_element_type3A_3562 = arith.sitofp %convert_element_type3A_3561 : vector<16xi32> to vector<16xf32>
        %mul3A_3563 = arith.constant 5.000000e-01 : f32
        %mul3A_3564 = vector.broadcast %mul3A_3563 : f32 to vector<16xf32>
        %mul3A_3565 = arith.mulf %convert_element_type3A_3562, %mul3A_3564 : vector<16xf32>
        %jit3A_3566 = arith.constant 0.000000e+00 : f32
        %broadcast_in_dim3A_3567 = vector.broadcast %jit3A_3566 : f32 to vector<16xf32>
        %select_n3A_3568 = arith.select %or3A_3547, %mul3A_3565, %broadcast_in_dim3A_3567 : vector<16xi1>, vector<16xf32>
        %add3A_3569 = arith.constant 47 : i32
        %add3A_3570 = vector.broadcast %add3A_3569 : i32 to vector<16xi32>
        %add3A_3571 = arith.addi %add3A_27, %add3A_3570 : vector<16xi32>
        tpu.vector_store_idx %arg5[%add3A_3571], %select_n3A_3568 : memref<32768xf32, #tpu.memory_space<vmem>>[vector<16xi32>], vector<16xf32>,
        %add3A_3572 = arith.constant 48 : i32
        %add3A_3573 = vector.broadcast %add3A_3572 : i32 to vector<16xi32>
        %add3A_3574 = arith.addi %add3A_27, %add3A_3573 : vector<16xi32>
        %gather3A_3575 = tpu.vector_load_idx %arg4[%add3A_3574] : memref<32768xf32, #tpu.memory_space<vmem>>[vector<16xi32>], vector<16xf32>,
        %gt3A_3576 = arith.cmpf ogt, %gather3A_3575, %max3A_1318 : vector<16xf32>
        %eq3A_3577 = arith.cmpf oeq, %gather3A_3575, %max3A_1318 : vector<16xf32>
        %lt3A_3578 = arith.constant 8 : i32
        %lt3A_3579 = vector.broadcast %lt3A_3578 : i32 to vector<16xi32>
        %lt3A_3580 = arith.cmpi slt, %add3A_3551, %lt3A_3579 : vector<16xi32>
        %and3A_3581 = arith.andi %eq3A_3577, %lt3A_3580 : vector<16xi1>
        %or3A_3582 = arith.ori %gt3A_3576, %and3A_3581 : vector<16xi1>
        %jit3A_3583 = arith.constant 0 : i32
        %broadcast_in_dim3A_3584 = vector.broadcast %jit3A_3583 : i32 to vector<16xi32>
        %select_n3A_3585 = arith.select %eq3A_3577, %broadcast_in_dim3A_1323, %broadcast_in_dim3A_3584 : vector<16xi1>, vector<16xi32>
        %add3A_3586 = arith.addi %add3A_3551, %select_n3A_3585 : vector<16xi32>
        %max3A_3587 = arith.constant 0.000000e+00 : f32
        %max3A_3588 = vector.broadcast %max3A_3587 : f32 to vector<16xf32>
        %max3A_3589 = arith.maximumf %gather3A_3575, %max3A_3588 : vector<16xf32>
        %mul3A_3590 = arith.constant 2.000000e+00 : f32
        %mul3A_3591 = vector.broadcast %mul3A_3590 : f32 to vector<16xf32>
        %mul3A_3592 = arith.mulf %max3A_3589, %mul3A_3591 : vector<16xf32>
        %min3A_3593 = arith.constant 1.500000e+01 : f32
        %min3A_3594 = vector.broadcast %min3A_3593 : f32 to vector<16xf32>
        %min3A_3595 = arith.minimumf %mul3A_3592, %min3A_3594 : vector<16xf32>
        %convert_element_type3A_3596 = arith.fptosi %min3A_3595 : vector<16xf32> to vector<16xi32>
        %convert_element_type3A_3597 = arith.sitofp %convert_element_type3A_3596 : vector<16xi32> to vector<16xf32>
        %mul3A_3598 = arith.constant 5.000000e-01 : f32
        %mul3A_3599 = vector.broadcast %mul3A_3598 : f32 to vector<16xf32>
        %mul3A_3600 = arith.mulf %convert_element_type3A_3597, %mul3A_3599 : vector<16xf32>
        %jit3A_3601 = arith.constant 0.000000e+00 : f32
        %broadcast_in_dim3A_3602 = vector.broadcast %jit3A_3601 : f32 to vector<16xf32>
        %select_n3A_3603 = arith.select %or3A_3582, %mul3A_3600, %broadcast_in_dim3A_3602 : vector<16xi1>, vector<16xf32>
        %add3A_3604 = arith.constant 48 : i32
        %add3A_3605 = vector.broadcast %add3A_3604 : i32 to vector<16xi32>
        %add3A_3606 = arith.addi %add3A_27, %add3A_3605 : vector<16xi32>
        tpu.vector_store_idx %arg5[%add3A_3606], %select_n3A_3603 : memref<32768xf32, #tpu.memory_space<vmem>>[vector<16xi32>], vector<16xf32>,
        %add3A_3607 = arith.constant 49 : i32
        %add3A_3608 = vector.broadcast %add3A_3607 : i32 to vector<16xi32>
        %add3A_3609 = arith.addi %add3A_27, %add3A_3608 : vector<16xi32>
        %gather3A_3610 = tpu.vector_load_idx %arg4[%add3A_3609] : memref<32768xf32, #tpu.memory_space<vmem>>[vector<16xi32>], vector<16xf32>,
        %gt3A_3611 = arith.cmpf ogt, %gather3A_3610, %max3A_1318 : vector<16xf32>
        %eq3A_3612 = arith.cmpf oeq, %gather3A_3610, %max3A_1318 : vector<16xf32>
        %lt3A_3613 = arith.constant 8 : i32
        %lt3A_3614 = vector.broadcast %lt3A_3613 : i32 to vector<16xi32>
        %lt3A_3615 = arith.cmpi slt, %add3A_3586, %lt3A_3614 : vector<16xi32>
        %and3A_3616 = arith.andi %eq3A_3612, %lt3A_3615 : vector<16xi1>
        %or3A_3617 = arith.ori %gt3A_3611, %and3A_3616 : vector<16xi1>
        %jit3A_3618 = arith.constant 0 : i32
        %broadcast_in_dim3A_3619 = vector.broadcast %jit3A_3618 : i32 to vector<16xi32>
        %select_n3A_3620 = arith.select %eq3A_3612, %broadcast_in_dim3A_1323, %broadcast_in_dim3A_3619 : vector<16xi1>, vector<16xi32>
        %add3A_3621 = arith.addi %add3A_3586, %select_n3A_3620 : vector<16xi32>
        %max3A_3622 = arith.constant 0.000000e+00 : f32
        %max3A_3623 = vector.broadcast %max3A_3622 : f32 to vector<16xf32>
        %max3A_3624 = arith.maximumf %gather3A_3610, %max3A_3623 : vector<16xf32>
        %mul3A_3625 = arith.constant 2.000000e+00 : f32
        %mul3A_3626 = vector.broadcast %mul3A_3625 : f32 to vector<16xf32>
        %mul3A_3627 = arith.mulf %max3A_3624, %mul3A_3626 : vector<16xf32>
        %min3A_3628 = arith.constant 1.500000e+01 : f32
        %min3A_3629 = vector.broadcast %min3A_3628 : f32 to vector<16xf32>
        %min3A_3630 = arith.minimumf %mul3A_3627, %min3A_3629 : vector<16xf32>
        %convert_element_type3A_3631 = arith.fptosi %min3A_3630 : vector<16xf32> to vector<16xi32>
        %convert_element_type3A_3632 = arith.sitofp %convert_element_type3A_3631 : vector<16xi32> to vector<16xf32>
        %mul3A_3633 = arith.constant 5.000000e-01 : f32
        %mul3A_3634 = vector.broadcast %mul3A_3633 : f32 to vector<16xf32>
        %mul3A_3635 = arith.mulf %convert_element_type3A_3632, %mul3A_3634 : vector<16xf32>
        %jit3A_3636 = arith.constant 0.000000e+00 : f32
        %broadcast_in_dim3A_3637 = vector.broadcast %jit3A_3636 : f32 to vector<16xf32>
        %select_n3A_3638 = arith.select %or3A_3617, %mul3A_3635, %broadcast_in_dim3A_3637 : vector<16xi1>, vector<16xf32>
        %add3A_3639 = arith.constant 49 : i32
        %add3A_3640 = vector.broadcast %add3A_3639 : i32 to vector<16xi32>
        %add3A_3641 = arith.addi %add3A_27, %add3A_3640 : vector<16xi32>
        tpu.vector_store_idx %arg5[%add3A_3641], %select_n3A_3638 : memref<32768xf32, #tpu.memory_space<vmem>>[vector<16xi32>], vector<16xf32>,
        %add3A_3642 = arith.constant 50 : i32
        %add3A_3643 = vector.broadcast %add3A_3642 : i32 to vector<16xi32>
        %add3A_3644 = arith.addi %add3A_27, %add3A_3643 : vector<16xi32>
        %gather3A_3645 = tpu.vector_load_idx %arg4[%add3A_3644] : memref<32768xf32, #tpu.memory_space<vmem>>[vector<16xi32>], vector<16xf32>,
        %gt3A_3646 = arith.cmpf ogt, %gather3A_3645, %max3A_1318 : vector<16xf32>
        %eq3A_3647 = arith.cmpf oeq, %gather3A_3645, %max3A_1318 : vector<16xf32>
        %lt3A_3648 = arith.constant 8 : i32
        %lt3A_3649 = vector.broadcast %lt3A_3648 : i32 to vector<16xi32>
        %lt3A_3650 = arith.cmpi slt, %add3A_3621, %lt3A_3649 : vector<16xi32>
        %and3A_3651 = arith.andi %eq3A_3647, %lt3A_3650 : vector<16xi1>
        %or3A_3652 = arith.ori %gt3A_3646, %and3A_3651 : vector<16xi1>
        %jit3A_3653 = arith.constant 0 : i32
        %broadcast_in_dim3A_3654 = vector.broadcast %jit3A_3653 : i32 to vector<16xi32>
        %select_n3A_3655 = arith.select %eq3A_3647, %broadcast_in_dim3A_1323, %broadcast_in_dim3A_3654 : vector<16xi1>, vector<16xi32>
        %add3A_3656 = arith.addi %add3A_3621, %select_n3A_3655 : vector<16xi32>
        %max3A_3657 = arith.constant 0.000000e+00 : f32
        %max3A_3658 = vector.broadcast %max3A_3657 : f32 to vector<16xf32>
        %max3A_3659 = arith.maximumf %gather3A_3645, %max3A_3658 : vector<16xf32>
        %mul3A_3660 = arith.constant 2.000000e+00 : f32
        %mul3A_3661 = vector.broadcast %mul3A_3660 : f32 to vector<16xf32>
        %mul3A_3662 = arith.mulf %max3A_3659, %mul3A_3661 : vector<16xf32>
        %min3A_3663 = arith.constant 1.500000e+01 : f32
        %min3A_3664 = vector.broadcast %min3A_3663 : f32 to vector<16xf32>
        %min3A_3665 = arith.minimumf %mul3A_3662, %min3A_3664 : vector<16xf32>
        %convert_element_type3A_3666 = arith.fptosi %min3A_3665 : vector<16xf32> to vector<16xi32>
        %convert_element_type3A_3667 = arith.sitofp %convert_element_type3A_3666 : vector<16xi32> to vector<16xf32>
        %mul3A_3668 = arith.constant 5.000000e-01 : f32
        %mul3A_3669 = vector.broadcast %mul3A_3668 : f32 to vector<16xf32>
        %mul3A_3670 = arith.mulf %convert_element_type3A_3667, %mul3A_3669 : vector<16xf32>
        %jit3A_3671 = arith.constant 0.000000e+00 : f32
        %broadcast_in_dim3A_3672 = vector.broadcast %jit3A_3671 : f32 to vector<16xf32>
        %select_n3A_3673 = arith.select %or3A_3652, %mul3A_3670, %broadcast_in_dim3A_3672 : vector<16xi1>, vector<16xf32>
        %add3A_3674 = arith.constant 50 : i32
        %add3A_3675 = vector.broadcast %add3A_3674 : i32 to vector<16xi32>
        %add3A_3676 = arith.addi %add3A_27, %add3A_3675 : vector<16xi32>
        tpu.vector_store_idx %arg5[%add3A_3676], %select_n3A_3673 : memref<32768xf32, #tpu.memory_space<vmem>>[vector<16xi32>], vector<16xf32>,
        %add3A_3677 = arith.constant 51 : i32
        %add3A_3678 = vector.broadcast %add3A_3677 : i32 to vector<16xi32>
        %add3A_3679 = arith.addi %add3A_27, %add3A_3678 : vector<16xi32>
        %gather3A_3680 = tpu.vector_load_idx %arg4[%add3A_3679] : memref<32768xf32, #tpu.memory_space<vmem>>[vector<16xi32>], vector<16xf32>,
        %gt3A_3681 = arith.cmpf ogt, %gather3A_3680, %max3A_1318 : vector<16xf32>
        %eq3A_3682 = arith.cmpf oeq, %gather3A_3680, %max3A_1318 : vector<16xf32>
        %lt3A_3683 = arith.constant 8 : i32
        %lt3A_3684 = vector.broadcast %lt3A_3683 : i32 to vector<16xi32>
        %lt3A_3685 = arith.cmpi slt, %add3A_3656, %lt3A_3684 : vector<16xi32>
        %and3A_3686 = arith.andi %eq3A_3682, %lt3A_3685 : vector<16xi1>
        %or3A_3687 = arith.ori %gt3A_3681, %and3A_3686 : vector<16xi1>
        %jit3A_3688 = arith.constant 0 : i32
        %broadcast_in_dim3A_3689 = vector.broadcast %jit3A_3688 : i32 to vector<16xi32>
        %select_n3A_3690 = arith.select %eq3A_3682, %broadcast_in_dim3A_1323, %broadcast_in_dim3A_3689 : vector<16xi1>, vector<16xi32>
        %add3A_3691 = arith.addi %add3A_3656, %select_n3A_3690 : vector<16xi32>
        %max3A_3692 = arith.constant 0.000000e+00 : f32
        %max3A_3693 = vector.broadcast %max3A_3692 : f32 to vector<16xf32>
        %max3A_3694 = arith.maximumf %gather3A_3680, %max3A_3693 : vector<16xf32>
        %mul3A_3695 = arith.constant 2.000000e+00 : f32
        %mul3A_3696 = vector.broadcast %mul3A_3695 : f32 to vector<16xf32>
        %mul3A_3697 = arith.mulf %max3A_3694, %mul3A_3696 : vector<16xf32>
        %min3A_3698 = arith.constant 1.500000e+01 : f32
        %min3A_3699 = vector.broadcast %min3A_3698 : f32 to vector<16xf32>
        %min3A_3700 = arith.minimumf %mul3A_3697, %min3A_3699 : vector<16xf32>
        %convert_element_type3A_3701 = arith.fptosi %min3A_3700 : vector<16xf32> to vector<16xi32>
        %convert_element_type3A_3702 = arith.sitofp %convert_element_type3A_3701 : vector<16xi32> to vector<16xf32>
        %mul3A_3703 = arith.constant 5.000000e-01 : f32
        %mul3A_3704 = vector.broadcast %mul3A_3703 : f32 to vector<16xf32>
        %mul3A_3705 = arith.mulf %convert_element_type3A_3702, %mul3A_3704 : vector<16xf32>
        %jit3A_3706 = arith.constant 0.000000e+00 : f32
        %broadcast_in_dim3A_3707 = vector.broadcast %jit3A_3706 : f32 to vector<16xf32>
        %select_n3A_3708 = arith.select %or3A_3687, %mul3A_3705, %broadcast_in_dim3A_3707 : vector<16xi1>, vector<16xf32>
        %add3A_3709 = arith.constant 51 : i32
        %add3A_3710 = vector.broadcast %add3A_3709 : i32 to vector<16xi32>
        %add3A_3711 = arith.addi %add3A_27, %add3A_3710 : vector<16xi32>
        tpu.vector_store_idx %arg5[%add3A_3711], %select_n3A_3708 : memref<32768xf32, #tpu.memory_space<vmem>>[vector<16xi32>], vector<16xf32>,
        %add3A_3712 = arith.constant 52 : i32
        %add3A_3713 = vector.broadcast %add3A_3712 : i32 to vector<16xi32>
        %add3A_3714 = arith.addi %add3A_27, %add3A_3713 : vector<16xi32>
        %gather3A_3715 = tpu.vector_load_idx %arg4[%add3A_3714] : memref<32768xf32, #tpu.memory_space<vmem>>[vector<16xi32>], vector<16xf32>,
        %gt3A_3716 = arith.cmpf ogt, %gather3A_3715, %max3A_1318 : vector<16xf32>
        %eq3A_3717 = arith.cmpf oeq, %gather3A_3715, %max3A_1318 : vector<16xf32>
        %lt3A_3718 = arith.constant 8 : i32
        %lt3A_3719 = vector.broadcast %lt3A_3718 : i32 to vector<16xi32>
        %lt3A_3720 = arith.cmpi slt, %add3A_3691, %lt3A_3719 : vector<16xi32>
        %and3A_3721 = arith.andi %eq3A_3717, %lt3A_3720 : vector<16xi1>
        %or3A_3722 = arith.ori %gt3A_3716, %and3A_3721 : vector<16xi1>
        %jit3A_3723 = arith.constant 0 : i32
        %broadcast_in_dim3A_3724 = vector.broadcast %jit3A_3723 : i32 to vector<16xi32>
        %select_n3A_3725 = arith.select %eq3A_3717, %broadcast_in_dim3A_1323, %broadcast_in_dim3A_3724 : vector<16xi1>, vector<16xi32>
        %add3A_3726 = arith.addi %add3A_3691, %select_n3A_3725 : vector<16xi32>
        %max3A_3727 = arith.constant 0.000000e+00 : f32
        %max3A_3728 = vector.broadcast %max3A_3727 : f32 to vector<16xf32>
        %max3A_3729 = arith.maximumf %gather3A_3715, %max3A_3728 : vector<16xf32>
        %mul3A_3730 = arith.constant 2.000000e+00 : f32
        %mul3A_3731 = vector.broadcast %mul3A_3730 : f32 to vector<16xf32>
        %mul3A_3732 = arith.mulf %max3A_3729, %mul3A_3731 : vector<16xf32>
        %min3A_3733 = arith.constant 1.500000e+01 : f32
        %min3A_3734 = vector.broadcast %min3A_3733 : f32 to vector<16xf32>
        %min3A_3735 = arith.minimumf %mul3A_3732, %min3A_3734 : vector<16xf32>
        %convert_element_type3A_3736 = arith.fptosi %min3A_3735 : vector<16xf32> to vector<16xi32>
        %convert_element_type3A_3737 = arith.sitofp %convert_element_type3A_3736 : vector<16xi32> to vector<16xf32>
        %mul3A_3738 = arith.constant 5.000000e-01 : f32
        %mul3A_3739 = vector.broadcast %mul3A_3738 : f32 to vector<16xf32>
        %mul3A_3740 = arith.mulf %convert_element_type3A_3737, %mul3A_3739 : vector<16xf32>
        %jit3A_3741 = arith.constant 0.000000e+00 : f32
        %broadcast_in_dim3A_3742 = vector.broadcast %jit3A_3741 : f32 to vector<16xf32>
        %select_n3A_3743 = arith.select %or3A_3722, %mul3A_3740, %broadcast_in_dim3A_3742 : vector<16xi1>, vector<16xf32>
        %add3A_3744 = arith.constant 52 : i32
        %add3A_3745 = vector.broadcast %add3A_3744 : i32 to vector<16xi32>
        %add3A_3746 = arith.addi %add3A_27, %add3A_3745 : vector<16xi32>
        tpu.vector_store_idx %arg5[%add3A_3746], %select_n3A_3743 : memref<32768xf32, #tpu.memory_space<vmem>>[vector<16xi32>], vector<16xf32>,
        %add3A_3747 = arith.constant 53 : i32
        %add3A_3748 = vector.broadcast %add3A_3747 : i32 to vector<16xi32>
        %add3A_3749 = arith.addi %add3A_27, %add3A_3748 : vector<16xi32>
        %gather3A_3750 = tpu.vector_load_idx %arg4[%add3A_3749] : memref<32768xf32, #tpu.memory_space<vmem>>[vector<16xi32>], vector<16xf32>,
        %gt3A_3751 = arith.cmpf ogt, %gather3A_3750, %max3A_1318 : vector<16xf32>
        %eq3A_3752 = arith.cmpf oeq, %gather3A_3750, %max3A_1318 : vector<16xf32>
        %lt3A_3753 = arith.constant 8 : i32
        %lt3A_3754 = vector.broadcast %lt3A_3753 : i32 to vector<16xi32>
        %lt3A_3755 = arith.cmpi slt, %add3A_3726, %lt3A_3754 : vector<16xi32>
        %and3A_3756 = arith.andi %eq3A_3752, %lt3A_3755 : vector<16xi1>
        %or3A_3757 = arith.ori %gt3A_3751, %and3A_3756 : vector<16xi1>
        %jit3A_3758 = arith.constant 0 : i32
        %broadcast_in_dim3A_3759 = vector.broadcast %jit3A_3758 : i32 to vector<16xi32>
        %select_n3A_3760 = arith.select %eq3A_3752, %broadcast_in_dim3A_1323, %broadcast_in_dim3A_3759 : vector<16xi1>, vector<16xi32>
        %add3A_3761 = arith.addi %add3A_3726, %select_n3A_3760 : vector<16xi32>
        %max3A_3762 = arith.constant 0.000000e+00 : f32
        %max3A_3763 = vector.broadcast %max3A_3762 : f32 to vector<16xf32>
        %max3A_3764 = arith.maximumf %gather3A_3750, %max3A_3763 : vector<16xf32>
        %mul3A_3765 = arith.constant 2.000000e+00 : f32
        %mul3A_3766 = vector.broadcast %mul3A_3765 : f32 to vector<16xf32>
        %mul3A_3767 = arith.mulf %max3A_3764, %mul3A_3766 : vector<16xf32>
        %min3A_3768 = arith.constant 1.500000e+01 : f32
        %min3A_3769 = vector.broadcast %min3A_3768 : f32 to vector<16xf32>
        %min3A_3770 = arith.minimumf %mul3A_3767, %min3A_3769 : vector<16xf32>
        %convert_element_type3A_3771 = arith.fptosi %min3A_3770 : vector<16xf32> to vector<16xi32>
        %convert_element_type3A_3772 = arith.sitofp %convert_element_type3A_3771 : vector<16xi32> to vector<16xf32>
        %mul3A_3773 = arith.constant 5.000000e-01 : f32
        %mul3A_3774 = vector.broadcast %mul3A_3773 : f32 to vector<16xf32>
        %mul3A_3775 = arith.mulf %convert_element_type3A_3772, %mul3A_3774 : vector<16xf32>
        %jit3A_3776 = arith.constant 0.000000e+00 : f32
        %broadcast_in_dim3A_3777 = vector.broadcast %jit3A_3776 : f32 to vector<16xf32>
        %select_n3A_3778 = arith.select %or3A_3757, %mul3A_3775, %broadcast_in_dim3A_3777 : vector<16xi1>, vector<16xf32>
        %add3A_3779 = arith.constant 53 : i32
        %add3A_3780 = vector.broadcast %add3A_3779 : i32 to vector<16xi32>
        %add3A_3781 = arith.addi %add3A_27, %add3A_3780 : vector<16xi32>
        tpu.vector_store_idx %arg5[%add3A_3781], %select_n3A_3778 : memref<32768xf32, #tpu.memory_space<vmem>>[vector<16xi32>], vector<16xf32>,
        %add3A_3782 = arith.constant 54 : i32
        %add3A_3783 = vector.broadcast %add3A_3782 : i32 to vector<16xi32>
        %add3A_3784 = arith.addi %add3A_27, %add3A_3783 : vector<16xi32>
        %gather3A_3785 = tpu.vector_load_idx %arg4[%add3A_3784] : memref<32768xf32, #tpu.memory_space<vmem>>[vector<16xi32>], vector<16xf32>,
        %gt3A_3786 = arith.cmpf ogt, %gather3A_3785, %max3A_1318 : vector<16xf32>
        %eq3A_3787 = arith.cmpf oeq, %gather3A_3785, %max3A_1318 : vector<16xf32>
        %lt3A_3788 = arith.constant 8 : i32
        %lt3A_3789 = vector.broadcast %lt3A_3788 : i32 to vector<16xi32>
        %lt3A_3790 = arith.cmpi slt, %add3A_3761, %lt3A_3789 : vector<16xi32>
        %and3A_3791 = arith.andi %eq3A_3787, %lt3A_3790 : vector<16xi1>
        %or3A_3792 = arith.ori %gt3A_3786, %and3A_3791 : vector<16xi1>
        %jit3A_3793 = arith.constant 0 : i32
        %broadcast_in_dim3A_3794 = vector.broadcast %jit3A_3793 : i32 to vector<16xi32>
        %select_n3A_3795 = arith.select %eq3A_3787, %broadcast_in_dim3A_1323, %broadcast_in_dim3A_3794 : vector<16xi1>, vector<16xi32>
        %add3A_3796 = arith.addi %add3A_3761, %select_n3A_3795 : vector<16xi32>
        %max3A_3797 = arith.constant 0.000000e+00 : f32
        %max3A_3798 = vector.broadcast %max3A_3797 : f32 to vector<16xf32>
        %max3A_3799 = arith.maximumf %gather3A_3785, %max3A_3798 : vector<16xf32>
        %mul3A_3800 = arith.constant 2.000000e+00 : f32
        %mul3A_3801 = vector.broadcast %mul3A_3800 : f32 to vector<16xf32>
        %mul3A_3802 = arith.mulf %max3A_3799, %mul3A_3801 : vector<16xf32>
        %min3A_3803 = arith.constant 1.500000e+01 : f32
        %min3A_3804 = vector.broadcast %min3A_3803 : f32 to vector<16xf32>
        %min3A_3805 = arith.minimumf %mul3A_3802, %min3A_3804 : vector<16xf32>
        %convert_element_type3A_3806 = arith.fptosi %min3A_3805 : vector<16xf32> to vector<16xi32>
        %convert_element_type3A_3807 = arith.sitofp %convert_element_type3A_3806 : vector<16xi32> to vector<16xf32>
        %mul3A_3808 = arith.constant 5.000000e-01 : f32
        %mul3A_3809 = vector.broadcast %mul3A_3808 : f32 to vector<16xf32>
        %mul3A_3810 = arith.mulf %convert_element_type3A_3807, %mul3A_3809 : vector<16xf32>
        %jit3A_3811 = arith.constant 0.000000e+00 : f32
        %broadcast_in_dim3A_3812 = vector.broadcast %jit3A_3811 : f32 to vector<16xf32>
        %select_n3A_3813 = arith.select %or3A_3792, %mul3A_3810, %broadcast_in_dim3A_3812 : vector<16xi1>, vector<16xf32>
        %add3A_3814 = arith.constant 54 : i32
        %add3A_3815 = vector.broadcast %add3A_3814 : i32 to vector<16xi32>
        %add3A_3816 = arith.addi %add3A_27, %add3A_3815 : vector<16xi32>
        tpu.vector_store_idx %arg5[%add3A_3816], %select_n3A_3813 : memref<32768xf32, #tpu.memory_space<vmem>>[vector<16xi32>], vector<16xf32>,
        %add3A_3817 = arith.constant 55 : i32
        %add3A_3818 = vector.broadcast %add3A_3817 : i32 to vector<16xi32>
        %add3A_3819 = arith.addi %add3A_27, %add3A_3818 : vector<16xi32>
        %gather3A_3820 = tpu.vector_load_idx %arg4[%add3A_3819] : memref<32768xf32, #tpu.memory_space<vmem>>[vector<16xi32>], vector<16xf32>,
        %gt3A_3821 = arith.cmpf ogt, %gather3A_3820, %max3A_1318 : vector<16xf32>
        %eq3A_3822 = arith.cmpf oeq, %gather3A_3820, %max3A_1318 : vector<16xf32>
        %lt3A_3823 = arith.constant 8 : i32
        %lt3A_3824 = vector.broadcast %lt3A_3823 : i32 to vector<16xi32>
        %lt3A_3825 = arith.cmpi slt, %add3A_3796, %lt3A_3824 : vector<16xi32>
        %and3A_3826 = arith.andi %eq3A_3822, %lt3A_3825 : vector<16xi1>
        %or3A_3827 = arith.ori %gt3A_3821, %and3A_3826 : vector<16xi1>
        %jit3A_3828 = arith.constant 0 : i32
        %broadcast_in_dim3A_3829 = vector.broadcast %jit3A_3828 : i32 to vector<16xi32>
        %select_n3A_3830 = arith.select %eq3A_3822, %broadcast_in_dim3A_1323, %broadcast_in_dim3A_3829 : vector<16xi1>, vector<16xi32>
        %add3A_3831 = arith.addi %add3A_3796, %select_n3A_3830 : vector<16xi32>
        %max3A_3832 = arith.constant 0.000000e+00 : f32
        %max3A_3833 = vector.broadcast %max3A_3832 : f32 to vector<16xf32>
        %max3A_3834 = arith.maximumf %gather3A_3820, %max3A_3833 : vector<16xf32>
        %mul3A_3835 = arith.constant 2.000000e+00 : f32
        %mul3A_3836 = vector.broadcast %mul3A_3835 : f32 to vector<16xf32>
        %mul3A_3837 = arith.mulf %max3A_3834, %mul3A_3836 : vector<16xf32>
        %min3A_3838 = arith.constant 1.500000e+01 : f32
        %min3A_3839 = vector.broadcast %min3A_3838 : f32 to vector<16xf32>
        %min3A_3840 = arith.minimumf %mul3A_3837, %min3A_3839 : vector<16xf32>
        %convert_element_type3A_3841 = arith.fptosi %min3A_3840 : vector<16xf32> to vector<16xi32>
        %convert_element_type3A_3842 = arith.sitofp %convert_element_type3A_3841 : vector<16xi32> to vector<16xf32>
        %mul3A_3843 = arith.constant 5.000000e-01 : f32
        %mul3A_3844 = vector.broadcast %mul3A_3843 : f32 to vector<16xf32>
        %mul3A_3845 = arith.mulf %convert_element_type3A_3842, %mul3A_3844 : vector<16xf32>
        %jit3A_3846 = arith.constant 0.000000e+00 : f32
        %broadcast_in_dim3A_3847 = vector.broadcast %jit3A_3846 : f32 to vector<16xf32>
        %select_n3A_3848 = arith.select %or3A_3827, %mul3A_3845, %broadcast_in_dim3A_3847 : vector<16xi1>, vector<16xf32>
        %add3A_3849 = arith.constant 55 : i32
        %add3A_3850 = vector.broadcast %add3A_3849 : i32 to vector<16xi32>
        %add3A_3851 = arith.addi %add3A_27, %add3A_3850 : vector<16xi32>
        tpu.vector_store_idx %arg5[%add3A_3851], %select_n3A_3848 : memref<32768xf32, #tpu.memory_space<vmem>>[vector<16xi32>], vector<16xf32>,
        %add3A_3852 = arith.constant 56 : i32
        %add3A_3853 = vector.broadcast %add3A_3852 : i32 to vector<16xi32>
        %add3A_3854 = arith.addi %add3A_27, %add3A_3853 : vector<16xi32>
        %gather3A_3855 = tpu.vector_load_idx %arg4[%add3A_3854] : memref<32768xf32, #tpu.memory_space<vmem>>[vector<16xi32>], vector<16xf32>,
        %gt3A_3856 = arith.cmpf ogt, %gather3A_3855, %max3A_1318 : vector<16xf32>
        %eq3A_3857 = arith.cmpf oeq, %gather3A_3855, %max3A_1318 : vector<16xf32>
        %lt3A_3858 = arith.constant 8 : i32
        %lt3A_3859 = vector.broadcast %lt3A_3858 : i32 to vector<16xi32>
        %lt3A_3860 = arith.cmpi slt, %add3A_3831, %lt3A_3859 : vector<16xi32>
        %and3A_3861 = arith.andi %eq3A_3857, %lt3A_3860 : vector<16xi1>
        %or3A_3862 = arith.ori %gt3A_3856, %and3A_3861 : vector<16xi1>
        %jit3A_3863 = arith.constant 0 : i32
        %broadcast_in_dim3A_3864 = vector.broadcast %jit3A_3863 : i32 to vector<16xi32>
        %select_n3A_3865 = arith.select %eq3A_3857, %broadcast_in_dim3A_1323, %broadcast_in_dim3A_3864 : vector<16xi1>, vector<16xi32>
        %add3A_3866 = arith.addi %add3A_3831, %select_n3A_3865 : vector<16xi32>
        %max3A_3867 = arith.constant 0.000000e+00 : f32
        %max3A_3868 = vector.broadcast %max3A_3867 : f32 to vector<16xf32>
        %max3A_3869 = arith.maximumf %gather3A_3855, %max3A_3868 : vector<16xf32>
        %mul3A_3870 = arith.constant 2.000000e+00 : f32
        %mul3A_3871 = vector.broadcast %mul3A_3870 : f32 to vector<16xf32>
        %mul3A_3872 = arith.mulf %max3A_3869, %mul3A_3871 : vector<16xf32>
        %min3A_3873 = arith.constant 1.500000e+01 : f32
        %min3A_3874 = vector.broadcast %min3A_3873 : f32 to vector<16xf32>
        %min3A_3875 = arith.minimumf %mul3A_3872, %min3A_3874 : vector<16xf32>
        %convert_element_type3A_3876 = arith.fptosi %min3A_3875 : vector<16xf32> to vector<16xi32>
        %convert_element_type3A_3877 = arith.sitofp %convert_element_type3A_3876 : vector<16xi32> to vector<16xf32>
        %mul3A_3878 = arith.constant 5.000000e-01 : f32
        %mul3A_3879 = vector.broadcast %mul3A_3878 : f32 to vector<16xf32>
        %mul3A_3880 = arith.mulf %convert_element_type3A_3877, %mul3A_3879 : vector<16xf32>
        %jit3A_3881 = arith.constant 0.000000e+00 : f32
        %broadcast_in_dim3A_3882 = vector.broadcast %jit3A_3881 : f32 to vector<16xf32>
        %select_n3A_3883 = arith.select %or3A_3862, %mul3A_3880, %broadcast_in_dim3A_3882 : vector<16xi1>, vector<16xf32>
        %add3A_3884 = arith.constant 56 : i32
        %add3A_3885 = vector.broadcast %add3A_3884 : i32 to vector<16xi32>
        %add3A_3886 = arith.addi %add3A_27, %add3A_3885 : vector<16xi32>
        tpu.vector_store_idx %arg5[%add3A_3886], %select_n3A_3883 : memref<32768xf32, #tpu.memory_space<vmem>>[vector<16xi32>], vector<16xf32>,
        %add3A_3887 = arith.constant 57 : i32
        %add3A_3888 = vector.broadcast %add3A_3887 : i32 to vector<16xi32>
        %add3A_3889 = arith.addi %add3A_27, %add3A_3888 : vector<16xi32>
        %gather3A_3890 = tpu.vector_load_idx %arg4[%add3A_3889] : memref<32768xf32, #tpu.memory_space<vmem>>[vector<16xi32>], vector<16xf32>,
        %gt3A_3891 = arith.cmpf ogt, %gather3A_3890, %max3A_1318 : vector<16xf32>
        %eq3A_3892 = arith.cmpf oeq, %gather3A_3890, %max3A_1318 : vector<16xf32>
        %lt3A_3893 = arith.constant 8 : i32
        %lt3A_3894 = vector.broadcast %lt3A_3893 : i32 to vector<16xi32>
        %lt3A_3895 = arith.cmpi slt, %add3A_3866, %lt3A_3894 : vector<16xi32>
        %and3A_3896 = arith.andi %eq3A_3892, %lt3A_3895 : vector<16xi1>
        %or3A_3897 = arith.ori %gt3A_3891, %and3A_3896 : vector<16xi1>
        %jit3A_3898 = arith.constant 0 : i32
        %broadcast_in_dim3A_3899 = vector.broadcast %jit3A_3898 : i32 to vector<16xi32>
        %select_n3A_3900 = arith.select %eq3A_3892, %broadcast_in_dim3A_1323, %broadcast_in_dim3A_3899 : vector<16xi1>, vector<16xi32>
        %add3A_3901 = arith.addi %add3A_3866, %select_n3A_3900 : vector<16xi32>
        %max3A_3902 = arith.constant 0.000000e+00 : f32
        %max3A_3903 = vector.broadcast %max3A_3902 : f32 to vector<16xf32>
        %max3A_3904 = arith.maximumf %gather3A_3890, %max3A_3903 : vector<16xf32>
        %mul3A_3905 = arith.constant 2.000000e+00 : f32
        %mul3A_3906 = vector.broadcast %mul3A_3905 : f32 to vector<16xf32>
        %mul3A_3907 = arith.mulf %max3A_3904, %mul3A_3906 : vector<16xf32>
        %min3A_3908 = arith.constant 1.500000e+01 : f32
        %min3A_3909 = vector.broadcast %min3A_3908 : f32 to vector<16xf32>
        %min3A_3910 = arith.minimumf %mul3A_3907, %min3A_3909 : vector<16xf32>
        %convert_element_type3A_3911 = arith.fptosi %min3A_3910 : vector<16xf32> to vector<16xi32>
        %convert_element_type3A_3912 = arith.sitofp %convert_element_type3A_3911 : vector<16xi32> to vector<16xf32>
        %mul3A_3913 = arith.constant 5.000000e-01 : f32
        %mul3A_3914 = vector.broadcast %mul3A_3913 : f32 to vector<16xf32>
        %mul3A_3915 = arith.mulf %convert_element_type3A_3912, %mul3A_3914 : vector<16xf32>
        %jit3A_3916 = arith.constant 0.000000e+00 : f32
        %broadcast_in_dim3A_3917 = vector.broadcast %jit3A_3916 : f32 to vector<16xf32>
        %select_n3A_3918 = arith.select %or3A_3897, %mul3A_3915, %broadcast_in_dim3A_3917 : vector<16xi1>, vector<16xf32>
        %add3A_3919 = arith.constant 57 : i32
        %add3A_3920 = vector.broadcast %add3A_3919 : i32 to vector<16xi32>
        %add3A_3921 = arith.addi %add3A_27, %add3A_3920 : vector<16xi32>
        tpu.vector_store_idx %arg5[%add3A_3921], %select_n3A_3918 : memref<32768xf32, #tpu.memory_space<vmem>>[vector<16xi32>], vector<16xf32>,
        %add3A_3922 = arith.constant 58 : i32
        %add3A_3923 = vector.broadcast %add3A_3922 : i32 to vector<16xi32>
        %add3A_3924 = arith.addi %add3A_27, %add3A_3923 : vector<16xi32>
        %gather3A_3925 = tpu.vector_load_idx %arg4[%add3A_3924] : memref<32768xf32, #tpu.memory_space<vmem>>[vector<16xi32>], vector<16xf32>,
        %gt3A_3926 = arith.cmpf ogt, %gather3A_3925, %max3A_1318 : vector<16xf32>
        %eq3A_3927 = arith.cmpf oeq, %gather3A_3925, %max3A_1318 : vector<16xf32>
        %lt3A_3928 = arith.constant 8 : i32
        %lt3A_3929 = vector.broadcast %lt3A_3928 : i32 to vector<16xi32>
        %lt3A_3930 = arith.cmpi slt, %add3A_3901, %lt3A_3929 : vector<16xi32>
        %and3A_3931 = arith.andi %eq3A_3927, %lt3A_3930 : vector<16xi1>
        %or3A_3932 = arith.ori %gt3A_3926, %and3A_3931 : vector<16xi1>
        %jit3A_3933 = arith.constant 0 : i32
        %broadcast_in_dim3A_3934 = vector.broadcast %jit3A_3933 : i32 to vector<16xi32>
        %select_n3A_3935 = arith.select %eq3A_3927, %broadcast_in_dim3A_1323, %broadcast_in_dim3A_3934 : vector<16xi1>, vector<16xi32>
        %add3A_3936 = arith.addi %add3A_3901, %select_n3A_3935 : vector<16xi32>
        %max3A_3937 = arith.constant 0.000000e+00 : f32
        %max3A_3938 = vector.broadcast %max3A_3937 : f32 to vector<16xf32>
        %max3A_3939 = arith.maximumf %gather3A_3925, %max3A_3938 : vector<16xf32>
        %mul3A_3940 = arith.constant 2.000000e+00 : f32
        %mul3A_3941 = vector.broadcast %mul3A_3940 : f32 to vector<16xf32>
        %mul3A_3942 = arith.mulf %max3A_3939, %mul3A_3941 : vector<16xf32>
        %min3A_3943 = arith.constant 1.500000e+01 : f32
        %min3A_3944 = vector.broadcast %min3A_3943 : f32 to vector<16xf32>
        %min3A_3945 = arith.minimumf %mul3A_3942, %min3A_3944 : vector<16xf32>
        %convert_element_type3A_3946 = arith.fptosi %min3A_3945 : vector<16xf32> to vector<16xi32>
        %convert_element_type3A_3947 = arith.sitofp %convert_element_type3A_3946 : vector<16xi32> to vector<16xf32>
        %mul3A_3948 = arith.constant 5.000000e-01 : f32
        %mul3A_3949 = vector.broadcast %mul3A_3948 : f32 to vector<16xf32>
        %mul3A_3950 = arith.mulf %convert_element_type3A_3947, %mul3A_3949 : vector<16xf32>
        %jit3A_3951 = arith.constant 0.000000e+00 : f32
        %broadcast_in_dim3A_3952 = vector.broadcast %jit3A_3951 : f32 to vector<16xf32>
        %select_n3A_3953 = arith.select %or3A_3932, %mul3A_3950, %broadcast_in_dim3A_3952 : vector<16xi1>, vector<16xf32>
        %add3A_3954 = arith.constant 58 : i32
        %add3A_3955 = vector.broadcast %add3A_3954 : i32 to vector<16xi32>
        %add3A_3956 = arith.addi %add3A_27, %add3A_3955 : vector<16xi32>
        tpu.vector_store_idx %arg5[%add3A_3956], %select_n3A_3953 : memref<32768xf32, #tpu.memory_space<vmem>>[vector<16xi32>], vector<16xf32>,
        %add3A_3957 = arith.constant 59 : i32
        %add3A_3958 = vector.broadcast %add3A_3957 : i32 to vector<16xi32>
        %add3A_3959 = arith.addi %add3A_27, %add3A_3958 : vector<16xi32>
        %gather3A_3960 = tpu.vector_load_idx %arg4[%add3A_3959] : memref<32768xf32, #tpu.memory_space<vmem>>[vector<16xi32>], vector<16xf32>,
        %gt3A_3961 = arith.cmpf ogt, %gather3A_3960, %max3A_1318 : vector<16xf32>
        %eq3A_3962 = arith.cmpf oeq, %gather3A_3960, %max3A_1318 : vector<16xf32>
        %lt3A_3963 = arith.constant 8 : i32
        %lt3A_3964 = vector.broadcast %lt3A_3963 : i32 to vector<16xi32>
        %lt3A_3965 = arith.cmpi slt, %add3A_3936, %lt3A_3964 : vector<16xi32>
        %and3A_3966 = arith.andi %eq3A_3962, %lt3A_3965 : vector<16xi1>
        %or3A_3967 = arith.ori %gt3A_3961, %and3A_3966 : vector<16xi1>
        %jit3A_3968 = arith.constant 0 : i32
        %broadcast_in_dim3A_3969 = vector.broadcast %jit3A_3968 : i32 to vector<16xi32>
        %select_n3A_3970 = arith.select %eq3A_3962, %broadcast_in_dim3A_1323, %broadcast_in_dim3A_3969 : vector<16xi1>, vector<16xi32>
        %add3A_3971 = arith.addi %add3A_3936, %select_n3A_3970 : vector<16xi32>
        %max3A_3972 = arith.constant 0.000000e+00 : f32
        %max3A_3973 = vector.broadcast %max3A_3972 : f32 to vector<16xf32>
        %max3A_3974 = arith.maximumf %gather3A_3960, %max3A_3973 : vector<16xf32>
        %mul3A_3975 = arith.constant 2.000000e+00 : f32
        %mul3A_3976 = vector.broadcast %mul3A_3975 : f32 to vector<16xf32>
        %mul3A_3977 = arith.mulf %max3A_3974, %mul3A_3976 : vector<16xf32>
        %min3A_3978 = arith.constant 1.500000e+01 : f32
        %min3A_3979 = vector.broadcast %min3A_3978 : f32 to vector<16xf32>
        %min3A_3980 = arith.minimumf %mul3A_3977, %min3A_3979 : vector<16xf32>
        %convert_element_type3A_3981 = arith.fptosi %min3A_3980 : vector<16xf32> to vector<16xi32>
        %convert_element_type3A_3982 = arith.sitofp %convert_element_type3A_3981 : vector<16xi32> to vector<16xf32>
        %mul3A_3983 = arith.constant 5.000000e-01 : f32
        %mul3A_3984 = vector.broadcast %mul3A_3983 : f32 to vector<16xf32>
        %mul3A_3985 = arith.mulf %convert_element_type3A_3982, %mul3A_3984 : vector<16xf32>
        %jit3A_3986 = arith.constant 0.000000e+00 : f32
        %broadcast_in_dim3A_3987 = vector.broadcast %jit3A_3986 : f32 to vector<16xf32>
        %select_n3A_3988 = arith.select %or3A_3967, %mul3A_3985, %broadcast_in_dim3A_3987 : vector<16xi1>, vector<16xf32>
        %add3A_3989 = arith.constant 59 : i32
        %add3A_3990 = vector.broadcast %add3A_3989 : i32 to vector<16xi32>
        %add3A_3991 = arith.addi %add3A_27, %add3A_3990 : vector<16xi32>
        tpu.vector_store_idx %arg5[%add3A_3991], %select_n3A_3988 : memref<32768xf32, #tpu.memory_space<vmem>>[vector<16xi32>], vector<16xf32>,
        %add3A_3992 = arith.constant 60 : i32
        %add3A_3993 = vector.broadcast %add3A_3992 : i32 to vector<16xi32>
        %add3A_3994 = arith.addi %add3A_27, %add3A_3993 : vector<16xi32>
        %gather3A_3995 = tpu.vector_load_idx %arg4[%add3A_3994] : memref<32768xf32, #tpu.memory_space<vmem>>[vector<16xi32>], vector<16xf32>,
        %gt3A_3996 = arith.cmpf ogt, %gather3A_3995, %max3A_1318 : vector<16xf32>
        %eq3A_3997 = arith.cmpf oeq, %gather3A_3995, %max3A_1318 : vector<16xf32>
        %lt3A_3998 = arith.constant 8 : i32
        %lt3A_3999 = vector.broadcast %lt3A_3998 : i32 to vector<16xi32>
        %lt3A_4000 = arith.cmpi slt, %add3A_3971, %lt3A_3999 : vector<16xi32>
        %and3A_4001 = arith.andi %eq3A_3997, %lt3A_4000 : vector<16xi1>
        %or3A_4002 = arith.ori %gt3A_3996, %and3A_4001 : vector<16xi1>
        %jit3A_4003 = arith.constant 0 : i32
        %broadcast_in_dim3A_4004 = vector.broadcast %jit3A_4003 : i32 to vector<16xi32>
        %select_n3A_4005 = arith.select %eq3A_3997, %broadcast_in_dim3A_1323, %broadcast_in_dim3A_4004 : vector<16xi1>, vector<16xi32>
        %add3A_4006 = arith.addi %add3A_3971, %select_n3A_4005 : vector<16xi32>
        %max3A_4007 = arith.constant 0.000000e+00 : f32
        %max3A_4008 = vector.broadcast %max3A_4007 : f32 to vector<16xf32>
        %max3A_4009 = arith.maximumf %gather3A_3995, %max3A_4008 : vector<16xf32>
        %mul3A_4010 = arith.constant 2.000000e+00 : f32
        %mul3A_4011 = vector.broadcast %mul3A_4010 : f32 to vector<16xf32>
        %mul3A_4012 = arith.mulf %max3A_4009, %mul3A_4011 : vector<16xf32>
        %min3A_4013 = arith.constant 1.500000e+01 : f32
        %min3A_4014 = vector.broadcast %min3A_4013 : f32 to vector<16xf32>
        %min3A_4015 = arith.minimumf %mul3A_4012, %min3A_4014 : vector<16xf32>
        %convert_element_type3A_4016 = arith.fptosi %min3A_4015 : vector<16xf32> to vector<16xi32>
        %convert_element_type3A_4017 = arith.sitofp %convert_element_type3A_4016 : vector<16xi32> to vector<16xf32>
        %mul3A_4018 = arith.constant 5.000000e-01 : f32
        %mul3A_4019 = vector.broadcast %mul3A_4018 : f32 to vector<16xf32>
        %mul3A_4020 = arith.mulf %convert_element_type3A_4017, %mul3A_4019 : vector<16xf32>
        %jit3A_4021 = arith.constant 0.000000e+00 : f32
        %broadcast_in_dim3A_4022 = vector.broadcast %jit3A_4021 : f32 to vector<16xf32>
        %select_n3A_4023 = arith.select %or3A_4002, %mul3A_4020, %broadcast_in_dim3A_4022 : vector<16xi1>, vector<16xf32>
        %add3A_4024 = arith.constant 60 : i32
        %add3A_4025 = vector.broadcast %add3A_4024 : i32 to vector<16xi32>
        %add3A_4026 = arith.addi %add3A_27, %add3A_4025 : vector<16xi32>
        tpu.vector_store_idx %arg5[%add3A_4026], %select_n3A_4023 : memref<32768xf32, #tpu.memory_space<vmem>>[vector<16xi32>], vector<16xf32>,
        %add3A_4027 = arith.constant 61 : i32
        %add3A_4028 = vector.broadcast %add3A_4027 : i32 to vector<16xi32>
        %add3A_4029 = arith.addi %add3A_27, %add3A_4028 : vector<16xi32>
        %gather3A_4030 = tpu.vector_load_idx %arg4[%add3A_4029] : memref<32768xf32, #tpu.memory_space<vmem>>[vector<16xi32>], vector<16xf32>,
        %gt3A_4031 = arith.cmpf ogt, %gather3A_4030, %max3A_1318 : vector<16xf32>
        %eq3A_4032 = arith.cmpf oeq, %gather3A_4030, %max3A_1318 : vector<16xf32>
        %lt3A_4033 = arith.constant 8 : i32
        %lt3A_4034 = vector.broadcast %lt3A_4033 : i32 to vector<16xi32>
        %lt3A_4035 = arith.cmpi slt, %add3A_4006, %lt3A_4034 : vector<16xi32>
        %and3A_4036 = arith.andi %eq3A_4032, %lt3A_4035 : vector<16xi1>
        %or3A_4037 = arith.ori %gt3A_4031, %and3A_4036 : vector<16xi1>
        %jit3A_4038 = arith.constant 0 : i32
        %broadcast_in_dim3A_4039 = vector.broadcast %jit3A_4038 : i32 to vector<16xi32>
        %select_n3A_4040 = arith.select %eq3A_4032, %broadcast_in_dim3A_1323, %broadcast_in_dim3A_4039 : vector<16xi1>, vector<16xi32>
        %add3A_4041 = arith.addi %add3A_4006, %select_n3A_4040 : vector<16xi32>
        %max3A_4042 = arith.constant 0.000000e+00 : f32
        %max3A_4043 = vector.broadcast %max3A_4042 : f32 to vector<16xf32>
        %max3A_4044 = arith.maximumf %gather3A_4030, %max3A_4043 : vector<16xf32>
        %mul3A_4045 = arith.constant 2.000000e+00 : f32
        %mul3A_4046 = vector.broadcast %mul3A_4045 : f32 to vector<16xf32>
        %mul3A_4047 = arith.mulf %max3A_4044, %mul3A_4046 : vector<16xf32>
        %min3A_4048 = arith.constant 1.500000e+01 : f32
        %min3A_4049 = vector.broadcast %min3A_4048 : f32 to vector<16xf32>
        %min3A_4050 = arith.minimumf %mul3A_4047, %min3A_4049 : vector<16xf32>
        %convert_element_type3A_4051 = arith.fptosi %min3A_4050 : vector<16xf32> to vector<16xi32>
        %convert_element_type3A_4052 = arith.sitofp %convert_element_type3A_4051 : vector<16xi32> to vector<16xf32>
        %mul3A_4053 = arith.constant 5.000000e-01 : f32
        %mul3A_4054 = vector.broadcast %mul3A_4053 : f32 to vector<16xf32>
        %mul3A_4055 = arith.mulf %convert_element_type3A_4052, %mul3A_4054 : vector<16xf32>
        %jit3A_4056 = arith.constant 0.000000e+00 : f32
        %broadcast_in_dim3A_4057 = vector.broadcast %jit3A_4056 : f32 to vector<16xf32>
        %select_n3A_4058 = arith.select %or3A_4037, %mul3A_4055, %broadcast_in_dim3A_4057 : vector<16xi1>, vector<16xf32>
        %add3A_4059 = arith.constant 61 : i32
        %add3A_4060 = vector.broadcast %add3A_4059 : i32 to vector<16xi32>
        %add3A_4061 = arith.addi %add3A_27, %add3A_4060 : vector<16xi32>
        tpu.vector_store_idx %arg5[%add3A_4061], %select_n3A_4058 : memref<32768xf32, #tpu.memory_space<vmem>>[vector<16xi32>], vector<16xf32>,
        %add3A_4062 = arith.constant 62 : i32
        %add3A_4063 = vector.broadcast %add3A_4062 : i32 to vector<16xi32>
        %add3A_4064 = arith.addi %add3A_27, %add3A_4063 : vector<16xi32>
        %gather3A_4065 = tpu.vector_load_idx %arg4[%add3A_4064] : memref<32768xf32, #tpu.memory_space<vmem>>[vector<16xi32>], vector<16xf32>,
        %gt3A_4066 = arith.cmpf ogt, %gather3A_4065, %max3A_1318 : vector<16xf32>
        %eq3A_4067 = arith.cmpf oeq, %gather3A_4065, %max3A_1318 : vector<16xf32>
        %lt3A_4068 = arith.constant 8 : i32
        %lt3A_4069 = vector.broadcast %lt3A_4068 : i32 to vector<16xi32>
        %lt3A_4070 = arith.cmpi slt, %add3A_4041, %lt3A_4069 : vector<16xi32>
        %and3A_4071 = arith.andi %eq3A_4067, %lt3A_4070 : vector<16xi1>
        %or3A_4072 = arith.ori %gt3A_4066, %and3A_4071 : vector<16xi1>
        %jit3A_4073 = arith.constant 0 : i32
        %broadcast_in_dim3A_4074 = vector.broadcast %jit3A_4073 : i32 to vector<16xi32>
        %select_n3A_4075 = arith.select %eq3A_4067, %broadcast_in_dim3A_1323, %broadcast_in_dim3A_4074 : vector<16xi1>, vector<16xi32>
        %add3A_4076 = arith.addi %add3A_4041, %select_n3A_4075 : vector<16xi32>
        %max3A_4077 = arith.constant 0.000000e+00 : f32
        %max3A_4078 = vector.broadcast %max3A_4077 : f32 to vector<16xf32>
        %max3A_4079 = arith.maximumf %gather3A_4065, %max3A_4078 : vector<16xf32>
        %mul3A_4080 = arith.constant 2.000000e+00 : f32
        %mul3A_4081 = vector.broadcast %mul3A_4080 : f32 to vector<16xf32>
        %mul3A_4082 = arith.mulf %max3A_4079, %mul3A_4081 : vector<16xf32>
        %min3A_4083 = arith.constant 1.500000e+01 : f32
        %min3A_4084 = vector.broadcast %min3A_4083 : f32 to vector<16xf32>
        %min3A_4085 = arith.minimumf %mul3A_4082, %min3A_4084 : vector<16xf32>
        %convert_element_type3A_4086 = arith.fptosi %min3A_4085 : vector<16xf32> to vector<16xi32>
        %convert_element_type3A_4087 = arith.sitofp %convert_element_type3A_4086 : vector<16xi32> to vector<16xf32>
        %mul3A_4088 = arith.constant 5.000000e-01 : f32
        %mul3A_4089 = vector.broadcast %mul3A_4088 : f32 to vector<16xf32>
        %mul3A_4090 = arith.mulf %convert_element_type3A_4087, %mul3A_4089 : vector<16xf32>
        %jit3A_4091 = arith.constant 0.000000e+00 : f32
        %broadcast_in_dim3A_4092 = vector.broadcast %jit3A_4091 : f32 to vector<16xf32>
        %select_n3A_4093 = arith.select %or3A_4072, %mul3A_4090, %broadcast_in_dim3A_4092 : vector<16xi1>, vector<16xf32>
        %add3A_4094 = arith.constant 62 : i32
        %add3A_4095 = vector.broadcast %add3A_4094 : i32 to vector<16xi32>
        %add3A_4096 = arith.addi %add3A_27, %add3A_4095 : vector<16xi32>
        tpu.vector_store_idx %arg5[%add3A_4096], %select_n3A_4093 : memref<32768xf32, #tpu.memory_space<vmem>>[vector<16xi32>], vector<16xf32>,
        %add3A_4097 = arith.constant 63 : i32
        %add3A_4098 = vector.broadcast %add3A_4097 : i32 to vector<16xi32>
        %add3A_4099 = arith.addi %add3A_27, %add3A_4098 : vector<16xi32>
        %gather3A_4100 = tpu.vector_load_idx %arg4[%add3A_4099] : memref<32768xf32, #tpu.memory_space<vmem>>[vector<16xi32>], vector<16xf32>,
        %gt3A_4101 = arith.cmpf ogt, %gather3A_4100, %max3A_1318 : vector<16xf32>
        %eq3A_4102 = arith.cmpf oeq, %gather3A_4100, %max3A_1318 : vector<16xf32>
        %lt3A_4103 = arith.constant 8 : i32
        %lt3A_4104 = vector.broadcast %lt3A_4103 : i32 to vector<16xi32>
        %lt3A_4105 = arith.cmpi slt, %add3A_4076, %lt3A_4104 : vector<16xi32>
        %and3A_4106 = arith.andi %eq3A_4102, %lt3A_4105 : vector<16xi1>
        %or3A_4107 = arith.ori %gt3A_4101, %and3A_4106 : vector<16xi1>
        %jit3A_4108 = arith.constant 0 : i32
        %broadcast_in_dim3A_4109 = vector.broadcast %jit3A_4108 : i32 to vector<16xi32>
        %select_n3A_4110 = arith.select %eq3A_4102, %broadcast_in_dim3A_1323, %broadcast_in_dim3A_4109 : vector<16xi1>, vector<16xi32>
        %add3A_4111 = arith.addi %add3A_4076, %select_n3A_4110 : vector<16xi32>
        %max3A_4112 = arith.constant 0.000000e+00 : f32
        %max3A_4113 = vector.broadcast %max3A_4112 : f32 to vector<16xf32>
        %max3A_4114 = arith.maximumf %gather3A_4100, %max3A_4113 : vector<16xf32>
        %mul3A_4115 = arith.constant 2.000000e+00 : f32
        %mul3A_4116 = vector.broadcast %mul3A_4115 : f32 to vector<16xf32>
        %mul3A_4117 = arith.mulf %max3A_4114, %mul3A_4116 : vector<16xf32>
        %min3A_4118 = arith.constant 1.500000e+01 : f32
        %min3A_4119 = vector.broadcast %min3A_4118 : f32 to vector<16xf32>
        %min3A_4120 = arith.minimumf %mul3A_4117, %min3A_4119 : vector<16xf32>
        %convert_element_type3A_4121 = arith.fptosi %min3A_4120 : vector<16xf32> to vector<16xi32>
        %convert_element_type3A_4122 = arith.sitofp %convert_element_type3A_4121 : vector<16xi32> to vector<16xf32>
        %mul3A_4123 = arith.constant 5.000000e-01 : f32
        %mul3A_4124 = vector.broadcast %mul3A_4123 : f32 to vector<16xf32>
        %mul3A_4125 = arith.mulf %convert_element_type3A_4122, %mul3A_4124 : vector<16xf32>
        %jit3A_4126 = arith.constant 0.000000e+00 : f32
        %broadcast_in_dim3A_4127 = vector.broadcast %jit3A_4126 : f32 to vector<16xf32>
        %select_n3A_4128 = arith.select %or3A_4107, %mul3A_4125, %broadcast_in_dim3A_4127 : vector<16xi1>, vector<16xf32>
        %add3A_4129 = arith.constant 63 : i32
        %add3A_4130 = vector.broadcast %add3A_4129 : i32 to vector<16xi32>
        %add3A_4131 = arith.addi %add3A_27, %add3A_4130 : vector<16xi32>
        tpu.vector_store_idx %arg5[%add3A_4131], %select_n3A_4128 : memref<32768xf32, #tpu.memory_space<vmem>>[vector<16xi32>], vector<16xf32>,
      }
      %scan3A_17 = arith.constant 32 : i32
      "tpu.region"() ({
        %run_scoped3A = tpu.sem_alloc : memref<!tpu.dma_semaphore, #tpu.memory_space<semaphore_mem>>
        %dma_start3A = tpu.memref_slice %arg3[%add3A_11] : memref<2097152xf32, #tpu.memory_space<hbm>> -> memref<32768xf32, #tpu.memory_space<hbm>>
        %dma_start3A_18 = tpu.memref_slice %arg3[%add3A_11] : memref<2097152xf32, #tpu.memory_space<hbm>> -> memref<32768xf32, #tpu.memory_space<hbm>>
        tpu.enqueue_dma source(%arg5 : memref<32768xf32, #tpu.memory_space<vmem>>) target(%dma_start3A_18 : memref<32768xf32, #tpu.memory_space<hbm>>) target_semaphore(%run_scoped3A : memref<!tpu.dma_semaphore, #tpu.memory_space<semaphore_mem>>)
        %dma_wait3A = tpu.memref_slice %arg3[%add3A_11] : memref<2097152xf32, #tpu.memory_space<hbm>> -> memref<32768xf32, #tpu.memory_space<hbm>>
        %dma_wait3A_19 = tpu.memref_slice %arg3[%add3A_11] : memref<2097152xf32, #tpu.memory_space<hbm>> -> memref<32768xf32, #tpu.memory_space<hbm>>
        tpu.wait_dma2 semaphore(%run_scoped3A : memref<!tpu.dma_semaphore, #tpu.memory_space<semaphore_mem>>) src(%arg5 : memref<32768xf32, #tpu.memory_space<vmem>>) dst(%dma_wait3A_19 : memref<32768xf32, #tpu.memory_space<hbm>>)
        tpu.yield
      }) : () -> ()
    }
    %scan3A_7 = arith.constant 2 : i32
    return
  }
}

module attributes {stable_mosaic.version = 14 : i64} {
  func.func @_matmul_body(%arg0: i32, %arg1: memref<2048x768xf32, #tpu.memory_space<vmem>>, %arg2: memref<768x64xf32, #tpu.memory_space<vmem>>, %arg3: memref<1x64xf32, #tpu.memory_space<vmem>>, %arg4: memref<2048x64xf32, #tpu.memory_space<vmem>>) attributes {dimension_semantics = [#tpu.dimension_semantics<arbitrary>], iteration_bounds = array<i64: 16>, scalar_prefetch = 0 : i64, scratch_operands = 0 : i64, tpu.core_type = #tpu.core_type<tc>, window_params = [{transform_indices = @transform_0, window_bounds = array<i64: 2048, 768>}, {pipeline_mode = #tpu.pipeline_mode<synchronous>, transform_indices = @transform_1, window_bounds = array<i64: 768, 64>}, {pipeline_mode = #tpu.pipeline_mode<synchronous>, transform_indices = @transform_2, window_bounds = array<i64: 1, 64>}, {transform_indices = @transform_3, window_bounds = array<i64: 2048, 64>}]} {
    %get3A = arith.constant 0 : index
    %get3A_0 = arith.constant 0 : index
    %get3A_1 = vector.load %arg1[%get3A, %get3A_0] : memref<2048x768xf32, #tpu.memory_space<vmem>>, vector<2048x768xf32>
    %get3A_2 = arith.constant 0 : index
    %get3A_3 = arith.constant 0 : index
    %get3A_4 = vector.load %arg2[%get3A_2, %get3A_3] : memref<768x64xf32, #tpu.memory_space<vmem>>, vector<768x64xf32>
    %dot_general3A = arith.constant dense<0.000000e+00> : vector<2048x64xf32>
    %dot_general3A_5 = tpu.matmul %get3A_1, %get3A_4, %dot_general3A {dimension_numbers = #tpu.dot_dimension_numbers<[1], [0], [0], [1], [0, 0, 1, 1], [], []>, transpose_lhs_hint = false} : vector<2048x768xf32>, vector<768x64xf32>, vector<2048x64xf32> -> vector<2048x64xf32>
    %get3A_6 = arith.constant 0 : index
    %get3A_7 = arith.constant 0 : index
    %get3A_8 = vector.load %arg3[%get3A_6, %get3A_7] : memref<1x64xf32, #tpu.memory_space<vmem>>, vector<1x64xf32>
    %add3A = vector.broadcast %get3A_8 : vector<1x64xf32> to vector<2048x64xf32>
    %add3A_9 = arith.addf %dot_general3A_5, %add3A : vector<2048x64xf32>
    %swap3A = arith.constant 0 : index
    %swap3A_10 = arith.constant 0 : index
    %swap3A_11 = vector.load %arg4[%swap3A, %swap3A_10] : memref<2048x64xf32, #tpu.memory_space<vmem>>, vector<2048x64xf32>
    tpu.vector_store %arg4[%swap3A, %swap3A_10], %add3A_9 {strides = array<i32>} : memref<2048x64xf32, #tpu.memory_space<vmem>>, vector<2048x64xf32>,
    return
  }
  func.func @transform_0(%arg0: i32) -> (i32, i32) {
    %c0_i32 = arith.constant 0 : i32
    %c0_i32_0 = arith.constant 0 : i32
    return %arg0, %c0_i32 : i32, i32
  }
  func.func @transform_1(%arg0: i32) -> (i32, i32) {
    %c0_i32 = arith.constant 0 : i32
    %c0_i32_0 = arith.constant 0 : i32
    %c0_i32_1 = arith.constant 0 : i32
    return %c0_i32, %c0_i32_0 : i32, i32
  }
  func.func @transform_2(%arg0: i32) -> (i32, i32) {
    %c0_i32 = arith.constant 0 : i32
    %c0_i32_0 = arith.constant 0 : i32
    %c0_i32_1 = arith.constant 0 : i32
    return %c0_i32, %c0_i32_0 : i32, i32
  }
  func.func @transform_3(%arg0: i32) -> (i32, i32) {
    %c0_i32 = arith.constant 0 : i32
    %c0_i32_0 = arith.constant 0 : i32
    return %arg0, %c0_i32 : i32, i32
  }
}

</mosaic_0001>

<sc_bundles>
// kernel: kernel.4.cloned.1.call-start
scs
__scs_entry_jumppad:
0x0: {  	(pc) =	sbr.rel $0x88, $3  }
0x1: {  	(tag) =	ssettag $0x0;
	lr =	simm.s32 $0x1  }
0x2: {  	[smem:$0x3F9E] =	sst lr;
	_ =	strace $0xD0000000  }
0x3: {  	_ = 	snop  }
0x4: {  	_ = 	snop  }
0x5: {  	_ = 	snop  }
0x6: {  	_ = 	snop  }
0x7: {  	_ = 	snop  }
__scs_overlays_trampoline_lowered:
0x8: {  	[smem:$0x3FAD] =	sst s0  }
0x9: {  	[smem:$0x3FAE] =	sst s1  }
0xa: {  	[smem:$0x3FAF] =	sst s2  }
0xb: {  	[smem:$0x3FB0] =	sst s3  }
0xc: {  	[smem:$0x3FB1] =	sst s4  }
0xd: {  	[smem:$0x3FB2] =	sst s5  }
0xe: {  	[smem:$0x3FB3] =	sst s6  }
0xf: {  	[smem:$0x3FB4] =	sst s7  }
0x10: {  	[smem:$0x3FB5] =	sst s8  }
0x11: {  	[smem:$0x3FB6] =	sst s9;
	s0 =	simm.s32 @!p0 $0x0  }
0x12: {  	s1 =	sld [smem:$0x3F9C];
	s0 =	simm.s32 @p0 $0x1  }
0x13: {  	[smem:$0x3FB7] =	sst s0;
	s0 =	simm.s32 @!p1 $0x0  }
0x14: {  	s2 =	sld [smem:$0x3F9B];
	s0 =	simm.s32 @p1 $0x1  }
0x15: {  	[smem:$0x3FB8] =	sst s0;
	s0 =	simm.s32 @!p2 $0x0  }
0x16: {  	s3 =	sld [smem:$0x3FDB];
	s0 =	simm.s32 @p2 $0x1  }
0x17: {  	s4 =	simm.s32 $0x1BF5;
	[smem:$0x3FBA] =	sst s0  }
0x18: {  	s0 =	sld [smem:$0x3F9D];
	_ =	swait.ge [sflag:s4], $0x0  }
0x19: {  	s7 =	sld [smem:$0x3F9E]  }
0x1a: {  	s8 =	sadd.s32 $0xFFFFE003, lr  }
0x1b: {  	s9 =	sadd.s32 $0xFFFFFEF7, lr;
	s5 =	simm.s32 $0xFFFFFFFF;
	p2 =	slt.u32 s8, $0xFFFFF086  }
0x1c: {  	p1 =	slt.u32 s9, $0xF7A;
	s5 =	simm.s32 @!p2 $0x0  }
0x1d: {  	s5 =	simm.s32 @p1 $0x1;
	p0 =	seq.s32 s7, s2  }
0x1e: {  	s7 =	smul.u32 @!p0 $0xF7A, s2;
	p2 =	seq.s32 @!p0 s5, $0x0  }
0x1f: {  	s9 =	smul.u32 $0xF7A, s1;
	s8 =	simm.s32 @!p0 $0x1BF5;
	p2 =	por !p2, p0  }
0x20: {  	[sflag:s8] =	ssyncset.s32 @!p0 $0xFFFFF086;
	s6 =	sadd.s32 @!p0 s3, s7;
	s7 =	simm.s32 @!p0 $0x108  }
0x21: {  	s3 =	sadd.s32 s3, s9;
	s6 =	sadd.s32 @!p0 $0x88, s6;
	s7 =	simm.s32 @p2 $0x1082  }
0x22: {  	[simem:s7], [sflag:s8] =	dma.local @!p0 [hbm:s6], $0xF7A  }
0x23: {  	s9 =	sor.u32 $0xD0000000, s2;
	s6 =	simm.s32 $0x108;
	_ =	swait.ge @!p0 [sflag:s8], $0x0  }
0x24: {  	s3 =	sadd.s32 $0x88, s3;
	s6 =	simm.s32 @!p1 $0x1082;
	[sflag:s4] =	ssyncset.s32 $0xFFFFF086  }
0x25: {  	[simem:s6], [sflag:s4] =	dma.local [hbm:s3], $0xF7A  }
0x26: {  	[smem:$0x3F9E] =	sst s1;
	(tag) =	ssettag s2;
	_ =	strace s9  }
0x27: {  	s1 =	sld [smem:$0x3FAE]  }
0x28: {  	s2 =	sld [smem:$0x3FAF]  }
0x29: {  	s4 =	sld [smem:$0x3FB1]  }
0x2a: {  	p0 =	seq.s32 s5, $0x0;
	s5 =	sld [smem:$0x3FB2]  }
0x2b: {  	s6 =	sld [smem:$0x3FB3]  }
0x2c: {  	s7 =	sld [smem:$0x3FB4]  }
0x2d: {  	s3 =	simm.s32 $0x108;
	s8 =	sld [smem:$0x3FB5]  }
0x2e: {  	s3 =	simm.s32 @!p0 $0x1082;
	s9 =	sld [smem:$0x3FB6]  }
0x2f: {  	lr =	sadd.s32 s0, s3;
	s0 =	sld [smem:$0x3FAD]  }
0x30: {  	s3 =	sld [smem:$0x3FB0]  }
0x31: {  	[smem:$0x3FB9] =	sst s10  }
0x32: {  	s10 =	sld [smem:$0x3FB7];
	_ =	sdelay $0x3  }
0x33: {  	p0 =	seq.s32 s10, $0x1;
	s10 =	sld [smem:$0x3FB9];
	_ =	sdelay $0x3  }
0x34: {  	[smem:$0x3FB9] =	sst s10  }
0x35: {  	s10 =	sld [smem:$0x3FB8];
	_ =	sdelay $0x3  }
0x36: {  	p1 =	seq.s32 s10, $0x1;
	s10 =	sld [smem:$0x3FB9];
	_ =	sdelay $0x3  }
0x37: {  	[smem:$0x3FB9] =	sst s10  }
0x38: {  	s10 =	sld [smem:$0x3FBA]  }
0x39: {  	_ = 	snop;
	(pc) =	sbr.ind lr, $3  }
0x3a: {  	_ = 	snop  }
0x3b: {  	_ = 	snop  }
0x3c: {  	p2 =	seq.s32 s10, $0x1;
	s10 =	sld [smem:$0x3FB9]  }
0x3d: {  	_ =	shalt  }
0x3e: {  	_ =	shalt  }
0x3f: {  	_ =	shalt  }
0x40: {  	_ =	shalt  }
0x41: {  	_ =	shalt  }
0x42: {  	_ =	shalt  }
0x43: {  	_ =	shalt  }
0x44: {  	_ =	shalt  }
0x45: {  	_ =	shalt  }
0x46: {  	_ =	shalt  }
0x47: {  	_ =	shalt  }
0x48: {  	_ =	shalt  }
0x49: {  	_ =	shalt  }
0x4a: {  	_ =	shalt  }
0x4b: {  	_ =	shalt  }
0x4c: {  	_ =	shalt  }
0x4d: {  	_ =	shalt  }
0x4e: {  	_ =	shalt  }
0x4f: {  	_ =	shalt  }
0x50: {  	_ =	shalt  }
0x51: {  	_ =	shalt  }
0x52: {  	_ =	shalt  }
0x53: {  	_ =	shalt  }
0x54: {  	_ =	shalt  }
0x55: {  	_ =	shalt  }
0x56: {  	_ =	shalt  }
0x57: {  	_ =	shalt  }
0x58: {  	_ =	shalt  }
0x59: {  	_ =	shalt  }
0x5a: {  	_ =	shalt  }
0x5b: {  	_ =	shalt  }
0x5c: {  	_ =	shalt  }
0x5d: {  	_ =	shalt  }
0x5e: {  	_ =	shalt  }
0x5f: {  	_ =	shalt  }
0x60: {  	_ =	shalt  }
0x61: {  	_ =	shalt  }
0x62: {  	_ =	shalt  }
0x63: {  	_ =	shalt  }
0x64: {  	_ =	shalt  }
0x65: {  	_ =	shalt  }
0x66: {  	_ =	shalt  }
0x67: {  	_ =	shalt  }
0x68: {  	_ =	shalt  }
0x69: {  	_ =	shalt  }
0x6a: {  	_ =	shalt  }
0x6b: {  	_ =	shalt  }
0x6c: {  	_ =	shalt  }
0x6d: {  	_ =	shalt  }
0x6e: {  	_ =	shalt  }
0x6f: {  	_ =	shalt  }
0x70: {  	_ =	shalt  }
0x71: {  	_ =	shalt  }
0x72: {  	_ =	shalt  }
0x73: {  	_ =	shalt  }
0x74: {  	_ =	shalt  }
0x75: {  	_ =	shalt  }
0x76: {  	_ =	shalt  }
0x77: {  	_ =	shalt  }
0x78: {  	_ =	shalt  }
0x79: {  	_ =	shalt  }
0x7a: {  	_ =	shalt  }
0x7b: {  	_ =	shalt  }
0x7c: {  	_ =	shalt  }
0x7d: {  	_ =	shalt  }
0x7e: {  	_ =	shalt  }
0x7f: {  	_ =	shalt  }
0x80: {  	_ =	shalt  }
0x81: {  	_ =	shalt  }
0x82: {  	_ =	shalt  }
0x83: {  	_ =	shalt  }
0x84: {  	_ =	shalt  }
0x85: {  	_ =	shalt  }
0x86: {  	_ =	shalt  }
0x87: {  	_ =	shalt  }
.Lfunc_end0:
.L_simem_size_0:
called_computation_lowered:
.L_overlay_start_0:
0x88: {  	s2 =	sld [smem:$0x3FD9]  }
0x89: {  	s3 =	sld [smem:$0x3FFE];
	_ =	sdelay $0x1  }
0x8a: {  	s1 =	srdreg.scid  }
0x8b: {  	s0 =	sand.u32 $0x1, s1  }
0x8c: {  	s14 =	sshll.u32 s0, $0xA;
	s2 =	sadd.s32 s3, s2  }
0x8d: {  	s2 =	sadd.s32 s2, s14  }
0x8e: {  	[smem:$0x3FC5] =	sst s2  }
0x8f: {  	_ = 	snop  }
0x90: {  	s2 =	sld [smem:$0x3FD0];
	_ =	sdelay $0x2  }
0x91: {  	s15 =	simm.s32 $0xA;
	s4 =	simm.s32 $0x10  }
0x92: {  	[smem:s4], [sflag:s15] =	dma.local [hbm:s2], $0x1  }
0x93: {  	_ =	swait.eq [sflag:s15], $0x1  }
0x94: {  	[sflag:s15] =	ssyncset.done $0x0  }
0x95: {  	[sflag:s15] =	ssyncadd.s32 $0xFFFFFFFF  }
0x96: {  	s16 =	sld [smem:$0x10];
	(tm) =	ssettm $0x1  }
0x97: {  	s17 =	sld [smem:$0x3FFB];
	_ =	sdelay $0x3  }
0x98: {  	_ =	strace s17  }
0x99: {  	s3 =	sld [smem:$0x3FFC];
	_ =	sdelay $0x3  }
0x9a: {  	_ =	strace s3  }
0x9b: {  	s3 =	sld [smem:$0x3FFD];
	_ =	sdelay $0x3  }
0x9c: {  	_ =	strace s3  }
0x9d: {  	_ =	strace $0x8FFFFFFF  }
0x9e: {  	s18 =	sld [smem:$0x3FDB];
	_ =	sdelay $0x1  }
0x9f: {  	s19 =	simm.s32 $_scs_section_size  }
0xa0: {  	s5 =	simm.s32 $_size__tile_overlayer_lowered;
	s6 =	simm.s32 $_tile_overlayer_lowered  }
0xa1: {  	s22 =	simm.s32 $0x1BFF;
	s21 =	sshll.u32 s6, $0x1;
	s3 =	sadd.s32 s19, s18  }
0xa2: {  	s7 =	simm.s32 $0x0;
	s20 =	sshll.u32 s5, $0x1;
	s5 =	sadd.s32 s21, s3  }
0xa3: {  	[timem:s7], [sflag:s22] =	dma.local [hbm:s5], s20  }
0xa4: {  	_ =	swait.ge [sflag:s22], s20  }
0xa5: {  	s4 =	ssub.s32 $0x0, s20;
	[sflag:s22] =	ssyncset.done $0x0  }
0xa6: {  	[sflag:s22] =	ssyncadd.s32 s4;
	_ =	sdelay $0x1  }
0xa7: {  	s23 =	simm.s32 $0x1B8B  }
0xa8: {  	_ =	swait.ge [sflag:s23], $0x1  }
0xa9: {  	[sflag:s23] =	ssyncset.done $0x0  }
0xaa: {  	s25 =	simm.s32 $0x1B8E;
	s24 =	sld [smem:$0x3FFE];
	[sflag:s23] =	ssyncadd.s32 $0xFFFFFFFF  }
0xab: {  	s26 =	simm.s32 $execute0_lowered;
	[smem:$0x3FD2] =	sst s25  }
0xac: {  	s5 =	sshll.u32 s26, $0x1;
	_ =	strace $0x80000046;
	[dreg:$0x1] =	wrdreg $0xFFFFFFFF  }
0xad: {  	s28 =	simm.s32 $_size_execute0_lowered;
	s3 =	sadd.s32 s3, s5;
	[dreg:$0x0] =	wrdreg $0x0  }
0xae: {  	s5 =	sshll.u32 s28, $0x1;
	[dreg:$0x2] =	wrdreg s3  }
0xaf: {  	[dreg:$0x3] =	wrdreg s5  }
0xb0: {  	[dreg:$0x4] =	wrdreg $0xC0  }
0xb1: {  	_ =	task [dreg:s7], $0x5FFFF  }
0xb2: {  	[dreg:$0x1] =	wrdreg $0xFFFFFFFF  }
0xb3: {  	[dreg:$0x0] =	wrdreg $0x60  }
0xb4: {  	[dreg:$0x2] =	wrdreg s16  }
0xb5: {  	[dreg:$0x3] =	wrdreg s24  }
0xb6: {  	[dreg:$0x4] =	wrdreg $0x9  }
0xb7: {  	_ =	task.clear_ibuf [dreg:s7], $0x5FFFF;
	_ =	strace $0x90000046  }
0xb8: {  	s29 =	simm.s32 $0x9;
	_ =	strace $0x80000048  }
0xb9: {  	_ =	swait.ge [sflag:s29], $0x1  }
0xba: {  	[sflag:s29] =	ssyncadd.s32 $0xFFFFFFFF  }
0xbb: {  	_ =	strace $0x90000048  }
0xbc: {  	_ =	sfence  }
0xbd: {  	s30 =	sld [smem:$0x0];
	_ =	sdelay $0x2  }
0xbe: {  	s31 =	sshll.u32 s1, $0xD;
	s1 =	sshrl.u32 s1, $0x2  }
0xbf: {  	s3 =	sand.u32 $0x4000, s31;
	s1 =	sadd.s32 s1, s30  }
0xc0: {  	s0 =	sor.u32 s3, s0;
	s1 =	sshll.u32 s1, $0x11  }
0xc1: {  	s0 =	sor.u32 s1, s0  }
0xc2: {  	s0 =	sadd.s32 $0x8F2B, s0  }
0xc3: {  	[sflag:s0] =	ssyncadd.remote.s32 $0x1  }
0xc4: {  	_ =	sfence.sel $0xFFFF  }
0xc5: {  	[dreg:$0x0] =	wrdreg $0xFFFFFFFF;
	(pc) =	sbr.abs _section_cstart, $3  }
0xc6: {  	[dreg:$0x1] =	wrdreg $0xFFFFFFFF  }
0xc7: {  	_ =	task.clear_ibuf [dreg:s7], $0x2FFFF;
	_ =	strace $0x9FFFFFFF  }
0xc8: {  	(tm) =	ssettm $0x7FFFFFFF  }
0xc9: {  	_ =	shalt  }
tec
execute0_lowered:
.L_overlay_start_1:
0x0: {  	(tag) =	ssettag $0x1  }
0x1: {  	v0 =	vlaneseq.u32  }
0x2: {  	v1 =	vand.u32 $0x1, v0  }
0x3: {  	v10 =	vmul.u32 $0x40, v0;
	v0 =	vmul.u32 $0x40, v1;
	_ =	sdelay $0x1  }
0x4: {  	v1 =	vor.u32 $0xFFFFFF80, v0;
	v0 =	vor.u32 $0x29, v10  }
0x5: {  	[tilespmem:$0x1FCA0] =	vst v0;
	v0 =	vor.u32 $0x2A, v10  }
0x6: {  	[tilespmem:$0x1FCB0] =	vst v0;
	v0 =	vor.u32 $0x2B, v10  }
0x7: {  	[tilespmem:$0x1FCC0] =	vst v0;
	v0 =	vor.u32 $0x2C, v10  }
0x8: {  	[tilespmem:$0x1FCD0] =	vst v0;
	v0 =	vor.u32 $0x2D, v10  }
0x9: {  	[tilespmem:$0x1FCE0] =	vst v0;
	v0 =	vor.u32 $0x2E, v10  }
0xa: {  	[tilespmem:$0x1FCF0] =	vst v0;
	v0 =	vor.u32 $0x2F, v10  }
0xb: {  	[tilespmem:$0x1FD00] =	vst v0;
	v0 =	vor.u32 $0x30, v10  }
0xc: {  	s0 =	rddreg [dreg:$0x0];
	[tilespmem:$0x1FD10] =	vst v0;
	v0 =	vor.u32 $0x31, v10  }
0xd: {  	s4 =	rddreg [dreg:$0x1];
	s2 =	simm.s32 $0x0;
	[tilespmem:$0x1FD20] =	vst v0;
	v0 =	vor.u32 $0x32, v10  }
0xe: {  	[smem:$0x7FF] =	sst s2;
	[tilespmem:$0x1FD30] =	vst v0;
	v0 =	vor.u32 $0x33, v10  }
0xf: {  	s1 =	rddreg [dreg:$0x2];
	_ =	strace $0x80000047;
	[tilespmem:$0x1FD40] =	vst v0  }
0x10: {  	v2 =	vor.u32 $0x1, v10;
	[tilespmem:$0x1FDF0] =	vst v1  }
0x11: {  	v3 =	vor.u32 $0x2, v10;
	[tilespmem:$0x1FE00] =	vst v2  }
0x12: {  	v4 =	vor.u32 $0x3, v10;
	[tilespmem:$0x1FE10] =	vst v3  }
0x13: {  	v5 =	vor.u32 $0x4, v10;
	[tilespmem:$0x1FE20] =	vst v4  }
0x14: {  	v6 =	vor.u32 $0x5, v10;
	[tilespmem:$0x1FE30] =	vst v5  }
0x15: {  	v7 =	vor.u32 $0x6, v10;
	[tilespmem:$0x1FE40] =	vst v6  }
0x16: {  	v8 =	vor.u32 $0x7, v10;
	[tilespmem:$0x1FE50] =	vst v7  }
0x17: {  	v9 =	vor.u32 $0x8, v10;
	[tilespmem:$0x1FE60] =	vst v8  }
0x18: {  	v11 =	vor.u32 $0x9, v10;
	[tilespmem:$0x1FE70] =	vst v9  }
0x19: {  	v12 =	vor.u32 $0xA, v10;
	[tilespmem:$0x1FE80] =	vst v11  }
0x1a: {  	v13 =	vor.u32 $0xB, v10;
	[tilespmem:$0x1FE90] =	vst v12  }
0x1b: {  	v14 =	vor.u32 $0xC, v10;
	[tilespmem:$0x1FEA0] =	vst v13  }
0x1c: {  	v15 =	vor.u32 $0xD, v10;
	[tilespmem:$0x1FEB0] =	vst v14  }
0x1d: {  	v16 =	vor.u32 $0xE, v10;
	[tilespmem:$0x1FEC0] =	vst v15  }
0x1e: {  	v17 =	vor.u32 $0xF, v10;
	[tilespmem:$0x1FED0] =	vst v16  }
0x1f: {  	v18 =	vor.u32 $0x10, v10;
	[tilespmem:$0x1FEE0] =	vst v17  }
0x20: {  	v19 =	vor.u32 $0x11, v10;
	[tilespmem:$0x1FEF0] =	vst v18  }
0x21: {  	v20 =	vor.u32 $0x12, v10;
	[tilespmem:$0x1FF00] =	vst v19  }
0x22: {  	v21 =	vor.u32 $0x13, v10;
	[tilespmem:$0x1FF10] =	vst v20  }
0x23: {  	v22 =	vor.u32 $0x14, v10;
	[tilespmem:$0x1FF20] =	vst v21  }
0x24: {  	v23 =	vor.u32 $0x15, v10;
	[tilespmem:$0x1FF30] =	vst v22  }
0x25: {  	v24 =	vor.u32 $0x16, v10;
	[tilespmem:$0x1FF40] =	vst v23  }
0x26: {  	v25 =	vor.u32 $0x17, v10;
	[tilespmem:$0x1FF50] =	vst v24  }
0x27: {  	v26 =	vor.u32 $0x18, v10;
	[tilespmem:$0x1FF60] =	vst v25  }
0x28: {  	v27 =	vor.u32 $0x19, v10;
	[tilespmem:$0x1FF70] =	vst v26  }
0x29: {  	v28 =	vor.u32 $0x1A, v10;
	[tilespmem:$0x1FF80] =	vst v27  }
0x2a: {  	v29 =	vor.u32 $0x1B, v10;
	[tilespmem:$0x1FF90] =	vst v28  }
0x2b: {  	v30 =	vor.u32 $0x1C, v10;
	[tilespmem:$0x1FFA0] =	vst v29  }
0x2c: {  	v31 =	vor.u32 $0x1D, v10;
	[tilespmem:$0x1FFB0] =	vst v30  }
0x2d: {  	v32 =	vor.u32 $0x1E, v10;
	[tilespmem:$0x1FFC0] =	vst v31  }
0x2e: {  	v33 =	vor.u32 $0x1F, v10;
	[tilespmem:$0x1FFD0] =	vst v32  }
0x2f: {  	v44 =	vor.u32 $0x20, v10;
	[tilespmem:$0x1FFE0] =	vst v33  }
0x30: {  	v0 =	vor.u32 $0x34, v10;
	[tilespmem:$0x1FFF0] =	vst v44  }
0x31: {  	[tilespmem:$0x1FD50] =	vst v0;
	v0 =	vor.u32 $0x35, v10  }
0x32: {  	[tilespmem:$0x1FD60] =	vst v0;
	v0 =	vor.u32 $0x36, v10  }
0x33: {  	[tilespmem:$0x1FD70] =	vst v0;
	v0 =	vor.u32 $0x37, v10  }
0x34: {  	[tilespmem:$0x1FD80] =	vst v0;
	v0 =	vor.u32 $0x38, v10  }
0x35: {  	s3 =	srdreg.scid;
	[tilespmem:$0x1FD90] =	vst v0;
	v0 =	vor.u32 $0x39, v10  }
0x36: {  	s5 =	sand.u32 $0x1, s3;
	[tilespmem:$0x1FDA0] =	vst v0;
	v0 =	vor.u32 $0x3A, v10  }
0x37: {  	s8 =	simm.s32 $0x8000;
	s9 =	simm.s32 $0x0;
	s6 =	ssub.s32 $0x2, s5;
	v55 =	vor.u32 $0x21, v10;
	[tilespmem:$0x1FDB0] =	vst v0;
	v0 =	vor.u32 $0x3B, v10  }
0x38: {  	s3 =	stileid.u32;
	s4 =	sadd.s32 $0x600, s4;
	v56 =	vor.u32 $0x22, v10;
	v57 =	vor.u32 $0x23, v10;
	s7 =	sshrl.u32 s6, $0x1;
	[tilespmem:$0x1FDC0] =	vst v0;
	v0 =	vor.u32 $0x3C, v10  }
0x39: {  	s31 =	sshll.u32 s3, $0xE;
	s5 =	sshll.u32 s5, $0xD;
	v58 =	vor.u32 $0x24, v10;
	v59 =	vor.u32 $0x25, v10;
	s6 =	ssub.s32 s6, s7;
	[tilespmem:$0x1FDD0] =	vst v0;
	v0 =	vor.u32 $0x3D, v10  }
0x3a: {  	v60 =	vor.u32 $0x26, v10;
	v61 =	vor.u32 $0x27, v10;
	v62 =	vor.u32 $0x28, v10;
	s5 =	sor.u32 s5, s31;
	v54 =	vmovc v10;
	s7 =	simm.s32 $0x1;
	s6 =	smax.u32 s6, $0x1;
	[tilespmem:$0x1FDE0] =	vst v0  }
.LBB2_1:
0x3b: {  	p1 =	por $0x1, $0x1;
	s10 =	simm.s32 $0x0  }
.LBB2_2:
0x3c: {  	s10 =	sor.u32 s5, s10  }
0x3d: {  	s11 =	simm.s32 $0x0;
	s12 =	sadd.s32 s0, s10  }
0x3e: {  	[tilespmem:s11], [sflag:$0x1] =	stream.linear.gather [hbm4b:s12+s11], $0x8000, $0x38;
	[tilespmem:$0x10000] =	vst v63  }
0x3f: {  	_ =	swait.ge [sflag:s7], $0x8000  }
0x40: {  	[sflag:s7] =	ssyncset.done $0x0  }
0x41: {  	p0 =	por p1, p1;
	[sflag:s7] =	ssyncadd.s32 $0xFFFF8000  }
.LBB2_3:
0x42: {  	_ =	sdelay $0x1  }
0x43: {  	v0 =	vor.u32 s11, v54  }
0x44: {  	v10 =	vand.u32 v1, v0  }
0x45: {  	v1 =	vor.u32 s11, v2  }
0x46: {  	v0 =	vor.u32 s11, v3;
	_ =	sdelay $0x1  }
0x47: {  	v2 =	vor.u32 s11, v4  }
0x48: {  	v12 =	vor.u32 s11, v12;
	v3 =	vld.idx.msk [tilespmem:v10+s2+$0x0], $0xffff  }
0x49: {  	[tilespmem:$0x1F8A0] =	vst v10;
	v4 =	vld.idx.msk [tilespmem:v1+s2+$0x0], $0xffff  }
0x4a: {  	[tilespmem:$0x1F8B0] =	vst v1;
	v10 =	vld.idx.msk [tilespmem:v0+s2+$0x0], $0xffff  }
0x4b: {  	v5 =	vor.u32 s11, v5;
	[tilespmem:$0x1F8C0] =	vst v0  }
0x4c: {  	v6 =	vor.u32 s11, v6;
	v50 =	vor.u32 s11, v9;
	[tilespmem:$0x1F8D0] =	vst v2;
	v34 =	vld.idx.msk [tilespmem:v2+s2+$0x0], $0xffff  }
0x4d: {  	[tilespmem:$0x1F940] =	vst v12;
	v53 =	vld.idx.msk [tilespmem:v12+s2+$0x0], $0xffff;
	v12 =	vor.u32 s11, v13;
	v0 =	vmin.f32 v3, $-3.000000010e+38;
	v1 =	vmax.f32 v3, $-3.000000010e+38  }
0x4e: {  	[tilespmem:$0x1F740] =	vst v3;
	v0 =	vmax.f32 v0, $-3.000000010e+38;
	v2 =	vmax.f32 v1, v4;
	v1 =	vmin.f32 v1, v4  }
0x4f: {  	[tilespmem:$0x1F730] =	vst v4;
	v3 =	vmax.f32 v0, v1;
	v1 =	vmin.f32 v0, v1;
	v4 =	vmin.f32 v2, v10  }
0x50: {  	v35 =	vld.idx.msk [tilespmem:v5+s2+$0x0], $0xffff;
	v0 =	vmax.f32 v0, v1;
	v1 =	vmax.f32 v2, v10;
	v2 =	vmin.f32 v3, v4  }
0x51: {  	v3 =	vmax.f32 v3, v4;
	v4 =	vmax.f32 v0, v2;
	v2 =	vmin.f32 v0, v2  }
0x52: {  	v41 =	vmovc v54;
	v11 =	vor.u32 s11, v11;
	[tilespmem:$0x1F8E0] =	vst v5;
	v0 =	vmax.f32 v0, v2;
	v2 =	vmin.f32 v1, v34  }
0x53: {  	v48 =	vld.idx.msk [tilespmem:v6+s2+$0x0], $0xffff;
	[tilespmem:$0x1F750] =	vst v10;
	v10 =	vor.u32 s11, v7;
	v5 =	vmax.f32 v3, v2;
	v2 =	vmin.f32 v3, v2  }
0x54: {  	[tilespmem:$0x1F950] =	vst v12;
	v54 =	vld.idx.msk [tilespmem:v12+s2+$0x0], $0xffff;
	v12 =	vor.u32 s11, v14;
	v1 =	vmax.f32 v1, v34;
	v3 =	vmax.f32 v4, v2  }
0x55: {  	v2 =	vmin.f32 v4, v2;
	v4 =	vmin.f32 v1, v35;
	v1 =	vmax.f32 v1, v35  }
0x56: {  	[tilespmem:$0x1F8F0] =	vst v6;
	v6 =	vmax.f32 v0, v2;
	v2 =	vmin.f32 v0, v2;
	v7 =	vmin.f32 v5, v4  }
0x57: {  	v4 =	vmax.f32 v5, v4;
	v0 =	vmax.f32 v0, v2;
	v2 =	vmin.f32 v3, v7  }
0x58: {  	[tilespmem:$0x1F900] =	vst v10;
	v49 =	vld.idx.msk [tilespmem:v10+s2+$0x0], $0xffff;
	v10 =	vor.u32 s11, v8;
	v3 =	vmax.f32 v3, v7;
	v5 =	vmax.f32 v6, v2  }
0x59: {  	v2 =	vmin.f32 v6, v2;
	v6 =	vmin.f32 v1, v48;
	v1 =	vmax.f32 v1, v48  }
0x5a: {  	v7 =	vmax.f32 v0, v2;
	v2 =	vmin.f32 v0, v2;
	v8 =	vmin.f32 v4, v6  }
0x5b: {  	v4 =	vmax.f32 v4, v6;
	v0 =	vmax.f32 v0, v2;
	v2 =	vmin.f32 v3, v8  }
0x5c: {  	v3 =	vmax.f32 v3, v8;
	v6 =	vmin.f32 v5, v2;
	v2 =	vmax.f32 v5, v2  }
0x5d: {  	v8 =	vmin.f32 v1, v49;
	v36 =	vld.idx.msk [tilespmem:v10+s2+$0x0], $0xffff;
	v1 =	vmax.f32 v1, v49;
	v5 =	vmax.f32 v7, v6  }
0x5e: {  	v6 =	vmin.f32 v7, v6;
	v7 =	vmin.f32 v4, v8;
	v4 =	vmax.f32 v4, v8  }
0x5f: {  	[tilespmem:$0x1F910] =	vst v10;
	v9 =	vmax.f32 v0, v6;
	v6 =	vmin.f32 v0, v6;
	v10 =	vmin.f32 v3, v7  }
0x60: {  	v3 =	vmax.f32 v3, v7;
	v0 =	vmax.f32 v0, v6;
	v6 =	vmin.f32 v2, v10  }
0x61: {  	v2 =	vmax.f32 v2, v10;
	v7 =	vmin.f32 v5, v6;
	v5 =	vmax.f32 v5, v6  }
0x62: {  	[tilespmem:$0x1F760] =	vst v34;
	v6 =	vmax.f32 v9, v7;
	v7 =	vmin.f32 v9, v7;
	v8 =	vmin.f32 v1, v36  }
0x63: {  	v34 =	vld.idx.msk [tilespmem:v50+s2+$0x0], $0xffff;
	v9 =	vmax.f32 v0, v7;
	v7 =	vmin.f32 v0, v7;
	v10 =	vmin.f32 v4, v8  }
0x64: {  	[tilespmem:$0x1F960] =	vst v12;
	v14 =	vld.idx.msk [tilespmem:v12+s2+$0x0], $0xffff;
	v12 =	vor.u32 s11, v15;
	v0 =	vmax.f32 v0, v7;
	v7 =	vmin.f32 v3, v10  }
0x65: {  	v51 =	vld.idx.msk [tilespmem:v11+s2+$0x0], $0xffff;
	v1 =	vmax.f32 v1, v36;
	v4 =	vmax.f32 v4, v8;
	v8 =	vmin.f32 v2, v7  }
0x66: {  	v2 =	vmax.f32 v2, v7;
	v7 =	vmax.f32 v5, v8;
	v5 =	vmin.f32 v5, v8  }
0x67: {  	v3 =	vmax.f32 v3, v10;
	v8 =	vmax.f32 v6, v5;
	v5 =	vmin.f32 v6, v5  }
0x68: {  	v6 =	vmin.f32 v1, v34;
	v1 =	vmax.f32 v1, v34;
	v10 =	vmin.f32 v9, v5  }
0x69: {  	[tilespmem:$0x1F930] =	vst v11;
	v11 =	vmin.f32 v4, v6;
	v5 =	vmax.f32 v9, v5;
	v4 =	vmax.f32 v4, v6  }
0x6a: {  	v52 =	vmovc v51;
	v0 =	vmax.f32 v0, v10;
	v9 =	vmin.f32 v3, v11;
	v3 =	vmax.f32 v3, v11  }
0x6b: {  	v10 =	vmin.f32 v1, v51;
	v1 =	vmax.f32 v1, v52;
	v6 =	vmin.f32 v2, v9  }
0x6c: {  	[tilespmem:$0x1F970] =	vst v12;
	v52 =	vld.idx.msk [tilespmem:v12+s2+$0x0], $0xffff;
	v12 =	vor.u32 s11, v16;
	v2 =	vmax.f32 v2, v9;
	v9 =	vmin.f32 v7, v6  }
0x6d: {  	v6 =	vmax.f32 v7, v6;
	v7 =	vmax.f32 v8, v9;
	v8 =	vmin.f32 v8, v9  }
0x6e: {  	v9 =	vmin.f32 v4, v10;
	v4 =	vmax.f32 v4, v10;
	v11 =	vmax.f32 v5, v8  }
0x6f: {  	v5 =	vmin.f32 v5, v8;
	v8 =	vmin.f32 v3, v9;
	v3 =	vmax.f32 v3, v9  }
0x70: {  	[tilespmem:$0x1F7C0] =	vst v51;
	v0 =	vmax.f32 v0, v5;
	v5 =	vmin.f32 v2, v8;
	v2 =	vmax.f32 v2, v8  }
0x71: {  	[tilespmem:$0x1F980] =	vst v12;
	v8 =	vmin.f32 v1, v53;
	v51 =	vld.idx.msk [tilespmem:v12+s2+$0x0], $0xffff;
	v12 =	vor.u32 s11, v17;
	v9 =	vmin.f32 v6, v5  }
0x72: {  	v5 =	vmax.f32 v6, v5;
	v6 =	vmax.f32 v7, v9;
	v7 =	vmin.f32 v7, v9  }
0x73: {  	v10 =	vmin.f32 v4, v8;
	v9 =	vmax.f32 v11, v7;
	v7 =	vmin.f32 v11, v7  }
0x74: {  	v1 =	vmax.f32 v1, v53;
	v0 =	vmax.f32 v0, v7;
	v7 =	vmin.f32 v3, v10  }
0x75: {  	v4 =	vmax.f32 v4, v8;
	v3 =	vmax.f32 v3, v10;
	v8 =	vmin.f32 v2, v7  }
0x76: {  	[tilespmem:$0x1F920] =	vst v50;
	v2 =	vmax.f32 v2, v7;
	v7 =	vmax.f32 v5, v8;
	v5 =	vmin.f32 v5, v8  }
0x77: {  	[tilespmem:$0x1F990] =	vst v12;
	v50 =	vld.idx.msk [tilespmem:v12+s2+$0x0], $0xffff;
	v12 =	vor.u32 s11, v18;
	v8 =	vmax.f32 v6, v5;
	v5 =	vmin.f32 v6, v5  }
0x78: {  	v6 =	vmin.f32 v1, v54;
	v1 =	vmax.f32 v1, v54;
	v10 =	vmin.f32 v9, v5  }
0x79: {  	v11 =	vmin.f32 v4, v6;
	v5 =	vmax.f32 v9, v5;
	v4 =	vmax.f32 v4, v6  }
0x7a: {  	v0 =	vmax.f32 v0, v10;
	v9 =	vmin.f32 v3, v11;
	v3 =	vmax.f32 v3, v11  }
0x7b: {  	[tilespmem:$0x1F790] =	vst v49;
	v10 =	vmin.f32 v1, v14;
	v1 =	vmax.f32 v1, v14;
	v6 =	vmin.f32 v2, v9  }
0x7c: {  	[tilespmem:$0x1F9A0] =	vst v12;
	v2 =	vmax.f32 v2, v9;
	v49 =	vld.idx.msk [tilespmem:v12+s2+$0x0], $0xffff;
	v12 =	vor.u32 s11, v19;
	v9 =	vmin.f32 v7, v6  }
0x7d: {  	v6 =	vmax.f32 v7, v6;
	v7 =	vmax.f32 v8, v9;
	v8 =	vmin.f32 v8, v9  }
0x7e: {  	v9 =	vmin.f32 v4, v10;
	v4 =	vmax.f32 v4, v10;
	v11 =	vmax.f32 v5, v8  }
0x7f: {  	v5 =	vmin.f32 v5, v8;
	v8 =	vmin.f32 v3, v9;
	v3 =	vmax.f32 v3, v9  }
0x80: {  	v0 =	vmax.f32 v0, v5;
	v5 =	vmin.f32 v2, v8;
	v2 =	vmax.f32 v2, v8  }
0x81: {  	[tilespmem:$0x1F780] =	vst v48;
	v8 =	vmin.f32 v1, v52;
	v9 =	vmin.f32 v6, v5;
	v5 =	vmax.f32 v6, v5  }
0x82: {  	[tilespmem:$0x1F9B0] =	vst v12;
	v48 =	vld.idx.msk [tilespmem:v12+s2+$0x0], $0xffff;
	v12 =	vor.u32 s11, v20;
	v6 =	vmax.f32 v7, v9;
	v7 =	vmin.f32 v7, v9  }
0x83: {  	v10 =	vmin.f32 v4, v8;
	v9 =	vmax.f32 v11, v7;
	v7 =	vmin.f32 v11, v7  }
0x84: {  	v1 =	vmax.f32 v1, v52;
	v0 =	vmax.f32 v0, v7;
	v7 =	vmin.f32 v3, v10  }
0x85: {  	v4 =	vmax.f32 v4, v8;
	v3 =	vmax.f32 v3, v10;
	v8 =	vmin.f32 v2, v7  }
0x86: {  	v2 =	vmax.f32 v2, v7;
	v7 =	vmax.f32 v5, v8;
	v5 =	vmin.f32 v5, v8  }
0x87: {  	[tilespmem:$0x1F9C0] =	vst v12;
	v47 =	vld.idx.msk [tilespmem:v12+s2+$0x0], $0xffff;
	v12 =	vor.u32 s11, v21;
	v8 =	vmax.f32 v6, v5;
	v5 =	vmin.f32 v6, v5  }
0x88: {  	v6 =	vmin.f32 v1, v51;
	v1 =	vmax.f32 v1, v51;
	v10 =	vmin.f32 v9, v5  }
0x89: {  	v11 =	vmin.f32 v4, v6;
	v5 =	vmax.f32 v9, v5;
	v4 =	vmax.f32 v4, v6  }
0x8a: {  	v0 =	vmax.f32 v0, v10;
	v9 =	vmin.f32 v3, v11;
	v3 =	vmax.f32 v3, v11  }
0x8b: {  	v10 =	vmin.f32 v1, v50;
	v1 =	vmax.f32 v1, v50;
	v6 =	vmin.f32 v2, v9  }
0x8c: {  	v2 =	vmax.f32 v2, v9;
	v9 =	vmin.f32 v7, v6;
	v6 =	vmax.f32 v7, v6  }
0x8d: {  	[tilespmem:$0x1F9D0] =	vst v12;
	v46 =	vld.idx.msk [tilespmem:v12+s2+$0x0], $0xffff;
	v12 =	vor.u32 s11, v22;
	v7 =	vmax.f32 v8, v9;
	v8 =	vmin.f32 v8, v9  }
0x8e: {  	v9 =	vmin.f32 v4, v10;
	v4 =	vmax.f32 v4, v10;
	v11 =	vmax.f32 v5, v8  }
0x8f: {  	v5 =	vmin.f32 v5, v8;
	v8 =	vmin.f32 v3, v9;
	v3 =	vmax.f32 v3, v9  }
0x90: {  	v0 =	vmax.f32 v0, v5;
	v5 =	vmin.f32 v2, v8;
	v2 =	vmax.f32 v2, v8  }
0x91: {  	v8 =	vmin.f32 v1, v49;
	v9 =	vmin.f32 v6, v5;
	v5 =	vmax.f32 v6, v5  }
0x92: {  	v10 =	vmin.f32 v4, v8;
	v6 =	vmax.f32 v7, v9;
	v7 =	vmin.f32 v7, v9  }
0x93: {  	[tilespmem:$0x1F9E0] =	vst v12;
	v45 =	vld.idx.msk [tilespmem:v12+s2+$0x0], $0xffff;
	v12 =	vor.u32 s11, v23;
	v9 =	vmax.f32 v11, v7;
	v7 =	vmin.f32 v11, v7  }
0x94: {  	v0 =	vmax.f32 v0, v7;
	v7 =	vmin.f32 v3, v10  }
0x95: {  	v1 =	vmax.f32 v1, v49;
	v4 =	vmax.f32 v4, v8;
	v8 =	vmin.f32 v2, v7  }
0x96: {  	v2 =	vmax.f32 v2, v7;
	v7 =	vmax.f32 v5, v8;
	v5 =	vmin.f32 v5, v8  }
0x97: {  	v3 =	vmax.f32 v3, v10;
	v8 =	vmax.f32 v6, v5;
	v5 =	vmin.f32 v6, v5  }
0x98: {  	[tilespmem:$0x1F9F0] =	vst v12;
	v6 =	vmin.f32 v1, v48;
	v1 =	vmax.f32 v1, v48;
	v43 =	vld.idx.msk [tilespmem:v12+s2+$0x0], $0xffff;
	v12 =	vor.u32 s11, v24  }
0x99: {  	v10 =	vmin.f32 v9, v5;
	v11 =	vmin.f32 v4, v6;
	v5 =	vmax.f32 v9, v5  }
0x9a: {  	v4 =	vmax.f32 v4, v6;
	v0 =	vmax.f32 v0, v10;
	v9 =	vmin.f32 v3, v11  }
0x9b: {  	v3 =	vmax.f32 v3, v11;
	v10 =	vmin.f32 v1, v47;
	v6 =	vmin.f32 v2, v9  }
0x9c: {  	v1 =	vmax.f32 v1, v47;
	v2 =	vmax.f32 v2, v9;
	v9 =	vmin.f32 v7, v6  }
0x9d: {  	v6 =	vmax.f32 v7, v6;
	v7 =	vmax.f32 v8, v9;
	v8 =	vmin.f32 v8, v9  }
0x9e: {  	[tilespmem:$0x1FA00] =	vst v12;
	v9 =	vmin.f32 v4, v10;
	v4 =	vmax.f32 v4, v10;
	v42 =	vld.idx.msk [tilespmem:v12+s2+$0x0], $0xffff;
	v12 =	vor.u32 s11, v25  }
0x9f: {  	v11 =	vmax.f32 v5, v8;
	v5 =	vmin.f32 v5, v8;
	v8 =	vmin.f32 v3, v9  }
0xa0: {  	v3 =	vmax.f32 v3, v9;
	v0 =	vmax.f32 v0, v5;
	v5 =	vmin.f32 v2, v8  }
0xa1: {  	v2 =	vmax.f32 v2, v8;
	v8 =	vmin.f32 v1, v46;
	v9 =	vmin.f32 v6, v5  }
0xa2: {  	v5 =	vmax.f32 v6, v5;
	v6 =	vmax.f32 v7, v9;
	v7 =	vmin.f32 v7, v9  }
0xa3: {  	v10 =	vmin.f32 v4, v8;
	v9 =	vmax.f32 v11, v7;
	v7 =	vmin.f32 v11, v7  }
0xa4: {  	v1 =	vmax.f32 v1, v46;
	v0 =	vmax.f32 v0, v7;
	v7 =	vmin.f32 v3, v10  }
0xa5: {  	[tilespmem:$0x1FA10] =	vst v12;
	v4 =	vmax.f32 v4, v8;
	v13 =	vld.idx.msk [tilespmem:v12+s2+$0x0], $0xffff;
	v12 =	vor.u32 s11, v26;
	v8 =	vmin.f32 v2, v7  }
0xa6: {  	v2 =	vmax.f32 v2, v7;
	v7 =	vmax.f32 v5, v8;
	v5 =	vmin.f32 v5, v8  }
0xa7: {  	v3 =	vmax.f32 v3, v10;
	v8 =	vmax.f32 v6, v5;
	v5 =	vmin.f32 v6, v5  }
0xa8: {  	v6 =	vmin.f32 v1, v45;
	v1 =	vmax.f32 v1, v45;
	v10 =	vmin.f32 v9, v5  }
0xa9: {  	v11 =	vmin.f32 v4, v6;
	v5 =	vmax.f32 v9, v5;
	v4 =	vmax.f32 v4, v6  }
0xaa: {  	[tilespmem:$0x1FA20] =	vst v12;
	v40 =	vld.idx.msk [tilespmem:v12+s2+$0x0], $0xffff;
	v12 =	vor.u32 s11, v27;
	v0 =	vmax.f32 v0, v10;
	v9 =	vmin.f32 v3, v11  }
0xab: {  	v3 =	vmax.f32 v3, v11;
	v10 =	vmin.f32 v1, v43;
	v6 =	vmin.f32 v2, v9  }
0xac: {  	v1 =	vmax.f32 v1, v43;
	v2 =	vmax.f32 v2, v9;
	v9 =	vmin.f32 v7, v6  }
0xad: {  	v6 =	vmax.f32 v7, v6;
	v7 =	vmax.f32 v8, v9;
	v8 =	vmin.f32 v8, v9  }
0xae: {  	v9 =	vmin.f32 v4, v10;
	v4 =	vmax.f32 v4, v10;
	v11 =	vmax.f32 v5, v8  }
0xaf: {  	v5 =	vmin.f32 v5, v8;
	v8 =	vmin.f32 v3, v9;
	v3 =	vmax.f32 v3, v9  }
0xb0: {  	[tilespmem:$0x1FA30] =	vst v12;
	v39 =	vld.idx.msk [tilespmem:v12+s2+$0x0], $0xffff;
	v12 =	vor.u32 s11, v28;
	v0 =	vmax.f32 v0, v5;
	v5 =	vmin.f32 v2, v8  }
0xb1: {  	v2 =	vmax.f32 v2, v8;
	v8 =	vmin.f32 v1, v42;
	v9 =	vmin.f32 v6, v5  }
0xb2: {  	v5 =	vmax.f32 v6, v5;
	v6 =	vmax.f32 v7, v9;
	v7 =	vmin.f32 v7, v9  }
0xb3: {  	v10 =	vmin.f32 v4, v8;
	v9 =	vmax.f32 v11, v7;
	v7 =	vmin.f32 v11, v7  }
0xb4: {  	v1 =	vmax.f32 v1, v42;
	v0 =	vmax.f32 v0, v7;
	v7 =	vmin.f32 v3, v10  }
0xb5: {  	v4 =	vmax.f32 v4, v8;
	v3 =	vmax.f32 v3, v10;
	v8 =	vmin.f32 v2, v7  }
0xb6: {  	v2 =	vmax.f32 v2, v7;
	v7 =	vmax.f32 v5, v8;
	v5 =	vmin.f32 v5, v8  }
0xb7: {  	[tilespmem:$0x1FA40] =	vst v12;
	v38 =	vld.idx.msk [tilespmem:v12+s2+$0x0], $0xffff;
	v12 =	vor.u32 s11, v29;
	v8 =	vmax.f32 v6, v5;
	v5 =	vmin.f32 v6, v5  }
0xb8: {  	v6 =	vmin.f32 v1, v13;
	v1 =	vmax.f32 v1, v13;
	v10 =	vmin.f32 v9, v5  }
0xb9: {  	v11 =	vmin.f32 v4, v6;
	v5 =	vmax.f32 v9, v5;
	v4 =	vmax.f32 v4, v6  }
0xba: {  	v0 =	vmax.f32 v0, v10;
	v9 =	vmin.f32 v3, v11;
	v3 =	vmax.f32 v3, v11  }
0xbb: {  	v10 =	vmin.f32 v1, v40;
	v1 =	vmax.f32 v1, v40;
	v6 =	vmin.f32 v2, v9  }
0xbc: {  	[tilespmem:$0x1FA50] =	vst v12;
	v37 =	vld.idx.msk [tilespmem:v12+s2+$0x0], $0xffff;
	v12 =	vor.u32 s11, v30;
	v2 =	vmax.f32 v2, v9;
	v9 =	vmin.f32 v7, v6  }
0xbd: {  	v6 =	vmax.f32 v7, v6;
	v7 =	vmax.f32 v8, v9;
	v8 =	vmin.f32 v8, v9  }
0xbe: {  	v9 =	vmin.f32 v4, v10;
	v4 =	vmax.f32 v4, v10;
	v11 =	vmax.f32 v5, v8  }
0xbf: {  	v5 =	vmin.f32 v5, v8;
	v8 =	vmin.f32 v3, v9;
	v3 =	vmax.f32 v3, v9  }
0xc0: {  	[tilespmem:$0x1F7A0] =	vst v36;
	v0 =	vmax.f32 v0, v5;
	v5 =	vmin.f32 v2, v8;
	v2 =	vmax.f32 v2, v8  }
0xc1: {  	[tilespmem:$0x1FA60] =	vst v12;
	v8 =	vmin.f32 v1, v39;
	v36 =	vld.idx.msk [tilespmem:v12+s2+$0x0], $0xffff;
	v12 =	vor.u32 s11, v31;
	v9 =	vmin.f32 v6, v5  }
0xc2: {  	v5 =	vmax.f32 v6, v5;
	v6 =	vmax.f32 v7, v9;
	v7 =	vmin.f32 v7, v9  }
0xc3: {  	v10 =	vmin.f32 v4, v8;
	v9 =	vmax.f32 v11, v7;
	v7 =	vmin.f32 v11, v7  }
0xc4: {  	v1 =	vmax.f32 v1, v39;
	v0 =	vmax.f32 v0, v7;
	v7 =	vmin.f32 v3, v10  }
0xc5: {  	v4 =	vmax.f32 v4, v8;
	v8 =	vmax.f32 v2, v7;
	v2 =	vmin.f32 v2, v7  }
0xc6: {  	[tilespmem:$0x1F770] =	vst v35;
	v3 =	vmax.f32 v3, v10;
	v7 =	vmax.f32 v5, v2;
	v2 =	vmin.f32 v5, v2  }
0xc7: {  	[tilespmem:$0x1FA70] =	vst v12;
	v35 =	vld.idx.msk [tilespmem:v12+s2+$0x0], $0xffff;
	v12 =	vor.u32 s11, v32;
	v5 =	vmax.f32 v6, v2;
	v2 =	vmin.f32 v6, v2  }
0xc8: {  	v6 =	vmin.f32 v1, v38;
	v1 =	vmax.f32 v1, v38;
	v10 =	vmin.f32 v9, v2  }
0xc9: {  	v11 =	vmin.f32 v4, v6;
	v2 =	vmax.f32 v9, v2;
	v4 =	vmax.f32 v4, v6  }
0xca: {  	v0 =	vmax.f32 v0, v10;
	v9 =	vmin.f32 v3, v11;
	v3 =	vmax.f32 v3, v11  }
0xcb: {  	[tilespmem:$0x1F7B0] =	vst v34;
	v10 =	vmin.f32 v1, v37;
	v1 =	vmax.f32 v1, v37;
	v6 =	vmin.f32 v8, v9  }
0xcc: {  	[tilespmem:$0x1FA80] =	vst v12;
	v8 =	vmax.f32 v8, v9;
	v34 =	vld.idx.msk [tilespmem:v12+s2+$0x0], $0xffff;
	v12 =	vor.u32 s11, v33;
	v9 =	vmin.f32 v7, v6  }
0xcd: {  	v6 =	vmax.f32 v7, v6;
	v7 =	vmax.f32 v5, v9;
	v5 =	vmin.f32 v5, v9  }
0xce: {  	v9 =	vmin.f32 v4, v10;
	v11 =	vmax.f32 v2, v5;
	v2 =	vmin.f32 v2, v5  }
0xcf: {  	v5 =	vmin.f32 v3, v9;
	v3 =	vmax.f32 v3, v9;
	v0 =	vmax.f32 v0, v2  }
0xd0: {  	v2 =	vmax.f32 v4, v10;
	v4 =	vmin.f32 v8, v5;
	v5 =	vmax.f32 v8, v5  }
0xd1: {  	[tilespmem:$0x1FA90] =	vst v12;
	v8 =	vmin.f32 v6, v4;
	v4 =	vmax.f32 v6, v4;
	v33 =	vld.idx.msk [tilespmem:v12+s2+$0x0], $0xffff;
	v12 =	vor.u32 s11, v44  }
0xd2: {  	v6 =	vmax.f32 v7, v8;
	v7 =	vmin.f32 v7, v8;
	v8 =	vmin.f32 v1, v36  }
0xd3: {  	v9 =	vmax.f32 v11, v7;
	v7 =	vmin.f32 v11, v7;
	v10 =	vmin.f32 v2, v8  }
0xd4: {  	v1 =	vmax.f32 v1, v36;
	v0 =	vmax.f32 v0, v7;
	v7 =	vmin.f32 v3, v10  }
0xd5: {  	v2 =	vmax.f32 v2, v8;
	v8 =	vmax.f32 v5, v7;
	v5 =	vmin.f32 v5, v7  }
0xd6: {  	v3 =	vmax.f32 v3, v10;
	v7 =	vmax.f32 v4, v5;
	v4 =	vmin.f32 v4, v5  }
0xd7: {  	[tilespmem:$0x1FAA0] =	vst v12;
	v32 =	vld.idx.msk [tilespmem:v12+s2+$0x0], $0xffff;
	v12 =	vor.u32 s11, v55;
	v5 =	vmax.f32 v6, v4;
	v4 =	vmin.f32 v6, v4  }
0xd8: {  	v6 =	vmin.f32 v1, v35;
	v1 =	vmax.f32 v1, v35;
	v10 =	vmin.f32 v9, v4  }
0xd9: {  	v11 =	vmin.f32 v2, v6;
	v4 =	vmax.f32 v9, v4;
	v2 =	vmax.f32 v2, v6  }
0xda: {  	v0 =	vmax.f32 v0, v10;
	v9 =	vmin.f32 v3, v11;
	v3 =	vmax.f32 v3, v11  }
0xdb: {  	v10 =	vmin.f32 v1, v34;
	v6 =	vmin.f32 v8, v9;
	v8 =	vmax.f32 v8, v9  }
0xdc: {  	[tilespmem:$0x1FAB0] =	vst v12;
	v9 =	vmin.f32 v7, v6;
	v6 =	vmax.f32 v7, v6;
	v31 =	vld.idx.msk [tilespmem:v12+s2+$0x0], $0xffff;
	v12 =	vor.u32 s11, v56  }
0xdd: {  	v7 =	vmax.f32 v5, v9;
	v5 =	vmin.f32 v5, v9;
	v9 =	vmin.f32 v2, v10  }
0xde: {  	v11 =	vmax.f32 v4, v5;
	v4 =	vmin.f32 v4, v5;
	v5 =	vmin.f32 v3, v9  }
0xdf: {  	v1 =	vmax.f32 v1, v34;
	v0 =	vmax.f32 v0, v4;
	v4 =	vmin.f32 v8, v5  }
0xe0: {  	v2 =	vmax.f32 v2, v10;
	v5 =	vmax.f32 v8, v5;
	v8 =	vmin.f32 v6, v4  }
0xe1: {  	v3 =	vmax.f32 v3, v9;
	v4 =	vmax.f32 v6, v4;
	v6 =	vmax.f32 v7, v8  }
0xe2: {  	[tilespmem:$0x1FAC0] =	vst v12;
	v7 =	vmin.f32 v7, v8;
	v8 =	vmin.f32 v1, v33;
	v30 =	vld.idx.msk [tilespmem:v12+s2+$0x0], $0xffff;
	v12 =	vor.u32 s11, v57  }
0xe3: {  	v9 =	vmax.f32 v11, v7;
	v7 =	vmin.f32 v11, v7;
	v10 =	vmin.f32 v2, v8  }
0xe4: {  	v0 =	vmax.f32 v0, v7;
	v7 =	vmin.f32 v3, v10  }
0xe5: {  	v2 =	vmax.f32 v2, v8;
	v8 =	vmax.f32 v5, v7;
	v5 =	vmin.f32 v5, v7  }
0xe6: {  	v1 =	vmax.f32 v1, v33;
	v7 =	vmax.f32 v4, v5;
	v4 =	vmin.f32 v4, v5  }
0xe7: {  	v3 =	vmax.f32 v3, v10;
	v5 =	vmax.f32 v6, v4;
	v4 =	vmin.f32 v6, v4  }
0xe8: {  	[tilespmem:$0x1FAD0] =	vst v12;
	v6 =	vmin.f32 v1, v32;
	v1 =	vmax.f32 v1, v32;
	v29 =	vld.idx.msk [tilespmem:v12+s2+$0x0], $0xffff;
	v12 =	vor.u32 s11, v58  }
0xe9: {  	v10 =	vmin.f32 v9, v4;
	v11 =	vmin.f32 v2, v6;
	v4 =	vmax.f32 v9, v4  }
0xea: {  	v2 =	vmax.f32 v2, v6;
	v0 =	vmax.f32 v0, v10;
	v9 =	vmin.f32 v3, v11  }
0xeb: {  	v3 =	vmax.f32 v3, v11;
	v10 =	vmin.f32 v1, v31;
	v6 =	vmin.f32 v8, v9  }
0xec: {  	v1 =	vmax.f32 v1, v31;
	v8 =	vmax.f32 v8, v9;
	v9 =	vmin.f32 v7, v6  }
0xed: {  	v6 =	vmax.f32 v7, v6;
	v7 =	vmax.f32 v5, v9;
	v5 =	vmin.f32 v5, v9  }
0xee: {  	[tilespmem:$0x1FAE0] =	vst v12;
	v9 =	vmin.f32 v2, v10;
	v2 =	vmax.f32 v2, v10;
	v28 =	vld.idx.msk [tilespmem:v12+s2+$0x0], $0xffff;
	v12 =	vor.u32 s11, v59  }
0xef: {  	v11 =	vmax.f32 v4, v5;
	v4 =	vmin.f32 v4, v5;
	v5 =	vmin.f32 v3, v9  }
0xf0: {  	v3 =	vmax.f32 v3, v9;
	v0 =	vmax.f32 v0, v4;
	v4 =	vmin.f32 v8, v5  }
0xf1: {  	v5 =	vmax.f32 v8, v5;
	v8 =	vmin.f32 v6, v4;
	v4 =	vmax.f32 v6, v4  }
0xf2: {  	v6 =	vmax.f32 v7, v8;
	v7 =	vmin.f32 v7, v8;
	v8 =	vmin.f32 v1, v30  }
0xf3: {  	v9 =	vmax.f32 v11, v7;
	v7 =	vmin.f32 v11, v7;
	v10 =	vmin.f32 v2, v8  }
0xf4: {  	v2 =	vmax.f32 v2, v8;
	v0 =	vmax.f32 v0, v7;
	v7 =	vmin.f32 v3, v10  }
0xf5: {  	[tilespmem:$0x1FAF0] =	vst v12;
	v27 =	vld.idx.msk [tilespmem:v12+s2+$0x0], $0xffff;
	v12 =	vor.u32 s11, v60;
	v8 =	vmax.f32 v5, v7;
	v5 =	vmin.f32 v5, v7  }
0xf6: {  	v7 =	vmax.f32 v4, v5;
	v4 =	vmin.f32 v4, v5  }
0xf7: {  	v1 =	vmax.f32 v1, v30;
	v3 =	vmax.f32 v3, v10;
	v5 =	vmax.f32 v6, v4  }
0xf8: {  	v4 =	vmin.f32 v6, v4;
	v6 =	vmin.f32 v1, v29;
	v1 =	vmax.f32 v1, v29  }
0xf9: {  	v10 =	vmin.f32 v9, v4;
	v11 =	vmin.f32 v2, v6;
	v4 =	vmax.f32 v9, v4  }
0xfa: {  	[tilespmem:$0x1FB00] =	vst v12;
	v2 =	vmax.f32 v2, v6;
	v26 =	vld.idx.msk [tilespmem:v12+s2+$0x0], $0xffff;
	v12 =	vor.u32 s11, v61;
	v9 =	vmin.f32 v3, v11  }
0xfb: {  	v0 =	vmax.f32 v0, v10;
	v3 =	vmax.f32 v3, v11;
	v6 =	vmin.f32 v8, v9  }
0xfc: {  	v10 =	vmin.f32 v1, v28;
	v8 =	vmax.f32 v8, v9;
	v9 =	vmin.f32 v7, v6  }
0xfd: {  	v1 =	vmax.f32 v1, v28;
	v6 =	vmax.f32 v7, v6;
	v7 =	vmax.f32 v5, v9  }
0xfe: {  	v5 =	vmin.f32 v5, v9;
	v9 =	vmin.f32 v2, v10;
	v2 =	vmax.f32 v2, v10  }
0xff: {  	v11 =	vmax.f32 v4, v5;
	v4 =	vmin.f32 v4, v5;
	v5 =	vmin.f32 v3, v9  }
0x100: {  	v3 =	vmax.f32 v3, v9;
	v0 =	vmax.f32 v0, v4;
	v4 =	vmin.f32 v8, v5  }
0x101: {  	v5 =	vmax.f32 v8, v5;
	v8 =	vmin.f32 v6, v4;
	v4 =	vmax.f32 v6, v4  }
0x102: {  	v6 =	vmax.f32 v7, v8;
	v7 =	vmin.f32 v7, v8;
	v8 =	vmin.f32 v1, v27  }
0x103: {  	v9 =	vmax.f32 v11, v7;
	v7 =	vmin.f32 v11, v7;
	v10 =	vmin.f32 v2, v8  }
0x104: {  	[tilespmem:$0x1FB10] =	vst v12;
	v25 =	vld.idx.msk [tilespmem:v12+s2+$0x0], $0xffff;
	v12 =	vor.u32 s11, v62;
	v0 =	vmax.f32 v0, v7;
	v7 =	vmin.f32 v3, v10  }
0x105: {  	v2 =	vmax.f32 v2, v8;
	v8 =	vmax.f32 v5, v7;
	v5 =	vmin.f32 v5, v7  }
0x106: {  	v1 =	vmax.f32 v1, v27;
	v7 =	vmax.f32 v4, v5;
	v4 =	vmin.f32 v4, v5  }
0x107: {  	v5 =	vmax.f32 v6, v4;
	v4 =	vmin.f32 v6, v4;
	v6 =	vmin.f32 v1, v26  }
0x108: {  	v3 =	vmax.f32 v3, v10;
	v10 =	vmin.f32 v9, v4;
	v11 =	vmin.f32 v2, v6  }
0x109: {  	v4 =	vmax.f32 v9, v4;
	v9 =	vmin.f32 v3, v11;
	v3 =	vmax.f32 v3, v11;
	v11 =	vld [tilespmem:$0x1FCA0]  }
0x10a: {  	v1 =	vmax.f32 v1, v26  }
0x10b: {  	v2 =	vmax.f32 v2, v6;
	v0 =	vmax.f32 v0, v10;
	v6 =	vmin.f32 v8, v9  }
0x10c: {  	v10 =	vmin.f32 v1, v25;
	v8 =	vmax.f32 v8, v9;
	v9 =	vmin.f32 v7, v6  }
0x10d: {  	v6 =	vmax.f32 v7, v6;
	v7 =	vmax.f32 v5, v9;
	v5 =	vmin.f32 v5, v9  }
0x10e: {  	[tilespmem:$0x1FB20] =	vst v12;
	v24 =	vld.idx.msk [tilespmem:v12+s2+$0x0], $0xffff;
	v9 =	vmin.f32 v2, v10;
	v12 =	vor.u32 s11, v11;
	v11 =	vmax.f32 v4, v5  }
0x10f: {  	v4 =	vmin.f32 v4, v5;
	v5 =	vmin.f32 v3, v9;
	v3 =	vmax.f32 v3, v9;
	v9 =	vld [tilespmem:$0x1FCB0];
	_ =	sdelay $0x4  }
0x110: {  	[tilespmem:$0x1FB30] =	vst v12;
	v23 =	vld.idx.msk [tilespmem:v12+s2+$0x0], $0xffff;
	v12 =	vor.u32 s11, v9  }
0x111: {  	v1 =	vmax.f32 v1, v25  }
0x112: {  	v2 =	vmax.f32 v2, v10;
	v0 =	vmax.f32 v0, v4;
	v4 =	vmin.f32 v8, v5  }
0x113: {  	v5 =	vmax.f32 v8, v5;
	v8 =	vmin.f32 v6, v4;
	v4 =	vmax.f32 v6, v4  }
0x114: {  	v6 =	vmax.f32 v7, v8;
	v7 =	vmin.f32 v7, v8;
	v8 =	vmin.f32 v1, v24  }
0x115: {  	v10 =	vmin.f32 v2, v8;
	v9 =	vmax.f32 v11, v7;
	v7 =	vmin.f32 v11, v7;
	v22 =	vld.idx.msk [tilespmem:v12+s2+$0x0], $0xffff  }
0x116: {  	v1 =	vmax.f32 v1, v24;
	[tilespmem:$0x1FB40] =	vst v12;
	v0 =	vmax.f32 v0, v7;
	v7 =	vmin.f32 v3, v10;
	v12 =	vld [tilespmem:$0x1FCC0]  }
0x117: {  	v2 =	vmax.f32 v2, v8;
	v8 =	vmax.f32 v5, v7;
	v5 =	vmin.f32 v5, v7  }
0x118: {  	v3 =	vmax.f32 v3, v10;
	v7 =	vmax.f32 v4, v5;
	v4 =	vmin.f32 v4, v5  }
0x119: {  	v5 =	vmax.f32 v6, v4;
	v4 =	vmin.f32 v6, v4;
	v6 =	vmin.f32 v1, v23  }
0x11a: {  	v10 =	vmin.f32 v9, v4;
	v4 =	vmax.f32 v9, v4;
	v11 =	vmin.f32 v2, v6  }
0x11b: {  	v9 =	vmin.f32 v3, v11;
	v3 =	vmax.f32 v3, v11;
	v11 =	vld [tilespmem:$0x1FCD0];
	v12 =	vor.u32 s11, v12  }
0x11c: {  	v1 =	vmax.f32 v1, v23  }
0x11d: {  	v0 =	vmax.f32 v0, v10;
	v2 =	vmax.f32 v2, v6;
	v6 =	vmin.f32 v8, v9  }
0x11e: {  	v8 =	vmax.f32 v8, v9;
	v9 =	vmin.f32 v7, v6;
	v6 =	vmax.f32 v7, v6  }
0x11f: {  	v7 =	vmax.f32 v5, v9;
	v10 =	vmin.f32 v1, v22;
	v5 =	vmin.f32 v5, v9  }
0x120: {  	[tilespmem:$0x1FB50] =	vst v12;
	v9 =	vmin.f32 v2, v10;
	v21 =	vld.idx.msk [tilespmem:v12+s2+$0x0], $0xffff;
	v12 =	vor.u32 s11, v11;
	v11 =	vmax.f32 v4, v5  }
0x121: {  	v4 =	vmin.f32 v4, v5;
	v5 =	vmin.f32 v3, v9;
	v3 =	vmax.f32 v3, v9;
	v9 =	vld [tilespmem:$0x1FCE0];
	_ =	sdelay $0x4  }
0x122: {  	[tilespmem:$0x1FB60] =	vst v12;
	v20 =	vld.idx.msk [tilespmem:v12+s2+$0x0], $0xffff;
	v12 =	vor.u32 s11, v9  }
0x123: {  	v1 =	vmax.f32 v1, v22  }
0x124: {  	v2 =	vmax.f32 v2, v10;
	v0 =	vmax.f32 v0, v4;
	v4 =	vmin.f32 v8, v5  }
0x125: {  	v5 =	vmax.f32 v8, v5;
	v8 =	vmin.f32 v6, v4;
	v4 =	vmax.f32 v6, v4  }
0x126: {  	v6 =	vmax.f32 v7, v8;
	v7 =	vmin.f32 v7, v8;
	v8 =	vmin.f32 v1, v21  }
0x127: {  	v9 =	vmax.f32 v11, v7;
	v7 =	vmin.f32 v11, v7;
	v10 =	vmin.f32 v2, v8;
	v19 =	vld.idx.msk [tilespmem:v12+s2+$0x0], $0xffff  }
0x128: {  	v1 =	vmax.f32 v1, v21;
	[tilespmem:$0x1FB70] =	vst v12;
	v0 =	vmax.f32 v0, v7;
	v7 =	vmin.f32 v3, v10;
	v12 =	vld [tilespmem:$0x1FCF0]  }
0x129: {  	v2 =	vmax.f32 v2, v8;
	v8 =	vmax.f32 v5, v7;
	v5 =	vmin.f32 v5, v7  }
0x12a: {  	v3 =	vmax.f32 v3, v10;
	v7 =	vmax.f32 v4, v5;
	v4 =	vmin.f32 v4, v5  }
0x12b: {  	v5 =	vmax.f32 v6, v4;
	v4 =	vmin.f32 v6, v4;
	v6 =	vmin.f32 v1, v20  }
0x12c: {  	v10 =	vmin.f32 v9, v4;
	v11 =	vmin.f32 v2, v6;
	v4 =	vmax.f32 v9, v4  }
0x12d: {  	v9 =	vmin.f32 v3, v11;
	v3 =	vmax.f32 v3, v11;
	v11 =	vld [tilespmem:$0x1FD00];
	v12 =	vor.u32 s11, v12  }
0x12e: {  	v1 =	vmax.f32 v1, v20  }
0x12f: {  	v2 =	vmax.f32 v2, v6;
	v0 =	vmax.f32 v0, v10;
	v6 =	vmin.f32 v8, v9  }
0x130: {  	v8 =	vmax.f32 v8, v9;
	v9 =	vmin.f32 v7, v6;
	v6 =	vmax.f32 v7, v6  }
0x131: {  	v7 =	vmax.f32 v5, v9;
	v10 =	vmin.f32 v1, v19;
	v5 =	vmin.f32 v5, v9  }
0x132: {  	[tilespmem:$0x1FB80] =	vst v12;
	v9 =	vmin.f32 v2, v10;
	v18 =	vld.idx.msk [tilespmem:v12+s2+$0x0], $0xffff;
	v12 =	vor.u32 s11, v11;
	v11 =	vmax.f32 v4, v5  }
0x133: {  	v4 =	vmin.f32 v4, v5;
	v5 =	vmin.f32 v3, v9;
	v3 =	vmax.f32 v3, v9;
	v9 =	vld [tilespmem:$0x1FD10];
	_ =	sdelay $0x4  }
0x134: {  	[tilespmem:$0x1FB90] =	vst v12;
	v17 =	vld.idx.msk [tilespmem:v12+s2+$0x0], $0xffff;
	v12 =	vor.u32 s11, v9  }
0x135: {  	v1 =	vmax.f32 v1, v19  }
0x136: {  	v2 =	vmax.f32 v2, v10;
	v0 =	vmax.f32 v0, v4;
	v4 =	vmin.f32 v8, v5  }
0x137: {  	v5 =	vmax.f32 v8, v5;
	v8 =	vmin.f32 v6, v4;
	v4 =	vmax.f32 v6, v4  }
0x138: {  	v6 =	vmax.f32 v7, v8;
	v7 =	vmin.f32 v7, v8;
	v8 =	vmin.f32 v1, v18  }
0x139: {  	v9 =	vmax.f32 v11, v7;
	v7 =	vmin.f32 v11, v7;
	v10 =	vmin.f32 v2, v8;
	v16 =	vld.idx.msk [tilespmem:v12+s2+$0x0], $0xffff  }
0x13a: {  	v1 =	vmax.f32 v1, v18;
	[tilespmem:$0x1FBA0] =	vst v12;
	v0 =	vmax.f32 v0, v7;
	v7 =	vmin.f32 v3, v10;
	v12 =	vld [tilespmem:$0x1FD20]  }
0x13b: {  	v2 =	vmax.f32 v2, v8;
	v8 =	vmax.f32 v5, v7;
	v5 =	vmin.f32 v5, v7  }
0x13c: {  	v3 =	vmax.f32 v3, v10;
	v7 =	vmax.f32 v4, v5;
	v4 =	vmin.f32 v4, v5  }
0x13d: {  	v5 =	vmax.f32 v6, v4;
	v4 =	vmin.f32 v6, v4;
	v6 =	vmin.f32 v1, v17  }
0x13e: {  	v10 =	vmin.f32 v9, v4;
	v11 =	vmin.f32 v2, v6;
	v4 =	vmax.f32 v9, v4  }
0x13f: {  	v9 =	vmin.f32 v3, v11;
	v3 =	vmax.f32 v3, v11;
	v11 =	vld [tilespmem:$0x1FD30];
	v12 =	vor.u32 s11, v12  }
0x140: {  	v1 =	vmax.f32 v1, v17  }
0x141: {  	v2 =	vmax.f32 v2, v6;
	v0 =	vmax.f32 v0, v10;
	v6 =	vmin.f32 v8, v9  }
0x142: {  	v8 =	vmax.f32 v8, v9;
	v9 =	vmin.f32 v7, v6;
	v6 =	vmax.f32 v7, v6  }
0x143: {  	v7 =	vmax.f32 v5, v9;
	v10 =	vmin.f32 v1, v16;
	v5 =	vmin.f32 v5, v9  }
0x144: {  	[tilespmem:$0x1FBB0] =	vst v12;
	v9 =	vmin.f32 v2, v10;
	v15 =	vld.idx.msk [tilespmem:v12+s2+$0x0], $0xffff;
	v12 =	vor.u32 s11, v11;
	v11 =	vmax.f32 v4, v5  }
0x145: {  	v4 =	vmin.f32 v4, v5;
	v5 =	vmin.f32 v3, v9;
	v3 =	vmax.f32 v3, v9;
	v9 =	vld [tilespmem:$0x1FD40];
	_ =	sdelay $0x3  }
0x146: {  	[tilespmem:$0x1F7F0] =	vst v14  }
0x147: {  	v1 =	vmax.f32 v1, v16;
	[tilespmem:$0x1FBC0] =	vst v12;
	v14 =	vld.idx.msk [tilespmem:v12+s2+$0x0], $0xffff;
	v12 =	vor.u32 s11, v9  }
0x148: {  	v2 =	vmax.f32 v2, v10;
	v0 =	vmax.f32 v0, v4;
	v4 =	vmin.f32 v8, v5  }
0x149: {  	v5 =	vmax.f32 v8, v5;
	v8 =	vmin.f32 v6, v4;
	v4 =	vmax.f32 v6, v4  }
0x14a: {  	v6 =	vmax.f32 v7, v8;
	v7 =	vmin.f32 v7, v8;
	v8 =	vmin.f32 v1, v15  }
0x14b: {  	[tilespmem:$0x1F7D0] =	vst v53;
	v9 =	vmax.f32 v11, v7;
	v7 =	vmin.f32 v11, v7;
	v10 =	vmin.f32 v2, v8  }
0x14c: {  	v1 =	vmax.f32 v1, v15;
	v0 =	vmax.f32 v0, v7;
	v7 =	vmin.f32 v3, v10;
	v53 =	vld.idx.msk [tilespmem:v12+s2+$0x0], $0xffff  }
0x14d: {  	[tilespmem:$0x1FBD0] =	vst v12;
	v2 =	vmax.f32 v2, v8;
	v8 =	vmax.f32 v5, v7;
	v5 =	vmin.f32 v5, v7;
	v12 =	vld [tilespmem:$0x1FD50]  }
0x14e: {  	v3 =	vmax.f32 v3, v10;
	v7 =	vmax.f32 v4, v5;
	v4 =	vmin.f32 v4, v5  }
0x14f: {  	v5 =	vmax.f32 v6, v4;
	v4 =	vmin.f32 v6, v4;
	v6 =	vmin.f32 v1, v14  }
0x150: {  	v1 =	vmax.f32 v1, v14;
	v10 =	vmin.f32 v9, v4;
	v11 =	vmin.f32 v2, v6  }
0x151: {  	v4 =	vmax.f32 v9, v4;
	v2 =	vmax.f32 v2, v6;
	v9 =	vmin.f32 v3, v11  }
0x152: {  	v0 =	vmax.f32 v0, v10;
	v6 =	vmin.f32 v8, v9;
	v12 =	vor.u32 s11, v12  }
0x153: {  	v8 =	vmax.f32 v8, v9;
	v9 =	vmin.f32 v7, v6;
	v6 =	vmax.f32 v7, v6  }
0x154: {  	v7 =	vmax.f32 v5, v9;
	v10 =	vmin.f32 v1, v53;
	v5 =	vmin.f32 v5, v9  }
0x155: {  	v3 =	vmax.f32 v3, v11;
	v11 =	vld [tilespmem:$0x1FD60];
	v9 =	vmin.f32 v2, v10;
	v63 =	vmax.f32 v4, v5  }
0x156: {  	v4 =	vmin.f32 v4, v5;
	v5 =	vmin.f32 v3, v9;
	v3 =	vmax.f32 v3, v9;
	v9 =	vld [tilespmem:$0x1FD70]  }
0x157: {  	[tilespmem:$0x1F7E0] =	vst v54;
	v54 =	vmov v55;
	v55 =	vld.idx.msk [tilespmem:v12+s2+$0x0], $0xffff;
	_ =	sdelay $0x1  }
0x158: {  	v1 =	vmax.f32 v1, v53;
	v0 =	vmax.f32 v0, v4;
	v4 =	vmin.f32 v8, v5  }
0x159: {  	v2 =	vmax.f32 v2, v10;
	v5 =	vmax.f32 v8, v5;
	v8 =	vmin.f32 v6, v4  }
0x15a: {  	v11 =	vor.u32 s11, v11;
	v4 =	vmax.f32 v6, v4;
	v6 =	vmax.f32 v7, v8  }
0x15b: {  	[tilespmem:$0x1FBE0] =	vst v12;
	v7 =	vmin.f32 v7, v8;
	v12 =	vor.u32 s11, v9;
	v8 =	vmin.f32 v1, v55  }
0x15c: {  	v9 =	vmax.f32 v63, v7;
	v7 =	vmin.f32 v63, v7;
	v10 =	vmin.f32 v2, v8  }
0x15d: {  	v0 =	vmax.f32 v0, v7;
	v7 =	vmin.f32 v3, v10;
	v3 =	vmax.f32 v3, v10;
	v10 =	vld [tilespmem:$0x1FD80];
	_ =	sdelay $0x2  }
0x15e: {  	[tilespmem:$0x1FBF0] =	vst v11;
	v11 =	vld.idx.msk [tilespmem:v11+s2+$0x0], $0xffff;
	_ =	sdelay $0x1  }
0x15f: {  	v10 =	vor.u32 s11, v10  }
0x160: {  	v2 =	vmax.f32 v2, v8;
	v8 =	vmax.f32 v5, v7;
	v5 =	vmin.f32 v5, v7  }
0x161: {  	v1 =	vmax.f32 v1, v55;
	v7 =	vmax.f32 v4, v5;
	v4 =	vmin.f32 v4, v5  }
0x162: {  	[tilespmem:$0x1F810] =	vst v53;
	v5 =	vmax.f32 v6, v4;
	v4 =	vmin.f32 v6, v4;
	v6 =	vmin.f32 v1, v11  }
0x163: {  	[tilespmem:$0x1F820] =	vst v55;
	v53 =	vld.idx.msk [tilespmem:v12+s2+$0x0], $0xffff;
	v55 =	vmin.f32 v9, v4;
	v44 =	vmin.f32 v2, v6  }
0x164: {  	v4 =	vmax.f32 v9, v4;
	v9 =	vmin.f32 v3, v44;
	v3 =	vmax.f32 v3, v44;
	v44 =	vld.idx.msk [tilespmem:v10+s2+$0x0], $0xffff  }
0x165: {  	[tilespmem:$0x1FC10] =	vst v10;
	v10 =	vld [tilespmem:$0x1FD90];
	_ =	sdelay $0x1  }
0x166: {  	[tilespmem:$0x1FC00] =	vst v12;
	v1 =	vmax.f32 v1, v11;
	v2 =	vmax.f32 v2, v6;
	v0 =	vmax.f32 v0, v55  }
0x167: {  	v12 =	vmovc v62;
	v62 =	vmin.f32 v1, v53;
	v6 =	vmin.f32 v8, v9;
	v8 =	vmax.f32 v8, v9  }
0x168: {  	v55 =	vmin.f32 v2, v62;
	v9 =	vmin.f32 v7, v6;
	v6 =	vmax.f32 v7, v6  }
0x169: {  	v7 =	vmax.f32 v5, v9;
	v5 =	vmin.f32 v5, v9;
	v9 =	vor.u32 s11, v10  }
0x16a: {  	v10 =	vmovc v61;
	v61 =	vmax.f32 v4, v5;
	v4 =	vmin.f32 v4, v5;
	v5 =	vmin.f32 v3, v55  }
0x16b: {  	v0 =	vmax.f32 v0, v4;
	v4 =	vmin.f32 v8, v5  }
0x16c: {  	v5 =	vmax.f32 v8, v5;
	v8 =	vmin.f32 v6, v4  }
0x16d: {  	v4 =	vmax.f32 v6, v4;
	v6 =	vmax.f32 v7, v8;
	v7 =	vmin.f32 v7, v8;
	v8 =	vld [tilespmem:$0x1FDA0];
	_ =	sdelay $0x1  }
0x16e: {  	v1 =	vmax.f32 v1, v53  }
0x16f: {  	[tilespmem:$0x1F830] =	vst v53;
	v2 =	vmax.f32 v2, v62;
	v62 =	vmin.f32 v1, v44;
	v53 =	vld.idx.msk [tilespmem:v9+s2+$0x0], $0xffff  }
0x170: {  	v3 =	vmax.f32 v3, v55;
	v1 =	vmax.f32 v1, v44;
	v55 =	vmin.f32 v2, v62  }
0x171: {  	[tilespmem:$0x1F840] =	vst v44;
	v44 =	vld [tilespmem:$0x1FDB0];
	v63 =	vmax.f32 v61, v7;
	v7 =	vmin.f32 v61, v7;
	v8 =	vor.u32 s11, v8  }
0x172: {  	v0 =	vmax.f32 v0, v7;
	v7 =	vmin.f32 v3, v55  }
0x173: {  	v2 =	vmax.f32 v2, v62;
	v61 =	vmax.f32 v5, v7;
	v5 =	vmin.f32 v5, v7  }
0x174: {  	[tilespmem:$0x1FC20] =	vst v9;
	v7 =	vmax.f32 v4, v5;
	v4 =	vmin.f32 v4, v5;
	v62 =	vmin.f32 v1, v53  }
0x175: {  	v3 =	vmax.f32 v3, v55;
	v9 =	vmovc v59;
	v5 =	vmax.f32 v6, v4;
	v59 =	vmin.f32 v2, v62  }
0x176: {  	v4 =	vmin.f32 v6, v4;
	v6 =	vor.u32 s11, v44;
	[tilespmem:$0x1FC30] =	vst v8;
	v44 =	vmin.f32 v3, v59;
	v55 =	vld.idx.msk [tilespmem:v8+s2+$0x0], $0xffff  }
0x177: {  	v3 =	vmax.f32 v3, v59;
	v8 =	vmovc v60;
	v60 =	vmin.f32 v63, v4;
	v59 =	vmin.f32 v61, v44  }
0x178: {  	v0 =	vmax.f32 v0, v60;
	v60 =	vmax.f32 v61, v44;
	v44 =	vmin.f32 v7, v59  }
0x179: {  	v7 =	vmax.f32 v7, v59;
	v59 =	vmax.f32 v5, v44;
	v61 =	vmin.f32 v5, v44;
	v5 =	vld [tilespmem:$0x1FDC0]  }
0x17a: {  	v1 =	vmax.f32 v1, v53  }
0x17b: {  	[tilespmem:$0x1FC40] =	vst v6;
	v2 =	vmax.f32 v2, v62;
	v62 =	vmin.f32 v1, v55  }
0x17c: {  	[tilespmem:$0x1F850] =	vst v53;
	v4 =	vmax.f32 v63, v4;
	v44 =	vld.idx.msk [tilespmem:v6+s2+$0x0], $0xffff;
	v63 =	vmin.f32 v2, v62  }
0x17d: {  	v6 =	vmovc v58;
	v58 =	vmax.f32 v4, v61;
	v4 =	vmin.f32 v4, v61;
	v53 =	vmin.f32 v3, v63  }
0x17e: {  	v0 =	vmax.f32 v0, v4;
	v5 =	vor.u32 s11, v5;
	v4 =	vmin.f32 v60, v53  }
0x17f: {  	v60 =	vmax.f32 v60, v53;
	v53 =	vmin.f32 v7, v4;
	v7 =	vmax.f32 v7, v4;
	v4 =	vld [tilespmem:$0x1FDD0];
	_ =	sdelay $0x1  }
0x180: {  	[tilespmem:$0x1F860] =	vst v55;
	v1 =	vmax.f32 v1, v55;
	v2 =	vmax.f32 v2, v62;
	v3 =	vmax.f32 v3, v63  }
0x181: {  	[tilespmem:$0x1F870] =	vst v44;
	v63 =	vmin.f32 v1, v44;
	v62 =	vmin.f32 v59, v53;
	v59 =	vmax.f32 v59, v53  }
0x182: {  	v61 =	vmax.f32 v58, v62;
	v58 =	vmin.f32 v58, v62;
	v62 =	vmin.f32 v2, v63;
	v53 =	vld.idx.msk [tilespmem:v5+s2+$0x0], $0xffff  }
0x183: {  	v1 =	vmax.f32 v1, v44;
	v44 =	vld [tilespmem:$0x1FDE0];
	[tilespmem:$0x1FC50] =	vst v5;
	v55 =	vmin.f32 v3, v62;
	v5 =	vor.u32 s11, v4  }
0x184: {  	v62 =	vmax.f32 v3, v62;
	v3 =	vmin.f32 v60, v55  }
0x185: {  	v0 =	vmax.f32 v0, v58;
	v58 =	vmax.f32 v7, v3;
	v3 =	vmin.f32 v7, v3  }
0x186: {  	v2 =	vmax.f32 v2, v63;
	v63 =	vmax.f32 v60, v55;
	v4 =	vmov v56  }
0x187: {  	[tilespmem:$0x1FC60] =	vst v5;
	v7 =	vmax.f32 v59, v3;
	v59 =	vmin.f32 v59, v3;
	v60 =	vmin.f32 v1, v53  }
0x188: {  	v3 =	vmovc v57;
	v57 =	vmin.f32 v61, v59;
	v56 =	vmin.f32 v2, v60;
	v55 =	vld.idx.msk [tilespmem:v5+s2+$0x0], $0xffff;
	v5 =	vor.u32 s11, v44  }
0x189: {  	v59 =	vmax.f32 v61, v59;
	v1 =	vmax.f32 v1, v53;
	v44 =	vmin.f32 v62, v56  }
0x18a: {  	v0 =	vmax.f32 v0, v57;
	v60 =	vmax.f32 v2, v60;
	v2 =	vmin.f32 v63, v44  }
0x18b: {  	v56 =	vmax.f32 v62, v56;
	v61 =	vmax.f32 v58, v2;
	v2 =	vmin.f32 v58, v2  }
0x18c: {  	v57 =	vmax.f32 v63, v44;
	v58 =	vmax.f32 v7, v2;
	v2 =	vmin.f32 v7, v2  }
0x18d: {  	[tilespmem:$0x1FC70] =	vst v5;
	v44 =	vor.u32 $0x3E, v41;
	v7 =	vmax.f32 v59, v2;
	v59 =	vmin.f32 v59, v2;
	v5 =	vld.idx.msk [tilespmem:v5+s2+$0x0], $0xffff  }
0x18e: {  	[tilespmem:$0x1F880] =	vst v53;
	v53 =	vmin.f32 v1, v55;
	v2 =	vmax.f32 v0, v59;
	v0 =	vor.u32 s11, v44  }
0x18f: {  	v59 =	vmax.f32 v60, v53;
	v60 =	vmin.f32 v60, v53;
	v53 =	vor.u32 $0x3F, v41  }
0x190: {  	v63 =	vmax.f32 v56, v60;
	v56 =	vmin.f32 v56, v60;
	v53 =	vor.u32 s11, v53  }
0x191: {  	v60 =	vmax.f32 v57, v56;
	v56 =	vmin.f32 v57, v56;
	v57 =	vmax.f32 v1, v55  }
0x192: {  	v62 =	vmax.f32 v61, v56;
	v1 =	vmin.f32 v61, v56;
	v56 =	vmin.f32 v57, v5  }
0x193: {  	[tilespmem:$0x1F800] =	vst v13;
	v61 =	vmax.f32 v58, v1;
	v1 =	vmin.f32 v58, v1;
	v58 =	vmin.f32 v59, v56  }
0x194: {  	v13 =	vmov v54;
	[tilespmem:$0x1F890] =	vst v55;
	v44 =	vld.idx.msk [tilespmem:v0+s2+$0x0], $0xffff;
	v55 =	vmax.f32 v7, v1;
	v54 =	vmin.f32 v63, v58  }
0x195: {  	v7 =	vmin.f32 v7, v1;
	v56 =	vmax.f32 v59, v56;
	v59 =	vmin.f32 v60, v54  }
0x196: {  	[tilespmem:$0x1FC80] =	vst v0;
	v0 =	vmax.f32 v2, v7;
	v54 =	vmax.f32 v60, v54;
	v60 =	vmin.f32 v62, v59  }
0x197: {  	v7 =	vld.idx.msk [tilespmem:v53+s2+$0x0], $0xffff;
	v59 =	vmax.f32 v62, v59;
	v62 =	vmax.f32 v61, v60;
	v60 =	vmin.f32 v61, v60  }
0x198: {  	v57 =	vmax.f32 v57, v5;
	v61 =	vmax.f32 v55, v60;
	v55 =	vmin.f32 v55, v60  }
0x199: {  	v0 =	vmax.f32 v0, v55;
	v55 =	vmax.f32 v57, v44;
	v57 =	vmin.f32 v57, v44  }
0x19a: {  	v58 =	vmax.f32 v63, v58;
	v60 =	vmax.f32 v56, v57;
	v56 =	vmin.f32 v56, v57  }
0x19b: {  	v57 =	vmax.f32 v58, v56;
	v56 =	vmin.f32 v58, v56  }
0x19c: {  	v55 =	vmin.f32 v55, v7;
	v58 =	vmax.f32 v54, v56;
	v54 =	vmin.f32 v54, v56  }
0x19d: {  	v55 =	vmin.f32 v60, v55;
	v56 =	vmax.f32 v59, v54;
	v54 =	vmin.f32 v59, v54  }
0x19e: {  	v55 =	vmin.f32 v57, v55;
	v57 =	vmax.f32 v62, v54  }
0x19f: {  	v55 =	vmin.f32 v58, v55  }
0x1a0: {  	v55 =	vmin.f32 v56, v55  }
0x1a1: {  	v55 =	vmin.f32 v57, v55;
	v57 =	vmov v3;
	v3 =	vld [tilespmem:$0x1F750]  }
0x1a2: {  	v54 =	vmin.f32 v62, v54  }
0x1a3: {  	v56 =	vmax.f32 v61, v54;
	v54 =	vmin.f32 v61, v54  }
0x1a4: {  	v0 =	vmax.f32 v0, v54;
	v54 =	vmin.f32 v56, v55  }
0x1a5: {  	v0 =	vmax.f32 v0, v54  }
0x1a6: {  	vm2 =	vgt.f32 v3, v0;
	v3 =	vld [tilespmem:$0x1F760];
	_ =	sdelay $0x4  }
0x1a7: {  	vm4 =	vgt.f32 v3, v0;
	v3 =	vld [tilespmem:$0x1F770];
	_ =	sdelay $0x4  }
0x1a8: {  	vm5 =	vgt.f32 v3, v0;
	v3 =	vld [tilespmem:$0x1F780];
	_ =	sdelay $0x4  }
0x1a9: {  	vm6 =	vgt.f32 v3, v0;
	v3 =	vld [tilespmem:$0x1F790];
	_ =	sdelay $0x4  }
0x1aa: {  	vm7 =	vgt.f32 v3, v0;
	v3 =	vld [tilespmem:$0x1F7A0];
	_ =	sdelay $0x4  }
0x1ab: {  	vm8 =	vgt.f32 v3, v0;
	v3 =	vld [tilespmem:$0x1F7B0];
	_ =	sdelay $0x1  }
0x1ac: {  	v2 =	vld [tilespmem:$0x1F730];
	_ =	sdelay $0x2  }
0x1ad: {  	vm9 =	vgt.f32 v3, v0;
	v3 =	vld [tilespmem:$0x1F7C0];
	_ =	sdelay $0x1  }
0x1ae: {  	vm1 =	vgt.f32 v2, v0;
	v2 =	vld [tilespmem:$0x1F740];
	_ =	sdelay $0x2  }
0x1af: {  	vm10 =	vgt.f32 v3, v0;
	v3 =	vld [tilespmem:$0x1F7D0];
	_ =	sdelay $0x1  }
0x1b0: {  	[tilespmem:$0x1FC90] =	vst v53;
	v53 =	vimm.s32 $0x0;
	vm0 =	vgt.f32 v2, v0  }
0x1b1: {  	v55 =	vsel vm1, $0x1, v53;
	v54 =	vsel vm0, $0x1, v53  }
0x1b2: {  	v54 =	vadd.s32 v55, v54;
	v55 =	vsel vm2, $0x1, v53  }
0x1b3: {  	v54 =	vadd.s32 v55, v54;
	v55 =	vsel vm4, $0x1, v53;
	vm11 =	vgt.f32 v3, v0;
	v3 =	vld [tilespmem:$0x1F7E0]  }
0x1b4: {  	v54 =	vadd.s32 v55, v54;
	v55 =	vsel vm5, $0x1, v53  }
0x1b5: {  	v54 =	vadd.s32 v55, v54;
	v55 =	vsel vm6, $0x1, v53  }
0x1b6: {  	v54 =	vadd.s32 v55, v54;
	v55 =	vsel vm7, $0x1, v53  }
0x1b7: {  	v54 =	vadd.s32 v55, v54;
	v55 =	vsel vm8, $0x1, v53  }
0x1b8: {  	v54 =	vadd.s32 v55, v54;
	v55 =	vsel vm9, $0x1, v53;
	vm12 =	vgt.f32 v3, v0;
	v3 =	vld [tilespmem:$0x1F7F0]  }
0x1b9: {  	v54 =	vadd.s32 v55, v54;
	v55 =	vsel vm10, $0x1, v53  }
0x1ba: {  	v54 =	vadd.s32 v55, v54;
	v55 =	vsel vm11, $0x1, v53  }
0x1bb: {  	v54 =	vadd.s32 v55, v54;
	v55 =	vsel vm12, $0x1, v53  }
0x1bc: {  	vm14 =	vgt.f32 v52, v0;
	vm15 =	vgt.f32 v51, v0;
	v54 =	vadd.s32 v55, v54  }
0x1bd: {  	vm4 =	vgt.f32 v50, v0;
	vm5 =	vgt.f32 v49, v0;
	vm13 =	vgt.f32 v3, v0  }
0x1be: {  	v1 =	vld [tilespmem:$0x1F800];
	vm6 =	vgt.f32 v48, v0;
	vm7 =	vgt.f32 v47, v0;
	v52 =	vsel vm13, $0x1, v53  }
0x1bf: {  	vm8 =	vgt.f32 v46, v0;
	v52 =	vadd.s32 v52, v54;
	v54 =	vmovc v41;
	v41 =	vsel vm14, $0x1, v53  }
0x1c0: {  	vm9 =	vgt.f32 v45, v0;
	v51 =	vadd.s32 v41, v52;
	v41 =	vsel vm15, $0x1, v53  }
0x1c1: {  	vm10 =	vgt.f32 v43, v0;
	v52 =	vsel vm4, $0x1, v53;
	v50 =	vadd.s32 v41, v51  }
0x1c2: {  	vm11 =	vgt.f32 v42, v0;
	v41 =	vsel vm5, $0x1, v53;
	v49 =	vadd.s32 v52, v50  }
0x1c3: {  	vm12 =	vgt.f32 v1, v0;
	v1 =	vld [tilespmem:$0x1F810];
	v52 =	vsel vm6, $0x1, v53;
	v48 =	vadd.s32 v41, v49  }
0x1c4: {  	vm4 =	vgt.f32 v37, v0;
	v41 =	vsel vm7, $0x1, v53;
	v47 =	vadd.s32 v52, v48  }
0x1c5: {  	vm5 =	vgt.f32 v36, v0;
	v48 =	vsel vm8, $0x1, v53;
	v46 =	vadd.s32 v41, v47  }
0x1c6: {  	v49 =	vsel vm9, $0x1, v53;
	v45 =	vadd.s32 v48, v46;
	v48 =	vsel vm4, $0x1, v53  }
0x1c7: {  	vm4 =	vgt.f32 v25, v0;
	v43 =	vadd.s32 v49, v45;
	v49 =	vsel vm5, $0x1, v53  }
0x1c8: {  	vm5 =	vgt.f32 v24, v0;
	v24 =	vsel vm4, $0x1, v53;
	vm4 =	vgt.f32 v1, v0;
	v1 =	vld [tilespmem:$0x1F820]  }
0x1c9: {  	vm13 =	vgt.f32 v40, v0;
	vm14 =	vgt.f32 v39, v0;
	vm15 =	vgt.f32 v38, v0  }
0x1ca: {  	v51 =	vsel vm11, $0x1, v53;
	v50 =	vsel vm10, $0x1, v53;
	vm6 =	vgt.f32 v35, v0  }
0x1cb: {  	v52 =	vsel vm12, $0x1, v53;
	v45 =	vsel vm13, $0x1, v53;
	v42 =	vadd.s32 v50, v43  }
0x1cc: {  	v50 =	vsel vm6, $0x1, v53;
	vm6 =	vgt.f32 v23, v0;
	v41 =	vadd.s32 v51, v42  }
0x1cd: {  	v23 =	vsel vm5, $0x1, v53;
	v40 =	vadd.s32 v52, v41;
	vm5 =	vgt.f32 v1, v0;
	v1 =	vld [tilespmem:$0x1F830]  }
0x1ce: {  	vm7 =	vgt.f32 v34, v0;
	v46 =	vsel vm14, $0x1, v53;
	v39 =	vadd.s32 v45, v40  }
0x1cf: {  	vm8 =	vgt.f32 v33, v0;
	v47 =	vsel vm15, $0x1, v53;
	v38 =	vadd.s32 v46, v39  }
0x1d0: {  	v51 =	vsel vm7, $0x1, v53;
	vm7 =	vgt.f32 v22, v0;
	v37 =	vadd.s32 v47, v38  }
0x1d1: {  	v52 =	vsel vm8, $0x1, v53;
	vm8 =	vgt.f32 v21, v0;
	v36 =	vadd.s32 v48, v37  }
0x1d2: {  	v21 =	vsel vm7, $0x1, v53;
	v35 =	vadd.s32 v49, v36;
	vm7 =	vgt.f32 v1, v0;
	v1 =	vld [tilespmem:$0x1F840]  }
0x1d3: {  	vm11 =	vgt.f32 v30, v0;
	vm10 =	vgt.f32 v31, v0;
	v34 =	vadd.s32 v50, v35  }
0x1d4: {  	vm9 =	vgt.f32 v32, v0;
	v30 =	vsel vm10, $0x1, v53;
	v33 =	vadd.s32 v51, v34  }
0x1d5: {  	v31 =	vsel vm9, $0x1, v53;
	vm12 =	vgt.f32 v29, v0;
	v32 =	vadd.s32 v52, v33  }
0x1d6: {  	v29 =	vsel vm11, $0x1, v53;
	vm9 =	vgt.f32 v20, v0;
	v31 =	vadd.s32 v31, v32  }
0x1d7: {  	v20 =	vsel vm8, $0x1, v53;
	v30 =	vadd.s32 v30, v31;
	vm8 =	vgt.f32 v1, v0;
	v1 =	vld [tilespmem:$0x1F850]  }
0x1d8: {  	vm13 =	vgt.f32 v28, v0;
	v28 =	vsel vm12, $0x1, v53;
	v29 =	vadd.s32 v29, v30  }
0x1d9: {  	vm14 =	vgt.f32 v27, v0;
	v27 =	vsel vm13, $0x1, v53;
	v28 =	vadd.s32 v28, v29  }
0x1da: {  	vm15 =	vgt.f32 v26, v0;
	v26 =	vsel vm14, $0x1, v53;
	v27 =	vadd.s32 v27, v28  }
0x1db: {  	vm10 =	vgt.f32 v19, v0;
	v25 =	vsel vm15, $0x1, v53;
	v26 =	vadd.s32 v26, v27  }
0x1dc: {  	v19 =	vsel vm9, $0x1, v53;
	v25 =	vadd.s32 v25, v26;
	vm9 =	vgt.f32 v1, v0;
	v1 =	vld [tilespmem:$0x1F860]  }
0x1dd: {  	v24 =	vadd.s32 v24, v25  }
0x1de: {  	v22 =	vsel vm6, $0x1, v53;
	v23 =	vadd.s32 v23, v24  }
0x1df: {  	v22 =	vadd.s32 v22, v23  }
0x1e0: {  	vm11 =	vgt.f32 v18, v0;
	v21 =	vadd.s32 v21, v22  }
0x1e1: {  	v18 =	vsel vm10, $0x1, v53;
	v20 =	vadd.s32 v20, v21;
	vm10 =	vgt.f32 v1, v0;
	v1 =	vld [tilespmem:$0x1F870]  }
0x1e2: {  	vm15 =	vgt.f32 v14, v0;
	v19 =	vadd.s32 v19, v20  }
0x1e3: {  	vm12 =	vgt.f32 v17, v0;
	v17 =	vsel vm11, $0x1, v53;
	v18 =	vadd.s32 v18, v19  }
0x1e4: {  	vm13 =	vgt.f32 v16, v0;
	v16 =	vsel vm12, $0x1, v53;
	v17 =	vadd.s32 v17, v18  }
0x1e5: {  	vm14 =	vgt.f32 v15, v0;
	v15 =	vsel vm13, $0x1, v53;
	v16 =	vadd.s32 v16, v17  }
0x1e6: {  	v14 =	vsel vm14, $0x1, v53;
	v15 =	vadd.s32 v15, v16;
	vm11 =	vgt.f32 v1, v0;
	v1 =	vld [tilespmem:$0x1F880]  }
0x1e7: {  	v55 =	vmov v13;
	v13 =	vsel vm15, $0x1, v53;
	v14 =	vadd.s32 v14, v15  }
0x1e8: {  	v62 =	vmov v12;
	v12 =	vsel vm4, $0x1, v53;
	v13 =	vadd.s32 v13, v14  }
0x1e9: {  	vm6 =	vgt.f32 v11, v0;
	v11 =	vsel vm5, $0x1, v53;
	v12 =	vadd.s32 v12, v13  }
0x1ea: {  	v61 =	vmovc v10;
	v56 =	vmovc v4;
	v4 =	vmax.f32 v2, $0.0e+00;
	v10 =	vsel vm6, $0x1, v53;
	v11 =	vadd.s32 v11, v12  }
0x1eb: {  	v59 =	vmovc v9;
	v9 =	vsel vm7, $0x1, v53;
	v10 =	vadd.s32 v10, v11;
	vm12 =	vgt.f32 v1, v0;
	v1 =	vld [tilespmem:$0x1F890]  }
0x1ec: {  	v60 =	vmovc v8;
	v3 =	vadd.f32 v4, v4;
	v8 =	vsel vm8, $0x1, v53;
	v9 =	vadd.s32 v9, v10  }
0x1ed: {  	v58 =	vmov v6;
	v6 =	vsel vm9, $0x1, v53;
	v8 =	vadd.s32 v8, v9  }
0x1ee: {  	v63 =	vmovc v5;
	v3 =	vmin.f32 v3, $1.500000000e+01;
	v5 =	vsel vm10, $0x1, v53;
	v6 =	vadd.s32 v6, v8  }
0x1ef: {  	vm15 =	vgt.f32 v44, v0;
	v5 =	vadd.s32 v5, v6;
	v6 =	vsel vm11, $0x1, v53  }
0x1f0: {  	v4 =	vsel vm12, $0x1, v53;
	v5 =	vadd.s32 v6, v5;
	vm13 =	vgt.f32 v1, v0  }
0x1f1: {  	vm14 =	vgt.f32 v63, v0;
	v10 =	vmovc v2;
	v4 =	vadd.s32 v4, v5;
	v2 =	vsel vm13, $0x1, v53  }
0x1f2: {  	vm4 =	vgt.f32 v7, v0;
	v2 =	vadd.s32 v2, v4;
	v4 =	vsel vm14, $0x1, v53  }
0x1f3: {  	v1 =	vtrunc.f32 v3;
	v3 =	vsel vm15, $0x1, v53;
	v2 =	vadd.s32 v4, v2  }
0x1f4: {  	v2 =	vadd.s32 v3, v2;
	v3 =	vsel vm4, $0x1, v53  }
0x1f5: {  	v2 =	vadd.s32 v3, v2;
	v3 =	vld [tilespmem:$0x1F8A0]  }
0x1f6: {  	vm5 =	veq.f32 v10, v0;
	v10 =	vld [tilespmem:$0x1F8B0];
	v1 =	vcvt.f32.s32 v1;
	_ =	sdelay $0x1  }
0x1f7: {  	v1 =	vcvt.s32.f32 v1  }
0x1f8: {  	vm6 =	vlt.u32 v2, $0x8  }
0x1f9: {  	v1 =	vmul.f32 $5.000000000e-01, v1;
	vm2 =	vmand vm5, vm6  }
0x1fa: {  	vm0 =	vmor vm0, vm2  }
0x1fb: {  	v1 =	vnsel vm0, $0x0, v1  }
0x1fc: {  	[tilespmem:v3+s8+$0x0] =	vst.idx.msk $0xffff, v1  }
0x1fd: {  	v1 =	vld.idx.msk [tilespmem:v10+s2+$0x0], $0xffff;
	_ =	sdelay $0x4  }
0x1fe: {  	v3 =	vmax.f32 v1, $0.0e+00  }
0x1ff: {  	v3 =	vadd.f32 v3, v3;
	_ =	sdelay $0x1  }
0x200: {  	v3 =	vmin.f32 v3, $1.500000000e+01  }
0x201: {  	v3 =	vtrunc.f32 v3  }
0x202: {  	v3 =	vcvt.f32.s32 v3  }
0x203: {  	v4 =	vsel vm5, $0x1, v53  }
0x204: {  	v2 =	vadd.s32 v4, v2;
	v3 =	vcvt.s32.f32 v3  }
0x205: {  	vm8 =	vlt.u32 v2, $0x8;
	vm7 =	veq.f32 v1, v0  }
0x206: {  	vm9 =	vgt.f32 v1, v0;
	vm1 =	vmand vm7, vm8;
	v1 =	vmul.f32 $5.000000000e-01, v3  }
0x207: {  	vm1 =	vmor vm9, vm1  }
0x208: {  	v1 =	vnsel vm1, $0x0, v1  }
0x209: {  	[tilespmem:v10+s8+$0x0] =	vst.idx.msk $0xffff, v1;
	v10 =	vld [tilespmem:$0x1F8C0];
	_ =	sdelay $0x7  }
0x20a: {  	v1 =	vld.idx.msk [tilespmem:v10+s2+$0x0], $0xffff;
	_ =	sdelay $0x4  }
0x20b: {  	v3 =	vmax.f32 v1, $0.0e+00  }
0x20c: {  	v3 =	vadd.f32 v3, v3;
	_ =	sdelay $0x1  }
0x20d: {  	v3 =	vmin.f32 v3, $1.500000000e+01  }
0x20e: {  	v3 =	vtrunc.f32 v3  }
0x20f: {  	v3 =	vcvt.f32.s32 v3  }
0x210: {  	v4 =	vsel vm7, $0x1, v53  }
0x211: {  	v2 =	vadd.s32 v4, v2;
	v3 =	vcvt.s32.f32 v3  }
0x212: {  	vm11 =	vlt.u32 v2, $0x8;
	vm10 =	veq.f32 v1, v0  }
0x213: {  	vm12 =	vgt.f32 v1, v0;
	vm1 =	vmand vm10, vm11;
	v1 =	vmul.f32 $5.000000000e-01, v3  }
0x214: {  	vm1 =	vmor vm12, vm1  }
0x215: {  	v1 =	vnsel vm1, $0x0, v1  }
0x216: {  	[tilespmem:v10+s8+$0x0] =	vst.idx.msk $0xffff, v1;
	v10 =	vld [tilespmem:$0x1F8D0];
	_ =	sdelay $0x7  }
0x217: {  	v1 =	vld.idx.msk [tilespmem:v10+s2+$0x0], $0xffff;
	_ =	sdelay $0x4  }
0x218: {  	v3 =	vmax.f32 v1, $0.0e+00  }
0x219: {  	v3 =	vadd.f32 v3, v3;
	_ =	sdelay $0x1  }
0x21a: {  	v3 =	vmin.f32 v3, $1.500000000e+01  }
0x21b: {  	v3 =	vtrunc.f32 v3  }
0x21c: {  	v3 =	vcvt.f32.s32 v3  }
0x21d: {  	v4 =	vsel vm10, $0x1, v53  }
0x21e: {  	v2 =	vadd.s32 v4, v2;
	v3 =	vcvt.s32.f32 v3  }
0x21f: {  	vm14 =	vlt.u32 v2, $0x8;
	vm13 =	veq.f32 v1, v0  }
0x220: {  	vm15 =	vgt.f32 v1, v0;
	vm1 =	vmand vm13, vm14;
	v1 =	vmul.f32 $5.000000000e-01, v3  }
0x221: {  	vm1 =	vmor vm15, vm1  }
0x222: {  	v1 =	vnsel vm1, $0x0, v1  }
0x223: {  	[tilespmem:v10+s8+$0x0] =	vst.idx.msk $0xffff, v1;
	v10 =	vld [tilespmem:$0x1F8E0];
	_ =	sdelay $0x7  }
0x224: {  	v1 =	vld.idx.msk [tilespmem:v10+s2+$0x0], $0xffff;
	_ =	sdelay $0x4  }
0x225: {  	v3 =	vmax.f32 v1, $0.0e+00  }
0x226: {  	v3 =	vadd.f32 v3, v3;
	_ =	sdelay $0x1  }
0x227: {  	v3 =	vmin.f32 v3, $1.500000000e+01  }
0x228: {  	v3 =	vtrunc.f32 v3  }
0x229: {  	v3 =	vcvt.f32.s32 v3  }
0x22a: {  	v4 =	vsel vm13, $0x1, v53  }
0x22b: {  	v2 =	vadd.s32 v4, v2;
	v3 =	vcvt.s32.f32 v3  }
0x22c: {  	vm5 =	vlt.u32 v2, $0x8;
	vm4 =	veq.f32 v1, v0  }
0x22d: {  	vm6 =	vgt.f32 v1, v0;
	vm1 =	vmand vm4, vm5;
	v1 =	vmul.f32 $5.000000000e-01, v3  }
0x22e: {  	vm1 =	vmor vm6, vm1  }
0x22f: {  	v1 =	vnsel vm1, $0x0, v1  }
0x230: {  	[tilespmem:v10+s8+$0x0] =	vst.idx.msk $0xffff, v1;
	v10 =	vld [tilespmem:$0x1F8F0];
	_ =	sdelay $0x7  }
0x231: {  	v1 =	vld.idx.msk [tilespmem:v10+s2+$0x0], $0xffff;
	_ =	sdelay $0x4  }
0x232: {  	v3 =	vmax.f32 v1, $0.0e+00  }
0x233: {  	v3 =	vadd.f32 v3, v3;
	_ =	sdelay $0x1  }
0x234: {  	v3 =	vmin.f32 v3, $1.500000000e+01  }
0x235: {  	v3 =	vtrunc.f32 v3  }
0x236: {  	v3 =	vcvt.f32.s32 v3  }
0x237: {  	v4 =	vsel vm4, $0x1, v53  }
0x238: {  	v2 =	vadd.s32 v4, v2;
	v3 =	vcvt.s32.f32 v3  }
0x239: {  	vm8 =	vlt.u32 v2, $0x8;
	vm7 =	veq.f32 v1, v0  }
0x23a: {  	vm9 =	vgt.f32 v1, v0;
	vm1 =	vmand vm7, vm8;
	v1 =	vmul.f32 $5.000000000e-01, v3  }
0x23b: {  	vm1 =	vmor vm9, vm1  }
0x23c: {  	v1 =	vnsel vm1, $0x0, v1  }
0x23d: {  	[tilespmem:v10+s8+$0x0] =	vst.idx.msk $0xffff, v1;
	v10 =	vld [tilespmem:$0x1F900];
	_ =	sdelay $0x7  }
0x23e: {  	v1 =	vld.idx.msk [tilespmem:v10+s2+$0x0], $0xffff;
	_ =	sdelay $0x4  }
0x23f: {  	v3 =	vmax.f32 v1, $0.0e+00  }
0x240: {  	v3 =	vadd.f32 v3, v3;
	_ =	sdelay $0x1  }
0x241: {  	v3 =	vmin.f32 v3, $1.500000000e+01  }
0x242: {  	v3 =	vtrunc.f32 v3  }
0x243: {  	v3 =	vcvt.f32.s32 v3  }
0x244: {  	v4 =	vsel vm7, $0x1, v53  }
0x245: {  	v2 =	vadd.s32 v4, v2;
	v3 =	vcvt.s32.f32 v3  }
0x246: {  	vm11 =	vlt.u32 v2, $0x8;
	vm10 =	veq.f32 v1, v0  }
0x247: {  	vm12 =	vgt.f32 v1, v0;
	vm1 =	vmand vm10, vm11;
	v1 =	vmul.f32 $5.000000000e-01, v3  }
0x248: {  	vm1 =	vmor vm12, vm1  }
0x249: {  	v1 =	vnsel vm1, $0x0, v1  }
0x24a: {  	[tilespmem:v10+s8+$0x0] =	vst.idx.msk $0xffff, v1;
	v10 =	vld [tilespmem:$0x1F910];
	_ =	sdelay $0x7  }
0x24b: {  	v1 =	vld.idx.msk [tilespmem:v10+s2+$0x0], $0xffff;
	_ =	sdelay $0x4  }
0x24c: {  	v3 =	vmax.f32 v1, $0.0e+00  }
0x24d: {  	v3 =	vadd.f32 v3, v3;
	_ =	sdelay $0x1  }
0x24e: {  	v3 =	vmin.f32 v3, $1.500000000e+01  }
0x24f: {  	v3 =	vtrunc.f32 v3  }
0x250: {  	v3 =	vcvt.f32.s32 v3  }
0x251: {  	v4 =	vsel vm10, $0x1, v53  }
0x252: {  	v2 =	vadd.s32 v4, v2;
	v3 =	vcvt.s32.f32 v3  }
0x253: {  	vm14 =	vlt.u32 v2, $0x8;
	vm13 =	veq.f32 v1, v0  }
0x254: {  	vm15 =	vgt.f32 v1, v0;
	vm1 =	vmand vm13, vm14;
	v1 =	vmul.f32 $5.000000000e-01, v3  }
0x255: {  	vm1 =	vmor vm15, vm1  }
0x256: {  	v1 =	vnsel vm1, $0x0, v1  }
0x257: {  	[tilespmem:v10+s8+$0x0] =	vst.idx.msk $0xffff, v1;
	v10 =	vld [tilespmem:$0x1F920];
	_ =	sdelay $0x7  }
0x258: {  	v1 =	vld.idx.msk [tilespmem:v10+s2+$0x0], $0xffff;
	_ =	sdelay $0x4  }
0x259: {  	v3 =	vmax.f32 v1, $0.0e+00  }
0x25a: {  	v3 =	vadd.f32 v3, v3;
	_ =	sdelay $0x1  }
0x25b: {  	v3 =	vmin.f32 v3, $1.500000000e+01  }
0x25c: {  	v3 =	vtrunc.f32 v3  }
0x25d: {  	v3 =	vcvt.f32.s32 v3  }
0x25e: {  	v4 =	vsel vm13, $0x1, v53  }
0x25f: {  	v2 =	vadd.s32 v4, v2;
	v3 =	vcvt.s32.f32 v3  }
0x260: {  	vm5 =	vlt.u32 v2, $0x8;
	vm4 =	veq.f32 v1, v0  }
0x261: {  	vm6 =	vgt.f32 v1, v0;
	vm1 =	vmand vm4, vm5;
	v1 =	vmul.f32 $5.000000000e-01, v3  }
0x262: {  	vm1 =	vmor vm6, vm1  }
0x263: {  	v1 =	vnsel vm1, $0x0, v1  }
0x264: {  	[tilespmem:v10+s8+$0x0] =	vst.idx.msk $0xffff, v1;
	v10 =	vld [tilespmem:$0x1F930];
	_ =	sdelay $0x7  }
0x265: {  	v1 =	vld.idx.msk [tilespmem:v10+s2+$0x0], $0xffff;
	_ =	sdelay $0x4  }
0x266: {  	v3 =	vmax.f32 v1, $0.0e+00  }
0x267: {  	v3 =	vadd.f32 v3, v3;
	_ =	sdelay $0x1  }
0x268: {  	v3 =	vmin.f32 v3, $1.500000000e+01  }
0x269: {  	v3 =	vtrunc.f32 v3  }
0x26a: {  	v3 =	vcvt.f32.s32 v3  }
0x26b: {  	v4 =	vsel vm4, $0x1, v53  }
0x26c: {  	v2 =	vadd.s32 v4, v2;
	v3 =	vcvt.s32.f32 v3  }
0x26d: {  	vm8 =	vlt.u32 v2, $0x8;
	vm7 =	veq.f32 v1, v0  }
0x26e: {  	vm9 =	vgt.f32 v1, v0;
	vm1 =	vmand vm7, vm8;
	v1 =	vmul.f32 $5.000000000e-01, v3  }
0x26f: {  	vm1 =	vmor vm9, vm1  }
0x270: {  	v1 =	vnsel vm1, $0x0, v1  }
0x271: {  	[tilespmem:v10+s8+$0x0] =	vst.idx.msk $0xffff, v1;
	v10 =	vld [tilespmem:$0x1F940];
	_ =	sdelay $0x7  }
0x272: {  	v1 =	vld.idx.msk [tilespmem:v10+s2+$0x0], $0xffff;
	_ =	sdelay $0x4  }
0x273: {  	v3 =	vmax.f32 v1, $0.0e+00  }
0x274: {  	v3 =	vadd.f32 v3, v3;
	_ =	sdelay $0x1  }
0x275: {  	v3 =	vmin.f32 v3, $1.500000000e+01  }
0x276: {  	v3 =	vtrunc.f32 v3  }
0x277: {  	v3 =	vcvt.f32.s32 v3  }
0x278: {  	v4 =	vsel vm7, $0x1, v53  }
0x279: {  	v2 =	vadd.s32 v4, v2;
	v3 =	vcvt.s32.f32 v3  }
0x27a: {  	vm11 =	vlt.u32 v2, $0x8;
	vm10 =	veq.f32 v1, v0  }
0x27b: {  	vm12 =	vgt.f32 v1, v0;
	vm1 =	vmand vm10, vm11;
	v1 =	vmul.f32 $5.000000000e-01, v3  }
0x27c: {  	vm1 =	vmor vm12, vm1  }
0x27d: {  	v1 =	vnsel vm1, $0x0, v1  }
0x27e: {  	[tilespmem:v10+s8+$0x0] =	vst.idx.msk $0xffff, v1;
	v10 =	vld [tilespmem:$0x1F950];
	_ =	sdelay $0x7  }
0x27f: {  	v1 =	vld.idx.msk [tilespmem:v10+s2+$0x0], $0xffff;
	_ =	sdelay $0x4  }
0x280: {  	v3 =	vmax.f32 v1, $0.0e+00  }
0x281: {  	v3 =	vadd.f32 v3, v3;
	_ =	sdelay $0x1  }
0x282: {  	v3 =	vmin.f32 v3, $1.500000000e+01  }
0x283: {  	v3 =	vtrunc.f32 v3  }
0x284: {  	v3 =	vcvt.f32.s32 v3  }
0x285: {  	v4 =	vsel vm10, $0x1, v53  }
0x286: {  	v2 =	vadd.s32 v4, v2;
	v3 =	vcvt.s32.f32 v3  }
0x287: {  	vm14 =	vlt.u32 v2, $0x8;
	vm13 =	veq.f32 v1, v0  }
0x288: {  	vm15 =	vgt.f32 v1, v0;
	vm1 =	vmand vm13, vm14;
	v1 =	vmul.f32 $5.000000000e-01, v3  }
0x289: {  	vm1 =	vmor vm15, vm1  }
0x28a: {  	v1 =	vnsel vm1, $0x0, v1  }
0x28b: {  	[tilespmem:v10+s8+$0x0] =	vst.idx.msk $0xffff, v1;
	v10 =	vld [tilespmem:$0x1F960];
	_ =	sdelay $0x7  }
0x28c: {  	v1 =	vld.idx.msk [tilespmem:v10+s2+$0x0], $0xffff;
	_ =	sdelay $0x4  }
0x28d: {  	v3 =	vmax.f32 v1, $0.0e+00  }
0x28e: {  	v3 =	vadd.f32 v3, v3;
	_ =	sdelay $0x1  }
0x28f: {  	v3 =	vmin.f32 v3, $1.500000000e+01  }
0x290: {  	v3 =	vtrunc.f32 v3  }
0x291: {  	v3 =	vcvt.f32.s32 v3  }
0x292: {  	v4 =	vsel vm13, $0x1, v53  }
0x293: {  	v2 =	vadd.s32 v4, v2;
	v3 =	vcvt.s32.f32 v3  }
0x294: {  	vm5 =	vlt.u32 v2, $0x8;
	vm4 =	veq.f32 v1, v0  }
0x295: {  	vm6 =	vgt.f32 v1, v0;
	vm1 =	vmand vm4, vm5;
	v1 =	vmul.f32 $5.000000000e-01, v3  }
0x296: {  	vm1 =	vmor vm6, vm1  }
0x297: {  	v1 =	vnsel vm1, $0x0, v1  }
0x298: {  	[tilespmem:v10+s8+$0x0] =	vst.idx.msk $0xffff, v1;
	v10 =	vld [tilespmem:$0x1F970];
	_ =	sdelay $0x7  }
0x299: {  	v1 =	vld.idx.msk [tilespmem:v10+s2+$0x0], $0xffff;
	_ =	sdelay $0x4  }
0x29a: {  	v3 =	vmax.f32 v1, $0.0e+00  }
0x29b: {  	v3 =	vadd.f32 v3, v3;
	_ =	sdelay $0x1  }
0x29c: {  	v3 =	vmin.f32 v3, $1.500000000e+01  }
0x29d: {  	v3 =	vtrunc.f32 v3  }
0x29e: {  	v3 =	vcvt.f32.s32 v3  }
0x29f: {  	v4 =	vsel vm4, $0x1, v53  }
0x2a0: {  	v2 =	vadd.s32 v4, v2;
	v3 =	vcvt.s32.f32 v3  }
0x2a1: {  	vm8 =	vlt.u32 v2, $0x8;
	vm7 =	veq.f32 v1, v0  }
0x2a2: {  	vm9 =	vgt.f32 v1, v0;
	vm1 =	vmand vm7, vm8;
	v1 =	vmul.f32 $5.000000000e-01, v3  }
0x2a3: {  	vm1 =	vmor vm9, vm1  }
0x2a4: {  	v1 =	vnsel vm1, $0x0, v1  }
0x2a5: {  	[tilespmem:v10+s8+$0x0] =	vst.idx.msk $0xffff, v1;
	v10 =	vld [tilespmem:$0x1F980];
	_ =	sdelay $0x7  }
0x2a6: {  	v1 =	vld.idx.msk [tilespmem:v10+s2+$0x0], $0xffff;
	_ =	sdelay $0x4  }
0x2a7: {  	v3 =	vmax.f32 v1, $0.0e+00  }
0x2a8: {  	v3 =	vadd.f32 v3, v3;
	_ =	sdelay $0x1  }
0x2a9: {  	v3 =	vmin.f32 v3, $1.500000000e+01  }
0x2aa: {  	v3 =	vtrunc.f32 v3  }
0x2ab: {  	v3 =	vcvt.f32.s32 v3  }
0x2ac: {  	v4 =	vsel vm7, $0x1, v53  }
0x2ad: {  	v2 =	vadd.s32 v4, v2;
	v3 =	vcvt.s32.f32 v3  }
0x2ae: {  	vm11 =	vlt.u32 v2, $0x8;
	vm10 =	veq.f32 v1, v0  }
0x2af: {  	vm12 =	vgt.f32 v1, v0;
	vm1 =	vmand vm10, vm11;
	v1 =	vmul.f32 $5.000000000e-01, v3  }
0x2b0: {  	vm1 =	vmor vm12, vm1  }
0x2b1: {  	v1 =	vnsel vm1, $0x0, v1  }
0x2b2: {  	[tilespmem:v10+s8+$0x0] =	vst.idx.msk $0xffff, v1;
	v10 =	vld [tilespmem:$0x1F990];
	_ =	sdelay $0x7  }
0x2b3: {  	v1 =	vld.idx.msk [tilespmem:v10+s2+$0x0], $0xffff;
	_ =	sdelay $0x4  }
0x2b4: {  	v3 =	vmax.f32 v1, $0.0e+00  }
0x2b5: {  	v3 =	vadd.f32 v3, v3;
	_ =	sdelay $0x1  }
0x2b6: {  	v3 =	vmin.f32 v3, $1.500000000e+01  }
0x2b7: {  	v3 =	vtrunc.f32 v3  }
0x2b8: {  	v3 =	vcvt.f32.s32 v3  }
0x2b9: {  	v4 =	vsel vm10, $0x1, v53  }
0x2ba: {  	v2 =	vadd.s32 v4, v2;
	v3 =	vcvt.s32.f32 v3  }
0x2bb: {  	vm14 =	vlt.u32 v2, $0x8;
	vm13 =	veq.f32 v1, v0  }
0x2bc: {  	vm15 =	vgt.f32 v1, v0;
	vm1 =	vmand vm13, vm14;
	v1 =	vmul.f32 $5.000000000e-01, v3  }
0x2bd: {  	vm1 =	vmor vm15, vm1  }
0x2be: {  	v1 =	vnsel vm1, $0x0, v1  }
0x2bf: {  	[tilespmem:v10+s8+$0x0] =	vst.idx.msk $0xffff, v1;
	v10 =	vld [tilespmem:$0x1F9A0];
	_ =	sdelay $0x7  }
0x2c0: {  	v1 =	vld.idx.msk [tilespmem:v10+s2+$0x0], $0xffff;
	_ =	sdelay $0x4  }
0x2c1: {  	v3 =	vmax.f32 v1, $0.0e+00  }
0x2c2: {  	v3 =	vadd.f32 v3, v3;
	_ =	sdelay $0x1  }
0x2c3: {  	v3 =	vmin.f32 v3, $1.500000000e+01  }
0x2c4: {  	v3 =	vtrunc.f32 v3  }
0x2c5: {  	v3 =	vcvt.f32.s32 v3  }
0x2c6: {  	v4 =	vsel vm13, $0x1, v53  }
0x2c7: {  	v2 =	vadd.s32 v4, v2;
	v3 =	vcvt.s32.f32 v3  }
0x2c8: {  	vm5 =	vlt.u32 v2, $0x8;
	vm4 =	veq.f32 v1, v0  }
0x2c9: {  	vm6 =	vgt.f32 v1, v0;
	vm1 =	vmand vm4, vm5;
	v1 =	vmul.f32 $5.000000000e-01, v3  }
0x2ca: {  	vm1 =	vmor vm6, vm1  }
0x2cb: {  	v1 =	vnsel vm1, $0x0, v1  }
0x2cc: {  	[tilespmem:v10+s8+$0x0] =	vst.idx.msk $0xffff, v1;
	v10 =	vld [tilespmem:$0x1F9B0];
	_ =	sdelay $0x7  }
0x2cd: {  	v1 =	vld.idx.msk [tilespmem:v10+s2+$0x0], $0xffff;
	_ =	sdelay $0x4  }
0x2ce: {  	v3 =	vmax.f32 v1, $0.0e+00  }
0x2cf: {  	v3 =	vadd.f32 v3, v3;
	_ =	sdelay $0x1  }
0x2d0: {  	v3 =	vmin.f32 v3, $1.500000000e+01  }
0x2d1: {  	v3 =	vtrunc.f32 v3  }
0x2d2: {  	v3 =	vcvt.f32.s32 v3  }
0x2d3: {  	v4 =	vsel vm4, $0x1, v53  }
0x2d4: {  	v2 =	vadd.s32 v4, v2;
	v3 =	vcvt.s32.f32 v3  }
0x2d5: {  	vm8 =	vlt.u32 v2, $0x8;
	vm7 =	veq.f32 v1, v0  }
0x2d6: {  	vm9 =	vgt.f32 v1, v0;
	vm1 =	vmand vm7, vm8;
	v1 =	vmul.f32 $5.000000000e-01, v3  }
0x2d7: {  	vm1 =	vmor vm9, vm1  }
0x2d8: {  	v1 =	vnsel vm1, $0x0, v1  }
0x2d9: {  	[tilespmem:v10+s8+$0x0] =	vst.idx.msk $0xffff, v1;
	v10 =	vld [tilespmem:$0x1F9C0];
	_ =	sdelay $0x7  }
0x2da: {  	v1 =	vld.idx.msk [tilespmem:v10+s2+$0x0], $0xffff;
	_ =	sdelay $0x4  }
0x2db: {  	v3 =	vmax.f32 v1, $0.0e+00  }
0x2dc: {  	v3 =	vadd.f32 v3, v3;
	_ =	sdelay $0x1  }
0x2dd: {  	v3 =	vmin.f32 v3, $1.500000000e+01  }
0x2de: {  	v3 =	vtrunc.f32 v3  }
0x2df: {  	v3 =	vcvt.f32.s32 v3  }
0x2e0: {  	v4 =	vsel vm7, $0x1, v53  }
0x2e1: {  	v2 =	vadd.s32 v4, v2;
	v3 =	vcvt.s32.f32 v3  }
0x2e2: {  	vm11 =	vlt.u32 v2, $0x8;
	vm10 =	veq.f32 v1, v0  }
0x2e3: {  	vm12 =	vgt.f32 v1, v0;
	vm1 =	vmand vm10, vm11;
	v1 =	vmul.f32 $5.000000000e-01, v3  }
0x2e4: {  	vm1 =	vmor vm12, vm1  }
0x2e5: {  	v1 =	vnsel vm1, $0x0, v1  }
0x2e6: {  	[tilespmem:v10+s8+$0x0] =	vst.idx.msk $0xffff, v1;
	v10 =	vld [tilespmem:$0x1F9D0];
	_ =	sdelay $0x7  }
0x2e7: {  	v1 =	vld.idx.msk [tilespmem:v10+s2+$0x0], $0xffff;
	_ =	sdelay $0x4  }
0x2e8: {  	v3 =	vmax.f32 v1, $0.0e+00  }
0x2e9: {  	v3 =	vadd.f32 v3, v3;
	_ =	sdelay $0x1  }
0x2ea: {  	v3 =	vmin.f32 v3, $1.500000000e+01  }
0x2eb: {  	v3 =	vtrunc.f32 v3  }
0x2ec: {  	v3 =	vcvt.f32.s32 v3  }
0x2ed: {  	v4 =	vsel vm10, $0x1, v53  }
0x2ee: {  	v2 =	vadd.s32 v4, v2;
	v3 =	vcvt.s32.f32 v3  }
0x2ef: {  	vm14 =	vlt.u32 v2, $0x8;
	vm13 =	veq.f32 v1, v0  }
0x2f0: {  	vm15 =	vgt.f32 v1, v0;
	vm1 =	vmand vm13, vm14;
	v1 =	vmul.f32 $5.000000000e-01, v3  }
0x2f1: {  	vm1 =	vmor vm15, vm1  }
0x2f2: {  	v1 =	vnsel vm1, $0x0, v1  }
0x2f3: {  	[tilespmem:v10+s8+$0x0] =	vst.idx.msk $0xffff, v1;
	v10 =	vld [tilespmem:$0x1F9E0];
	_ =	sdelay $0x7  }
0x2f4: {  	v1 =	vld.idx.msk [tilespmem:v10+s2+$0x0], $0xffff;
	_ =	sdelay $0x4  }
0x2f5: {  	v3 =	vmax.f32 v1, $0.0e+00  }
0x2f6: {  	v3 =	vadd.f32 v3, v3;
	_ =	sdelay $0x1  }
0x2f7: {  	v3 =	vmin.f32 v3, $1.500000000e+01  }
0x2f8: {  	v3 =	vtrunc.f32 v3  }
0x2f9: {  	v3 =	vcvt.f32.s32 v3  }
0x2fa: {  	v4 =	vsel vm13, $0x1, v53  }
0x2fb: {  	v2 =	vadd.s32 v4, v2;
	v3 =	vcvt.s32.f32 v3  }
0x2fc: {  	vm5 =	vlt.u32 v2, $0x8;
	vm4 =	veq.f32 v1, v0  }
0x2fd: {  	vm6 =	vgt.f32 v1, v0;
	vm1 =	vmand vm4, vm5;
	v1 =	vmul.f32 $5.000000000e-01, v3  }
0x2fe: {  	vm1 =	vmor vm6, vm1  }
0x2ff: {  	v1 =	vnsel vm1, $0x0, v1  }
0x300: {  	[tilespmem:v10+s8+$0x0] =	vst.idx.msk $0xffff, v1;
	v10 =	vld [tilespmem:$0x1F9F0];
	_ =	sdelay $0x7  }
0x301: {  	v1 =	vld.idx.msk [tilespmem:v10+s2+$0x0], $0xffff;
	_ =	sdelay $0x4  }
0x302: {  	v3 =	vmax.f32 v1, $0.0e+00  }
0x303: {  	v3 =	vadd.f32 v3, v3;
	_ =	sdelay $0x1  }
0x304: {  	v3 =	vmin.f32 v3, $1.500000000e+01  }
0x305: {  	v3 =	vtrunc.f32 v3  }
0x306: {  	v3 =	vcvt.f32.s32 v3  }
0x307: {  	v4 =	vsel vm4, $0x1, v53  }
0x308: {  	v2 =	vadd.s32 v4, v2;
	v3 =	vcvt.s32.f32 v3  }
0x309: {  	vm8 =	vlt.u32 v2, $0x8;
	vm7 =	veq.f32 v1, v0  }
0x30a: {  	vm9 =	vgt.f32 v1, v0;
	vm1 =	vmand vm7, vm8;
	v1 =	vmul.f32 $5.000000000e-01, v3  }
0x30b: {  	vm1 =	vmor vm9, vm1  }
0x30c: {  	v1 =	vnsel vm1, $0x0, v1  }
0x30d: {  	[tilespmem:v10+s8+$0x0] =	vst.idx.msk $0xffff, v1;
	v10 =	vld [tilespmem:$0x1FA00];
	_ =	sdelay $0x7  }
0x30e: {  	v1 =	vld.idx.msk [tilespmem:v10+s2+$0x0], $0xffff;
	_ =	sdelay $0x4  }
0x30f: {  	v3 =	vmax.f32 v1, $0.0e+00  }
0x310: {  	v3 =	vadd.f32 v3, v3;
	_ =	sdelay $0x1  }
0x311: {  	v3 =	vmin.f32 v3, $1.500000000e+01  }
0x312: {  	v3 =	vtrunc.f32 v3  }
0x313: {  	v3 =	vcvt.f32.s32 v3  }
0x314: {  	v4 =	vsel vm7, $0x1, v53  }
0x315: {  	v2 =	vadd.s32 v4, v2;
	v3 =	vcvt.s32.f32 v3  }
0x316: {  	vm11 =	vlt.u32 v2, $0x8;
	vm10 =	veq.f32 v1, v0  }
0x317: {  	vm12 =	vgt.f32 v1, v0;
	vm1 =	vmand vm10, vm11;
	v1 =	vmul.f32 $5.000000000e-01, v3  }
0x318: {  	vm1 =	vmor vm12, vm1  }
0x319: {  	v1 =	vnsel vm1, $0x0, v1  }
0x31a: {  	[tilespmem:v10+s8+$0x0] =	vst.idx.msk $0xffff, v1;
	v10 =	vld [tilespmem:$0x1FA10];
	_ =	sdelay $0x7  }
0x31b: {  	v1 =	vld.idx.msk [tilespmem:v10+s2+$0x0], $0xffff;
	_ =	sdelay $0x4  }
0x31c: {  	v3 =	vmax.f32 v1, $0.0e+00  }
0x31d: {  	v3 =	vadd.f32 v3, v3;
	_ =	sdelay $0x1  }
0x31e: {  	v3 =	vmin.f32 v3, $1.500000000e+01  }
0x31f: {  	v3 =	vtrunc.f32 v3  }
0x320: {  	v3 =	vcvt.f32.s32 v3  }
0x321: {  	v4 =	vsel vm10, $0x1, v53  }
0x322: {  	v2 =	vadd.s32 v4, v2;
	v3 =	vcvt.s32.f32 v3  }
0x323: {  	vm14 =	vlt.u32 v2, $0x8;
	vm13 =	veq.f32 v1, v0  }
0x324: {  	vm15 =	vgt.f32 v1, v0;
	vm1 =	vmand vm13, vm14;
	v1 =	vmul.f32 $5.000000000e-01, v3  }
0x325: {  	vm1 =	vmor vm15, vm1  }
0x326: {  	v1 =	vnsel vm1, $0x0, v1  }
0x327: {  	[tilespmem:v10+s8+$0x0] =	vst.idx.msk $0xffff, v1;
	v10 =	vld [tilespmem:$0x1FA20];
	_ =	sdelay $0x7  }
0x328: {  	v1 =	vld.idx.msk [tilespmem:v10+s2+$0x0], $0xffff;
	_ =	sdelay $0x4  }
0x329: {  	v3 =	vmax.f32 v1, $0.0e+00  }
0x32a: {  	v3 =	vadd.f32 v3, v3;
	_ =	sdelay $0x1  }
0x32b: {  	v3 =	vmin.f32 v3, $1.500000000e+01  }
0x32c: {  	v3 =	vtrunc.f32 v3  }
0x32d: {  	v3 =	vcvt.f32.s32 v3  }
0x32e: {  	v4 =	vsel vm13, $0x1, v53  }
0x32f: {  	v2 =	vadd.s32 v4, v2;
	v3 =	vcvt.s32.f32 v3  }
0x330: {  	vm5 =	vlt.u32 v2, $0x8;
	vm4 =	veq.f32 v1, v0  }
0x331: {  	vm6 =	vgt.f32 v1, v0;
	vm1 =	vmand vm4, vm5;
	v1 =	vmul.f32 $5.000000000e-01, v3  }
0x332: {  	vm1 =	vmor vm6, vm1  }
0x333: {  	v1 =	vnsel vm1, $0x0, v1  }
0x334: {  	[tilespmem:v10+s8+$0x0] =	vst.idx.msk $0xffff, v1;
	v10 =	vld [tilespmem:$0x1FA30];
	_ =	sdelay $0x7  }
0x335: {  	v1 =	vld.idx.msk [tilespmem:v10+s2+$0x0], $0xffff;
	_ =	sdelay $0x4  }
0x336: {  	v3 =	vmax.f32 v1, $0.0e+00  }
0x337: {  	v3 =	vadd.f32 v3, v3;
	_ =	sdelay $0x1  }
0x338: {  	v3 =	vmin.f32 v3, $1.500000000e+01  }
0x339: {  	v3 =	vtrunc.f32 v3  }
0x33a: {  	v3 =	vcvt.f32.s32 v3  }
0x33b: {  	v4 =	vsel vm4, $0x1, v53  }
0x33c: {  	v2 =	vadd.s32 v4, v2;
	v3 =	vcvt.s32.f32 v3  }
0x33d: {  	vm8 =	vlt.u32 v2, $0x8;
	vm7 =	veq.f32 v1, v0  }
0x33e: {  	vm9 =	vgt.f32 v1, v0;
	vm1 =	vmand vm7, vm8;
	v1 =	vmul.f32 $5.000000000e-01, v3  }
0x33f: {  	vm1 =	vmor vm9, vm1  }
0x340: {  	v1 =	vnsel vm1, $0x0, v1  }
0x341: {  	[tilespmem:v10+s8+$0x0] =	vst.idx.msk $0xffff, v1;
	v10 =	vld [tilespmem:$0x1FA40];
	_ =	sdelay $0x7  }
0x342: {  	v1 =	vld.idx.msk [tilespmem:v10+s2+$0x0], $0xffff;
	_ =	sdelay $0x4  }
0x343: {  	v3 =	vmax.f32 v1, $0.0e+00  }
0x344: {  	v3 =	vadd.f32 v3, v3;
	_ =	sdelay $0x1  }
0x345: {  	v3 =	vmin.f32 v3, $1.500000000e+01  }
0x346: {  	v3 =	vtrunc.f32 v3  }
0x347: {  	v3 =	vcvt.f32.s32 v3  }
0x348: {  	v4 =	vsel vm7, $0x1, v53  }
0x349: {  	v2 =	vadd.s32 v4, v2;
	v3 =	vcvt.s32.f32 v3  }
0x34a: {  	vm11 =	vlt.u32 v2, $0x8;
	vm10 =	veq.f32 v1, v0  }
0x34b: {  	vm12 =	vgt.f32 v1, v0;
	vm1 =	vmand vm10, vm11;
	v1 =	vmul.f32 $5.000000000e-01, v3  }
0x34c: {  	vm1 =	vmor vm12, vm1  }
0x34d: {  	v1 =	vnsel vm1, $0x0, v1  }
0x34e: {  	[tilespmem:v10+s8+$0x0] =	vst.idx.msk $0xffff, v1;
	v10 =	vld [tilespmem:$0x1FA50];
	_ =	sdelay $0x7  }
0x34f: {  	v1 =	vld.idx.msk [tilespmem:v10+s2+$0x0], $0xffff;
	_ =	sdelay $0x4  }
0x350: {  	v3 =	vmax.f32 v1, $0.0e+00  }
0x351: {  	v3 =	vadd.f32 v3, v3;
	_ =	sdelay $0x1  }
0x352: {  	v3 =	vmin.f32 v3, $1.500000000e+01  }
0x353: {  	v3 =	vtrunc.f32 v3  }
0x354: {  	v3 =	vcvt.f32.s32 v3  }
0x355: {  	v4 =	vsel vm10, $0x1, v53  }
0x356: {  	v2 =	vadd.s32 v4, v2;
	v3 =	vcvt.s32.f32 v3  }
0x357: {  	vm14 =	vlt.u32 v2, $0x8;
	vm13 =	veq.f32 v1, v0  }
0x358: {  	vm15 =	vgt.f32 v1, v0;
	vm1 =	vmand vm13, vm14;
	v1 =	vmul.f32 $5.000000000e-01, v3  }
0x359: {  	vm1 =	vmor vm15, vm1  }
0x35a: {  	v1 =	vnsel vm1, $0x0, v1  }
0x35b: {  	[tilespmem:v10+s8+$0x0] =	vst.idx.msk $0xffff, v1;
	v10 =	vld [tilespmem:$0x1FA60];
	_ =	sdelay $0x7  }
0x35c: {  	v1 =	vld.idx.msk [tilespmem:v10+s2+$0x0], $0xffff;
	_ =	sdelay $0x4  }
0x35d: {  	v3 =	vmax.f32 v1, $0.0e+00  }
0x35e: {  	v3 =	vadd.f32 v3, v3;
	_ =	sdelay $0x1  }
0x35f: {  	v3 =	vmin.f32 v3, $1.500000000e+01  }
0x360: {  	v3 =	vtrunc.f32 v3  }
0x361: {  	v3 =	vcvt.f32.s32 v3  }
0x362: {  	v4 =	vsel vm13, $0x1, v53  }
0x363: {  	v2 =	vadd.s32 v4, v2;
	v3 =	vcvt.s32.f32 v3  }
0x364: {  	vm5 =	vlt.u32 v2, $0x8;
	vm4 =	veq.f32 v1, v0  }
0x365: {  	vm6 =	vgt.f32 v1, v0;
	vm1 =	vmand vm4, vm5;
	v1 =	vmul.f32 $5.000000000e-01, v3  }
0x366: {  	vm1 =	vmor vm6, vm1  }
0x367: {  	v1 =	vnsel vm1, $0x0, v1  }
0x368: {  	[tilespmem:v10+s8+$0x0] =	vst.idx.msk $0xffff, v1;
	v10 =	vld [tilespmem:$0x1FA70];
	_ =	sdelay $0x7  }
0x369: {  	v1 =	vld.idx.msk [tilespmem:v10+s2+$0x0], $0xffff;
	_ =	sdelay $0x4  }
0x36a: {  	v3 =	vmax.f32 v1, $0.0e+00  }
0x36b: {  	v3 =	vadd.f32 v3, v3;
	_ =	sdelay $0x1  }
0x36c: {  	v3 =	vmin.f32 v3, $1.500000000e+01  }
0x36d: {  	v3 =	vtrunc.f32 v3  }
0x36e: {  	v3 =	vcvt.f32.s32 v3  }
0x36f: {  	v4 =	vsel vm4, $0x1, v53  }
0x370: {  	v2 =	vadd.s32 v4, v2;
	v3 =	vcvt.s32.f32 v3  }
0x371: {  	vm8 =	vlt.u32 v2, $0x8;
	vm7 =	veq.f32 v1, v0  }
0x372: {  	vm9 =	vgt.f32 v1, v0;
	vm1 =	vmand vm7, vm8;
	v1 =	vmul.f32 $5.000000000e-01, v3  }
0x373: {  	vm1 =	vmor vm9, vm1  }
0x374: {  	v1 =	vnsel vm1, $0x0, v1  }
0x375: {  	[tilespmem:v10+s8+$0x0] =	vst.idx.msk $0xffff, v1;
	v10 =	vld [tilespmem:$0x1FA80];
	_ =	sdelay $0x7  }
0x376: {  	v1 =	vld.idx.msk [tilespmem:v10+s2+$0x0], $0xffff;
	_ =	sdelay $0x4  }
0x377: {  	v3 =	vmax.f32 v1, $0.0e+00  }
0x378: {  	v3 =	vadd.f32 v3, v3;
	_ =	sdelay $0x1  }
0x379: {  	v3 =	vmin.f32 v3, $1.500000000e+01  }
0x37a: {  	v3 =	vtrunc.f32 v3  }
0x37b: {  	v3 =	vcvt.f32.s32 v3  }
0x37c: {  	v4 =	vsel vm7, $0x1, v53  }
0x37d: {  	v2 =	vadd.s32 v4, v2;
	v3 =	vcvt.s32.f32 v3  }
0x37e: {  	vm11 =	vlt.u32 v2, $0x8;
	vm10 =	veq.f32 v1, v0  }
0x37f: {  	vm12 =	vgt.f32 v1, v0;
	vm1 =	vmand vm10, vm11;
	v1 =	vmul.f32 $5.000000000e-01, v3  }
0x380: {  	vm1 =	vmor vm12, vm1  }
0x381: {  	v1 =	vnsel vm1, $0x0, v1  }
0x382: {  	[tilespmem:v10+s8+$0x0] =	vst.idx.msk $0xffff, v1;
	v10 =	vld [tilespmem:$0x1FA90];
	_ =	sdelay $0x7  }
0x383: {  	v1 =	vld.idx.msk [tilespmem:v10+s2+$0x0], $0xffff;
	_ =	sdelay $0x4  }
0x384: {  	v3 =	vmax.f32 v1, $0.0e+00  }
0x385: {  	v3 =	vadd.f32 v3, v3;
	_ =	sdelay $0x1  }
0x386: {  	v3 =	vmin.f32 v3, $1.500000000e+01  }
0x387: {  	v3 =	vtrunc.f32 v3  }
0x388: {  	v3 =	vcvt.f32.s32 v3  }
0x389: {  	v4 =	vsel vm10, $0x1, v53  }
0x38a: {  	v2 =	vadd.s32 v4, v2;
	v3 =	vcvt.s32.f32 v3  }
0x38b: {  	vm14 =	vlt.u32 v2, $0x8;
	vm13 =	veq.f32 v1, v0  }
0x38c: {  	vm15 =	vgt.f32 v1, v0;
	vm1 =	vmand vm13, vm14;
	v1 =	vmul.f32 $5.000000000e-01, v3  }
0x38d: {  	vm1 =	vmor vm15, vm1  }
0x38e: {  	v1 =	vnsel vm1, $0x0, v1  }
0x38f: {  	[tilespmem:v10+s8+$0x0] =	vst.idx.msk $0xffff, v1;
	v10 =	vld [tilespmem:$0x1FAA0];
	_ =	sdelay $0x7  }
0x390: {  	v1 =	vld.idx.msk [tilespmem:v10+s2+$0x0], $0xffff;
	_ =	sdelay $0x4  }
0x391: {  	v3 =	vmax.f32 v1, $0.0e+00  }
0x392: {  	v3 =	vadd.f32 v3, v3;
	_ =	sdelay $0x1  }
0x393: {  	v3 =	vmin.f32 v3, $1.500000000e+01  }
0x394: {  	v3 =	vtrunc.f32 v3  }
0x395: {  	v3 =	vcvt.f32.s32 v3  }
0x396: {  	v4 =	vsel vm13, $0x1, v53  }
0x397: {  	v2 =	vadd.s32 v4, v2;
	v3 =	vcvt.s32.f32 v3  }
0x398: {  	vm5 =	vlt.u32 v2, $0x8;
	vm4 =	veq.f32 v1, v0  }
0x399: {  	vm6 =	vgt.f32 v1, v0;
	vm1 =	vmand vm4, vm5;
	v1 =	vmul.f32 $5.000000000e-01, v3  }
0x39a: {  	vm1 =	vmor vm6, vm1  }
0x39b: {  	v1 =	vnsel vm1, $0x0, v1  }
0x39c: {  	[tilespmem:v10+s8+$0x0] =	vst.idx.msk $0xffff, v1;
	v10 =	vld [tilespmem:$0x1FAB0];
	_ =	sdelay $0x7  }
0x39d: {  	v1 =	vld.idx.msk [tilespmem:v10+s2+$0x0], $0xffff;
	_ =	sdelay $0x4  }
0x39e: {  	v3 =	vmax.f32 v1, $0.0e+00  }
0x39f: {  	v3 =	vadd.f32 v3, v3;
	_ =	sdelay $0x1  }
0x3a0: {  	v3 =	vmin.f32 v3, $1.500000000e+01  }
0x3a1: {  	v3 =	vtrunc.f32 v3  }
0x3a2: {  	v3 =	vcvt.f32.s32 v3  }
0x3a3: {  	v4 =	vsel vm4, $0x1, v53  }
0x3a4: {  	v2 =	vadd.s32 v4, v2;
	v3 =	vcvt.s32.f32 v3  }
0x3a5: {  	vm8 =	vlt.u32 v2, $0x8;
	vm7 =	veq.f32 v1, v0  }
0x3a6: {  	vm9 =	vgt.f32 v1, v0;
	vm1 =	vmand vm7, vm8;
	v1 =	vmul.f32 $5.000000000e-01, v3  }
0x3a7: {  	vm1 =	vmor vm9, vm1  }
0x3a8: {  	v1 =	vnsel vm1, $0x0, v1  }
0x3a9: {  	[tilespmem:v10+s8+$0x0] =	vst.idx.msk $0xffff, v1;
	v10 =	vld [tilespmem:$0x1FAC0];
	_ =	sdelay $0x7  }
0x3aa: {  	v1 =	vld.idx.msk [tilespmem:v10+s2+$0x0], $0xffff;
	_ =	sdelay $0x4  }
0x3ab: {  	v3 =	vmax.f32 v1, $0.0e+00  }
0x3ac: {  	v3 =	vadd.f32 v3, v3;
	_ =	sdelay $0x1  }
0x3ad: {  	v3 =	vmin.f32 v3, $1.500000000e+01  }
0x3ae: {  	v3 =	vtrunc.f32 v3  }
0x3af: {  	v3 =	vcvt.f32.s32 v3  }
0x3b0: {  	v4 =	vsel vm7, $0x1, v53  }
0x3b1: {  	v2 =	vadd.s32 v4, v2;
	v3 =	vcvt.s32.f32 v3  }
0x3b2: {  	vm11 =	vlt.u32 v2, $0x8;
	vm10 =	veq.f32 v1, v0  }
0x3b3: {  	vm12 =	vgt.f32 v1, v0;
	vm1 =	vmand vm10, vm11;
	v1 =	vmul.f32 $5.000000000e-01, v3  }
0x3b4: {  	vm1 =	vmor vm12, vm1  }
0x3b5: {  	v1 =	vnsel vm1, $0x0, v1  }
0x3b6: {  	[tilespmem:v10+s8+$0x0] =	vst.idx.msk $0xffff, v1;
	v10 =	vld [tilespmem:$0x1FAD0];
	_ =	sdelay $0x7  }
0x3b7: {  	v1 =	vld.idx.msk [tilespmem:v10+s2+$0x0], $0xffff;
	_ =	sdelay $0x4  }
0x3b8: {  	v3 =	vmax.f32 v1, $0.0e+00  }
0x3b9: {  	v3 =	vadd.f32 v3, v3;
	_ =	sdelay $0x1  }
0x3ba: {  	v3 =	vmin.f32 v3, $1.500000000e+01  }
0x3bb: {  	v3 =	vtrunc.f32 v3  }
0x3bc: {  	v3 =	vcvt.f32.s32 v3  }
0x3bd: {  	v4 =	vsel vm10, $0x1, v53  }
0x3be: {  	v2 =	vadd.s32 v4, v2;
	v3 =	vcvt.s32.f32 v3  }
0x3bf: {  	vm14 =	vlt.u32 v2, $0x8;
	vm13 =	veq.f32 v1, v0  }
0x3c0: {  	vm15 =	vgt.f32 v1, v0;
	vm1 =	vmand vm13, vm14;
	v1 =	vmul.f32 $5.000000000e-01, v3  }
0x3c1: {  	vm1 =	vmor vm15, vm1  }
0x3c2: {  	v1 =	vnsel vm1, $0x0, v1  }
0x3c3: {  	[tilespmem:v10+s8+$0x0] =	vst.idx.msk $0xffff, v1;
	v10 =	vld [tilespmem:$0x1FAE0];
	_ =	sdelay $0x7  }
0x3c4: {  	v1 =	vld.idx.msk [tilespmem:v10+s2+$0x0], $0xffff;
	_ =	sdelay $0x4  }
0x3c5: {  	v3 =	vmax.f32 v1, $0.0e+00  }
0x3c6: {  	v3 =	vadd.f32 v3, v3;
	_ =	sdelay $0x1  }
0x3c7: {  	v3 =	vmin.f32 v3, $1.500000000e+01  }
0x3c8: {  	v3 =	vtrunc.f32 v3  }
0x3c9: {  	v3 =	vcvt.f32.s32 v3  }
0x3ca: {  	v4 =	vsel vm13, $0x1, v53  }
0x3cb: {  	v2 =	vadd.s32 v4, v2;
	v3 =	vcvt.s32.f32 v3  }
0x3cc: {  	vm5 =	vlt.u32 v2, $0x8;
	vm4 =	veq.f32 v1, v0  }
0x3cd: {  	vm6 =	vgt.f32 v1, v0;
	vm1 =	vmand vm4, vm5;
	v1 =	vmul.f32 $5.000000000e-01, v3  }
0x3ce: {  	vm1 =	vmor vm6, vm1  }
0x3cf: {  	v1 =	vnsel vm1, $0x0, v1  }
0x3d0: {  	[tilespmem:v10+s8+$0x0] =	vst.idx.msk $0xffff, v1;
	v10 =	vld [tilespmem:$0x1FAF0];
	_ =	sdelay $0x7  }
0x3d1: {  	v1 =	vld.idx.msk [tilespmem:v10+s2+$0x0], $0xffff;
	_ =	sdelay $0x4  }
0x3d2: {  	v3 =	vmax.f32 v1, $0.0e+00  }
0x3d3: {  	v3 =	vadd.f32 v3, v3;
	_ =	sdelay $0x1  }
0x3d4: {  	v3 =	vmin.f32 v3, $1.500000000e+01  }
0x3d5: {  	v3 =	vtrunc.f32 v3  }
0x3d6: {  	v3 =	vcvt.f32.s32 v3  }
0x3d7: {  	v4 =	vsel vm4, $0x1, v53  }
0x3d8: {  	v2 =	vadd.s32 v4, v2;
	v3 =	vcvt.s32.f32 v3  }
0x3d9: {  	vm8 =	vlt.u32 v2, $0x8;
	vm7 =	veq.f32 v1, v0  }
0x3da: {  	vm9 =	vgt.f32 v1, v0;
	vm1 =	vmand vm7, vm8;
	v1 =	vmul.f32 $5.000000000e-01, v3  }
0x3db: {  	vm1 =	vmor vm9, vm1  }
0x3dc: {  	v1 =	vnsel vm1, $0x0, v1  }
0x3dd: {  	[tilespmem:v10+s8+$0x0] =	vst.idx.msk $0xffff, v1;
	v10 =	vld [tilespmem:$0x1FB00];
	_ =	sdelay $0x7  }
0x3de: {  	v1 =	vld.idx.msk [tilespmem:v10+s2+$0x0], $0xffff;
	_ =	sdelay $0x4  }
0x3df: {  	v3 =	vmax.f32 v1, $0.0e+00  }
0x3e0: {  	v3 =	vadd.f32 v3, v3;
	_ =	sdelay $0x1  }
0x3e1: {  	v3 =	vmin.f32 v3, $1.500000000e+01  }
0x3e2: {  	v3 =	vtrunc.f32 v3  }
0x3e3: {  	v3 =	vcvt.f32.s32 v3  }
0x3e4: {  	v4 =	vsel vm7, $0x1, v53  }
0x3e5: {  	v2 =	vadd.s32 v4, v2;
	v3 =	vcvt.s32.f32 v3  }
0x3e6: {  	vm11 =	vlt.u32 v2, $0x8;
	vm10 =	veq.f32 v1, v0  }
0x3e7: {  	vm12 =	vgt.f32 v1, v0;
	vm1 =	vmand vm10, vm11;
	v1 =	vmul.f32 $5.000000000e-01, v3  }
0x3e8: {  	vm1 =	vmor vm12, vm1  }
0x3e9: {  	v1 =	vnsel vm1, $0x0, v1  }
0x3ea: {  	[tilespmem:v10+s8+$0x0] =	vst.idx.msk $0xffff, v1;
	v10 =	vld [tilespmem:$0x1FB10];
	_ =	sdelay $0x7  }
0x3eb: {  	v1 =	vld.idx.msk [tilespmem:v10+s2+$0x0], $0xffff;
	_ =	sdelay $0x4  }
0x3ec: {  	v3 =	vmax.f32 v1, $0.0e+00  }
0x3ed: {  	v3 =	vadd.f32 v3, v3;
	_ =	sdelay $0x1  }
0x3ee: {  	v3 =	vmin.f32 v3, $1.500000000e+01  }
0x3ef: {  	v3 =	vtrunc.f32 v3  }
0x3f0: {  	v3 =	vcvt.f32.s32 v3  }
0x3f1: {  	v4 =	vsel vm10, $0x1, v53  }
0x3f2: {  	v2 =	vadd.s32 v4, v2;
	v3 =	vcvt.s32.f32 v3  }
0x3f3: {  	vm14 =	vlt.u32 v2, $0x8;
	vm13 =	veq.f32 v1, v0  }
0x3f4: {  	vm15 =	vgt.f32 v1, v0;
	vm1 =	vmand vm13, vm14;
	v1 =	vmul.f32 $5.000000000e-01, v3  }
0x3f5: {  	vm1 =	vmor vm15, vm1  }
0x3f6: {  	v1 =	vnsel vm1, $0x0, v1  }
0x3f7: {  	[tilespmem:v10+s8+$0x0] =	vst.idx.msk $0xffff, v1;
	v10 =	vld [tilespmem:$0x1FB20];
	_ =	sdelay $0x7  }
0x3f8: {  	v1 =	vld.idx.msk [tilespmem:v10+s2+$0x0], $0xffff;
	_ =	sdelay $0x4  }
0x3f9: {  	v3 =	vmax.f32 v1, $0.0e+00  }
0x3fa: {  	v3 =	vadd.f32 v3, v3;
	_ =	sdelay $0x1  }
0x3fb: {  	v3 =	vmin.f32 v3, $1.500000000e+01  }
0x3fc: {  	v3 =	vtrunc.f32 v3  }
0x3fd: {  	v3 =	vcvt.f32.s32 v3  }
0x3fe: {  	v4 =	vsel vm13, $0x1, v53  }
0x3ff: {  	v2 =	vadd.s32 v4, v2;
	v3 =	vcvt.s32.f32 v3  }
0x400: {  	vm5 =	vlt.u32 v2, $0x8;
	vm4 =	veq.f32 v1, v0  }
0x401: {  	vm6 =	vgt.f32 v1, v0;
	vm1 =	vmand vm4, vm5;
	v1 =	vmul.f32 $5.000000000e-01, v3  }
0x402: {  	vm1 =	vmor vm6, vm1  }
0x403: {  	v1 =	vnsel vm1, $0x0, v1  }
0x404: {  	[tilespmem:v10+s8+$0x0] =	vst.idx.msk $0xffff, v1;
	v10 =	vld [tilespmem:$0x1FB30];
	_ =	sdelay $0x7  }
0x405: {  	v1 =	vld.idx.msk [tilespmem:v10+s2+$0x0], $0xffff;
	_ =	sdelay $0x4  }
0x406: {  	v3 =	vmax.f32 v1, $0.0e+00  }
0x407: {  	v3 =	vadd.f32 v3, v3;
	_ =	sdelay $0x1  }
0x408: {  	v3 =	vmin.f32 v3, $1.500000000e+01  }
0x409: {  	v3 =	vtrunc.f32 v3  }
0x40a: {  	v3 =	vcvt.f32.s32 v3  }
0x40b: {  	v4 =	vsel vm4, $0x1, v53  }
0x40c: {  	v2 =	vadd.s32 v4, v2;
	v3 =	vcvt.s32.f32 v3  }
0x40d: {  	vm8 =	vlt.u32 v2, $0x8;
	vm7 =	veq.f32 v1, v0  }
0x40e: {  	vm9 =	vgt.f32 v1, v0;
	vm1 =	vmand vm7, vm8;
	v1 =	vmul.f32 $5.000000000e-01, v3  }
0x40f: {  	vm1 =	vmor vm9, vm1  }
0x410: {  	v1 =	vnsel vm1, $0x0, v1  }
0x411: {  	[tilespmem:v10+s8+$0x0] =	vst.idx.msk $0xffff, v1;
	v10 =	vld [tilespmem:$0x1FB40];
	_ =	sdelay $0x7  }
0x412: {  	v1 =	vld.idx.msk [tilespmem:v10+s2+$0x0], $0xffff;
	_ =	sdelay $0x4  }
0x413: {  	v3 =	vmax.f32 v1, $0.0e+00  }
0x414: {  	v3 =	vadd.f32 v3, v3;
	_ =	sdelay $0x1  }
0x415: {  	v3 =	vmin.f32 v3, $1.500000000e+01  }
0x416: {  	v3 =	vtrunc.f32 v3  }
0x417: {  	v3 =	vcvt.f32.s32 v3  }
0x418: {  	v4 =	vsel vm7, $0x1, v53  }
0x419: {  	v2 =	vadd.s32 v4, v2;
	v3 =	vcvt.s32.f32 v3  }
0x41a: {  	vm11 =	vlt.u32 v2, $0x8;
	vm10 =	veq.f32 v1, v0  }
0x41b: {  	vm12 =	vgt.f32 v1, v0;
	vm1 =	vmand vm10, vm11;
	v1 =	vmul.f32 $5.000000000e-01, v3  }
0x41c: {  	vm1 =	vmor vm12, vm1  }
0x41d: {  	v1 =	vnsel vm1, $0x0, v1  }
0x41e: {  	[tilespmem:v10+s8+$0x0] =	vst.idx.msk $0xffff, v1;
	v10 =	vld [tilespmem:$0x1FB50];
	_ =	sdelay $0x7  }
0x41f: {  	v1 =	vld.idx.msk [tilespmem:v10+s2+$0x0], $0xffff;
	_ =	sdelay $0x4  }
0x420: {  	v3 =	vmax.f32 v1, $0.0e+00  }
0x421: {  	v3 =	vadd.f32 v3, v3;
	_ =	sdelay $0x1  }
0x422: {  	v3 =	vmin.f32 v3, $1.500000000e+01  }
0x423: {  	v3 =	vtrunc.f32 v3  }
0x424: {  	v3 =	vcvt.f32.s32 v3  }
0x425: {  	v4 =	vsel vm10, $0x1, v53  }
0x426: {  	v2 =	vadd.s32 v4, v2;
	v3 =	vcvt.s32.f32 v3  }
0x427: {  	vm14 =	vlt.u32 v2, $0x8;
	vm13 =	veq.f32 v1, v0  }
0x428: {  	vm15 =	vgt.f32 v1, v0;
	vm1 =	vmand vm13, vm14;
	v1 =	vmul.f32 $5.000000000e-01, v3  }
0x429: {  	vm1 =	vmor vm15, vm1  }
0x42a: {  	v1 =	vnsel vm1, $0x0, v1  }
0x42b: {  	[tilespmem:v10+s8+$0x0] =	vst.idx.msk $0xffff, v1;
	v10 =	vld [tilespmem:$0x1FB60];
	_ =	sdelay $0x7  }
0x42c: {  	v1 =	vld.idx.msk [tilespmem:v10+s2+$0x0], $0xffff;
	_ =	sdelay $0x4  }
0x42d: {  	v3 =	vmax.f32 v1, $0.0e+00  }
0x42e: {  	v3 =	vadd.f32 v3, v3;
	_ =	sdelay $0x1  }
0x42f: {  	v3 =	vmin.f32 v3, $1.500000000e+01  }
0x430: {  	v3 =	vtrunc.f32 v3  }
0x431: {  	v3 =	vcvt.f32.s32 v3  }
0x432: {  	v4 =	vsel vm13, $0x1, v53  }
0x433: {  	v2 =	vadd.s32 v4, v2;
	v3 =	vcvt.s32.f32 v3  }
0x434: {  	vm5 =	vlt.u32 v2, $0x8;
	vm4 =	veq.f32 v1, v0  }
0x435: {  	vm6 =	vgt.f32 v1, v0;
	vm1 =	vmand vm4, vm5;
	v1 =	vmul.f32 $5.000000000e-01, v3  }
0x436: {  	vm1 =	vmor vm6, vm1  }
0x437: {  	v1 =	vnsel vm1, $0x0, v1  }
0x438: {  	[tilespmem:v10+s8+$0x0] =	vst.idx.msk $0xffff, v1;
	v10 =	vld [tilespmem:$0x1FB70];
	_ =	sdelay $0x7  }
0x439: {  	v1 =	vld.idx.msk [tilespmem:v10+s2+$0x0], $0xffff;
	_ =	sdelay $0x4  }
0x43a: {  	v3 =	vmax.f32 v1, $0.0e+00  }
0x43b: {  	v3 =	vadd.f32 v3, v3;
	_ =	sdelay $0x1  }
0x43c: {  	v3 =	vmin.f32 v3, $1.500000000e+01  }
0x43d: {  	v3 =	vtrunc.f32 v3  }
0x43e: {  	v3 =	vcvt.f32.s32 v3  }
0x43f: {  	v4 =	vsel vm4, $0x1, v53  }
0x440: {  	v2 =	vadd.s32 v4, v2;
	v3 =	vcvt.s32.f32 v3  }
0x441: {  	vm8 =	vlt.u32 v2, $0x8;
	vm7 =	veq.f32 v1, v0  }
0x442: {  	vm9 =	vgt.f32 v1, v0;
	vm1 =	vmand vm7, vm8;
	v1 =	vmul.f32 $5.000000000e-01, v3  }
0x443: {  	vm1 =	vmor vm9, vm1  }
0x444: {  	v1 =	vnsel vm1, $0x0, v1  }
0x445: {  	[tilespmem:v10+s8+$0x0] =	vst.idx.msk $0xffff, v1;
	v10 =	vld [tilespmem:$0x1FB80];
	_ =	sdelay $0x7  }
0x446: {  	v1 =	vld.idx.msk [tilespmem:v10+s2+$0x0], $0xffff;
	_ =	sdelay $0x4  }
0x447: {  	v3 =	vmax.f32 v1, $0.0e+00  }
0x448: {  	v3 =	vadd.f32 v3, v3;
	_ =	sdelay $0x1  }
0x449: {  	v3 =	vmin.f32 v3, $1.500000000e+01  }
0x44a: {  	v3 =	vtrunc.f32 v3  }
0x44b: {  	v3 =	vcvt.f32.s32 v3  }
0x44c: {  	v4 =	vsel vm7, $0x1, v53  }
0x44d: {  	v2 =	vadd.s32 v4, v2;
	v3 =	vcvt.s32.f32 v3  }
0x44e: {  	vm11 =	vlt.u32 v2, $0x8;
	vm10 =	veq.f32 v1, v0  }
0x44f: {  	vm12 =	vgt.f32 v1, v0;
	vm1 =	vmand vm10, vm11;
	v1 =	vmul.f32 $5.000000000e-01, v3  }
0x450: {  	vm1 =	vmor vm12, vm1  }
0x451: {  	v1 =	vnsel vm1, $0x0, v1  }
0x452: {  	[tilespmem:v10+s8+$0x0] =	vst.idx.msk $0xffff, v1;
	v10 =	vld [tilespmem:$0x1FB90];
	_ =	sdelay $0x7  }
0x453: {  	v1 =	vld.idx.msk [tilespmem:v10+s2+$0x0], $0xffff;
	_ =	sdelay $0x4  }
0x454: {  	v3 =	vmax.f32 v1, $0.0e+00  }
0x455: {  	v3 =	vadd.f32 v3, v3;
	_ =	sdelay $0x1  }
0x456: {  	v3 =	vmin.f32 v3, $1.500000000e+01  }
0x457: {  	v3 =	vtrunc.f32 v3  }
0x458: {  	v3 =	vcvt.f32.s32 v3  }
0x459: {  	v4 =	vsel vm10, $0x1, v53  }
0x45a: {  	v2 =	vadd.s32 v4, v2;
	v3 =	vcvt.s32.f32 v3  }
0x45b: {  	vm14 =	vlt.u32 v2, $0x8;
	vm13 =	veq.f32 v1, v0  }
0x45c: {  	vm15 =	vgt.f32 v1, v0;
	vm1 =	vmand vm13, vm14;
	v1 =	vmul.f32 $5.000000000e-01, v3  }
0x45d: {  	vm1 =	vmor vm15, vm1  }
0x45e: {  	v1 =	vnsel vm1, $0x0, v1  }
0x45f: {  	[tilespmem:v10+s8+$0x0] =	vst.idx.msk $0xffff, v1;
	v10 =	vld [tilespmem:$0x1FBA0];
	_ =	sdelay $0x7  }
0x460: {  	v1 =	vld.idx.msk [tilespmem:v10+s2+$0x0], $0xffff;
	_ =	sdelay $0x4  }
0x461: {  	v3 =	vmax.f32 v1, $0.0e+00  }
0x462: {  	v3 =	vadd.f32 v3, v3;
	_ =	sdelay $0x1  }
0x463: {  	v3 =	vmin.f32 v3, $1.500000000e+01  }
0x464: {  	v3 =	vtrunc.f32 v3  }
0x465: {  	v3 =	vcvt.f32.s32 v3  }
0x466: {  	v4 =	vsel vm13, $0x1, v53  }
0x467: {  	v2 =	vadd.s32 v4, v2;
	v3 =	vcvt.s32.f32 v3  }
0x468: {  	vm5 =	vlt.u32 v2, $0x8;
	vm4 =	veq.f32 v1, v0  }
0x469: {  	vm6 =	vgt.f32 v1, v0;
	vm1 =	vmand vm4, vm5;
	v1 =	vmul.f32 $5.000000000e-01, v3  }
0x46a: {  	vm1 =	vmor vm6, vm1  }
0x46b: {  	v1 =	vnsel vm1, $0x0, v1  }
0x46c: {  	[tilespmem:v10+s8+$0x0] =	vst.idx.msk $0xffff, v1;
	v10 =	vld [tilespmem:$0x1FBB0];
	_ =	sdelay $0x7  }
0x46d: {  	v1 =	vld.idx.msk [tilespmem:v10+s2+$0x0], $0xffff;
	_ =	sdelay $0x4  }
0x46e: {  	v3 =	vmax.f32 v1, $0.0e+00  }
0x46f: {  	v3 =	vadd.f32 v3, v3;
	_ =	sdelay $0x1  }
0x470: {  	v3 =	vmin.f32 v3, $1.500000000e+01  }
0x471: {  	v3 =	vtrunc.f32 v3  }
0x472: {  	v3 =	vcvt.f32.s32 v3  }
0x473: {  	v4 =	vsel vm4, $0x1, v53  }
0x474: {  	v2 =	vadd.s32 v4, v2;
	v3 =	vcvt.s32.f32 v3  }
0x475: {  	vm8 =	vlt.u32 v2, $0x8;
	vm7 =	veq.f32 v1, v0  }
0x476: {  	vm9 =	vgt.f32 v1, v0;
	vm1 =	vmand vm7, vm8;
	v1 =	vmul.f32 $5.000000000e-01, v3  }
0x477: {  	vm1 =	vmor vm9, vm1  }
0x478: {  	v1 =	vnsel vm1, $0x0, v1  }
0x479: {  	[tilespmem:v10+s8+$0x0] =	vst.idx.msk $0xffff, v1;
	v10 =	vld [tilespmem:$0x1FBC0];
	_ =	sdelay $0x7  }
0x47a: {  	v1 =	vld.idx.msk [tilespmem:v10+s2+$0x0], $0xffff;
	_ =	sdelay $0x4  }
0x47b: {  	v3 =	vmax.f32 v1, $0.0e+00  }
0x47c: {  	v3 =	vadd.f32 v3, v3;
	_ =	sdelay $0x1  }
0x47d: {  	v3 =	vmin.f32 v3, $1.500000000e+01  }
0x47e: {  	v3 =	vtrunc.f32 v3  }
0x47f: {  	v3 =	vcvt.f32.s32 v3  }
0x480: {  	v4 =	vsel vm7, $0x1, v53  }
0x481: {  	v2 =	vadd.s32 v4, v2;
	v3 =	vcvt.s32.f32 v3  }
0x482: {  	vm11 =	vlt.u32 v2, $0x8;
	vm10 =	veq.f32 v1, v0  }
0x483: {  	vm12 =	vgt.f32 v1, v0;
	vm1 =	vmand vm10, vm11;
	v1 =	vmul.f32 $5.000000000e-01, v3  }
0x484: {  	vm1 =	vmor vm12, vm1  }
0x485: {  	v1 =	vnsel vm1, $0x0, v1  }
0x486: {  	[tilespmem:v10+s8+$0x0] =	vst.idx.msk $0xffff, v1;
	v10 =	vld [tilespmem:$0x1FBD0];
	_ =	sdelay $0x7  }
0x487: {  	v1 =	vld.idx.msk [tilespmem:v10+s2+$0x0], $0xffff;
	_ =	sdelay $0x4  }
0x488: {  	v3 =	vmax.f32 v1, $0.0e+00  }
0x489: {  	v3 =	vadd.f32 v3, v3;
	_ =	sdelay $0x1  }
0x48a: {  	v3 =	vmin.f32 v3, $1.500000000e+01  }
0x48b: {  	v3 =	vtrunc.f32 v3  }
0x48c: {  	v3 =	vcvt.f32.s32 v3  }
0x48d: {  	v4 =	vsel vm10, $0x1, v53  }
0x48e: {  	v2 =	vadd.s32 v4, v2;
	v3 =	vcvt.s32.f32 v3  }
0x48f: {  	vm14 =	vlt.u32 v2, $0x8;
	vm13 =	veq.f32 v1, v0  }
0x490: {  	vm15 =	vgt.f32 v1, v0;
	vm1 =	vmand vm13, vm14;
	v1 =	vmul.f32 $5.000000000e-01, v3  }
0x491: {  	vm1 =	vmor vm15, vm1  }
0x492: {  	v1 =	vnsel vm1, $0x0, v1  }
0x493: {  	[tilespmem:v10+s8+$0x0] =	vst.idx.msk $0xffff, v1;
	v10 =	vld [tilespmem:$0x1FBE0];
	_ =	sdelay $0x7  }
0x494: {  	v1 =	vld.idx.msk [tilespmem:v10+s2+$0x0], $0xffff;
	_ =	sdelay $0x4  }
0x495: {  	v3 =	vmax.f32 v1, $0.0e+00  }
0x496: {  	v3 =	vadd.f32 v3, v3;
	_ =	sdelay $0x1  }
0x497: {  	v3 =	vmin.f32 v3, $1.500000000e+01  }
0x498: {  	v3 =	vtrunc.f32 v3  }
0x499: {  	v3 =	vcvt.f32.s32 v3  }
0x49a: {  	v4 =	vsel vm13, $0x1, v53  }
0x49b: {  	v2 =	vadd.s32 v4, v2;
	v3 =	vcvt.s32.f32 v3  }
0x49c: {  	vm5 =	vlt.u32 v2, $0x8;
	vm4 =	veq.f32 v1, v0  }
0x49d: {  	vm6 =	vgt.f32 v1, v0;
	vm1 =	vmand vm4, vm5;
	v1 =	vmul.f32 $5.000000000e-01, v3  }
0x49e: {  	vm1 =	vmor vm6, vm1  }
0x49f: {  	v1 =	vnsel vm1, $0x0, v1  }
0x4a0: {  	[tilespmem:v10+s8+$0x0] =	vst.idx.msk $0xffff, v1;
	v10 =	vld [tilespmem:$0x1FBF0];
	_ =	sdelay $0x7  }
0x4a1: {  	v1 =	vld.idx.msk [tilespmem:v10+s2+$0x0], $0xffff;
	_ =	sdelay $0x4  }
0x4a2: {  	v3 =	vmax.f32 v1, $0.0e+00  }
0x4a3: {  	v3 =	vadd.f32 v3, v3;
	_ =	sdelay $0x1  }
0x4a4: {  	v3 =	vmin.f32 v3, $1.500000000e+01  }
0x4a5: {  	v3 =	vtrunc.f32 v3  }
0x4a6: {  	v3 =	vcvt.f32.s32 v3  }
0x4a7: {  	v4 =	vsel vm4, $0x1, v53  }
0x4a8: {  	v2 =	vadd.s32 v4, v2;
	v3 =	vcvt.s32.f32 v3  }
0x4a9: {  	vm8 =	vlt.u32 v2, $0x8;
	vm7 =	veq.f32 v1, v0  }
0x4aa: {  	vm9 =	vgt.f32 v1, v0;
	vm1 =	vmand vm7, vm8;
	v1 =	vmul.f32 $5.000000000e-01, v3  }
0x4ab: {  	vm1 =	vmor vm9, vm1  }
0x4ac: {  	v1 =	vnsel vm1, $0x0, v1  }
0x4ad: {  	[tilespmem:v10+s8+$0x0] =	vst.idx.msk $0xffff, v1;
	v10 =	vld [tilespmem:$0x1FC00];
	_ =	sdelay $0x7  }
0x4ae: {  	v1 =	vld.idx.msk [tilespmem:v10+s2+$0x0], $0xffff;
	_ =	sdelay $0x4  }
0x4af: {  	v3 =	vmax.f32 v1, $0.0e+00  }
0x4b0: {  	v3 =	vadd.f32 v3, v3;
	_ =	sdelay $0x1  }
0x4b1: {  	v3 =	vmin.f32 v3, $1.500000000e+01  }
0x4b2: {  	v3 =	vtrunc.f32 v3  }
0x4b3: {  	v3 =	vcvt.f32.s32 v3  }
0x4b4: {  	v4 =	vsel vm7, $0x1, v53  }
0x4b5: {  	v2 =	vadd.s32 v4, v2;
	v3 =	vcvt.s32.f32 v3  }
0x4b6: {  	vm11 =	vlt.u32 v2, $0x8;
	vm10 =	veq.f32 v1, v0  }
0x4b7: {  	vm12 =	vgt.f32 v1, v0;
	vm1 =	vmand vm10, vm11;
	v1 =	vmul.f32 $5.000000000e-01, v3  }
0x4b8: {  	vm1 =	vmor vm12, vm1  }
0x4b9: {  	v1 =	vnsel vm1, $0x0, v1  }
0x4ba: {  	[tilespmem:v10+s8+$0x0] =	vst.idx.msk $0xffff, v1;
	v10 =	vld [tilespmem:$0x1FC10];
	_ =	sdelay $0x7  }
0x4bb: {  	v1 =	vld.idx.msk [tilespmem:v10+s2+$0x0], $0xffff;
	_ =	sdelay $0x4  }
0x4bc: {  	v3 =	vmax.f32 v1, $0.0e+00  }
0x4bd: {  	v3 =	vadd.f32 v3, v3;
	_ =	sdelay $0x1  }
0x4be: {  	v3 =	vmin.f32 v3, $1.500000000e+01  }
0x4bf: {  	v3 =	vtrunc.f32 v3  }
0x4c0: {  	v3 =	vcvt.f32.s32 v3  }
0x4c1: {  	v4 =	vsel vm10, $0x1, v53  }
0x4c2: {  	v2 =	vadd.s32 v4, v2;
	v3 =	vcvt.s32.f32 v3  }
0x4c3: {  	vm14 =	vlt.u32 v2, $0x8;
	vm13 =	veq.f32 v1, v0  }
0x4c4: {  	vm15 =	vgt.f32 v1, v0;
	vm1 =	vmand vm13, vm14;
	v1 =	vmul.f32 $5.000000000e-01, v3  }
0x4c5: {  	vm1 =	vmor vm15, vm1  }
0x4c6: {  	v1 =	vnsel vm1, $0x0, v1  }
0x4c7: {  	[tilespmem:v10+s8+$0x0] =	vst.idx.msk $0xffff, v1;
	v10 =	vld [tilespmem:$0x1FC20];
	_ =	sdelay $0x7  }
0x4c8: {  	v1 =	vld.idx.msk [tilespmem:v10+s2+$0x0], $0xffff;
	_ =	sdelay $0x4  }
0x4c9: {  	v3 =	vmax.f32 v1, $0.0e+00  }
0x4ca: {  	v3 =	vadd.f32 v3, v3;
	_ =	sdelay $0x1  }
0x4cb: {  	v3 =	vmin.f32 v3, $1.500000000e+01  }
0x4cc: {  	v3 =	vtrunc.f32 v3  }
0x4cd: {  	v3 =	vcvt.f32.s32 v3  }
0x4ce: {  	v4 =	vsel vm13, $0x1, v53  }
0x4cf: {  	v2 =	vadd.s32 v4, v2;
	v3 =	vcvt.s32.f32 v3  }
0x4d0: {  	vm5 =	vlt.u32 v2, $0x8;
	vm4 =	veq.f32 v1, v0  }
0x4d1: {  	vm6 =	vgt.f32 v1, v0;
	vm1 =	vmand vm4, vm5;
	v1 =	vmul.f32 $5.000000000e-01, v3  }
0x4d2: {  	vm1 =	vmor vm6, vm1  }
0x4d3: {  	v1 =	vnsel vm1, $0x0, v1  }
0x4d4: {  	[tilespmem:v10+s8+$0x0] =	vst.idx.msk $0xffff, v1;
	v10 =	vld [tilespmem:$0x1FC30];
	_ =	sdelay $0x7  }
0x4d5: {  	v1 =	vld.idx.msk [tilespmem:v10+s2+$0x0], $0xffff;
	_ =	sdelay $0x4  }
0x4d6: {  	v3 =	vmax.f32 v1, $0.0e+00  }
0x4d7: {  	v3 =	vadd.f32 v3, v3;
	_ =	sdelay $0x1  }
0x4d8: {  	v3 =	vmin.f32 v3, $1.500000000e+01  }
0x4d9: {  	v3 =	vtrunc.f32 v3  }
0x4da: {  	v3 =	vcvt.f32.s32 v3  }
0x4db: {  	v4 =	vsel vm4, $0x1, v53  }
0x4dc: {  	v2 =	vadd.s32 v4, v2;
	v3 =	vcvt.s32.f32 v3  }
0x4dd: {  	vm8 =	vlt.u32 v2, $0x8;
	vm7 =	veq.f32 v1, v0  }
0x4de: {  	vm9 =	vgt.f32 v1, v0;
	vm1 =	vmand vm7, vm8;
	v1 =	vmul.f32 $5.000000000e-01, v3  }
0x4df: {  	vm1 =	vmor vm9, vm1  }
0x4e0: {  	v1 =	vnsel vm1, $0x0, v1  }
0x4e1: {  	[tilespmem:v10+s8+$0x0] =	vst.idx.msk $0xffff, v1;
	v10 =	vld [tilespmem:$0x1FC40];
	_ =	sdelay $0x7  }
0x4e2: {  	v1 =	vld.idx.msk [tilespmem:v10+s2+$0x0], $0xffff;
	_ =	sdelay $0x4  }
0x4e3: {  	v3 =	vmax.f32 v1, $0.0e+00  }
0x4e4: {  	v3 =	vadd.f32 v3, v3;
	_ =	sdelay $0x1  }
0x4e5: {  	v3 =	vmin.f32 v3, $1.500000000e+01  }
0x4e6: {  	v3 =	vtrunc.f32 v3  }
0x4e7: {  	v3 =	vcvt.f32.s32 v3  }
0x4e8: {  	v4 =	vsel vm7, $0x1, v53  }
0x4e9: {  	v2 =	vadd.s32 v4, v2;
	v3 =	vcvt.s32.f32 v3  }
0x4ea: {  	vm11 =	vlt.u32 v2, $0x8;
	vm10 =	veq.f32 v1, v0  }
0x4eb: {  	vm12 =	vgt.f32 v1, v0;
	vm1 =	vmand vm10, vm11;
	v1 =	vmul.f32 $5.000000000e-01, v3  }
0x4ec: {  	vm1 =	vmor vm12, vm1  }
0x4ed: {  	v1 =	vnsel vm1, $0x0, v1  }
0x4ee: {  	[tilespmem:v10+s8+$0x0] =	vst.idx.msk $0xffff, v1;
	v10 =	vld [tilespmem:$0x1FC50];
	_ =	sdelay $0x7  }
0x4ef: {  	v1 =	vld.idx.msk [tilespmem:v10+s2+$0x0], $0xffff;
	_ =	sdelay $0x4  }
0x4f0: {  	v3 =	vmax.f32 v1, $0.0e+00  }
0x4f1: {  	v3 =	vadd.f32 v3, v3;
	_ =	sdelay $0x1  }
0x4f2: {  	v3 =	vmin.f32 v3, $1.500000000e+01  }
0x4f3: {  	v3 =	vtrunc.f32 v3  }
0x4f4: {  	v3 =	vcvt.f32.s32 v3  }
0x4f5: {  	v4 =	vsel vm10, $0x1, v53  }
0x4f6: {  	v2 =	vadd.s32 v4, v2;
	v3 =	vcvt.s32.f32 v3  }
0x4f7: {  	vm14 =	vlt.u32 v2, $0x8;
	vm13 =	veq.f32 v1, v0  }
0x4f8: {  	vm15 =	vgt.f32 v1, v0;
	vm1 =	vmand vm13, vm14;
	v1 =	vmul.f32 $5.000000000e-01, v3  }
0x4f9: {  	vm1 =	vmor vm15, vm1  }
0x4fa: {  	v1 =	vnsel vm1, $0x0, v1  }
0x4fb: {  	[tilespmem:v10+s8+$0x0] =	vst.idx.msk $0xffff, v1;
	v10 =	vld [tilespmem:$0x1FC60];
	_ =	sdelay $0x7  }
0x4fc: {  	v1 =	vld.idx.msk [tilespmem:v10+s2+$0x0], $0xffff;
	_ =	sdelay $0x4  }
0x4fd: {  	v3 =	vmax.f32 v1, $0.0e+00  }
0x4fe: {  	v3 =	vadd.f32 v3, v3;
	_ =	sdelay $0x1  }
0x4ff: {  	v3 =	vmin.f32 v3, $1.500000000e+01  }
0x500: {  	v3 =	vtrunc.f32 v3  }
0x501: {  	v3 =	vcvt.f32.s32 v3  }
0x502: {  	v4 =	vsel vm13, $0x1, v53  }
0x503: {  	v2 =	vadd.s32 v4, v2;
	v3 =	vcvt.s32.f32 v3  }
0x504: {  	vm5 =	vlt.u32 v2, $0x8;
	vm4 =	veq.f32 v1, v0  }
0x505: {  	vm6 =	vgt.f32 v1, v0;
	vm1 =	vmand vm4, vm5;
	v1 =	vmul.f32 $5.000000000e-01, v3  }
0x506: {  	vm1 =	vmor vm6, vm1  }
0x507: {  	v1 =	vnsel vm1, $0x0, v1  }
0x508: {  	[tilespmem:v10+s8+$0x0] =	vst.idx.msk $0xffff, v1;
	v10 =	vld [tilespmem:$0x1FC70];
	_ =	sdelay $0x7  }
0x509: {  	v1 =	vld.idx.msk [tilespmem:v10+s2+$0x0], $0xffff;
	_ =	sdelay $0x4  }
0x50a: {  	v3 =	vmax.f32 v1, $0.0e+00  }
0x50b: {  	v3 =	vadd.f32 v3, v3;
	_ =	sdelay $0x1  }
0x50c: {  	v3 =	vmin.f32 v3, $1.500000000e+01  }
0x50d: {  	v3 =	vtrunc.f32 v3  }
0x50e: {  	v3 =	vcvt.f32.s32 v3  }
0x50f: {  	v4 =	vsel vm4, $0x1, v53  }
0x510: {  	v2 =	vadd.s32 v4, v2;
	v3 =	vcvt.s32.f32 v3  }
0x511: {  	vm8 =	vlt.u32 v2, $0x8;
	vm7 =	veq.f32 v1, v0  }
0x512: {  	vm9 =	vgt.f32 v1, v0;
	vm1 =	vmand vm7, vm8;
	v1 =	vmul.f32 $5.000000000e-01, v3  }
0x513: {  	vm1 =	vmor vm9, vm1  }
0x514: {  	v1 =	vnsel vm1, $0x0, v1  }
0x515: {  	[tilespmem:v10+s8+$0x0] =	vst.idx.msk $0xffff, v1;
	v10 =	vld [tilespmem:$0x1FC80];
	_ =	sdelay $0x7  }
0x516: {  	v1 =	vld.idx.msk [tilespmem:v10+s2+$0x0], $0xffff;
	_ =	sdelay $0x4  }
0x517: {  	v3 =	vmax.f32 v1, $0.0e+00  }
0x518: {  	v3 =	vadd.f32 v3, v3;
	_ =	sdelay $0x1  }
0x519: {  	v44 =	vld [tilespmem:$0x1FFF0];
	v3 =	vmin.f32 v3, $1.500000000e+01  }
0x51a: {  	v7 =	vld [tilespmem:$0x1FE50];
	v3 =	vtrunc.f32 v3  }
0x51b: {  	v33 =	vld [tilespmem:$0x1FFE0];
	v3 =	vcvt.f32.s32 v3  }
0x51c: {  	v32 =	vld [tilespmem:$0x1FFD0];
	v4 =	vsel vm7, $0x1, v53  }
0x51d: {  	v31 =	vld [tilespmem:$0x1FFC0];
	v2 =	vadd.s32 v4, v2;
	v3 =	vcvt.s32.f32 v3  }
0x51e: {  	v30 =	vld [tilespmem:$0x1FFB0];
	vm11 =	vlt.u32 v2, $0x8;
	vm10 =	veq.f32 v1, v0  }
0x51f: {  	v29 =	vld [tilespmem:$0x1FFA0];
	vm12 =	vgt.f32 v1, v0;
	vm1 =	vmand vm10, vm11;
	v1 =	vmul.f32 $5.000000000e-01, v3  }
0x520: {  	v28 =	vld [tilespmem:$0x1FF90];
	vm1 =	vmor vm12, vm1  }
0x521: {  	v27 =	vld [tilespmem:$0x1FF80];
	v1 =	vnsel vm1, $0x0, v1  }
0x522: {  	[tilespmem:v10+s8+$0x0] =	vst.idx.msk $0xffff, v1;
	v10 =	vld [tilespmem:$0x1FC90]  }
0x523: {  	v26 =	vld [tilespmem:$0x1FF70]  }
0x524: {  	v25 =	vld [tilespmem:$0x1FF60]  }
0x525: {  	v24 =	vld [tilespmem:$0x1FF50]  }
0x526: {  	v23 =	vld [tilespmem:$0x1FF40]  }
0x527: {  	v22 =	vld [tilespmem:$0x1FF30]  }
0x528: {  	v21 =	vld [tilespmem:$0x1FF20]  }
0x529: {  	v20 =	vld [tilespmem:$0x1FF10]  }
0x52a: {  	v1 =	vld.idx.msk [tilespmem:v10+s2+$0x0], $0xffff  }
0x52b: {  	v19 =	vld [tilespmem:$0x1FF00]  }
0x52c: {  	v18 =	vld [tilespmem:$0x1FEF0]  }
0x52d: {  	v17 =	vld [tilespmem:$0x1FEE0]  }
0x52e: {  	v16 =	vld [tilespmem:$0x1FED0]  }
0x52f: {  	v15 =	vld [tilespmem:$0x1FEC0];
	v3 =	vmax.f32 v1, $0.0e+00  }
0x530: {  	v14 =	vld [tilespmem:$0x1FEB0];
	v3 =	vadd.f32 v3, v3  }
0x531: {  	v13 =	vld [tilespmem:$0x1FEA0]  }
0x532: {  	v12 =	vld [tilespmem:$0x1FE90];
	v3 =	vmin.f32 v3, $1.500000000e+01  }
0x533: {  	v11 =	vld [tilespmem:$0x1FE80];
	v3 =	vtrunc.f32 v3  }
0x534: {  	v9 =	vld [tilespmem:$0x1FE70];
	v3 =	vcvt.f32.s32 v3  }
0x535: {  	v8 =	vld [tilespmem:$0x1FE60];
	v4 =	vsel vm10, $0x1, v53  }
0x536: {  	p1 =	sne.s32 s11, $0x7C00;
	v6 =	vld [tilespmem:$0x1FE40];
	v2 =	vadd.s32 v4, v2;
	v3 =	vcvt.s32.f32 v3  }
.Ltmp0:
0x537: {  	v5 =	vld [tilespmem:$0x1FE30];
	vm13 =	vlt.u32 v2, $0x8;
	vm14 =	veq.f32 v1, v0;
	(pc) =	sbr.rel @p1 .LBB2_3-.Ltmp0, $4  }
0x538: {  	v4 =	vld [tilespmem:$0x1FE20];
	vm15 =	vgt.f32 v1, v0;
	vm0 =	vmand vm14, vm13;
	v0 =	vmul.f32 $5.000000000e-01, v3  }
0x539: {  	v2 =	vld [tilespmem:$0x1FE00];
	vm0 =	vmor vm15, vm0  }
0x53a: {  	v1 =	vld [tilespmem:$0x1FDF0];
	v0 =	vnsel vm0, $0x0, v0  }
0x53b: {  	s11 =	sadd.s32 $0x400, s11;
	v3 =	vld [tilespmem:$0x1FE10];
	[tilespmem:v10+s8+$0x0] =	vst.idx.msk $0xffff, v0  }
.Ltmp1:
0x53c: {  	s10 =	sadd.s32 s4, s10;
	(pc) =	sbr.rel @p0 .LBB2_2-.Ltmp1, $4  }
0x53d: {  	[hbm4b:s10+s2] =	stream.linear.scatter [tilespmem:s8], [sflag:$0x1], $0x8000, $0x38;
	[tilespmem:$0x10000] =	vst v63  }
0x53e: {  	_ =	swait.ge [sflag:s7], $0x8000  }
0x53f: {  	[sflag:s7] =	ssyncset.done $0x0  }
0x540: {  	p1 =	por $0x0, $0x0;
	s10 =	simm.s32 $0x1000;
	[sflag:s7] =	ssyncadd.s32 $0xFFFF8000  }
0x541: {  	s9 =	sadd.s32 $0x1, s9  }
0x542: {  	p0 =	sne.s32 s9, s6  }
.Ltmp2:
0x543: {  	_ = 	snop;
	(pc) =	sbr.rel @p0 .LBB2_1-.Ltmp2, $1  }
0x544: {  	_ =	sdelay $0x3  }
0x545: {  	_ =	sfence.sel $0x180000  }
0x546: {  	[bflag:$0x0] =	sbarrier.arrive $0xFFFF  }
0x547: {  	p0 =	sne.s32 s3, $0x0;
	_ =	strace $0x90000047  }
0x548: {  	s0 =	sadd.s32 @!p0 $0x100000, s1;
	[bflag:$0x2] =	sbarrier.arrive $0xFFFF  }
0x549: {  	[sflag:s0] =	ssyncadd.tile.s32 @!p0 $0x1;
	_ =	shalt  }
.Lfunc_end2:
_tile_overlayer_lowered:
.L_overlay_start_2:
0x54a: {  	(tag) =	ssettag $0x2  }
0x54b: {  	s0 =	rddreg [dreg:$0x0];
	s2 =	stileid.u32  }
0x54c: {  	s1 =	rddreg [dreg:$0x1];
	p0 =	sne.s32 s2, $0x0  }
0x54d: {  	s3 =	rddreg [dreg:$0x2];
	[bflag:$0x3] =	sbarrier.arrive $0xFFFF;
	s2 =	simm.s32 @!p0 $0x1C01  }
0x54e: {  	[timem:s3], [sflag:s2] =	dma.local @!p0 [hbm:s0], s1  }
0x54f: {  	s0 =	simm.s32 @!p0 $0x1  }
0x550: {  	_ =	swait.ge @!p0 [sflag:s0], s1  }
0x551: {  	s1 =	ssub.s32 @!p0 $0x0, s1;
	[sflag:s0] =	ssyncset.done @!p0 $0x0  }
0x552: {  	[sflag:s0] =	ssyncadd.s32 @!p0 s1  }
0x553: {  	[bflag:$0x3] =	sbarrier.arrive $0xFFFF  }
0x554: {  	_ =	shalt  }

</sc_bundles>
